<compile_context>
chip_gen: v7x
topology: tpu7x:2x2x1
jax: 0.10.2.dev20260603
libtpu: 0.0.44.dev20260713+nightly
codegen_flags: <defaults>
</compile_context>

<pallas_src>
import functools

import jax
import jax.numpy as jnp
from jax import lax
from jax.experimental import pallas as pl
from jax.experimental.pallas import tpu as pltpu
from jax.experimental.pallas import tpu_sc as plsc

N = 10000
E = 320000
D = 128

NC = 2
NS = 16
NW = NC * NS
L = 16

C = 80
NCH = E // NW // C
NB = 25
NBLK = NCH // NB
RPT = 624
RREM = N - RPT * NS
ZR = 48

_mesh = functools.partial(
    plsc.VectorSubcoreMesh,
    core_axis_name="c", subcore_axis_name="s", num_cores=NC, num_subcores=NS,
)


def _fill2d(ref, rows, cols, value):
  def row(i, _):
    def col(j, _):
      ref[i, pl.ds(j * L, L)] = jnp.full((L,), value, jnp.float32)
      return 0
    return lax.fori_loop(0, cols // L, col, 0)
  lax.fori_loop(0, rows, row, 0)


def _zero_acc(zbuf, acc, s):
  _fill2d(zbuf, ZR, D, 0.0)
  base = s * RPT
  for r in range(RPT // ZR):
    pltpu.sync_copy(zbuf, acc.at[pl.ds(base + r * ZR, ZR)])

  @pl.when(s == 0)
  def _():
    pltpu.sync_copy(zbuf.at[pl.ds(0, RREM)], acc.at[pl.ds(RPT * NS, RREM)])


def _write_out(acc, out, c, s):
  base = s * RPT
  pltpu.sync_copy(acc.at[pl.ds(base, RPT)], out.at[c, pl.ds(base, RPT)])

  @pl.when(s == 0)
  def _():
    pltpu.sync_copy(acc.at[pl.ds(RPT * NS, RREM)],
                    out.at[c, pl.ds(RPT * NS, RREM)])


def _make_seg_kernel():
  out_type = jax.ShapeDtypeStruct((NC, N, D), jnp.float32)
  scratch = [
      pltpu.VMEM((NB, C), jnp.int32),
      pltpu.VMEM((NB, C), jnp.int32),
      pltpu.VMEM((C, D), jnp.float32),
      pltpu.VMEM((C, D), jnp.float32),
      pltpu.VMEM((ZR, D), jnp.float32),
      pltpu.VMEM_SHARED((N, D), jnp.float32),
      pltpu.SemaphoreType.DMA,
      pltpu.SemaphoreType.DMA,
  ]

  def body(table, src_r, dst_r, agg_out,
           idx_s, idx_d, rows_a, rows_b, zbuf, acc, sem_a, sem_b):
    c = lax.axis_index("c")
    s = lax.axis_index("s")
    wid = c * NS + s

    _zero_acc(zbuf, acc, s)
    plsc.subcore_barrier()

    def block(b, _):
      pltpu.sync_copy(src_r.at[wid, b], idx_s)
      pltpu.sync_copy(dst_r.at[wid, b], idx_d)

      def pair(k2, _):
        ka = 2 * k2
        kb = ka + 1
        cp_a = pltpu.async_copy(table.at[idx_s.at[ka]], rows_a, sem_a)
        cp_b = pltpu.async_copy(table.at[idx_s.at[kb]], rows_b, sem_b)
        cp_a.wait()
        pltpu.sync_copy(rows_a, acc.at[idx_d.at[ka]], add=True)
        cp_b.wait()
        pltpu.sync_copy(rows_b, acc.at[idx_d.at[kb]], add=True)
        return 0
      lax.fori_loop(0, NB // 2, pair, 0)

      k = NB - 1
      pltpu.async_copy(table.at[idx_s.at[k]], rows_a, sem_a).wait()
      pltpu.sync_copy(rows_a, acc.at[idx_d.at[k]], add=True)
      return 0
    lax.fori_loop(0, NBLK, block, 0)

    plsc.subcore_barrier()
    _write_out(acc, agg_out, c, s)

  return pl.kernel(body, out_type=out_type, mesh=_mesh(),
                   scratch_types=scratch)


def _make_cnt_kernel():
  out_type = jax.ShapeDtypeStruct((NC, N, D), jnp.float32)
  scratch = [
      pltpu.VMEM((NB, C), jnp.int32),
      pltpu.VMEM((C, D), jnp.float32),
      pltpu.VMEM((ZR, D), jnp.float32),
      pltpu.VMEM_SHARED((N, D), jnp.float32),
  ]

  def body(dst_r, cnt_out, idx_d, ones, zbuf, acc):
    c = lax.axis_index("c")
    s = lax.axis_index("s")
    wid = c * NS + s

    _zero_acc(zbuf, acc, s)
    _fill2d(ones, C, D, 1.0)
    plsc.subcore_barrier()

    def block(b, _):
      pltpu.sync_copy(dst_r.at[wid, b], idx_d)

      def chunk(k, _):
        pltpu.sync_copy(ones, acc.at[idx_d.at[k]], add=True)
        return 0
      return lax.fori_loop(0, NB, chunk, 0)
    lax.fori_loop(0, NBLK, block, 0)

    plsc.subcore_barrier()
    _write_out(acc, cnt_out, c, s)

  return pl.kernel(body, out_type=out_type, mesh=_mesh(),
                   scratch_types=scratch)


def _make_edge_kernel():
  out_type = jax.ShapeDtypeStruct((NW, NCH, C, L), jnp.float32)
  scratch = [
      pltpu.VMEM((NB, C), jnp.int32),
      pltpu.VMEM((NB, C), jnp.int32),
      pltpu.VMEM((C, D), jnp.float32),
      pltpu.VMEM((C, D), jnp.float32),
      pltpu.VMEM((C, D), jnp.float32),
      pltpu.VMEM((C, D), jnp.float32),
      pltpu.VMEM((C, L), jnp.float32),
      pltpu.SemaphoreType.DMA,
      pltpu.SemaphoreType.DMA,
      pltpu.SemaphoreType.DMA,
      pltpu.SemaphoreType.DMA,
  ]

  def body(h, hw, src_r, dst_r, out,
           idx_s, idx_d, ra, rb, ra2, rb2, tb, sem_a, sem_b, sem_a2, sem_b2):
    c = lax.axis_index("c")
    s = lax.axis_index("s")
    wid = c * NS + s

    def dot_store(xa, xb, k):
      def edge(e, _):
        prods = [xa[e, pl.ds(j * L, L)] * xb[e, pl.ds(j * L, L)]
                 for j in range(D // L)]
        s01 = prods[0] + prods[1]
        s23 = prods[2] + prods[3]
        s45 = prods[4] + prods[5]
        s67 = prods[6] + prods[7]
        tb[e, pl.ds(0, L)] = (s01 + s23) + (s45 + s67)
        return 0
      lax.fori_loop(0, C, edge, 0)
      pltpu.sync_copy(tb, out.at[wid, k])

    def block(b, _):
      pltpu.sync_copy(src_r.at[wid, b], idx_s)
      pltpu.sync_copy(dst_r.at[wid, b], idx_d)

      def pair(k2, _):
        ka = 2 * k2
        kb = ka + 1
        cp_a = pltpu.async_copy(h.at[idx_s.at[ka]], ra, sem_a)
        cp_b = pltpu.async_copy(hw.at[idx_d.at[ka]], rb, sem_b)
        cp_a2 = pltpu.async_copy(h.at[idx_s.at[kb]], ra2, sem_a2)
        cp_b2 = pltpu.async_copy(hw.at[idx_d.at[kb]], rb2, sem_b2)
        cp_a.wait()
        cp_b.wait()
        dot_store(ra, rb, b * NB + ka)
        cp_a2.wait()
        cp_b2.wait()
        dot_store(ra2, rb2, b * NB + kb)
        return 0
      lax.fori_loop(0, NB // 2, pair, 0)

      kk = NB - 1
      cp_a = pltpu.async_copy(h.at[idx_s.at[kk]], ra, sem_a)
      cp_b = pltpu.async_copy(hw.at[idx_d.at[kk]], rb, sem_b)
      cp_a.wait()
      cp_b.wait()
      dot_store(ra, rb, b * NB + kk)
      return 0
    lax.fori_loop(0, NBLK, block, 0)

  return pl.kernel(body, out_type=out_type, mesh=_mesh(),
                   scratch_types=scratch)


_seg_sum = functools.cache(_make_seg_kernel)
_cnt_sum = functools.cache(_make_cnt_kernel)
_edge_dot = functools.cache(_make_edge_kernel)



_TC_BN = 1000
_TC_EBN = 4000


def _tc_layer_body(aggp_ref, cntp_ref, x_ref, wl_ref, wr_ref, bl_ref, out_ref):
  agg = aggp_ref[0] + aggp_ref[1]
  cnt = cntp_ref[0, :, 0:1] + cntp_ref[1, :, 0:1]
  mean = agg / jnp.maximum(cnt, 1.0)
  out_ref[...] = (
      jnp.dot(mean, wl_ref[...], preferred_element_type=jnp.float32)
      + jnp.dot(x_ref[...], wr_ref[...], preferred_element_type=jnp.float32)
      + bl_ref[...]
  )


def _tc_layer2_body(aggp_ref, cntp_ref, x_ref, wl_ref, wr_ref, bl_ref,
                    wfc_ref, out_ref, outw_ref):
  agg = aggp_ref[0] + aggp_ref[1]
  cnt = cntp_ref[0, :, 0:1] + cntp_ref[1, :, 0:1]
  mean = agg / jnp.maximum(cnt, 1.0)
  h = (
      jnp.dot(mean, wl_ref[...], preferred_element_type=jnp.float32)
      + jnp.dot(x_ref[...], wr_ref[...], preferred_element_type=jnp.float32)
      + bl_ref[...]
  )
  out_ref[...] = h
  outw_ref[...] = h * wfc_ref[...]


def _tc_in_specs(extra=0):
  specs = [
      pl.BlockSpec((NC, _TC_BN, D), lambda i: (0, i, 0)),
      pl.BlockSpec((NC, _TC_BN, D), lambda i: (0, i, 0)),
      pl.BlockSpec((_TC_BN, D), lambda i: (i, 0)),
      pl.BlockSpec((D, D), lambda i: (0, 0)),
      pl.BlockSpec((D, D), lambda i: (0, 0)),
      pl.BlockSpec((1, D), lambda i: (0, 0)),
  ]
  specs += [pl.BlockSpec((1, D), lambda i: (0, 0))] * extra
  return specs


def _tc_layer(aggp, cntp, x, wl, wr, bl):
  return pl.pallas_call(
      _tc_layer_body,
      grid=(N // _TC_BN,),
      in_specs=_tc_in_specs(),
      out_specs=pl.BlockSpec((_TC_BN, D), lambda i: (i, 0)),
      out_shape=jax.ShapeDtypeStruct((N, D), jnp.float32),
  )(aggp, cntp, x, wl, wr, bl)


def _tc_layer2(aggp, cntp, x, wl, wr, bl, wfc):
  return pl.pallas_call(
      _tc_layer2_body,
      grid=(N // _TC_BN,),
      in_specs=_tc_in_specs(extra=1),
      out_specs=[pl.BlockSpec((_TC_BN, D), lambda i: (i, 0))] * 2,
      out_shape=[jax.ShapeDtypeStruct((N, D), jnp.float32)] * 2,
  )(aggp, cntp, x, wl, wr, bl, wfc)


def _tc_head_body(t_ref, b_ref, o_ref):
  o_ref[...] = jnp.sum(t_ref[...], axis=1, keepdims=True) + b_ref[0]


def _tc_head(t, bfc):
  return pl.pallas_call(
      _tc_head_body,
      grid=(E // _TC_EBN,),
      in_specs=[pl.BlockSpec((_TC_EBN, L), lambda i: (i, 0)),
                pl.BlockSpec(memory_space=pltpu.SMEM)],
      out_specs=pl.BlockSpec((_TC_EBN, 1), lambda i: (i, 0)),
      out_shape=jax.ShapeDtypeStruct((E, 1), jnp.float32),
  )(t, bfc)


def kernel(x, edge_index, Wl0, bl0, Wr0, Wl1, bl1, Wr1, Wfc, bfc):
  src_r = edge_index[0].reshape(NW, NBLK, NB, C)
  dst_r = edge_index[1].reshape(NW, NBLK, NB, C)

  aggp0 = _seg_sum()(x, src_r, dst_r)
  cntp = _cnt_sum()(dst_r)
  h0 = _tc_layer(aggp0, cntp, x, Wl0, Wr0, bl0.reshape(1, D))

  aggp1 = _seg_sum()(h0, src_r, dst_r)
  h1, hw = _tc_layer2(aggp1, cntp, h0, Wl1, Wr1, bl1.reshape(1, D),
                      Wfc.reshape(1, D))

  t = _edge_dot()(h1, hw, src_r, dst_r)
  return _tc_head(t.reshape(E, L), bfc)

# --- scband reference (transcript-rebuilt; emitter-appended) ---
"""Pipeline reference for scband-graph-sage-15779709845831 (READ-ONLY COPY).

The authoritative reference and input builder live on the scoring server;
editing this copy changes nothing except your own understanding.
"""

import jax, jax.numpy as jnp
import numpy as np

N = 10000
E = 320000
D_IN = 128
D_H = 128


def setup_inputs(seed: int = 0) -> dict:
    key = jax.random.key(seed)
    ks = jax.random.split(key, 8)
    x = jax.random.normal(ks[0], (N, D_IN), dtype=jnp.float32)
    edge_index = jax.random.randint(ks[1], (2, E), 0, N, dtype=jnp.int32)

    def lin(k, fi, fo):
        return jax.random.normal(k, (fi, fo), dtype=jnp.float32) / np.sqrt(fi)

    Wl0 = lin(ks[2], D_IN, D_H)
    bl0 = jnp.zeros((D_H,), dtype=jnp.float32)
    Wr0 = lin(ks[3], D_IN, D_H)
    Wl1 = lin(ks[4], D_H, D_H)
    bl1 = jnp.zeros((D_H,), dtype=jnp.float32)
    Wr1 = lin(ks[5], D_H, D_H)
    Wfc = lin(ks[6], D_H, 1)
    bfc = jnp.zeros((1,), dtype=jnp.float32)
    return {"x": x, "edge_index": edge_index, "Wl0": Wl0, "bl0": bl0, "Wr0": Wr0,
            "Wl1": Wl1, "bl1": bl1, "Wr1": Wr1, "Wfc": Wfc, "bfc": bfc}


def sage_conv(x, edge_index, Wl, bl, Wr):
    # PyG SAGEConv (aggr='mean', root_weight=True, normalize=False):
    # out = lin_l(mean_{j->i} x_j) + lin_r(x_i), bias on lin_l only.
    src = edge_index[0]
    dst = edge_index[1]
    n = x.shape[0]
    msgs = x[src]                                   # gather
    agg = jax.ops.segment_sum(msgs, dst, num_segments=n)   # scatter-add
    cnt = jax.ops.segment_sum(jnp.ones((src.shape[0],), dtype=x.dtype), dst, num_segments=n)
    mean = agg / jnp.clip(cnt, 1.0, None)[:, None]
    return mean @ Wl + bl + x @ Wr


def reference(x, edge_index, Wl0, bl0, Wr0, Wl1, bl1, Wr1, Wfc, bfc):
    h = sage_conv(x, edge_index, Wl0, bl0, Wr0)
    h = sage_conv(h, edge_index, Wl1, bl1, Wr1)
    row = edge_index[0]
    col = edge_index[1]
    a = h[row] * h[col]
    # dropout p=0.0 -> identity (eval mode)
    edge_feats1 = a @ Wfc + bfc
    return edge_feats1

if __name__ == "__main__":
    import jax
    _d = setup_inputs()
    print(jax.jit(kernel)(*tuple(_d.values())))

</pallas_src>

<mosaic_0001>
#map = affine_map<(d0, d1) -> (0, 0)>
#map1 = affine_map<(d0, d1) -> (0, 0, 0, 0)>
#map2 = affine_map<(d0, d1) -> (0, 0, 0)>
module attributes {stable_mosaic.version = 14 : i64} {
  func.func @body(%arg0: i32, %arg1: i32, %arg2: memref<10000x128xf32, #tpu.memory_space<hbm>>, %arg3: memref<32x5x25x80xi32, #tpu.memory_space<hbm>>, %arg4: memref<32x5x25x80xi32, #tpu.memory_space<hbm>>, %arg5: memref<2x10000x128xf32, #tpu.memory_space<hbm>>, %arg6: memref<25x80xi32, #tpu.memory_space<vmem>>, %arg7: memref<25x80xi32, #tpu.memory_space<vmem>>, %arg8: memref<80x128xf32, #tpu.memory_space<vmem>>, %arg9: memref<80x128xf32, #tpu.memory_space<vmem>>, %arg10: memref<48x128xf32, #tpu.memory_space<vmem>>, %arg11: memref<10000x128xf32, #tpu.memory_space<vmem_shared>>, %arg12: memref<!tpu.dma_semaphore, #tpu.memory_space<semaphore_mem>>, %arg13: memref<!tpu.dma_semaphore, #tpu.memory_space<semaphore_mem>>) attributes {dimension_semantics = [#tpu.dimension_semantics<core_parallel>, #tpu.dimension_semantics<subcore_parallel>], iteration_bounds = array<i64: 2, 16>, scalar_prefetch = 0 : i64, scratch_operands = 8 : i64, tpu.core_type = #tpu.core_type<sc_vector_subcore>, window_params = [{transform_indices = #map}, {transform_indices = #map1}, {transform_indices = #map1}, {transform_indices = #map2}]} {
    %mul3A = arith.constant 16 : i32
    %mul3A_0 = arith.muli %arg0, %mul3A : i32
    %add3A = arith.addi %mul3A_0, %arg1 : i32
    %scan3A = arith.constant 0 : i32
    %scan3A_1 = arith.constant 0 : i32
    %scan3A_2 = arith.constant 48 : i32
    %scan3A_3 = arith.addi %scan3A_1, %scan3A_2 : i32
    %scan3A_4 = arith.constant 1 : i32
    %scan3A_5 = scf.for %scan3A_52 = %scan3A_1 to %scan3A_3 step %scan3A_4 iter_args(%scan3A_53 = %scan3A) -> (i32)  : i32 {
      %scan3A_54 = arith.constant 0 : i32
      %scan3A_55 = arith.constant 0 : i32
      %scan3A_56 = arith.constant 8 : i32
      %scan3A_57 = arith.addi %scan3A_55, %scan3A_56 : i32
      %scan3A_58 = arith.constant 1 : i32
      %scan3A_59 = scf.for %scan3A_61 = %scan3A_55 to %scan3A_57 step %scan3A_58 iter_args(%scan3A_62 = %scan3A_54) -> (i32)  : i32 {
        %broadcast_in_dim3A = arith.constant 0.000000e+00 : f32
        %broadcast_in_dim3A_63 = vector.broadcast %broadcast_in_dim3A : f32 to vector<16xf32>
        %mul3A_64 = arith.constant 16 : i32
        %mul3A_65 = arith.muli %scan3A_61, %mul3A_64 : i32
        %swap3A = arith.index_cast %scan3A_52 : i32 to index
        %swap3A_66 = arith.index_cast %mul3A_65 : i32 to index
        %swap3A_67 = tpu.vector_load %arg10[%swap3A, %swap3A_66] {strides = array<i32>} : memref<48x128xf32, #tpu.memory_space<vmem>>, vector<1x16xf32>,
        %swap3A_68 = vector.shape_cast %swap3A_67 : vector<1x16xf32> to vector<16xf32>
        %swap3A_69 = vector.shape_cast %broadcast_in_dim3A_63 : vector<16xf32> to vector<1x16xf32>
        tpu.vector_store %arg10[%swap3A, %swap3A_66], %swap3A_69 {strides = array<i32>} : memref<48x128xf32, #tpu.memory_space<vmem>>, vector<1x16xf32>,
        %scan3A_70 = arith.constant 0 : i32
        scf.yield %scan3A_70 : i32
      }
      %scan3A_60 = arith.constant 8 : i32
      scf.yield %scan3A_59 : i32
    }
    %scan3A_6 = arith.constant 48 : i32
    %mul3A_7 = arith.constant 624 : i32
    %mul3A_8 = arith.muli %arg1, %mul3A_7 : i32
    %add3A_9 = arith.constant 0 : i32
    %add3A_10 = arith.addi %mul3A_8, %add3A_9 : i32
    "tpu.region"() ({
      %run_scoped3A = tpu.sem_alloc : memref<!tpu.dma_semaphore, #tpu.memory_space<semaphore_mem>>
      %dma_start3A = arith.constant 0 : i32
      %dma_start3A_52 = tpu.memref_slice %arg11[%add3A_10, %dma_start3A] : memref<10000x128xf32, #tpu.memory_space<vmem_shared>> -> memref<48x128xf32, #tpu.memory_space<vmem_shared>>
      %dma_start3A_53 = arith.constant 0 : i32
      %dma_start3A_54 = tpu.memref_slice %arg11[%add3A_10, %dma_start3A_53] : memref<10000x128xf32, #tpu.memory_space<vmem_shared>> -> memref<48x128xf32, #tpu.memory_space<vmem_shared>>
      tpu.enqueue_dma source(%arg10 : memref<48x128xf32, #tpu.memory_space<vmem>>) target(%dma_start3A_54 : memref<48x128xf32, #tpu.memory_space<vmem_shared>>) target_semaphore(%run_scoped3A : memref<!tpu.dma_semaphore, #tpu.memory_space<semaphore_mem>>)
      %dma_wait3A = arith.constant 0 : i32
      %dma_wait3A_55 = tpu.memref_slice %arg11[%add3A_10, %dma_wait3A] : memref<10000x128xf32, #tpu.memory_space<vmem_shared>> -> memref<48x128xf32, #tpu.memory_space<vmem_shared>>
      %dma_wait3A_56 = arith.constant 0 : i32
      %dma_wait3A_57 = tpu.memref_slice %arg11[%add3A_10, %dma_wait3A_56] : memref<10000x128xf32, #tpu.memory_space<vmem_shared>> -> memref<48x128xf32, #tpu.memory_space<vmem_shared>>
      tpu.wait_dma2 semaphore(%run_scoped3A : memref<!tpu.dma_semaphore, #tpu.memory_space<semaphore_mem>>) src(%arg10 : memref<48x128xf32, #tpu.memory_space<vmem>>) dst(%dma_wait3A_57 : memref<48x128xf32, #tpu.memory_space<vmem_shared>>)
      tpu.yield
    }) : () -> ()
    %add3A_11 = arith.constant 48 : i32
    %add3A_12 = arith.addi %mul3A_8, %add3A_11 : i32
    "tpu.region"() ({
      %run_scoped3A = tpu.sem_alloc : memref<!tpu.dma_semaphore, #tpu.memory_space<semaphore_mem>>
      %dma_start3A = arith.constant 0 : i32
      %dma_start3A_52 = tpu.memref_slice %arg11[%add3A_12, %dma_start3A] : memref<10000x128xf32, #tpu.memory_space<vmem_shared>> -> memref<48x128xf32, #tpu.memory_space<vmem_shared>>
      %dma_start3A_53 = arith.constant 0 : i32
      %dma_start3A_54 = tpu.memref_slice %arg11[%add3A_12, %dma_start3A_53] : memref<10000x128xf32, #tpu.memory_space<vmem_shared>> -> memref<48x128xf32, #tpu.memory_space<vmem_shared>>
      tpu.enqueue_dma source(%arg10 : memref<48x128xf32, #tpu.memory_space<vmem>>) target(%dma_start3A_54 : memref<48x128xf32, #tpu.memory_space<vmem_shared>>) target_semaphore(%run_scoped3A : memref<!tpu.dma_semaphore, #tpu.memory_space<semaphore_mem>>)
      %dma_wait3A = arith.constant 0 : i32
      %dma_wait3A_55 = tpu.memref_slice %arg11[%add3A_12, %dma_wait3A] : memref<10000x128xf32, #tpu.memory_space<vmem_shared>> -> memref<48x128xf32, #tpu.memory_space<vmem_shared>>
      %dma_wait3A_56 = arith.constant 0 : i32
      %dma_wait3A_57 = tpu.memref_slice %arg11[%add3A_12, %dma_wait3A_56] : memref<10000x128xf32, #tpu.memory_space<vmem_shared>> -> memref<48x128xf32, #tpu.memory_space<vmem_shared>>
      tpu.wait_dma2 semaphore(%run_scoped3A : memref<!tpu.dma_semaphore, #tpu.memory_space<semaphore_mem>>) src(%arg10 : memref<48x128xf32, #tpu.memory_space<vmem>>) dst(%dma_wait3A_57 : memref<48x128xf32, #tpu.memory_space<vmem_shared>>)
      tpu.yield
    }) : () -> ()
    %add3A_13 = arith.constant 96 : i32
    %add3A_14 = arith.addi %mul3A_8, %add3A_13 : i32
    "tpu.region"() ({
      %run_scoped3A = tpu.sem_alloc : memref<!tpu.dma_semaphore, #tpu.memory_space<semaphore_mem>>
      %dma_start3A = arith.constant 0 : i32
      %dma_start3A_52 = tpu.memref_slice %arg11[%add3A_14, %dma_start3A] : memref<10000x128xf32, #tpu.memory_space<vmem_shared>> -> memref<48x128xf32, #tpu.memory_space<vmem_shared>>
      %dma_start3A_53 = arith.constant 0 : i32
      %dma_start3A_54 = tpu.memref_slice %arg11[%add3A_14, %dma_start3A_53] : memref<10000x128xf32, #tpu.memory_space<vmem_shared>> -> memref<48x128xf32, #tpu.memory_space<vmem_shared>>
      tpu.enqueue_dma source(%arg10 : memref<48x128xf32, #tpu.memory_space<vmem>>) target(%dma_start3A_54 : memref<48x128xf32, #tpu.memory_space<vmem_shared>>) target_semaphore(%run_scoped3A : memref<!tpu.dma_semaphore, #tpu.memory_space<semaphore_mem>>)
      %dma_wait3A = arith.constant 0 : i32
      %dma_wait3A_55 = tpu.memref_slice %arg11[%add3A_14, %dma_wait3A] : memref<10000x128xf32, #tpu.memory_space<vmem_shared>> -> memref<48x128xf32, #tpu.memory_space<vmem_shared>>
      %dma_wait3A_56 = arith.constant 0 : i32
      %dma_wait3A_57 = tpu.memref_slice %arg11[%add3A_14, %dma_wait3A_56] : memref<10000x128xf32, #tpu.memory_space<vmem_shared>> -> memref<48x128xf32, #tpu.memory_space<vmem_shared>>
      tpu.wait_dma2 semaphore(%run_scoped3A : memref<!tpu.dma_semaphore, #tpu.memory_space<semaphore_mem>>) src(%arg10 : memref<48x128xf32, #tpu.memory_space<vmem>>) dst(%dma_wait3A_57 : memref<48x128xf32, #tpu.memory_space<vmem_shared>>)
      tpu.yield
    }) : () -> ()
    %add3A_15 = arith.constant 144 : i32
    %add3A_16 = arith.addi %mul3A_8, %add3A_15 : i32
    "tpu.region"() ({
      %run_scoped3A = tpu.sem_alloc : memref<!tpu.dma_semaphore, #tpu.memory_space<semaphore_mem>>
      %dma_start3A = arith.constant 0 : i32
      %dma_start3A_52 = tpu.memref_slice %arg11[%add3A_16, %dma_start3A] : memref<10000x128xf32, #tpu.memory_space<vmem_shared>> -> memref<48x128xf32, #tpu.memory_space<vmem_shared>>
      %dma_start3A_53 = arith.constant 0 : i32
      %dma_start3A_54 = tpu.memref_slice %arg11[%add3A_16, %dma_start3A_53] : memref<10000x128xf32, #tpu.memory_space<vmem_shared>> -> memref<48x128xf32, #tpu.memory_space<vmem_shared>>
      tpu.enqueue_dma source(%arg10 : memref<48x128xf32, #tpu.memory_space<vmem>>) target(%dma_start3A_54 : memref<48x128xf32, #tpu.memory_space<vmem_shared>>) target_semaphore(%run_scoped3A : memref<!tpu.dma_semaphore, #tpu.memory_space<semaphore_mem>>)
      %dma_wait3A = arith.constant 0 : i32
      %dma_wait3A_55 = tpu.memref_slice %arg11[%add3A_16, %dma_wait3A] : memref<10000x128xf32, #tpu.memory_space<vmem_shared>> -> memref<48x128xf32, #tpu.memory_space<vmem_shared>>
      %dma_wait3A_56 = arith.constant 0 : i32
      %dma_wait3A_57 = tpu.memref_slice %arg11[%add3A_16, %dma_wait3A_56] : memref<10000x128xf32, #tpu.memory_space<vmem_shared>> -> memref<48x128xf32, #tpu.memory_space<vmem_shared>>
      tpu.wait_dma2 semaphore(%run_scoped3A : memref<!tpu.dma_semaphore, #tpu.memory_space<semaphore_mem>>) src(%arg10 : memref<48x128xf32, #tpu.memory_space<vmem>>) dst(%dma_wait3A_57 : memref<48x128xf32, #tpu.memory_space<vmem_shared>>)
      tpu.yield
    }) : () -> ()
    %add3A_17 = arith.constant 192 : i32
    %add3A_18 = arith.addi %mul3A_8, %add3A_17 : i32
    "tpu.region"() ({
      %run_scoped3A = tpu.sem_alloc : memref<!tpu.dma_semaphore, #tpu.memory_space<semaphore_mem>>
      %dma_start3A = arith.constant 0 : i32
      %dma_start3A_52 = tpu.memref_slice %arg11[%add3A_18, %dma_start3A] : memref<10000x128xf32, #tpu.memory_space<vmem_shared>> -> memref<48x128xf32, #tpu.memory_space<vmem_shared>>
      %dma_start3A_53 = arith.constant 0 : i32
      %dma_start3A_54 = tpu.memref_slice %arg11[%add3A_18, %dma_start3A_53] : memref<10000x128xf32, #tpu.memory_space<vmem_shared>> -> memref<48x128xf32, #tpu.memory_space<vmem_shared>>
      tpu.enqueue_dma source(%arg10 : memref<48x128xf32, #tpu.memory_space<vmem>>) target(%dma_start3A_54 : memref<48x128xf32, #tpu.memory_space<vmem_shared>>) target_semaphore(%run_scoped3A : memref<!tpu.dma_semaphore, #tpu.memory_space<semaphore_mem>>)
      %dma_wait3A = arith.constant 0 : i32
      %dma_wait3A_55 = tpu.memref_slice %arg11[%add3A_18, %dma_wait3A] : memref<10000x128xf32, #tpu.memory_space<vmem_shared>> -> memref<48x128xf32, #tpu.memory_space<vmem_shared>>
      %dma_wait3A_56 = arith.constant 0 : i32
      %dma_wait3A_57 = tpu.memref_slice %arg11[%add3A_18, %dma_wait3A_56] : memref<10000x128xf32, #tpu.memory_space<vmem_shared>> -> memref<48x128xf32, #tpu.memory_space<vmem_shared>>
      tpu.wait_dma2 semaphore(%run_scoped3A : memref<!tpu.dma_semaphore, #tpu.memory_space<semaphore_mem>>) src(%arg10 : memref<48x128xf32, #tpu.memory_space<vmem>>) dst(%dma_wait3A_57 : memref<48x128xf32, #tpu.memory_space<vmem_shared>>)
      tpu.yield
    }) : () -> ()
    %add3A_19 = arith.constant 240 : i32
    %add3A_20 = arith.addi %mul3A_8, %add3A_19 : i32
    "tpu.region"() ({
      %run_scoped3A = tpu.sem_alloc : memref<!tpu.dma_semaphore, #tpu.memory_space<semaphore_mem>>
      %dma_start3A = arith.constant 0 : i32
      %dma_start3A_52 = tpu.memref_slice %arg11[%add3A_20, %dma_start3A] : memref<10000x128xf32, #tpu.memory_space<vmem_shared>> -> memref<48x128xf32, #tpu.memory_space<vmem_shared>>
      %dma_start3A_53 = arith.constant 0 : i32
      %dma_start3A_54 = tpu.memref_slice %arg11[%add3A_20, %dma_start3A_53] : memref<10000x128xf32, #tpu.memory_space<vmem_shared>> -> memref<48x128xf32, #tpu.memory_space<vmem_shared>>
      tpu.enqueue_dma source(%arg10 : memref<48x128xf32, #tpu.memory_space<vmem>>) target(%dma_start3A_54 : memref<48x128xf32, #tpu.memory_space<vmem_shared>>) target_semaphore(%run_scoped3A : memref<!tpu.dma_semaphore, #tpu.memory_space<semaphore_mem>>)
      %dma_wait3A = arith.constant 0 : i32
      %dma_wait3A_55 = tpu.memref_slice %arg11[%add3A_20, %dma_wait3A] : memref<10000x128xf32, #tpu.memory_space<vmem_shared>> -> memref<48x128xf32, #tpu.memory_space<vmem_shared>>
      %dma_wait3A_56 = arith.constant 0 : i32
      %dma_wait3A_57 = tpu.memref_slice %arg11[%add3A_20, %dma_wait3A_56] : memref<10000x128xf32, #tpu.memory_space<vmem_shared>> -> memref<48x128xf32, #tpu.memory_space<vmem_shared>>
      tpu.wait_dma2 semaphore(%run_scoped3A : memref<!tpu.dma_semaphore, #tpu.memory_space<semaphore_mem>>) src(%arg10 : memref<48x128xf32, #tpu.memory_space<vmem>>) dst(%dma_wait3A_57 : memref<48x128xf32, #tpu.memory_space<vmem_shared>>)
      tpu.yield
    }) : () -> ()
    %add3A_21 = arith.constant 288 : i32
    %add3A_22 = arith.addi %mul3A_8, %add3A_21 : i32
    "tpu.region"() ({
      %run_scoped3A = tpu.sem_alloc : memref<!tpu.dma_semaphore, #tpu.memory_space<semaphore_mem>>
      %dma_start3A = arith.constant 0 : i32
      %dma_start3A_52 = tpu.memref_slice %arg11[%add3A_22, %dma_start3A] : memref<10000x128xf32, #tpu.memory_space<vmem_shared>> -> memref<48x128xf32, #tpu.memory_space<vmem_shared>>
      %dma_start3A_53 = arith.constant 0 : i32
      %dma_start3A_54 = tpu.memref_slice %arg11[%add3A_22, %dma_start3A_53] : memref<10000x128xf32, #tpu.memory_space<vmem_shared>> -> memref<48x128xf32, #tpu.memory_space<vmem_shared>>
      tpu.enqueue_dma source(%arg10 : memref<48x128xf32, #tpu.memory_space<vmem>>) target(%dma_start3A_54 : memref<48x128xf32, #tpu.memory_space<vmem_shared>>) target_semaphore(%run_scoped3A : memref<!tpu.dma_semaphore, #tpu.memory_space<semaphore_mem>>)
      %dma_wait3A = arith.constant 0 : i32
      %dma_wait3A_55 = tpu.memref_slice %arg11[%add3A_22, %dma_wait3A] : memref<10000x128xf32, #tpu.memory_space<vmem_shared>> -> memref<48x128xf32, #tpu.memory_space<vmem_shared>>
      %dma_wait3A_56 = arith.constant 0 : i32
      %dma_wait3A_57 = tpu.memref_slice %arg11[%add3A_22, %dma_wait3A_56] : memref<10000x128xf32, #tpu.memory_space<vmem_shared>> -> memref<48x128xf32, #tpu.memory_space<vmem_shared>>
      tpu.wait_dma2 semaphore(%run_scoped3A : memref<!tpu.dma_semaphore, #tpu.memory_space<semaphore_mem>>) src(%arg10 : memref<48x128xf32, #tpu.memory_space<vmem>>) dst(%dma_wait3A_57 : memref<48x128xf32, #tpu.memory_space<vmem_shared>>)
      tpu.yield
    }) : () -> ()
    %add3A_23 = arith.constant 336 : i32
    %add3A_24 = arith.addi %mul3A_8, %add3A_23 : i32
    "tpu.region"() ({
      %run_scoped3A = tpu.sem_alloc : memref<!tpu.dma_semaphore, #tpu.memory_space<semaphore_mem>>
      %dma_start3A = arith.constant 0 : i32
      %dma_start3A_52 = tpu.memref_slice %arg11[%add3A_24, %dma_start3A] : memref<10000x128xf32, #tpu.memory_space<vmem_shared>> -> memref<48x128xf32, #tpu.memory_space<vmem_shared>>
      %dma_start3A_53 = arith.constant 0 : i32
      %dma_start3A_54 = tpu.memref_slice %arg11[%add3A_24, %dma_start3A_53] : memref<10000x128xf32, #tpu.memory_space<vmem_shared>> -> memref<48x128xf32, #tpu.memory_space<vmem_shared>>
      tpu.enqueue_dma source(%arg10 : memref<48x128xf32, #tpu.memory_space<vmem>>) target(%dma_start3A_54 : memref<48x128xf32, #tpu.memory_space<vmem_shared>>) target_semaphore(%run_scoped3A : memref<!tpu.dma_semaphore, #tpu.memory_space<semaphore_mem>>)
      %dma_wait3A = arith.constant 0 : i32
      %dma_wait3A_55 = tpu.memref_slice %arg11[%add3A_24, %dma_wait3A] : memref<10000x128xf32, #tpu.memory_space<vmem_shared>> -> memref<48x128xf32, #tpu.memory_space<vmem_shared>>
      %dma_wait3A_56 = arith.constant 0 : i32
      %dma_wait3A_57 = tpu.memref_slice %arg11[%add3A_24, %dma_wait3A_56] : memref<10000x128xf32, #tpu.memory_space<vmem_shared>> -> memref<48x128xf32, #tpu.memory_space<vmem_shared>>
      tpu.wait_dma2 semaphore(%run_scoped3A : memref<!tpu.dma_semaphore, #tpu.memory_space<semaphore_mem>>) src(%arg10 : memref<48x128xf32, #tpu.memory_space<vmem>>) dst(%dma_wait3A_57 : memref<48x128xf32, #tpu.memory_space<vmem_shared>>)
      tpu.yield
    }) : () -> ()
    %add3A_25 = arith.constant 384 : i32
    %add3A_26 = arith.addi %mul3A_8, %add3A_25 : i32
    "tpu.region"() ({
      %run_scoped3A = tpu.sem_alloc : memref<!tpu.dma_semaphore, #tpu.memory_space<semaphore_mem>>
      %dma_start3A = arith.constant 0 : i32
      %dma_start3A_52 = tpu.memref_slice %arg11[%add3A_26, %dma_start3A] : memref<10000x128xf32, #tpu.memory_space<vmem_shared>> -> memref<48x128xf32, #tpu.memory_space<vmem_shared>>
      %dma_start3A_53 = arith.constant 0 : i32
      %dma_start3A_54 = tpu.memref_slice %arg11[%add3A_26, %dma_start3A_53] : memref<10000x128xf32, #tpu.memory_space<vmem_shared>> -> memref<48x128xf32, #tpu.memory_space<vmem_shared>>
      tpu.enqueue_dma source(%arg10 : memref<48x128xf32, #tpu.memory_space<vmem>>) target(%dma_start3A_54 : memref<48x128xf32, #tpu.memory_space<vmem_shared>>) target_semaphore(%run_scoped3A : memref<!tpu.dma_semaphore, #tpu.memory_space<semaphore_mem>>)
      %dma_wait3A = arith.constant 0 : i32
      %dma_wait3A_55 = tpu.memref_slice %arg11[%add3A_26, %dma_wait3A] : memref<10000x128xf32, #tpu.memory_space<vmem_shared>> -> memref<48x128xf32, #tpu.memory_space<vmem_shared>>
      %dma_wait3A_56 = arith.constant 0 : i32
      %dma_wait3A_57 = tpu.memref_slice %arg11[%add3A_26, %dma_wait3A_56] : memref<10000x128xf32, #tpu.memory_space<vmem_shared>> -> memref<48x128xf32, #tpu.memory_space<vmem_shared>>
      tpu.wait_dma2 semaphore(%run_scoped3A : memref<!tpu.dma_semaphore, #tpu.memory_space<semaphore_mem>>) src(%arg10 : memref<48x128xf32, #tpu.memory_space<vmem>>) dst(%dma_wait3A_57 : memref<48x128xf32, #tpu.memory_space<vmem_shared>>)
      tpu.yield
    }) : () -> ()
    %add3A_27 = arith.constant 432 : i32
    %add3A_28 = arith.addi %mul3A_8, %add3A_27 : i32
    "tpu.region"() ({
      %run_scoped3A = tpu.sem_alloc : memref<!tpu.dma_semaphore, #tpu.memory_space<semaphore_mem>>
      %dma_start3A = arith.constant 0 : i32
      %dma_start3A_52 = tpu.memref_slice %arg11[%add3A_28, %dma_start3A] : memref<10000x128xf32, #tpu.memory_space<vmem_shared>> -> memref<48x128xf32, #tpu.memory_space<vmem_shared>>
      %dma_start3A_53 = arith.constant 0 : i32
      %dma_start3A_54 = tpu.memref_slice %arg11[%add3A_28, %dma_start3A_53] : memref<10000x128xf32, #tpu.memory_space<vmem_shared>> -> memref<48x128xf32, #tpu.memory_space<vmem_shared>>
      tpu.enqueue_dma source(%arg10 : memref<48x128xf32, #tpu.memory_space<vmem>>) target(%dma_start3A_54 : memref<48x128xf32, #tpu.memory_space<vmem_shared>>) target_semaphore(%run_scoped3A : memref<!tpu.dma_semaphore, #tpu.memory_space<semaphore_mem>>)
      %dma_wait3A = arith.constant 0 : i32
      %dma_wait3A_55 = tpu.memref_slice %arg11[%add3A_28, %dma_wait3A] : memref<10000x128xf32, #tpu.memory_space<vmem_shared>> -> memref<48x128xf32, #tpu.memory_space<vmem_shared>>
      %dma_wait3A_56 = arith.constant 0 : i32
      %dma_wait3A_57 = tpu.memref_slice %arg11[%add3A_28, %dma_wait3A_56] : memref<10000x128xf32, #tpu.memory_space<vmem_shared>> -> memref<48x128xf32, #tpu.memory_space<vmem_shared>>
      tpu.wait_dma2 semaphore(%run_scoped3A : memref<!tpu.dma_semaphore, #tpu.memory_space<semaphore_mem>>) src(%arg10 : memref<48x128xf32, #tpu.memory_space<vmem>>) dst(%dma_wait3A_57 : memref<48x128xf32, #tpu.memory_space<vmem_shared>>)
      tpu.yield
    }) : () -> ()
    %add3A_29 = arith.constant 480 : i32
    %add3A_30 = arith.addi %mul3A_8, %add3A_29 : i32
    "tpu.region"() ({
      %run_scoped3A = tpu.sem_alloc : memref<!tpu.dma_semaphore, #tpu.memory_space<semaphore_mem>>
      %dma_start3A = arith.constant 0 : i32
      %dma_start3A_52 = tpu.memref_slice %arg11[%add3A_30, %dma_start3A] : memref<10000x128xf32, #tpu.memory_space<vmem_shared>> -> memref<48x128xf32, #tpu.memory_space<vmem_shared>>
      %dma_start3A_53 = arith.constant 0 : i32
      %dma_start3A_54 = tpu.memref_slice %arg11[%add3A_30, %dma_start3A_53] : memref<10000x128xf32, #tpu.memory_space<vmem_shared>> -> memref<48x128xf32, #tpu.memory_space<vmem_shared>>
      tpu.enqueue_dma source(%arg10 : memref<48x128xf32, #tpu.memory_space<vmem>>) target(%dma_start3A_54 : memref<48x128xf32, #tpu.memory_space<vmem_shared>>) target_semaphore(%run_scoped3A : memref<!tpu.dma_semaphore, #tpu.memory_space<semaphore_mem>>)
      %dma_wait3A = arith.constant 0 : i32
      %dma_wait3A_55 = tpu.memref_slice %arg11[%add3A_30, %dma_wait3A] : memref<10000x128xf32, #tpu.memory_space<vmem_shared>> -> memref<48x128xf32, #tpu.memory_space<vmem_shared>>
      %dma_wait3A_56 = arith.constant 0 : i32
      %dma_wait3A_57 = tpu.memref_slice %arg11[%add3A_30, %dma_wait3A_56] : memref<10000x128xf32, #tpu.memory_space<vmem_shared>> -> memref<48x128xf32, #tpu.memory_space<vmem_shared>>
      tpu.wait_dma2 semaphore(%run_scoped3A : memref<!tpu.dma_semaphore, #tpu.memory_space<semaphore_mem>>) src(%arg10 : memref<48x128xf32, #tpu.memory_space<vmem>>) dst(%dma_wait3A_57 : memref<48x128xf32, #tpu.memory_space<vmem_shared>>)
      tpu.yield
    }) : () -> ()
    %add3A_31 = arith.constant 528 : i32
    %add3A_32 = arith.addi %mul3A_8, %add3A_31 : i32
    "tpu.region"() ({
      %run_scoped3A = tpu.sem_alloc : memref<!tpu.dma_semaphore, #tpu.memory_space<semaphore_mem>>
      %dma_start3A = arith.constant 0 : i32
      %dma_start3A_52 = tpu.memref_slice %arg11[%add3A_32, %dma_start3A] : memref<10000x128xf32, #tpu.memory_space<vmem_shared>> -> memref<48x128xf32, #tpu.memory_space<vmem_shared>>
      %dma_start3A_53 = arith.constant 0 : i32
      %dma_start3A_54 = tpu.memref_slice %arg11[%add3A_32, %dma_start3A_53] : memref<10000x128xf32, #tpu.memory_space<vmem_shared>> -> memref<48x128xf32, #tpu.memory_space<vmem_shared>>
      tpu.enqueue_dma source(%arg10 : memref<48x128xf32, #tpu.memory_space<vmem>>) target(%dma_start3A_54 : memref<48x128xf32, #tpu.memory_space<vmem_shared>>) target_semaphore(%run_scoped3A : memref<!tpu.dma_semaphore, #tpu.memory_space<semaphore_mem>>)
      %dma_wait3A = arith.constant 0 : i32
      %dma_wait3A_55 = tpu.memref_slice %arg11[%add3A_32, %dma_wait3A] : memref<10000x128xf32, #tpu.memory_space<vmem_shared>> -> memref<48x128xf32, #tpu.memory_space<vmem_shared>>
      %dma_wait3A_56 = arith.constant 0 : i32
      %dma_wait3A_57 = tpu.memref_slice %arg11[%add3A_32, %dma_wait3A_56] : memref<10000x128xf32, #tpu.memory_space<vmem_shared>> -> memref<48x128xf32, #tpu.memory_space<vmem_shared>>
      tpu.wait_dma2 semaphore(%run_scoped3A : memref<!tpu.dma_semaphore, #tpu.memory_space<semaphore_mem>>) src(%arg10 : memref<48x128xf32, #tpu.memory_space<vmem>>) dst(%dma_wait3A_57 : memref<48x128xf32, #tpu.memory_space<vmem_shared>>)
      tpu.yield
    }) : () -> ()
    %add3A_33 = arith.constant 576 : i32
    %add3A_34 = arith.addi %mul3A_8, %add3A_33 : i32
    "tpu.region"() ({
      %run_scoped3A = tpu.sem_alloc : memref<!tpu.dma_semaphore, #tpu.memory_space<semaphore_mem>>
      %dma_start3A = arith.constant 0 : i32
      %dma_start3A_52 = tpu.memref_slice %arg11[%add3A_34, %dma_start3A] : memref<10000x128xf32, #tpu.memory_space<vmem_shared>> -> memref<48x128xf32, #tpu.memory_space<vmem_shared>>
      %dma_start3A_53 = arith.constant 0 : i32
      %dma_start3A_54 = tpu.memref_slice %arg11[%add3A_34, %dma_start3A_53] : memref<10000x128xf32, #tpu.memory_space<vmem_shared>> -> memref<48x128xf32, #tpu.memory_space<vmem_shared>>
      tpu.enqueue_dma source(%arg10 : memref<48x128xf32, #tpu.memory_space<vmem>>) target(%dma_start3A_54 : memref<48x128xf32, #tpu.memory_space<vmem_shared>>) target_semaphore(%run_scoped3A : memref<!tpu.dma_semaphore, #tpu.memory_space<semaphore_mem>>)
      %dma_wait3A = arith.constant 0 : i32
      %dma_wait3A_55 = tpu.memref_slice %arg11[%add3A_34, %dma_wait3A] : memref<10000x128xf32, #tpu.memory_space<vmem_shared>> -> memref<48x128xf32, #tpu.memory_space<vmem_shared>>
      %dma_wait3A_56 = arith.constant 0 : i32
      %dma_wait3A_57 = tpu.memref_slice %arg11[%add3A_34, %dma_wait3A_56] : memref<10000x128xf32, #tpu.memory_space<vmem_shared>> -> memref<48x128xf32, #tpu.memory_space<vmem_shared>>
      tpu.wait_dma2 semaphore(%run_scoped3A : memref<!tpu.dma_semaphore, #tpu.memory_space<semaphore_mem>>) src(%arg10 : memref<48x128xf32, #tpu.memory_space<vmem>>) dst(%dma_wait3A_57 : memref<48x128xf32, #tpu.memory_space<vmem_shared>>)
      tpu.yield
    }) : () -> ()
    %eq3A = arith.constant 0 : i32
    %eq3A_35 = arith.cmpi eq, %arg1, %eq3A : i32
    %convert_element_type3A = arith.extui %eq3A_35 : i1 to i32
    %cond3A = arith.constant 0 : i32
    %cond3A_36 = arith.cmpi ne, %convert_element_type3A, %cond3A : i32
    scf.if %cond3A_36 {
      "tpu.region"() ({
        %run_scoped3A = tpu.sem_alloc : memref<!tpu.dma_semaphore, #tpu.memory_space<semaphore_mem>>
        %dma_start3A = arith.constant 0 : i32
        %dma_start3A_52 = arith.constant 0 : i32
        %dma_start3A_53 = tpu.memref_slice %arg10[%dma_start3A, %dma_start3A_52] : memref<48x128xf32, #tpu.memory_space<vmem>> -> memref<16x128xf32, #tpu.memory_space<vmem>>
        %dma_start3A_54 = arith.constant 9984 : i32
        %dma_start3A_55 = arith.constant 0 : i32
        %dma_start3A_56 = tpu.memref_slice %arg11[%dma_start3A_54, %dma_start3A_55] : memref<10000x128xf32, #tpu.memory_space<vmem_shared>> -> memref<16x128xf32, #tpu.memory_space<vmem_shared>>
        %dma_start3A_57 = arith.constant 9984 : i32
        %dma_start3A_58 = arith.constant 0 : i32
        %dma_start3A_59 = tpu.memref_slice %arg11[%dma_start3A_57, %dma_start3A_58] : memref<10000x128xf32, #tpu.memory_space<vmem_shared>> -> memref<16x128xf32, #tpu.memory_space<vmem_shared>>
        %dma_start3A_60 = arith.constant 0 : i32
        %dma_start3A_61 = arith.constant 0 : i32
        %dma_start3A_62 = tpu.memref_slice %arg10[%dma_start3A_60, %dma_start3A_61] : memref<48x128xf32, #tpu.memory_space<vmem>> -> memref<16x128xf32, #tpu.memory_space<vmem>>
        tpu.enqueue_dma source(%dma_start3A_62 : memref<16x128xf32, #tpu.memory_space<vmem>>) target(%dma_start3A_59 : memref<16x128xf32, #tpu.memory_space<vmem_shared>>) target_semaphore(%run_scoped3A : memref<!tpu.dma_semaphore, #tpu.memory_space<semaphore_mem>>)
        %dma_wait3A = arith.constant 0 : i32
        %dma_wait3A_63 = arith.constant 0 : i32
        %dma_wait3A_64 = tpu.memref_slice %arg10[%dma_wait3A, %dma_wait3A_63] : memref<48x128xf32, #tpu.memory_space<vmem>> -> memref<16x128xf32, #tpu.memory_space<vmem>>
        %dma_wait3A_65 = arith.constant 9984 : i32
        %dma_wait3A_66 = arith.constant 0 : i32
        %dma_wait3A_67 = tpu.memref_slice %arg11[%dma_wait3A_65, %dma_wait3A_66] : memref<10000x128xf32, #tpu.memory_space<vmem_shared>> -> memref<16x128xf32, #tpu.memory_space<vmem_shared>>
        %dma_wait3A_68 = arith.constant 9984 : i32
        %dma_wait3A_69 = arith.constant 0 : i32
        %dma_wait3A_70 = tpu.memref_slice %arg11[%dma_wait3A_68, %dma_wait3A_69] : memref<10000x128xf32, #tpu.memory_space<vmem_shared>> -> memref<16x128xf32, #tpu.memory_space<vmem_shared>>
        %dma_wait3A_71 = arith.constant 0 : i32
        %dma_wait3A_72 = arith.constant 0 : i32
        %dma_wait3A_73 = tpu.memref_slice %arg10[%dma_wait3A_71, %dma_wait3A_72] : memref<48x128xf32, #tpu.memory_space<vmem>> -> memref<16x128xf32, #tpu.memory_space<vmem>>
        tpu.wait_dma2 semaphore(%run_scoped3A : memref<!tpu.dma_semaphore, #tpu.memory_space<semaphore_mem>>) src(%dma_wait3A_73 : memref<16x128xf32, #tpu.memory_space<vmem>>) dst(%dma_wait3A_70 : memref<16x128xf32, #tpu.memory_space<vmem_shared>>)
        tpu.yield
      }) : () -> ()
    } else {
    }
    %barrier3A = arith.constant 0 : index
    tpu.barrier barrier_id(%barrier3A)
    %scan3A_37 = arith.constant 0 : i32
    %scan3A_38 = arith.constant 0 : i32
    %scan3A_39 = arith.constant 5 : i32
    %scan3A_40 = arith.addi %scan3A_38, %scan3A_39 : i32
    %scan3A_41 = arith.constant 1 : i32
    %scan3A_42 = scf.for %scan3A_52 = %scan3A_38 to %scan3A_40 step %scan3A_41 iter_args(%scan3A_53 = %scan3A_37) -> (i32)  : i32 {
      "tpu.region"() ({
        %run_scoped3A_74 = tpu.sem_alloc : memref<!tpu.dma_semaphore, #tpu.memory_space<semaphore_mem>>
        %dma_start3A_75 = arith.constant 0 : i32
        %dma_start3A_76 = arith.constant 0 : i32
        %dma_start3A_77 = tpu.memref_slice %arg3[%add3A, %scan3A_52, %dma_start3A_75, %dma_start3A_76] : memref<32x5x25x80xi32, #tpu.memory_space<hbm>> -> memref<1x1x25x80xi32, #tpu.memory_space<hbm>>
        %dma_start3A_78 = tpu.memref_squeeze %dma_start3A_77 : memref<1x1x25x80xi32, #tpu.memory_space<hbm>> -> memref<25x80xi32, #tpu.memory_space<hbm>>
        %dma_start3A_79 = arith.constant 0 : i32
        %dma_start3A_80 = arith.constant 0 : i32
        %dma_start3A_81 = tpu.memref_slice %arg3[%add3A, %scan3A_52, %dma_start3A_79, %dma_start3A_80] : memref<32x5x25x80xi32, #tpu.memory_space<hbm>> -> memref<1x1x25x80xi32, #tpu.memory_space<hbm>>
        %dma_start3A_82 = tpu.memref_squeeze %dma_start3A_81 : memref<1x1x25x80xi32, #tpu.memory_space<hbm>> -> memref<25x80xi32, #tpu.memory_space<hbm>>
        tpu.enqueue_dma source(%dma_start3A_82 : memref<25x80xi32, #tpu.memory_space<hbm>>) target(%arg6 : memref<25x80xi32, #tpu.memory_space<vmem>>) target_semaphore(%run_scoped3A_74 : memref<!tpu.dma_semaphore, #tpu.memory_space<semaphore_mem>>)
        %dma_wait3A_83 = arith.constant 0 : i32
        %dma_wait3A_84 = arith.constant 0 : i32
        %dma_wait3A_85 = tpu.memref_slice %arg3[%add3A, %scan3A_52, %dma_wait3A_83, %dma_wait3A_84] : memref<32x5x25x80xi32, #tpu.memory_space<hbm>> -> memref<1x1x25x80xi32, #tpu.memory_space<hbm>>
        %dma_wait3A_86 = tpu.memref_squeeze %dma_wait3A_85 : memref<1x1x25x80xi32, #tpu.memory_space<hbm>> -> memref<25x80xi32, #tpu.memory_space<hbm>>
        %dma_wait3A_87 = arith.constant 0 : i32
        %dma_wait3A_88 = arith.constant 0 : i32
        %dma_wait3A_89 = tpu.memref_slice %arg3[%add3A, %scan3A_52, %dma_wait3A_87, %dma_wait3A_88] : memref<32x5x25x80xi32, #tpu.memory_space<hbm>> -> memref<1x1x25x80xi32, #tpu.memory_space<hbm>>
        %dma_wait3A_90 = tpu.memref_squeeze %dma_wait3A_89 : memref<1x1x25x80xi32, #tpu.memory_space<hbm>> -> memref<25x80xi32, #tpu.memory_space<hbm>>
        tpu.wait_dma2 semaphore(%run_scoped3A_74 : memref<!tpu.dma_semaphore, #tpu.memory_space<semaphore_mem>>) src(%dma_wait3A_90 : memref<25x80xi32, #tpu.memory_space<hbm>>) dst(%arg6 : memref<25x80xi32, #tpu.memory_space<vmem>>)
        tpu.yield
      }) : () -> ()
      "tpu.region"() ({
        %run_scoped3A_74 = tpu.sem_alloc : memref<!tpu.dma_semaphore, #tpu.memory_space<semaphore_mem>>
        %dma_start3A_75 = arith.constant 0 : i32
        %dma_start3A_76 = arith.constant 0 : i32
        %dma_start3A_77 = tpu.memref_slice %arg4[%add3A, %scan3A_52, %dma_start3A_75, %dma_start3A_76] : memref<32x5x25x80xi32, #tpu.memory_space<hbm>> -> memref<1x1x25x80xi32, #tpu.memory_space<hbm>>
        %dma_start3A_78 = tpu.memref_squeeze %dma_start3A_77 : memref<1x1x25x80xi32, #tpu.memory_space<hbm>> -> memref<25x80xi32, #tpu.memory_space<hbm>>
        %dma_start3A_79 = arith.constant 0 : i32
        %dma_start3A_80 = arith.constant 0 : i32
        %dma_start3A_81 = tpu.memref_slice %arg4[%add3A, %scan3A_52, %dma_start3A_79, %dma_start3A_80] : memref<32x5x25x80xi32, #tpu.memory_space<hbm>> -> memref<1x1x25x80xi32, #tpu.memory_space<hbm>>
        %dma_start3A_82 = tpu.memref_squeeze %dma_start3A_81 : memref<1x1x25x80xi32, #tpu.memory_space<hbm>> -> memref<25x80xi32, #tpu.memory_space<hbm>>
        tpu.enqueue_dma source(%dma_start3A_82 : memref<25x80xi32, #tpu.memory_space<hbm>>) target(%arg7 : memref<25x80xi32, #tpu.memory_space<vmem>>) target_semaphore(%run_scoped3A_74 : memref<!tpu.dma_semaphore, #tpu.memory_space<semaphore_mem>>)
        %dma_wait3A_83 = arith.constant 0 : i32
        %dma_wait3A_84 = arith.constant 0 : i32
        %dma_wait3A_85 = tpu.memref_slice %arg4[%add3A, %scan3A_52, %dma_wait3A_83, %dma_wait3A_84] : memref<32x5x25x80xi32, #tpu.memory_space<hbm>> -> memref<1x1x25x80xi32, #tpu.memory_space<hbm>>
        %dma_wait3A_86 = tpu.memref_squeeze %dma_wait3A_85 : memref<1x1x25x80xi32, #tpu.memory_space<hbm>> -> memref<25x80xi32, #tpu.memory_space<hbm>>
        %dma_wait3A_87 = arith.constant 0 : i32
        %dma_wait3A_88 = arith.constant 0 : i32
        %dma_wait3A_89 = tpu.memref_slice %arg4[%add3A, %scan3A_52, %dma_wait3A_87, %dma_wait3A_88] : memref<32x5x25x80xi32, #tpu.memory_space<hbm>> -> memref<1x1x25x80xi32, #tpu.memory_space<hbm>>
        %dma_wait3A_90 = tpu.memref_squeeze %dma_wait3A_89 : memref<1x1x25x80xi32, #tpu.memory_space<hbm>> -> memref<25x80xi32, #tpu.memory_space<hbm>>
        tpu.wait_dma2 semaphore(%run_scoped3A_74 : memref<!tpu.dma_semaphore, #tpu.memory_space<semaphore_mem>>) src(%dma_wait3A_90 : memref<25x80xi32, #tpu.memory_space<hbm>>) dst(%arg7 : memref<25x80xi32, #tpu.memory_space<vmem>>)
        tpu.yield
      }) : () -> ()
      %scan3A_54 = arith.constant 0 : i32
      %scan3A_55 = arith.constant 0 : i32
      %scan3A_56 = arith.constant 12 : i32
      %scan3A_57 = arith.addi %scan3A_55, %scan3A_56 : i32
      %scan3A_58 = arith.constant 1 : i32
      %scan3A_59 = scf.for %scan3A_74 = %scan3A_55 to %scan3A_57 step %scan3A_58 iter_args(%scan3A_75 = %scan3A_54) -> (i32)  : i32 {
        %mul3A_76 = arith.constant 2 : i32
        %mul3A_77 = arith.muli %mul3A_76, %scan3A_74 : i32
        %add3A_78 = arith.constant 1 : i32
        %add3A_79 = arith.addi %mul3A_77, %add3A_78 : i32
        %dma_start3A_80 = arith.constant 0 : i32
        %dma_start3A_81 = tpu.memref_slice %arg6[%mul3A_77, %dma_start3A_80] : memref<25x80xi32, #tpu.memory_space<vmem>> -> memref<1x80xi32, #tpu.memory_space<vmem>>
        %dma_start3A_82 = tpu.memref_squeeze %dma_start3A_81 : memref<1x80xi32, #tpu.memory_space<vmem>> -> memref<80xi32, #tpu.memory_space<vmem>>
        %dma_start3A_83 = arith.constant 0 : i32
        %dma_start3A_84 = arith.constant 0 : i32
        %dma_start3A_85 = tpu.memref_slice %arg2[%dma_start3A_83, %dma_start3A_84] : memref<10000x128xf32, #tpu.memory_space<hbm>> -> memref<10000x128xf32, #tpu.memory_space<hbm>>
        tpu.enqueue_indirect_dma source(%dma_start3A_85 : memref<10000x128xf32, #tpu.memory_space<hbm>>) target(%arg8 : memref<80x128xf32, #tpu.memory_space<vmem>>) offsets(%dma_start3A_82 : memref<80xi32, #tpu.memory_space<vmem>>) semaphore(%arg12 : memref<!tpu.dma_semaphore, #tpu.memory_space<semaphore_mem>>)
        %dma_start3A_86 = arith.constant 0 : i32
        %dma_start3A_87 = tpu.memref_slice %arg6[%add3A_79, %dma_start3A_86] : memref<25x80xi32, #tpu.memory_space<vmem>> -> memref<1x80xi32, #tpu.memory_space<vmem>>
        %dma_start3A_88 = tpu.memref_squeeze %dma_start3A_87 : memref<1x80xi32, #tpu.memory_space<vmem>> -> memref<80xi32, #tpu.memory_space<vmem>>
        %dma_start3A_89 = arith.constant 0 : i32
        %dma_start3A_90 = arith.constant 0 : i32
        %dma_start3A_91 = tpu.memref_slice %arg2[%dma_start3A_89, %dma_start3A_90] : memref<10000x128xf32, #tpu.memory_space<hbm>> -> memref<10000x128xf32, #tpu.memory_space<hbm>>
        tpu.enqueue_indirect_dma source(%dma_start3A_91 : memref<10000x128xf32, #tpu.memory_space<hbm>>) target(%arg9 : memref<80x128xf32, #tpu.memory_space<vmem>>) offsets(%dma_start3A_88 : memref<80xi32, #tpu.memory_space<vmem>>) semaphore(%arg13 : memref<!tpu.dma_semaphore, #tpu.memory_space<semaphore_mem>>)
        %dma_wait3A_92 = arith.constant 0 : i32
        %dma_wait3A_93 = tpu.memref_slice %arg6[%mul3A_77, %dma_wait3A_92] : memref<25x80xi32, #tpu.memory_space<vmem>> -> memref<1x80xi32, #tpu.memory_space<vmem>>
        %dma_wait3A_94 = tpu.memref_squeeze %dma_wait3A_93 : memref<1x80xi32, #tpu.memory_space<vmem>> -> memref<80xi32, #tpu.memory_space<vmem>>
        %dma_wait3A_95 = arith.constant 0 : i32
        %dma_wait3A_96 = arith.constant 0 : i32
        %dma_wait3A_97 = tpu.memref_slice %arg2[%dma_wait3A_95, %dma_wait3A_96] : memref<10000x128xf32, #tpu.memory_space<hbm>> -> memref<10000x128xf32, #tpu.memory_space<hbm>>
        tpu.wait_indirect_dma semaphore(%arg12 : memref<!tpu.dma_semaphore, #tpu.memory_space<semaphore_mem>>) src(%dma_wait3A_97 : memref<10000x128xf32, #tpu.memory_space<hbm>>) dst(%arg8 : memref<80x128xf32, #tpu.memory_space<vmem>>)
        "tpu.region"() ({
          %run_scoped3A_105 = tpu.sem_alloc : memref<!tpu.dma_semaphore, #tpu.memory_space<semaphore_mem>>
          %dma_start3A_106 = arith.constant 0 : i32
          %dma_start3A_107 = tpu.memref_slice %arg7[%mul3A_77, %dma_start3A_106] : memref<25x80xi32, #tpu.memory_space<vmem>> -> memref<1x80xi32, #tpu.memory_space<vmem>>
          %dma_start3A_108 = tpu.memref_squeeze %dma_start3A_107 : memref<1x80xi32, #tpu.memory_space<vmem>> -> memref<80xi32, #tpu.memory_space<vmem>>
          %dma_start3A_109 = arith.constant 0 : i32
          %dma_start3A_110 = arith.constant 0 : i32
          %dma_start3A_111 = tpu.memref_slice %arg11[%dma_start3A_109, %dma_start3A_110] : memref<10000x128xf32, #tpu.memory_space<vmem_shared>> -> memref<10000x128xf32, #tpu.memory_space<vmem_shared>>
          tpu.enqueue_indirect_dma source(%arg8 : memref<80x128xf32, #tpu.memory_space<vmem>>) target(%dma_start3A_111 : memref<10000x128xf32, #tpu.memory_space<vmem_shared>>) offsets(%dma_start3A_108 : memref<80xi32, #tpu.memory_space<vmem>>) semaphore(%run_scoped3A_105 : memref<!tpu.dma_semaphore, #tpu.memory_space<semaphore_mem>>) {add = true}
          %dma_wait3A_112 = arith.constant 0 : i32
          %dma_wait3A_113 = tpu.memref_slice %arg7[%mul3A_77, %dma_wait3A_112] : memref<25x80xi32, #tpu.memory_space<vmem>> -> memref<1x80xi32, #tpu.memory_space<vmem>>
          %dma_wait3A_114 = tpu.memref_squeeze %dma_wait3A_113 : memref<1x80xi32, #tpu.memory_space<vmem>> -> memref<80xi32, #tpu.memory_space<vmem>>
          %dma_wait3A_115 = arith.constant 0 : i32
          %dma_wait3A_116 = arith.constant 0 : i32
          %dma_wait3A_117 = tpu.memref_slice %arg11[%dma_wait3A_115, %dma_wait3A_116] : memref<10000x128xf32, #tpu.memory_space<vmem_shared>> -> memref<10000x128xf32, #tpu.memory_space<vmem_shared>>
          tpu.wait_indirect_dma semaphore(%run_scoped3A_105 : memref<!tpu.dma_semaphore, #tpu.memory_space<semaphore_mem>>) src(%arg8 : memref<80x128xf32, #tpu.memory_space<vmem>>) dst(%dma_wait3A_117 : memref<10000x128xf32, #tpu.memory_space<vmem_shared>>)
          tpu.yield
        }) : () -> ()
        %dma_wait3A_98 = arith.constant 0 : i32
        %dma_wait3A_99 = tpu.memref_slice %arg6[%add3A_79, %dma_wait3A_98] : memref<25x80xi32, #tpu.memory_space<vmem>> -> memref<1x80xi32, #tpu.memory_space<vmem>>
        %dma_wait3A_100 = tpu.memref_squeeze %dma_wait3A_99 : memref<1x80xi32, #tpu.memory_space<vmem>> -> memref<80xi32, #tpu.memory_space<vmem>>
        %dma_wait3A_101 = arith.constant 0 : i32
        %dma_wait3A_102 = arith.constant 0 : i32
        %dma_wait3A_103 = tpu.memref_slice %arg2[%dma_wait3A_101, %dma_wait3A_102] : memref<10000x128xf32, #tpu.memory_space<hbm>> -> memref<10000x128xf32, #tpu.memory_space<hbm>>
        tpu.wait_indirect_dma semaphore(%arg13 : memref<!tpu.dma_semaphore, #tpu.memory_space<semaphore_mem>>) src(%dma_wait3A_103 : memref<10000x128xf32, #tpu.memory_space<hbm>>) dst(%arg9 : memref<80x128xf32, #tpu.memory_space<vmem>>)
        "tpu.region"() ({
          %run_scoped3A_105 = tpu.sem_alloc : memref<!tpu.dma_semaphore, #tpu.memory_space<semaphore_mem>>
          %dma_start3A_106 = arith.constant 0 : i32
          %dma_start3A_107 = tpu.memref_slice %arg7[%add3A_79, %dma_start3A_106] : memref<25x80xi32, #tpu.memory_space<vmem>> -> memref<1x80xi32, #tpu.memory_space<vmem>>
          %dma_start3A_108 = tpu.memref_squeeze %dma_start3A_107 : memref<1x80xi32, #tpu.memory_space<vmem>> -> memref<80xi32, #tpu.memory_space<vmem>>
          %dma_start3A_109 = arith.constant 0 : i32
          %dma_start3A_110 = arith.constant 0 : i32
          %dma_start3A_111 = tpu.memref_slice %arg11[%dma_start3A_109, %dma_start3A_110] : memref<10000x128xf32, #tpu.memory_space<vmem_shared>> -> memref<10000x128xf32, #tpu.memory_space<vmem_shared>>
          tpu.enqueue_indirect_dma source(%arg9 : memref<80x128xf32, #tpu.memory_space<vmem>>) target(%dma_start3A_111 : memref<10000x128xf32, #tpu.memory_space<vmem_shared>>) offsets(%dma_start3A_108 : memref<80xi32, #tpu.memory_space<vmem>>) semaphore(%run_scoped3A_105 : memref<!tpu.dma_semaphore, #tpu.memory_space<semaphore_mem>>) {add = true}
          %dma_wait3A_112 = arith.constant 0 : i32
          %dma_wait3A_113 = tpu.memref_slice %arg7[%add3A_79, %dma_wait3A_112] : memref<25x80xi32, #tpu.memory_space<vmem>> -> memref<1x80xi32, #tpu.memory_space<vmem>>
          %dma_wait3A_114 = tpu.memref_squeeze %dma_wait3A_113 : memref<1x80xi32, #tpu.memory_space<vmem>> -> memref<80xi32, #tpu.memory_space<vmem>>
          %dma_wait3A_115 = arith.constant 0 : i32
          %dma_wait3A_116 = arith.constant 0 : i32
          %dma_wait3A_117 = tpu.memref_slice %arg11[%dma_wait3A_115, %dma_wait3A_116] : memref<10000x128xf32, #tpu.memory_space<vmem_shared>> -> memref<10000x128xf32, #tpu.memory_space<vmem_shared>>
          tpu.wait_indirect_dma semaphore(%run_scoped3A_105 : memref<!tpu.dma_semaphore, #tpu.memory_space<semaphore_mem>>) src(%arg9 : memref<80x128xf32, #tpu.memory_space<vmem>>) dst(%dma_wait3A_117 : memref<10000x128xf32, #tpu.memory_space<vmem_shared>>)
          tpu.yield
        }) : () -> ()
        %scan3A_104 = arith.constant 0 : i32
        scf.yield %scan3A_104 : i32
      }
      %scan3A_60 = arith.constant 12 : i32
      %dma_start3A = arith.constant 24 : i32
      %dma_start3A_61 = arith.constant 0 : i32
      %dma_start3A_62 = tpu.memref_slice %arg6[%dma_start3A, %dma_start3A_61] : memref<25x80xi32, #tpu.memory_space<vmem>> -> memref<1x80xi32, #tpu.memory_space<vmem>>
      %dma_start3A_63 = tpu.memref_squeeze %dma_start3A_62 : memref<1x80xi32, #tpu.memory_space<vmem>> -> memref<80xi32, #tpu.memory_space<vmem>>
      %dma_start3A_64 = arith.constant 0 : i32
      %dma_start3A_65 = arith.constant 0 : i32
      %dma_start3A_66 = tpu.memref_slice %arg2[%dma_start3A_64, %dma_start3A_65] : memref<10000x128xf32, #tpu.memory_space<hbm>> -> memref<10000x128xf32, #tpu.memory_space<hbm>>
      tpu.enqueue_indirect_dma source(%dma_start3A_66 : memref<10000x128xf32, #tpu.memory_space<hbm>>) target(%arg8 : memref<80x128xf32, #tpu.memory_space<vmem>>) offsets(%dma_start3A_63 : memref<80xi32, #tpu.memory_space<vmem>>) semaphore(%arg12 : memref<!tpu.dma_semaphore, #tpu.memory_space<semaphore_mem>>)
      %dma_wait3A = arith.constant 24 : i32
      %dma_wait3A_67 = arith.constant 0 : i32
      %dma_wait3A_68 = tpu.memref_slice %arg6[%dma_wait3A, %dma_wait3A_67] : memref<25x80xi32, #tpu.memory_space<vmem>> -> memref<1x80xi32, #tpu.memory_space<vmem>>
      %dma_wait3A_69 = tpu.memref_squeeze %dma_wait3A_68 : memref<1x80xi32, #tpu.memory_space<vmem>> -> memref<80xi32, #tpu.memory_space<vmem>>
      %dma_wait3A_70 = arith.constant 0 : i32
      %dma_wait3A_71 = arith.constant 0 : i32
      %dma_wait3A_72 = tpu.memref_slice %arg2[%dma_wait3A_70, %dma_wait3A_71] : memref<10000x128xf32, #tpu.memory_space<hbm>> -> memref<10000x128xf32, #tpu.memory_space<hbm>>
      tpu.wait_indirect_dma semaphore(%arg12 : memref<!tpu.dma_semaphore, #tpu.memory_space<semaphore_mem>>) src(%dma_wait3A_72 : memref<10000x128xf32, #tpu.memory_space<hbm>>) dst(%arg8 : memref<80x128xf32, #tpu.memory_space<vmem>>)
      %run_scoped3A = arith.constant 24 : i32
      "tpu.region"() ({
        %run_scoped3A_74 = tpu.sem_alloc : memref<!tpu.dma_semaphore, #tpu.memory_space<semaphore_mem>>
        %dma_start3A_75 = arith.constant 0 : i32
        %dma_start3A_76 = tpu.memref_slice %arg7[%run_scoped3A, %dma_start3A_75] : memref<25x80xi32, #tpu.memory_space<vmem>> -> memref<1x80xi32, #tpu.memory_space<vmem>>
        %dma_start3A_77 = tpu.memref_squeeze %dma_start3A_76 : memref<1x80xi32, #tpu.memory_space<vmem>> -> memref<80xi32, #tpu.memory_space<vmem>>
        %dma_start3A_78 = arith.constant 0 : i32
        %dma_start3A_79 = arith.constant 0 : i32
        %dma_start3A_80 = tpu.memref_slice %arg11[%dma_start3A_78, %dma_start3A_79] : memref<10000x128xf32, #tpu.memory_space<vmem_shared>> -> memref<10000x128xf32, #tpu.memory_space<vmem_shared>>
        tpu.enqueue_indirect_dma source(%arg8 : memref<80x128xf32, #tpu.memory_space<vmem>>) target(%dma_start3A_80 : memref<10000x128xf32, #tpu.memory_space<vmem_shared>>) offsets(%dma_start3A_77 : memref<80xi32, #tpu.memory_space<vmem>>) semaphore(%run_scoped3A_74 : memref<!tpu.dma_semaphore, #tpu.memory_space<semaphore_mem>>) {add = true}
        %dma_wait3A_81 = arith.constant 0 : i32
        %dma_wait3A_82 = tpu.memref_slice %arg7[%run_scoped3A, %dma_wait3A_81] : memref<25x80xi32, #tpu.memory_space<vmem>> -> memref<1x80xi32, #tpu.memory_space<vmem>>
        %dma_wait3A_83 = tpu.memref_squeeze %dma_wait3A_82 : memref<1x80xi32, #tpu.memory_space<vmem>> -> memref<80xi32, #tpu.memory_space<vmem>>
        %dma_wait3A_84 = arith.constant 0 : i32
        %dma_wait3A_85 = arith.constant 0 : i32
        %dma_wait3A_86 = tpu.memref_slice %arg11[%dma_wait3A_84, %dma_wait3A_85] : memref<10000x128xf32, #tpu.memory_space<vmem_shared>> -> memref<10000x128xf32, #tpu.memory_space<vmem_shared>>
        tpu.wait_indirect_dma semaphore(%run_scoped3A_74 : memref<!tpu.dma_semaphore, #tpu.memory_space<semaphore_mem>>) src(%arg8 : memref<80x128xf32, #tpu.memory_space<vmem>>) dst(%dma_wait3A_86 : memref<10000x128xf32, #tpu.memory_space<vmem_shared>>)
        tpu.yield
      }) : () -> ()
      %scan3A_73 = arith.constant 0 : i32
      scf.yield %scan3A_73 : i32
    }
    %scan3A_43 = arith.constant 5 : i32
    %barrier3A_44 = arith.constant 0 : index
    tpu.barrier barrier_id(%barrier3A_44)
    %mul3A_45 = arith.constant 624 : i32
    %mul3A_46 = arith.muli %arg1, %mul3A_45 : i32
    "tpu.region"() ({
      %run_scoped3A = tpu.sem_alloc : memref<!tpu.dma_semaphore, #tpu.memory_space<semaphore_mem>>
      %dma_start3A = arith.constant 0 : i32
      %dma_start3A_52 = tpu.memref_slice %arg5[%arg0, %mul3A_46, %dma_start3A] : memref<2x10000x128xf32, #tpu.memory_space<hbm>> -> memref<1x624x128xf32, #tpu.memory_space<hbm>>
      %dma_start3A_53 = tpu.memref_squeeze %dma_start3A_52 : memref<1x624x128xf32, #tpu.memory_space<hbm>> -> memref<624x128xf32, #tpu.memory_space<hbm>>
      %dma_start3A_54 = arith.constant 0 : i32
      %dma_start3A_55 = tpu.memref_slice %arg11[%mul3A_46, %dma_start3A_54] : memref<10000x128xf32, #tpu.memory_space<vmem_shared>> -> memref<624x128xf32, #tpu.memory_space<vmem_shared>>
      tpu.enqueue_dma source(%dma_start3A_55 : memref<624x128xf32, #tpu.memory_space<vmem_shared>>) target(%dma_start3A_53 : memref<624x128xf32, #tpu.memory_space<hbm>>) target_semaphore(%run_scoped3A : memref<!tpu.dma_semaphore, #tpu.memory_space<semaphore_mem>>)
      %dma_wait3A = arith.constant 0 : i32
      %dma_wait3A_56 = tpu.memref_slice %arg5[%arg0, %mul3A_46, %dma_wait3A] : memref<2x10000x128xf32, #tpu.memory_space<hbm>> -> memref<1x624x128xf32, #tpu.memory_space<hbm>>
      %dma_wait3A_57 = tpu.memref_squeeze %dma_wait3A_56 : memref<1x624x128xf32, #tpu.memory_space<hbm>> -> memref<624x128xf32, #tpu.memory_space<hbm>>
      %dma_wait3A_58 = arith.constant 0 : i32
      %dma_wait3A_59 = tpu.memref_slice %arg11[%mul3A_46, %dma_wait3A_58] : memref<10000x128xf32, #tpu.memory_space<vmem_shared>> -> memref<624x128xf32, #tpu.memory_space<vmem_shared>>
      tpu.wait_dma2 semaphore(%run_scoped3A : memref<!tpu.dma_semaphore, #tpu.memory_space<semaphore_mem>>) src(%dma_wait3A_59 : memref<624x128xf32, #tpu.memory_space<vmem_shared>>) dst(%dma_wait3A_57 : memref<624x128xf32, #tpu.memory_space<hbm>>)
      tpu.yield
    }) : () -> ()
    %eq3A_47 = arith.constant 0 : i32
    %eq3A_48 = arith.cmpi eq, %arg1, %eq3A_47 : i32
    %convert_element_type3A_49 = arith.extui %eq3A_48 : i1 to i32
    %cond3A_50 = arith.constant 0 : i32
    %cond3A_51 = arith.cmpi ne, %convert_element_type3A_49, %cond3A_50 : i32
    scf.if %cond3A_51 {
      "tpu.region"() ({
        %run_scoped3A = tpu.sem_alloc : memref<!tpu.dma_semaphore, #tpu.memory_space<semaphore_mem>>
        %dma_start3A = arith.constant 9984 : i32
        %dma_start3A_52 = arith.constant 0 : i32
        %dma_start3A_53 = tpu.memref_slice %arg5[%arg0, %dma_start3A, %dma_start3A_52] : memref<2x10000x128xf32, #tpu.memory_space<hbm>> -> memref<1x16x128xf32, #tpu.memory_space<hbm>>
        %dma_start3A_54 = tpu.memref_squeeze %dma_start3A_53 : memref<1x16x128xf32, #tpu.memory_space<hbm>> -> memref<16x128xf32, #tpu.memory_space<hbm>>
        %dma_start3A_55 = arith.constant 9984 : i32
        %dma_start3A_56 = arith.constant 0 : i32
        %dma_start3A_57 = tpu.memref_slice %arg11[%dma_start3A_55, %dma_start3A_56] : memref<10000x128xf32, #tpu.memory_space<vmem_shared>> -> memref<16x128xf32, #tpu.memory_space<vmem_shared>>
        tpu.enqueue_dma source(%dma_start3A_57 : memref<16x128xf32, #tpu.memory_space<vmem_shared>>) target(%dma_start3A_54 : memref<16x128xf32, #tpu.memory_space<hbm>>) target_semaphore(%run_scoped3A : memref<!tpu.dma_semaphore, #tpu.memory_space<semaphore_mem>>)
        %dma_wait3A = arith.constant 9984 : i32
        %dma_wait3A_58 = arith.constant 0 : i32
        %dma_wait3A_59 = tpu.memref_slice %arg5[%arg0, %dma_wait3A, %dma_wait3A_58] : memref<2x10000x128xf32, #tpu.memory_space<hbm>> -> memref<1x16x128xf32, #tpu.memory_space<hbm>>
        %dma_wait3A_60 = tpu.memref_squeeze %dma_wait3A_59 : memref<1x16x128xf32, #tpu.memory_space<hbm>> -> memref<16x128xf32, #tpu.memory_space<hbm>>
        %dma_wait3A_61 = arith.constant 9984 : i32
        %dma_wait3A_62 = arith.constant 0 : i32
        %dma_wait3A_63 = tpu.memref_slice %arg11[%dma_wait3A_61, %dma_wait3A_62] : memref<10000x128xf32, #tpu.memory_space<vmem_shared>> -> memref<16x128xf32, #tpu.memory_space<vmem_shared>>
        tpu.wait_dma2 semaphore(%run_scoped3A : memref<!tpu.dma_semaphore, #tpu.memory_space<semaphore_mem>>) src(%dma_wait3A_63 : memref<16x128xf32, #tpu.memory_space<vmem_shared>>) dst(%dma_wait3A_60 : memref<16x128xf32, #tpu.memory_space<hbm>>)
        tpu.yield
      }) : () -> ()
    } else {
    }
    return
  }
}

#map = affine_map<(d0, d1) -> (0, 0)>
#map1 = affine_map<(d0, d1) -> (0, 0, 0, 0)>
#map2 = affine_map<(d0, d1) -> (0, 0, 0)>
module attributes {stable_mosaic.version = 14 : i64} {
  func.func @body(%arg0: i32, %arg1: i32, %arg2: memref<10000x128xf32, #tpu.memory_space<hbm>>, %arg3: memref<32x5x25x80xi32, #tpu.memory_space<hbm>>, %arg4: memref<32x5x25x80xi32, #tpu.memory_space<hbm>>, %arg5: memref<2x10000x128xf32, #tpu.memory_space<hbm>>, %arg6: memref<25x80xi32, #tpu.memory_space<vmem>>, %arg7: memref<25x80xi32, #tpu.memory_space<vmem>>, %arg8: memref<80x128xf32, #tpu.memory_space<vmem>>, %arg9: memref<80x128xf32, #tpu.memory_space<vmem>>, %arg10: memref<48x128xf32, #tpu.memory_space<vmem>>, %arg11: memref<10000x128xf32, #tpu.memory_space<vmem_shared>>, %arg12: memref<!tpu.dma_semaphore, #tpu.memory_space<semaphore_mem>>, %arg13: memref<!tpu.dma_semaphore, #tpu.memory_space<semaphore_mem>>) attributes {dimension_semantics = [#tpu.dimension_semantics<core_parallel>, #tpu.dimension_semantics<subcore_parallel>], iteration_bounds = array<i64: 2, 16>, scalar_prefetch = 0 : i64, scratch_operands = 8 : i64, tpu.core_type = #tpu.core_type<sc_vector_subcore>, window_params = [{transform_indices = #map}, {transform_indices = #map1}, {transform_indices = #map1}, {transform_indices = #map2}]} {
    %mul3A = arith.constant 16 : i32
    %mul3A_0 = arith.muli %arg0, %mul3A : i32
    %add3A = arith.addi %mul3A_0, %arg1 : i32
    %scan3A = arith.constant 0 : i32
    %scan3A_1 = arith.constant 0 : i32
    %scan3A_2 = arith.constant 48 : i32
    %scan3A_3 = arith.addi %scan3A_1, %scan3A_2 : i32
    %scan3A_4 = arith.constant 1 : i32
    %scan3A_5 = scf.for %scan3A_52 = %scan3A_1 to %scan3A_3 step %scan3A_4 iter_args(%scan3A_53 = %scan3A) -> (i32)  : i32 {
      %scan3A_54 = arith.constant 0 : i32
      %scan3A_55 = arith.constant 0 : i32
      %scan3A_56 = arith.constant 8 : i32
      %scan3A_57 = arith.addi %scan3A_55, %scan3A_56 : i32
      %scan3A_58 = arith.constant 1 : i32
      %scan3A_59 = scf.for %scan3A_61 = %scan3A_55 to %scan3A_57 step %scan3A_58 iter_args(%scan3A_62 = %scan3A_54) -> (i32)  : i32 {
        %broadcast_in_dim3A = arith.constant 0.000000e+00 : f32
        %broadcast_in_dim3A_63 = vector.broadcast %broadcast_in_dim3A : f32 to vector<16xf32>
        %mul3A_64 = arith.constant 16 : i32
        %mul3A_65 = arith.muli %scan3A_61, %mul3A_64 : i32
        %swap3A = arith.index_cast %scan3A_52 : i32 to index
        %swap3A_66 = arith.index_cast %mul3A_65 : i32 to index
        %swap3A_67 = tpu.vector_load %arg10[%swap3A, %swap3A_66] {strides = array<i32>} : memref<48x128xf32, #tpu.memory_space<vmem>>, vector<1x16xf32>,
        %swap3A_68 = vector.shape_cast %swap3A_67 : vector<1x16xf32> to vector<16xf32>
        %swap3A_69 = vector.shape_cast %broadcast_in_dim3A_63 : vector<16xf32> to vector<1x16xf32>
        tpu.vector_store %arg10[%swap3A, %swap3A_66], %swap3A_69 {strides = array<i32>} : memref<48x128xf32, #tpu.memory_space<vmem>>, vector<1x16xf32>,
        %scan3A_70 = arith.constant 0 : i32
        scf.yield %scan3A_70 : i32
      }
      %scan3A_60 = arith.constant 8 : i32
      scf.yield %scan3A_59 : i32
    }
    %scan3A_6 = arith.constant 48 : i32
    %mul3A_7 = arith.constant 624 : i32
    %mul3A_8 = arith.muli %arg1, %mul3A_7 : i32
    %add3A_9 = arith.constant 0 : i32
    %add3A_10 = arith.addi %mul3A_8, %add3A_9 : i32
    "tpu.region"() ({
      %run_scoped3A = tpu.sem_alloc : memref<!tpu.dma_semaphore, #tpu.memory_space<semaphore_mem>>
      %dma_start3A = arith.constant 0 : i32
      %dma_start3A_52 = tpu.memref_slice %arg11[%add3A_10, %dma_start3A] : memref<10000x128xf32, #tpu.memory_space<vmem_shared>> -> memref<48x128xf32, #tpu.memory_space<vmem_shared>>
      %dma_start3A_53 = arith.constant 0 : i32
      %dma_start3A_54 = tpu.memref_slice %arg11[%add3A_10, %dma_start3A_53] : memref<10000x128xf32, #tpu.memory_space<vmem_shared>> -> memref<48x128xf32, #tpu.memory_space<vmem_shared>>
      tpu.enqueue_dma source(%arg10 : memref<48x128xf32, #tpu.memory_space<vmem>>) target(%dma_start3A_54 : memref<48x128xf32, #tpu.memory_space<vmem_shared>>) target_semaphore(%run_scoped3A : memref<!tpu.dma_semaphore, #tpu.memory_space<semaphore_mem>>)
      %dma_wait3A = arith.constant 0 : i32
      %dma_wait3A_55 = tpu.memref_slice %arg11[%add3A_10, %dma_wait3A] : memref<10000x128xf32, #tpu.memory_space<vmem_shared>> -> memref<48x128xf32, #tpu.memory_space<vmem_shared>>
      %dma_wait3A_56 = arith.constant 0 : i32
      %dma_wait3A_57 = tpu.memref_slice %arg11[%add3A_10, %dma_wait3A_56] : memref<10000x128xf32, #tpu.memory_space<vmem_shared>> -> memref<48x128xf32, #tpu.memory_space<vmem_shared>>
      tpu.wait_dma2 semaphore(%run_scoped3A : memref<!tpu.dma_semaphore, #tpu.memory_space<semaphore_mem>>) src(%arg10 : memref<48x128xf32, #tpu.memory_space<vmem>>) dst(%dma_wait3A_57 : memref<48x128xf32, #tpu.memory_space<vmem_shared>>)
      tpu.yield
    }) : () -> ()
    %add3A_11 = arith.constant 48 : i32
    %add3A_12 = arith.addi %mul3A_8, %add3A_11 : i32
    "tpu.region"() ({
      %run_scoped3A = tpu.sem_alloc : memref<!tpu.dma_semaphore, #tpu.memory_space<semaphore_mem>>
      %dma_start3A = arith.constant 0 : i32
      %dma_start3A_52 = tpu.memref_slice %arg11[%add3A_12, %dma_start3A] : memref<10000x128xf32, #tpu.memory_space<vmem_shared>> -> memref<48x128xf32, #tpu.memory_space<vmem_shared>>
      %dma_start3A_53 = arith.constant 0 : i32
      %dma_start3A_54 = tpu.memref_slice %arg11[%add3A_12, %dma_start3A_53] : memref<10000x128xf32, #tpu.memory_space<vmem_shared>> -> memref<48x128xf32, #tpu.memory_space<vmem_shared>>
      tpu.enqueue_dma source(%arg10 : memref<48x128xf32, #tpu.memory_space<vmem>>) target(%dma_start3A_54 : memref<48x128xf32, #tpu.memory_space<vmem_shared>>) target_semaphore(%run_scoped3A : memref<!tpu.dma_semaphore, #tpu.memory_space<semaphore_mem>>)
      %dma_wait3A = arith.constant 0 : i32
      %dma_wait3A_55 = tpu.memref_slice %arg11[%add3A_12, %dma_wait3A] : memref<10000x128xf32, #tpu.memory_space<vmem_shared>> -> memref<48x128xf32, #tpu.memory_space<vmem_shared>>
      %dma_wait3A_56 = arith.constant 0 : i32
      %dma_wait3A_57 = tpu.memref_slice %arg11[%add3A_12, %dma_wait3A_56] : memref<10000x128xf32, #tpu.memory_space<vmem_shared>> -> memref<48x128xf32, #tpu.memory_space<vmem_shared>>
      tpu.wait_dma2 semaphore(%run_scoped3A : memref<!tpu.dma_semaphore, #tpu.memory_space<semaphore_mem>>) src(%arg10 : memref<48x128xf32, #tpu.memory_space<vmem>>) dst(%dma_wait3A_57 : memref<48x128xf32, #tpu.memory_space<vmem_shared>>)
      tpu.yield
    }) : () -> ()
    %add3A_13 = arith.constant 96 : i32
    %add3A_14 = arith.addi %mul3A_8, %add3A_13 : i32
    "tpu.region"() ({
      %run_scoped3A = tpu.sem_alloc : memref<!tpu.dma_semaphore, #tpu.memory_space<semaphore_mem>>
      %dma_start3A = arith.constant 0 : i32
      %dma_start3A_52 = tpu.memref_slice %arg11[%add3A_14, %dma_start3A] : memref<10000x128xf32, #tpu.memory_space<vmem_shared>> -> memref<48x128xf32, #tpu.memory_space<vmem_shared>>
      %dma_start3A_53 = arith.constant 0 : i32
      %dma_start3A_54 = tpu.memref_slice %arg11[%add3A_14, %dma_start3A_53] : memref<10000x128xf32, #tpu.memory_space<vmem_shared>> -> memref<48x128xf32, #tpu.memory_space<vmem_shared>>
      tpu.enqueue_dma source(%arg10 : memref<48x128xf32, #tpu.memory_space<vmem>>) target(%dma_start3A_54 : memref<48x128xf32, #tpu.memory_space<vmem_shared>>) target_semaphore(%run_scoped3A : memref<!tpu.dma_semaphore, #tpu.memory_space<semaphore_mem>>)
      %dma_wait3A = arith.constant 0 : i32
      %dma_wait3A_55 = tpu.memref_slice %arg11[%add3A_14, %dma_wait3A] : memref<10000x128xf32, #tpu.memory_space<vmem_shared>> -> memref<48x128xf32, #tpu.memory_space<vmem_shared>>
      %dma_wait3A_56 = arith.constant 0 : i32
      %dma_wait3A_57 = tpu.memref_slice %arg11[%add3A_14, %dma_wait3A_56] : memref<10000x128xf32, #tpu.memory_space<vmem_shared>> -> memref<48x128xf32, #tpu.memory_space<vmem_shared>>
      tpu.wait_dma2 semaphore(%run_scoped3A : memref<!tpu.dma_semaphore, #tpu.memory_space<semaphore_mem>>) src(%arg10 : memref<48x128xf32, #tpu.memory_space<vmem>>) dst(%dma_wait3A_57 : memref<48x128xf32, #tpu.memory_space<vmem_shared>>)
      tpu.yield
    }) : () -> ()
    %add3A_15 = arith.constant 144 : i32
    %add3A_16 = arith.addi %mul3A_8, %add3A_15 : i32
    "tpu.region"() ({
      %run_scoped3A = tpu.sem_alloc : memref<!tpu.dma_semaphore, #tpu.memory_space<semaphore_mem>>
      %dma_start3A = arith.constant 0 : i32
      %dma_start3A_52 = tpu.memref_slice %arg11[%add3A_16, %dma_start3A] : memref<10000x128xf32, #tpu.memory_space<vmem_shared>> -> memref<48x128xf32, #tpu.memory_space<vmem_shared>>
      %dma_start3A_53 = arith.constant 0 : i32
      %dma_start3A_54 = tpu.memref_slice %arg11[%add3A_16, %dma_start3A_53] : memref<10000x128xf32, #tpu.memory_space<vmem_shared>> -> memref<48x128xf32, #tpu.memory_space<vmem_shared>>
      tpu.enqueue_dma source(%arg10 : memref<48x128xf32, #tpu.memory_space<vmem>>) target(%dma_start3A_54 : memref<48x128xf32, #tpu.memory_space<vmem_shared>>) target_semaphore(%run_scoped3A : memref<!tpu.dma_semaphore, #tpu.memory_space<semaphore_mem>>)
      %dma_wait3A = arith.constant 0 : i32
      %dma_wait3A_55 = tpu.memref_slice %arg11[%add3A_16, %dma_wait3A] : memref<10000x128xf32, #tpu.memory_space<vmem_shared>> -> memref<48x128xf32, #tpu.memory_space<vmem_shared>>
      %dma_wait3A_56 = arith.constant 0 : i32
      %dma_wait3A_57 = tpu.memref_slice %arg11[%add3A_16, %dma_wait3A_56] : memref<10000x128xf32, #tpu.memory_space<vmem_shared>> -> memref<48x128xf32, #tpu.memory_space<vmem_shared>>
      tpu.wait_dma2 semaphore(%run_scoped3A : memref<!tpu.dma_semaphore, #tpu.memory_space<semaphore_mem>>) src(%arg10 : memref<48x128xf32, #tpu.memory_space<vmem>>) dst(%dma_wait3A_57 : memref<48x128xf32, #tpu.memory_space<vmem_shared>>)
      tpu.yield
    }) : () -> ()
    %add3A_17 = arith.constant 192 : i32
    %add3A_18 = arith.addi %mul3A_8, %add3A_17 : i32
    "tpu.region"() ({
      %run_scoped3A = tpu.sem_alloc : memref<!tpu.dma_semaphore, #tpu.memory_space<semaphore_mem>>
      %dma_start3A = arith.constant 0 : i32
      %dma_start3A_52 = tpu.memref_slice %arg11[%add3A_18, %dma_start3A] : memref<10000x128xf32, #tpu.memory_space<vmem_shared>> -> memref<48x128xf32, #tpu.memory_space<vmem_shared>>
      %dma_start3A_53 = arith.constant 0 : i32
      %dma_start3A_54 = tpu.memref_slice %arg11[%add3A_18, %dma_start3A_53] : memref<10000x128xf32, #tpu.memory_space<vmem_shared>> -> memref<48x128xf32, #tpu.memory_space<vmem_shared>>
      tpu.enqueue_dma source(%arg10 : memref<48x128xf32, #tpu.memory_space<vmem>>) target(%dma_start3A_54 : memref<48x128xf32, #tpu.memory_space<vmem_shared>>) target_semaphore(%run_scoped3A : memref<!tpu.dma_semaphore, #tpu.memory_space<semaphore_mem>>)
      %dma_wait3A = arith.constant 0 : i32
      %dma_wait3A_55 = tpu.memref_slice %arg11[%add3A_18, %dma_wait3A] : memref<10000x128xf32, #tpu.memory_space<vmem_shared>> -> memref<48x128xf32, #tpu.memory_space<vmem_shared>>
      %dma_wait3A_56 = arith.constant 0 : i32
      %dma_wait3A_57 = tpu.memref_slice %arg11[%add3A_18, %dma_wait3A_56] : memref<10000x128xf32, #tpu.memory_space<vmem_shared>> -> memref<48x128xf32, #tpu.memory_space<vmem_shared>>
      tpu.wait_dma2 semaphore(%run_scoped3A : memref<!tpu.dma_semaphore, #tpu.memory_space<semaphore_mem>>) src(%arg10 : memref<48x128xf32, #tpu.memory_space<vmem>>) dst(%dma_wait3A_57 : memref<48x128xf32, #tpu.memory_space<vmem_shared>>)
      tpu.yield
    }) : () -> ()
    %add3A_19 = arith.constant 240 : i32
    %add3A_20 = arith.addi %mul3A_8, %add3A_19 : i32
    "tpu.region"() ({
      %run_scoped3A = tpu.sem_alloc : memref<!tpu.dma_semaphore, #tpu.memory_space<semaphore_mem>>
      %dma_start3A = arith.constant 0 : i32
      %dma_start3A_52 = tpu.memref_slice %arg11[%add3A_20, %dma_start3A] : memref<10000x128xf32, #tpu.memory_space<vmem_shared>> -> memref<48x128xf32, #tpu.memory_space<vmem_shared>>
      %dma_start3A_53 = arith.constant 0 : i32
      %dma_start3A_54 = tpu.memref_slice %arg11[%add3A_20, %dma_start3A_53] : memref<10000x128xf32, #tpu.memory_space<vmem_shared>> -> memref<48x128xf32, #tpu.memory_space<vmem_shared>>
      tpu.enqueue_dma source(%arg10 : memref<48x128xf32, #tpu.memory_space<vmem>>) target(%dma_start3A_54 : memref<48x128xf32, #tpu.memory_space<vmem_shared>>) target_semaphore(%run_scoped3A : memref<!tpu.dma_semaphore, #tpu.memory_space<semaphore_mem>>)
      %dma_wait3A = arith.constant 0 : i32
      %dma_wait3A_55 = tpu.memref_slice %arg11[%add3A_20, %dma_wait3A] : memref<10000x128xf32, #tpu.memory_space<vmem_shared>> -> memref<48x128xf32, #tpu.memory_space<vmem_shared>>
      %dma_wait3A_56 = arith.constant 0 : i32
      %dma_wait3A_57 = tpu.memref_slice %arg11[%add3A_20, %dma_wait3A_56] : memref<10000x128xf32, #tpu.memory_space<vmem_shared>> -> memref<48x128xf32, #tpu.memory_space<vmem_shared>>
      tpu.wait_dma2 semaphore(%run_scoped3A : memref<!tpu.dma_semaphore, #tpu.memory_space<semaphore_mem>>) src(%arg10 : memref<48x128xf32, #tpu.memory_space<vmem>>) dst(%dma_wait3A_57 : memref<48x128xf32, #tpu.memory_space<vmem_shared>>)
      tpu.yield
    }) : () -> ()
    %add3A_21 = arith.constant 288 : i32
    %add3A_22 = arith.addi %mul3A_8, %add3A_21 : i32
    "tpu.region"() ({
      %run_scoped3A = tpu.sem_alloc : memref<!tpu.dma_semaphore, #tpu.memory_space<semaphore_mem>>
      %dma_start3A = arith.constant 0 : i32
      %dma_start3A_52 = tpu.memref_slice %arg11[%add3A_22, %dma_start3A] : memref<10000x128xf32, #tpu.memory_space<vmem_shared>> -> memref<48x128xf32, #tpu.memory_space<vmem_shared>>
      %dma_start3A_53 = arith.constant 0 : i32
      %dma_start3A_54 = tpu.memref_slice %arg11[%add3A_22, %dma_start3A_53] : memref<10000x128xf32, #tpu.memory_space<vmem_shared>> -> memref<48x128xf32, #tpu.memory_space<vmem_shared>>
      tpu.enqueue_dma source(%arg10 : memref<48x128xf32, #tpu.memory_space<vmem>>) target(%dma_start3A_54 : memref<48x128xf32, #tpu.memory_space<vmem_shared>>) target_semaphore(%run_scoped3A : memref<!tpu.dma_semaphore, #tpu.memory_space<semaphore_mem>>)
      %dma_wait3A = arith.constant 0 : i32
      %dma_wait3A_55 = tpu.memref_slice %arg11[%add3A_22, %dma_wait3A] : memref<10000x128xf32, #tpu.memory_space<vmem_shared>> -> memref<48x128xf32, #tpu.memory_space<vmem_shared>>
      %dma_wait3A_56 = arith.constant 0 : i32
      %dma_wait3A_57 = tpu.memref_slice %arg11[%add3A_22, %dma_wait3A_56] : memref<10000x128xf32, #tpu.memory_space<vmem_shared>> -> memref<48x128xf32, #tpu.memory_space<vmem_shared>>
      tpu.wait_dma2 semaphore(%run_scoped3A : memref<!tpu.dma_semaphore, #tpu.memory_space<semaphore_mem>>) src(%arg10 : memref<48x128xf32, #tpu.memory_space<vmem>>) dst(%dma_wait3A_57 : memref<48x128xf32, #tpu.memory_space<vmem_shared>>)
      tpu.yield
    }) : () -> ()
    %add3A_23 = arith.constant 336 : i32
    %add3A_24 = arith.addi %mul3A_8, %add3A_23 : i32
    "tpu.region"() ({
      %run_scoped3A = tpu.sem_alloc : memref<!tpu.dma_semaphore, #tpu.memory_space<semaphore_mem>>
      %dma_start3A = arith.constant 0 : i32
      %dma_start3A_52 = tpu.memref_slice %arg11[%add3A_24, %dma_start3A] : memref<10000x128xf32, #tpu.memory_space<vmem_shared>> -> memref<48x128xf32, #tpu.memory_space<vmem_shared>>
      %dma_start3A_53 = arith.constant 0 : i32
      %dma_start3A_54 = tpu.memref_slice %arg11[%add3A_24, %dma_start3A_53] : memref<10000x128xf32, #tpu.memory_space<vmem_shared>> -> memref<48x128xf32, #tpu.memory_space<vmem_shared>>
      tpu.enqueue_dma source(%arg10 : memref<48x128xf32, #tpu.memory_space<vmem>>) target(%dma_start3A_54 : memref<48x128xf32, #tpu.memory_space<vmem_shared>>) target_semaphore(%run_scoped3A : memref<!tpu.dma_semaphore, #tpu.memory_space<semaphore_mem>>)
      %dma_wait3A = arith.constant 0 : i32
      %dma_wait3A_55 = tpu.memref_slice %arg11[%add3A_24, %dma_wait3A] : memref<10000x128xf32, #tpu.memory_space<vmem_shared>> -> memref<48x128xf32, #tpu.memory_space<vmem_shared>>
      %dma_wait3A_56 = arith.constant 0 : i32
      %dma_wait3A_57 = tpu.memref_slice %arg11[%add3A_24, %dma_wait3A_56] : memref<10000x128xf32, #tpu.memory_space<vmem_shared>> -> memref<48x128xf32, #tpu.memory_space<vmem_shared>>
      tpu.wait_dma2 semaphore(%run_scoped3A : memref<!tpu.dma_semaphore, #tpu.memory_space<semaphore_mem>>) src(%arg10 : memref<48x128xf32, #tpu.memory_space<vmem>>) dst(%dma_wait3A_57 : memref<48x128xf32, #tpu.memory_space<vmem_shared>>)
      tpu.yield
    }) : () -> ()
    %add3A_25 = arith.constant 384 : i32
    %add3A_26 = arith.addi %mul3A_8, %add3A_25 : i32
    "tpu.region"() ({
      %run_scoped3A = tpu.sem_alloc : memref<!tpu.dma_semaphore, #tpu.memory_space<semaphore_mem>>
      %dma_start3A = arith.constant 0 : i32
      %dma_start3A_52 = tpu.memref_slice %arg11[%add3A_26, %dma_start3A] : memref<10000x128xf32, #tpu.memory_space<vmem_shared>> -> memref<48x128xf32, #tpu.memory_space<vmem_shared>>
      %dma_start3A_53 = arith.constant 0 : i32
      %dma_start3A_54 = tpu.memref_slice %arg11[%add3A_26, %dma_start3A_53] : memref<10000x128xf32, #tpu.memory_space<vmem_shared>> -> memref<48x128xf32, #tpu.memory_space<vmem_shared>>
      tpu.enqueue_dma source(%arg10 : memref<48x128xf32, #tpu.memory_space<vmem>>) target(%dma_start3A_54 : memref<48x128xf32, #tpu.memory_space<vmem_shared>>) target_semaphore(%run_scoped3A : memref<!tpu.dma_semaphore, #tpu.memory_space<semaphore_mem>>)
      %dma_wait3A = arith.constant 0 : i32
      %dma_wait3A_55 = tpu.memref_slice %arg11[%add3A_26, %dma_wait3A] : memref<10000x128xf32, #tpu.memory_space<vmem_shared>> -> memref<48x128xf32, #tpu.memory_space<vmem_shared>>
      %dma_wait3A_56 = arith.constant 0 : i32
      %dma_wait3A_57 = tpu.memref_slice %arg11[%add3A_26, %dma_wait3A_56] : memref<10000x128xf32, #tpu.memory_space<vmem_shared>> -> memref<48x128xf32, #tpu.memory_space<vmem_shared>>
      tpu.wait_dma2 semaphore(%run_scoped3A : memref<!tpu.dma_semaphore, #tpu.memory_space<semaphore_mem>>) src(%arg10 : memref<48x128xf32, #tpu.memory_space<vmem>>) dst(%dma_wait3A_57 : memref<48x128xf32, #tpu.memory_space<vmem_shared>>)
      tpu.yield
    }) : () -> ()
    %add3A_27 = arith.constant 432 : i32
    %add3A_28 = arith.addi %mul3A_8, %add3A_27 : i32
    "tpu.region"() ({
      %run_scoped3A = tpu.sem_alloc : memref<!tpu.dma_semaphore, #tpu.memory_space<semaphore_mem>>
      %dma_start3A = arith.constant 0 : i32
      %dma_start3A_52 = tpu.memref_slice %arg11[%add3A_28, %dma_start3A] : memref<10000x128xf32, #tpu.memory_space<vmem_shared>> -> memref<48x128xf32, #tpu.memory_space<vmem_shared>>
      %dma_start3A_53 = arith.constant 0 : i32
      %dma_start3A_54 = tpu.memref_slice %arg11[%add3A_28, %dma_start3A_53] : memref<10000x128xf32, #tpu.memory_space<vmem_shared>> -> memref<48x128xf32, #tpu.memory_space<vmem_shared>>
      tpu.enqueue_dma source(%arg10 : memref<48x128xf32, #tpu.memory_space<vmem>>) target(%dma_start3A_54 : memref<48x128xf32, #tpu.memory_space<vmem_shared>>) target_semaphore(%run_scoped3A : memref<!tpu.dma_semaphore, #tpu.memory_space<semaphore_mem>>)
      %dma_wait3A = arith.constant 0 : i32
      %dma_wait3A_55 = tpu.memref_slice %arg11[%add3A_28, %dma_wait3A] : memref<10000x128xf32, #tpu.memory_space<vmem_shared>> -> memref<48x128xf32, #tpu.memory_space<vmem_shared>>
      %dma_wait3A_56 = arith.constant 0 : i32
      %dma_wait3A_57 = tpu.memref_slice %arg11[%add3A_28, %dma_wait3A_56] : memref<10000x128xf32, #tpu.memory_space<vmem_shared>> -> memref<48x128xf32, #tpu.memory_space<vmem_shared>>
      tpu.wait_dma2 semaphore(%run_scoped3A : memref<!tpu.dma_semaphore, #tpu.memory_space<semaphore_mem>>) src(%arg10 : memref<48x128xf32, #tpu.memory_space<vmem>>) dst(%dma_wait3A_57 : memref<48x128xf32, #tpu.memory_space<vmem_shared>>)
      tpu.yield
    }) : () -> ()
    %add3A_29 = arith.constant 480 : i32
    %add3A_30 = arith.addi %mul3A_8, %add3A_29 : i32
    "tpu.region"() ({
      %run_scoped3A = tpu.sem_alloc : memref<!tpu.dma_semaphore, #tpu.memory_space<semaphore_mem>>
      %dma_start3A = arith.constant 0 : i32
      %dma_start3A_52 = tpu.memref_slice %arg11[%add3A_30, %dma_start3A] : memref<10000x128xf32, #tpu.memory_space<vmem_shared>> -> memref<48x128xf32, #tpu.memory_space<vmem_shared>>
      %dma_start3A_53 = arith.constant 0 : i32
      %dma_start3A_54 = tpu.memref_slice %arg11[%add3A_30, %dma_start3A_53] : memref<10000x128xf32, #tpu.memory_space<vmem_shared>> -> memref<48x128xf32, #tpu.memory_space<vmem_shared>>
      tpu.enqueue_dma source(%arg10 : memref<48x128xf32, #tpu.memory_space<vmem>>) target(%dma_start3A_54 : memref<48x128xf32, #tpu.memory_space<vmem_shared>>) target_semaphore(%run_scoped3A : memref<!tpu.dma_semaphore, #tpu.memory_space<semaphore_mem>>)
      %dma_wait3A = arith.constant 0 : i32
      %dma_wait3A_55 = tpu.memref_slice %arg11[%add3A_30, %dma_wait3A] : memref<10000x128xf32, #tpu.memory_space<vmem_shared>> -> memref<48x128xf32, #tpu.memory_space<vmem_shared>>
      %dma_wait3A_56 = arith.constant 0 : i32
      %dma_wait3A_57 = tpu.memref_slice %arg11[%add3A_30, %dma_wait3A_56] : memref<10000x128xf32, #tpu.memory_space<vmem_shared>> -> memref<48x128xf32, #tpu.memory_space<vmem_shared>>
      tpu.wait_dma2 semaphore(%run_scoped3A : memref<!tpu.dma_semaphore, #tpu.memory_space<semaphore_mem>>) src(%arg10 : memref<48x128xf32, #tpu.memory_space<vmem>>) dst(%dma_wait3A_57 : memref<48x128xf32, #tpu.memory_space<vmem_shared>>)
      tpu.yield
    }) : () -> ()
    %add3A_31 = arith.constant 528 : i32
    %add3A_32 = arith.addi %mul3A_8, %add3A_31 : i32
    "tpu.region"() ({
      %run_scoped3A = tpu.sem_alloc : memref<!tpu.dma_semaphore, #tpu.memory_space<semaphore_mem>>
      %dma_start3A = arith.constant 0 : i32
      %dma_start3A_52 = tpu.memref_slice %arg11[%add3A_32, %dma_start3A] : memref<10000x128xf32, #tpu.memory_space<vmem_shared>> -> memref<48x128xf32, #tpu.memory_space<vmem_shared>>
      %dma_start3A_53 = arith.constant 0 : i32
      %dma_start3A_54 = tpu.memref_slice %arg11[%add3A_32, %dma_start3A_53] : memref<10000x128xf32, #tpu.memory_space<vmem_shared>> -> memref<48x128xf32, #tpu.memory_space<vmem_shared>>
      tpu.enqueue_dma source(%arg10 : memref<48x128xf32, #tpu.memory_space<vmem>>) target(%dma_start3A_54 : memref<48x128xf32, #tpu.memory_space<vmem_shared>>) target_semaphore(%run_scoped3A : memref<!tpu.dma_semaphore, #tpu.memory_space<semaphore_mem>>)
      %dma_wait3A = arith.constant 0 : i32
      %dma_wait3A_55 = tpu.memref_slice %arg11[%add3A_32, %dma_wait3A] : memref<10000x128xf32, #tpu.memory_space<vmem_shared>> -> memref<48x128xf32, #tpu.memory_space<vmem_shared>>
      %dma_wait3A_56 = arith.constant 0 : i32
      %dma_wait3A_57 = tpu.memref_slice %arg11[%add3A_32, %dma_wait3A_56] : memref<10000x128xf32, #tpu.memory_space<vmem_shared>> -> memref<48x128xf32, #tpu.memory_space<vmem_shared>>
      tpu.wait_dma2 semaphore(%run_scoped3A : memref<!tpu.dma_semaphore, #tpu.memory_space<semaphore_mem>>) src(%arg10 : memref<48x128xf32, #tpu.memory_space<vmem>>) dst(%dma_wait3A_57 : memref<48x128xf32, #tpu.memory_space<vmem_shared>>)
      tpu.yield
    }) : () -> ()
    %add3A_33 = arith.constant 576 : i32
    %add3A_34 = arith.addi %mul3A_8, %add3A_33 : i32
    "tpu.region"() ({
      %run_scoped3A = tpu.sem_alloc : memref<!tpu.dma_semaphore, #tpu.memory_space<semaphore_mem>>
      %dma_start3A = arith.constant 0 : i32
      %dma_start3A_52 = tpu.memref_slice %arg11[%add3A_34, %dma_start3A] : memref<10000x128xf32, #tpu.memory_space<vmem_shared>> -> memref<48x128xf32, #tpu.memory_space<vmem_shared>>
      %dma_start3A_53 = arith.constant 0 : i32
      %dma_start3A_54 = tpu.memref_slice %arg11[%add3A_34, %dma_start3A_53] : memref<10000x128xf32, #tpu.memory_space<vmem_shared>> -> memref<48x128xf32, #tpu.memory_space<vmem_shared>>
      tpu.enqueue_dma source(%arg10 : memref<48x128xf32, #tpu.memory_space<vmem>>) target(%dma_start3A_54 : memref<48x128xf32, #tpu.memory_space<vmem_shared>>) target_semaphore(%run_scoped3A : memref<!tpu.dma_semaphore, #tpu.memory_space<semaphore_mem>>)
      %dma_wait3A = arith.constant 0 : i32
      %dma_wait3A_55 = tpu.memref_slice %arg11[%add3A_34, %dma_wait3A] : memref<10000x128xf32, #tpu.memory_space<vmem_shared>> -> memref<48x128xf32, #tpu.memory_space<vmem_shared>>
      %dma_wait3A_56 = arith.constant 0 : i32
      %dma_wait3A_57 = tpu.memref_slice %arg11[%add3A_34, %dma_wait3A_56] : memref<10000x128xf32, #tpu.memory_space<vmem_shared>> -> memref<48x128xf32, #tpu.memory_space<vmem_shared>>
      tpu.wait_dma2 semaphore(%run_scoped3A : memref<!tpu.dma_semaphore, #tpu.memory_space<semaphore_mem>>) src(%arg10 : memref<48x128xf32, #tpu.memory_space<vmem>>) dst(%dma_wait3A_57 : memref<48x128xf32, #tpu.memory_space<vmem_shared>>)
      tpu.yield
    }) : () -> ()
    %eq3A = arith.constant 0 : i32
    %eq3A_35 = arith.cmpi eq, %arg1, %eq3A : i32
    %convert_element_type3A = arith.extui %eq3A_35 : i1 to i32
    %cond3A = arith.constant 0 : i32
    %cond3A_36 = arith.cmpi ne, %convert_element_type3A, %cond3A : i32
    scf.if %cond3A_36 {
      "tpu.region"() ({
        %run_scoped3A = tpu.sem_alloc : memref<!tpu.dma_semaphore, #tpu.memory_space<semaphore_mem>>
        %dma_start3A = arith.constant 0 : i32
        %dma_start3A_52 = arith.constant 0 : i32
        %dma_start3A_53 = tpu.memref_slice %arg10[%dma_start3A, %dma_start3A_52] : memref<48x128xf32, #tpu.memory_space<vmem>> -> memref<16x128xf32, #tpu.memory_space<vmem>>
        %dma_start3A_54 = arith.constant 9984 : i32
        %dma_start3A_55 = arith.constant 0 : i32
        %dma_start3A_56 = tpu.memref_slice %arg11[%dma_start3A_54, %dma_start3A_55] : memref<10000x128xf32, #tpu.memory_space<vmem_shared>> -> memref<16x128xf32, #tpu.memory_space<vmem_shared>>
        %dma_start3A_57 = arith.constant 9984 : i32
        %dma_start3A_58 = arith.constant 0 : i32
        %dma_start3A_59 = tpu.memref_slice %arg11[%dma_start3A_57, %dma_start3A_58] : memref<10000x128xf32, #tpu.memory_space<vmem_shared>> -> memref<16x128xf32, #tpu.memory_space<vmem_shared>>
        %dma_start3A_60 = arith.constant 0 : i32
        %dma_start3A_61 = arith.constant 0 : i32
        %dma_start3A_62 = tpu.memref_slice %arg10[%dma_start3A_60, %dma_start3A_61] : memref<48x128xf32, #tpu.memory_space<vmem>> -> memref<16x128xf32, #tpu.memory_space<vmem>>
        tpu.enqueue_dma source(%dma_start3A_62 : memref<16x128xf32, #tpu.memory_space<vmem>>) target(%dma_start3A_59 : memref<16x128xf32, #tpu.memory_space<vmem_shared>>) target_semaphore(%run_scoped3A : memref<!tpu.dma_semaphore, #tpu.memory_space<semaphore_mem>>)
        %dma_wait3A = arith.constant 0 : i32
        %dma_wait3A_63 = arith.constant 0 : i32
        %dma_wait3A_64 = tpu.memref_slice %arg10[%dma_wait3A, %dma_wait3A_63] : memref<48x128xf32, #tpu.memory_space<vmem>> -> memref<16x128xf32, #tpu.memory_space<vmem>>
        %dma_wait3A_65 = arith.constant 9984 : i32
        %dma_wait3A_66 = arith.constant 0 : i32
        %dma_wait3A_67 = tpu.memref_slice %arg11[%dma_wait3A_65, %dma_wait3A_66] : memref<10000x128xf32, #tpu.memory_space<vmem_shared>> -> memref<16x128xf32, #tpu.memory_space<vmem_shared>>
        %dma_wait3A_68 = arith.constant 9984 : i32
        %dma_wait3A_69 = arith.constant 0 : i32
        %dma_wait3A_70 = tpu.memref_slice %arg11[%dma_wait3A_68, %dma_wait3A_69] : memref<10000x128xf32, #tpu.memory_space<vmem_shared>> -> memref<16x128xf32, #tpu.memory_space<vmem_shared>>
        %dma_wait3A_71 = arith.constant 0 : i32
        %dma_wait3A_72 = arith.constant 0 : i32
        %dma_wait3A_73 = tpu.memref_slice %arg10[%dma_wait3A_71, %dma_wait3A_72] : memref<48x128xf32, #tpu.memory_space<vmem>> -> memref<16x128xf32, #tpu.memory_space<vmem>>
        tpu.wait_dma2 semaphore(%run_scoped3A : memref<!tpu.dma_semaphore, #tpu.memory_space<semaphore_mem>>) src(%dma_wait3A_73 : memref<16x128xf32, #tpu.memory_space<vmem>>) dst(%dma_wait3A_70 : memref<16x128xf32, #tpu.memory_space<vmem_shared>>)
        tpu.yield
      }) : () -> ()
    } else {
    }
    %barrier3A = arith.constant 0 : index
    tpu.barrier barrier_id(%barrier3A)
    %scan3A_37 = arith.constant 0 : i32
    %scan3A_38 = arith.constant 0 : i32
    %scan3A_39 = arith.constant 5 : i32
    %scan3A_40 = arith.addi %scan3A_38, %scan3A_39 : i32
    %scan3A_41 = arith.constant 1 : i32
    %scan3A_42 = scf.for %scan3A_52 = %scan3A_38 to %scan3A_40 step %scan3A_41 iter_args(%scan3A_53 = %scan3A_37) -> (i32)  : i32 {
      "tpu.region"() ({
        %run_scoped3A_74 = tpu.sem_alloc : memref<!tpu.dma_semaphore, #tpu.memory_space<semaphore_mem>>
        %dma_start3A_75 = arith.constant 0 : i32
        %dma_start3A_76 = arith.constant 0 : i32
        %dma_start3A_77 = tpu.memref_slice %arg3[%add3A, %scan3A_52, %dma_start3A_75, %dma_start3A_76] : memref<32x5x25x80xi32, #tpu.memory_space<hbm>> -> memref<1x1x25x80xi32, #tpu.memory_space<hbm>>
        %dma_start3A_78 = tpu.memref_squeeze %dma_start3A_77 : memref<1x1x25x80xi32, #tpu.memory_space<hbm>> -> memref<25x80xi32, #tpu.memory_space<hbm>>
        %dma_start3A_79 = arith.constant 0 : i32
        %dma_start3A_80 = arith.constant 0 : i32
        %dma_start3A_81 = tpu.memref_slice %arg3[%add3A, %scan3A_52, %dma_start3A_79, %dma_start3A_80] : memref<32x5x25x80xi32, #tpu.memory_space<hbm>> -> memref<1x1x25x80xi32, #tpu.memory_space<hbm>>
        %dma_start3A_82 = tpu.memref_squeeze %dma_start3A_81 : memref<1x1x25x80xi32, #tpu.memory_space<hbm>> -> memref<25x80xi32, #tpu.memory_space<hbm>>
        tpu.enqueue_dma source(%dma_start3A_82 : memref<25x80xi32, #tpu.memory_space<hbm>>) target(%arg6 : memref<25x80xi32, #tpu.memory_space<vmem>>) target_semaphore(%run_scoped3A_74 : memref<!tpu.dma_semaphore, #tpu.memory_space<semaphore_mem>>)
        %dma_wait3A_83 = arith.constant 0 : i32
        %dma_wait3A_84 = arith.constant 0 : i32
        %dma_wait3A_85 = tpu.memref_slice %arg3[%add3A, %scan3A_52, %dma_wait3A_83, %dma_wait3A_84] : memref<32x5x25x80xi32, #tpu.memory_space<hbm>> -> memref<1x1x25x80xi32, #tpu.memory_space<hbm>>
        %dma_wait3A_86 = tpu.memref_squeeze %dma_wait3A_85 : memref<1x1x25x80xi32, #tpu.memory_space<hbm>> -> memref<25x80xi32, #tpu.memory_space<hbm>>
        %dma_wait3A_87 = arith.constant 0 : i32
        %dma_wait3A_88 = arith.constant 0 : i32
        %dma_wait3A_89 = tpu.memref_slice %arg3[%add3A, %scan3A_52, %dma_wait3A_87, %dma_wait3A_88] : memref<32x5x25x80xi32, #tpu.memory_space<hbm>> -> memref<1x1x25x80xi32, #tpu.memory_space<hbm>>
        %dma_wait3A_90 = tpu.memref_squeeze %dma_wait3A_89 : memref<1x1x25x80xi32, #tpu.memory_space<hbm>> -> memref<25x80xi32, #tpu.memory_space<hbm>>
        tpu.wait_dma2 semaphore(%run_scoped3A_74 : memref<!tpu.dma_semaphore, #tpu.memory_space<semaphore_mem>>) src(%dma_wait3A_90 : memref<25x80xi32, #tpu.memory_space<hbm>>) dst(%arg6 : memref<25x80xi32, #tpu.memory_space<vmem>>)
        tpu.yield
      }) : () -> ()
      "tpu.region"() ({
        %run_scoped3A_74 = tpu.sem_alloc : memref<!tpu.dma_semaphore, #tpu.memory_space<semaphore_mem>>
        %dma_start3A_75 = arith.constant 0 : i32
        %dma_start3A_76 = arith.constant 0 : i32
        %dma_start3A_77 = tpu.memref_slice %arg4[%add3A, %scan3A_52, %dma_start3A_75, %dma_start3A_76] : memref<32x5x25x80xi32, #tpu.memory_space<hbm>> -> memref<1x1x25x80xi32, #tpu.memory_space<hbm>>
        %dma_start3A_78 = tpu.memref_squeeze %dma_start3A_77 : memref<1x1x25x80xi32, #tpu.memory_space<hbm>> -> memref<25x80xi32, #tpu.memory_space<hbm>>
        %dma_start3A_79 = arith.constant 0 : i32
        %dma_start3A_80 = arith.constant 0 : i32
        %dma_start3A_81 = tpu.memref_slice %arg4[%add3A, %scan3A_52, %dma_start3A_79, %dma_start3A_80] : memref<32x5x25x80xi32, #tpu.memory_space<hbm>> -> memref<1x1x25x80xi32, #tpu.memory_space<hbm>>
        %dma_start3A_82 = tpu.memref_squeeze %dma_start3A_81 : memref<1x1x25x80xi32, #tpu.memory_space<hbm>> -> memref<25x80xi32, #tpu.memory_space<hbm>>
        tpu.enqueue_dma source(%dma_start3A_82 : memref<25x80xi32, #tpu.memory_space<hbm>>) target(%arg7 : memref<25x80xi32, #tpu.memory_space<vmem>>) target_semaphore(%run_scoped3A_74 : memref<!tpu.dma_semaphore, #tpu.memory_space<semaphore_mem>>)
        %dma_wait3A_83 = arith.constant 0 : i32
        %dma_wait3A_84 = arith.constant 0 : i32
        %dma_wait3A_85 = tpu.memref_slice %arg4[%add3A, %scan3A_52, %dma_wait3A_83, %dma_wait3A_84] : memref<32x5x25x80xi32, #tpu.memory_space<hbm>> -> memref<1x1x25x80xi32, #tpu.memory_space<hbm>>
        %dma_wait3A_86 = tpu.memref_squeeze %dma_wait3A_85 : memref<1x1x25x80xi32, #tpu.memory_space<hbm>> -> memref<25x80xi32, #tpu.memory_space<hbm>>
        %dma_wait3A_87 = arith.constant 0 : i32
        %dma_wait3A_88 = arith.constant 0 : i32
        %dma_wait3A_89 = tpu.memref_slice %arg4[%add3A, %scan3A_52, %dma_wait3A_87, %dma_wait3A_88] : memref<32x5x25x80xi32, #tpu.memory_space<hbm>> -> memref<1x1x25x80xi32, #tpu.memory_space<hbm>>
        %dma_wait3A_90 = tpu.memref_squeeze %dma_wait3A_89 : memref<1x1x25x80xi32, #tpu.memory_space<hbm>> -> memref<25x80xi32, #tpu.memory_space<hbm>>
        tpu.wait_dma2 semaphore(%run_scoped3A_74 : memref<!tpu.dma_semaphore, #tpu.memory_space<semaphore_mem>>) src(%dma_wait3A_90 : memref<25x80xi32, #tpu.memory_space<hbm>>) dst(%arg7 : memref<25x80xi32, #tpu.memory_space<vmem>>)
        tpu.yield
      }) : () -> ()
      %scan3A_54 = arith.constant 0 : i32
      %scan3A_55 = arith.constant 0 : i32
      %scan3A_56 = arith.constant 12 : i32
      %scan3A_57 = arith.addi %scan3A_55, %scan3A_56 : i32
      %scan3A_58 = arith.constant 1 : i32
      %scan3A_59 = scf.for %scan3A_74 = %scan3A_55 to %scan3A_57 step %scan3A_58 iter_args(%scan3A_75 = %scan3A_54) -> (i32)  : i32 {
        %mul3A_76 = arith.constant 2 : i32
        %mul3A_77 = arith.muli %mul3A_76, %scan3A_74 : i32
        %add3A_78 = arith.constant 1 : i32
        %add3A_79 = arith.addi %mul3A_77, %add3A_78 : i32
        %dma_start3A_80 = arith.constant 0 : i32
        %dma_start3A_81 = tpu.memref_slice %arg6[%mul3A_77, %dma_start3A_80] : memref<25x80xi32, #tpu.memory_space<vmem>> -> memref<1x80xi32, #tpu.memory_space<vmem>>
        %dma_start3A_82 = tpu.memref_squeeze %dma_start3A_81 : memref<1x80xi32, #tpu.memory_space<vmem>> -> memref<80xi32, #tpu.memory_space<vmem>>
        %dma_start3A_83 = arith.constant 0 : i32
        %dma_start3A_84 = arith.constant 0 : i32
        %dma_start3A_85 = tpu.memref_slice %arg2[%dma_start3A_83, %dma_start3A_84] : memref<10000x128xf32, #tpu.memory_space<hbm>> -> memref<10000x128xf32, #tpu.memory_space<hbm>>
        tpu.enqueue_indirect_dma source(%dma_start3A_85 : memref<10000x128xf32, #tpu.memory_space<hbm>>) target(%arg8 : memref<80x128xf32, #tpu.memory_space<vmem>>) offsets(%dma_start3A_82 : memref<80xi32, #tpu.memory_space<vmem>>) semaphore(%arg12 : memref<!tpu.dma_semaphore, #tpu.memory_space<semaphore_mem>>)
        %dma_start3A_86 = arith.constant 0 : i32
        %dma_start3A_87 = tpu.memref_slice %arg6[%add3A_79, %dma_start3A_86] : memref<25x80xi32, #tpu.memory_space<vmem>> -> memref<1x80xi32, #tpu.memory_space<vmem>>
        %dma_start3A_88 = tpu.memref_squeeze %dma_start3A_87 : memref<1x80xi32, #tpu.memory_space<vmem>> -> memref<80xi32, #tpu.memory_space<vmem>>
        %dma_start3A_89 = arith.constant 0 : i32
        %dma_start3A_90 = arith.constant 0 : i32
        %dma_start3A_91 = tpu.memref_slice %arg2[%dma_start3A_89, %dma_start3A_90] : memref<10000x128xf32, #tpu.memory_space<hbm>> -> memref<10000x128xf32, #tpu.memory_space<hbm>>
        tpu.enqueue_indirect_dma source(%dma_start3A_91 : memref<10000x128xf32, #tpu.memory_space<hbm>>) target(%arg9 : memref<80x128xf32, #tpu.memory_space<vmem>>) offsets(%dma_start3A_88 : memref<80xi32, #tpu.memory_space<vmem>>) semaphore(%arg13 : memref<!tpu.dma_semaphore, #tpu.memory_space<semaphore_mem>>)
        %dma_wait3A_92 = arith.constant 0 : i32
        %dma_wait3A_93 = tpu.memref_slice %arg6[%mul3A_77, %dma_wait3A_92] : memref<25x80xi32, #tpu.memory_space<vmem>> -> memref<1x80xi32, #tpu.memory_space<vmem>>
        %dma_wait3A_94 = tpu.memref_squeeze %dma_wait3A_93 : memref<1x80xi32, #tpu.memory_space<vmem>> -> memref<80xi32, #tpu.memory_space<vmem>>
        %dma_wait3A_95 = arith.constant 0 : i32
        %dma_wait3A_96 = arith.constant 0 : i32
        %dma_wait3A_97 = tpu.memref_slice %arg2[%dma_wait3A_95, %dma_wait3A_96] : memref<10000x128xf32, #tpu.memory_space<hbm>> -> memref<10000x128xf32, #tpu.memory_space<hbm>>
        tpu.wait_indirect_dma semaphore(%arg12 : memref<!tpu.dma_semaphore, #tpu.memory_space<semaphore_mem>>) src(%dma_wait3A_97 : memref<10000x128xf32, #tpu.memory_space<hbm>>) dst(%arg8 : memref<80x128xf32, #tpu.memory_space<vmem>>)
        "tpu.region"() ({
          %run_scoped3A_105 = tpu.sem_alloc : memref<!tpu.dma_semaphore, #tpu.memory_space<semaphore_mem>>
          %dma_start3A_106 = arith.constant 0 : i32
          %dma_start3A_107 = tpu.memref_slice %arg7[%mul3A_77, %dma_start3A_106] : memref<25x80xi32, #tpu.memory_space<vmem>> -> memref<1x80xi32, #tpu.memory_space<vmem>>
          %dma_start3A_108 = tpu.memref_squeeze %dma_start3A_107 : memref<1x80xi32, #tpu.memory_space<vmem>> -> memref<80xi32, #tpu.memory_space<vmem>>
          %dma_start3A_109 = arith.constant 0 : i32
          %dma_start3A_110 = arith.constant 0 : i32
          %dma_start3A_111 = tpu.memref_slice %arg11[%dma_start3A_109, %dma_start3A_110] : memref<10000x128xf32, #tpu.memory_space<vmem_shared>> -> memref<10000x128xf32, #tpu.memory_space<vmem_shared>>
          tpu.enqueue_indirect_dma source(%arg8 : memref<80x128xf32, #tpu.memory_space<vmem>>) target(%dma_start3A_111 : memref<10000x128xf32, #tpu.memory_space<vmem_shared>>) offsets(%dma_start3A_108 : memref<80xi32, #tpu.memory_space<vmem>>) semaphore(%run_scoped3A_105 : memref<!tpu.dma_semaphore, #tpu.memory_space<semaphore_mem>>) {add = true}
          %dma_wait3A_112 = arith.constant 0 : i32
          %dma_wait3A_113 = tpu.memref_slice %arg7[%mul3A_77, %dma_wait3A_112] : memref<25x80xi32, #tpu.memory_space<vmem>> -> memref<1x80xi32, #tpu.memory_space<vmem>>
          %dma_wait3A_114 = tpu.memref_squeeze %dma_wait3A_113 : memref<1x80xi32, #tpu.memory_space<vmem>> -> memref<80xi32, #tpu.memory_space<vmem>>
          %dma_wait3A_115 = arith.constant 0 : i32
          %dma_wait3A_116 = arith.constant 0 : i32
          %dma_wait3A_117 = tpu.memref_slice %arg11[%dma_wait3A_115, %dma_wait3A_116] : memref<10000x128xf32, #tpu.memory_space<vmem_shared>> -> memref<10000x128xf32, #tpu.memory_space<vmem_shared>>
          tpu.wait_indirect_dma semaphore(%run_scoped3A_105 : memref<!tpu.dma_semaphore, #tpu.memory_space<semaphore_mem>>) src(%arg8 : memref<80x128xf32, #tpu.memory_space<vmem>>) dst(%dma_wait3A_117 : memref<10000x128xf32, #tpu.memory_space<vmem_shared>>)
          tpu.yield
        }) : () -> ()
        %dma_wait3A_98 = arith.constant 0 : i32
        %dma_wait3A_99 = tpu.memref_slice %arg6[%add3A_79, %dma_wait3A_98] : memref<25x80xi32, #tpu.memory_space<vmem>> -> memref<1x80xi32, #tpu.memory_space<vmem>>
        %dma_wait3A_100 = tpu.memref_squeeze %dma_wait3A_99 : memref<1x80xi32, #tpu.memory_space<vmem>> -> memref<80xi32, #tpu.memory_space<vmem>>
        %dma_wait3A_101 = arith.constant 0 : i32
        %dma_wait3A_102 = arith.constant 0 : i32
        %dma_wait3A_103 = tpu.memref_slice %arg2[%dma_wait3A_101, %dma_wait3A_102] : memref<10000x128xf32, #tpu.memory_space<hbm>> -> memref<10000x128xf32, #tpu.memory_space<hbm>>
        tpu.wait_indirect_dma semaphore(%arg13 : memref<!tpu.dma_semaphore, #tpu.memory_space<semaphore_mem>>) src(%dma_wait3A_103 : memref<10000x128xf32, #tpu.memory_space<hbm>>) dst(%arg9 : memref<80x128xf32, #tpu.memory_space<vmem>>)
        "tpu.region"() ({
          %run_scoped3A_105 = tpu.sem_alloc : memref<!tpu.dma_semaphore, #tpu.memory_space<semaphore_mem>>
          %dma_start3A_106 = arith.constant 0 : i32
          %dma_start3A_107 = tpu.memref_slice %arg7[%add3A_79, %dma_start3A_106] : memref<25x80xi32, #tpu.memory_space<vmem>> -> memref<1x80xi32, #tpu.memory_space<vmem>>
          %dma_start3A_108 = tpu.memref_squeeze %dma_start3A_107 : memref<1x80xi32, #tpu.memory_space<vmem>> -> memref<80xi32, #tpu.memory_space<vmem>>
          %dma_start3A_109 = arith.constant 0 : i32
          %dma_start3A_110 = arith.constant 0 : i32
          %dma_start3A_111 = tpu.memref_slice %arg11[%dma_start3A_109, %dma_start3A_110] : memref<10000x128xf32, #tpu.memory_space<vmem_shared>> -> memref<10000x128xf32, #tpu.memory_space<vmem_shared>>
          tpu.enqueue_indirect_dma source(%arg9 : memref<80x128xf32, #tpu.memory_space<vmem>>) target(%dma_start3A_111 : memref<10000x128xf32, #tpu.memory_space<vmem_shared>>) offsets(%dma_start3A_108 : memref<80xi32, #tpu.memory_space<vmem>>) semaphore(%run_scoped3A_105 : memref<!tpu.dma_semaphore, #tpu.memory_space<semaphore_mem>>) {add = true}
          %dma_wait3A_112 = arith.constant 0 : i32
          %dma_wait3A_113 = tpu.memref_slice %arg7[%add3A_79, %dma_wait3A_112] : memref<25x80xi32, #tpu.memory_space<vmem>> -> memref<1x80xi32, #tpu.memory_space<vmem>>
          %dma_wait3A_114 = tpu.memref_squeeze %dma_wait3A_113 : memref<1x80xi32, #tpu.memory_space<vmem>> -> memref<80xi32, #tpu.memory_space<vmem>>
          %dma_wait3A_115 = arith.constant 0 : i32
          %dma_wait3A_116 = arith.constant 0 : i32
          %dma_wait3A_117 = tpu.memref_slice %arg11[%dma_wait3A_115, %dma_wait3A_116] : memref<10000x128xf32, #tpu.memory_space<vmem_shared>> -> memref<10000x128xf32, #tpu.memory_space<vmem_shared>>
          tpu.wait_indirect_dma semaphore(%run_scoped3A_105 : memref<!tpu.dma_semaphore, #tpu.memory_space<semaphore_mem>>) src(%arg9 : memref<80x128xf32, #tpu.memory_space<vmem>>) dst(%dma_wait3A_117 : memref<10000x128xf32, #tpu.memory_space<vmem_shared>>)
          tpu.yield
        }) : () -> ()
        %scan3A_104 = arith.constant 0 : i32
        scf.yield %scan3A_104 : i32
      }
      %scan3A_60 = arith.constant 12 : i32
      %dma_start3A = arith.constant 24 : i32
      %dma_start3A_61 = arith.constant 0 : i32
      %dma_start3A_62 = tpu.memref_slice %arg6[%dma_start3A, %dma_start3A_61] : memref<25x80xi32, #tpu.memory_space<vmem>> -> memref<1x80xi32, #tpu.memory_space<vmem>>
      %dma_start3A_63 = tpu.memref_squeeze %dma_start3A_62 : memref<1x80xi32, #tpu.memory_space<vmem>> -> memref<80xi32, #tpu.memory_space<vmem>>
      %dma_start3A_64 = arith.constant 0 : i32
      %dma_start3A_65 = arith.constant 0 : i32
      %dma_start3A_66 = tpu.memref_slice %arg2[%dma_start3A_64, %dma_start3A_65] : memref<10000x128xf32, #tpu.memory_space<hbm>> -> memref<10000x128xf32, #tpu.memory_space<hbm>>
      tpu.enqueue_indirect_dma source(%dma_start3A_66 : memref<10000x128xf32, #tpu.memory_space<hbm>>) target(%arg8 : memref<80x128xf32, #tpu.memory_space<vmem>>) offsets(%dma_start3A_63 : memref<80xi32, #tpu.memory_space<vmem>>) semaphore(%arg12 : memref<!tpu.dma_semaphore, #tpu.memory_space<semaphore_mem>>)
      %dma_wait3A = arith.constant 24 : i32
      %dma_wait3A_67 = arith.constant 0 : i32
      %dma_wait3A_68 = tpu.memref_slice %arg6[%dma_wait3A, %dma_wait3A_67] : memref<25x80xi32, #tpu.memory_space<vmem>> -> memref<1x80xi32, #tpu.memory_space<vmem>>
      %dma_wait3A_69 = tpu.memref_squeeze %dma_wait3A_68 : memref<1x80xi32, #tpu.memory_space<vmem>> -> memref<80xi32, #tpu.memory_space<vmem>>
      %dma_wait3A_70 = arith.constant 0 : i32
      %dma_wait3A_71 = arith.constant 0 : i32
      %dma_wait3A_72 = tpu.memref_slice %arg2[%dma_wait3A_70, %dma_wait3A_71] : memref<10000x128xf32, #tpu.memory_space<hbm>> -> memref<10000x128xf32, #tpu.memory_space<hbm>>
      tpu.wait_indirect_dma semaphore(%arg12 : memref<!tpu.dma_semaphore, #tpu.memory_space<semaphore_mem>>) src(%dma_wait3A_72 : memref<10000x128xf32, #tpu.memory_space<hbm>>) dst(%arg8 : memref<80x128xf32, #tpu.memory_space<vmem>>)
      %run_scoped3A = arith.constant 24 : i32
      "tpu.region"() ({
        %run_scoped3A_74 = tpu.sem_alloc : memref<!tpu.dma_semaphore, #tpu.memory_space<semaphore_mem>>
        %dma_start3A_75 = arith.constant 0 : i32
        %dma_start3A_76 = tpu.memref_slice %arg7[%run_scoped3A, %dma_start3A_75] : memref<25x80xi32, #tpu.memory_space<vmem>> -> memref<1x80xi32, #tpu.memory_space<vmem>>
        %dma_start3A_77 = tpu.memref_squeeze %dma_start3A_76 : memref<1x80xi32, #tpu.memory_space<vmem>> -> memref<80xi32, #tpu.memory_space<vmem>>
        %dma_start3A_78 = arith.constant 0 : i32
        %dma_start3A_79 = arith.constant 0 : i32
        %dma_start3A_80 = tpu.memref_slice %arg11[%dma_start3A_78, %dma_start3A_79] : memref<10000x128xf32, #tpu.memory_space<vmem_shared>> -> memref<10000x128xf32, #tpu.memory_space<vmem_shared>>
        tpu.enqueue_indirect_dma source(%arg8 : memref<80x128xf32, #tpu.memory_space<vmem>>) target(%dma_start3A_80 : memref<10000x128xf32, #tpu.memory_space<vmem_shared>>) offsets(%dma_start3A_77 : memref<80xi32, #tpu.memory_space<vmem>>) semaphore(%run_scoped3A_74 : memref<!tpu.dma_semaphore, #tpu.memory_space<semaphore_mem>>) {add = true}
        %dma_wait3A_81 = arith.constant 0 : i32
        %dma_wait3A_82 = tpu.memref_slice %arg7[%run_scoped3A, %dma_wait3A_81] : memref<25x80xi32, #tpu.memory_space<vmem>> -> memref<1x80xi32, #tpu.memory_space<vmem>>
        %dma_wait3A_83 = tpu.memref_squeeze %dma_wait3A_82 : memref<1x80xi32, #tpu.memory_space<vmem>> -> memref<80xi32, #tpu.memory_space<vmem>>
        %dma_wait3A_84 = arith.constant 0 : i32
        %dma_wait3A_85 = arith.constant 0 : i32
        %dma_wait3A_86 = tpu.memref_slice %arg11[%dma_wait3A_84, %dma_wait3A_85] : memref<10000x128xf32, #tpu.memory_space<vmem_shared>> -> memref<10000x128xf32, #tpu.memory_space<vmem_shared>>
        tpu.wait_indirect_dma semaphore(%run_scoped3A_74 : memref<!tpu.dma_semaphore, #tpu.memory_space<semaphore_mem>>) src(%arg8 : memref<80x128xf32, #tpu.memory_space<vmem>>) dst(%dma_wait3A_86 : memref<10000x128xf32, #tpu.memory_space<vmem_shared>>)
        tpu.yield
      }) : () -> ()
      %scan3A_73 = arith.constant 0 : i32
      scf.yield %scan3A_73 : i32
    }
    %scan3A_43 = arith.constant 5 : i32
    %barrier3A_44 = arith.constant 0 : index
    tpu.barrier barrier_id(%barrier3A_44)
    %mul3A_45 = arith.constant 624 : i32
    %mul3A_46 = arith.muli %arg1, %mul3A_45 : i32
    "tpu.region"() ({
      %run_scoped3A = tpu.sem_alloc : memref<!tpu.dma_semaphore, #tpu.memory_space<semaphore_mem>>
      %dma_start3A = arith.constant 0 : i32
      %dma_start3A_52 = tpu.memref_slice %arg5[%arg0, %mul3A_46, %dma_start3A] : memref<2x10000x128xf32, #tpu.memory_space<hbm>> -> memref<1x624x128xf32, #tpu.memory_space<hbm>>
      %dma_start3A_53 = tpu.memref_squeeze %dma_start3A_52 : memref<1x624x128xf32, #tpu.memory_space<hbm>> -> memref<624x128xf32, #tpu.memory_space<hbm>>
      %dma_start3A_54 = arith.constant 0 : i32
      %dma_start3A_55 = tpu.memref_slice %arg11[%mul3A_46, %dma_start3A_54] : memref<10000x128xf32, #tpu.memory_space<vmem_shared>> -> memref<624x128xf32, #tpu.memory_space<vmem_shared>>
      tpu.enqueue_dma source(%dma_start3A_55 : memref<624x128xf32, #tpu.memory_space<vmem_shared>>) target(%dma_start3A_53 : memref<624x128xf32, #tpu.memory_space<hbm>>) target_semaphore(%run_scoped3A : memref<!tpu.dma_semaphore, #tpu.memory_space<semaphore_mem>>)
      %dma_wait3A = arith.constant 0 : i32
      %dma_wait3A_56 = tpu.memref_slice %arg5[%arg0, %mul3A_46, %dma_wait3A] : memref<2x10000x128xf32, #tpu.memory_space<hbm>> -> memref<1x624x128xf32, #tpu.memory_space<hbm>>
      %dma_wait3A_57 = tpu.memref_squeeze %dma_wait3A_56 : memref<1x624x128xf32, #tpu.memory_space<hbm>> -> memref<624x128xf32, #tpu.memory_space<hbm>>
      %dma_wait3A_58 = arith.constant 0 : i32
      %dma_wait3A_59 = tpu.memref_slice %arg11[%mul3A_46, %dma_wait3A_58] : memref<10000x128xf32, #tpu.memory_space<vmem_shared>> -> memref<624x128xf32, #tpu.memory_space<vmem_shared>>
      tpu.wait_dma2 semaphore(%run_scoped3A : memref<!tpu.dma_semaphore, #tpu.memory_space<semaphore_mem>>) src(%dma_wait3A_59 : memref<624x128xf32, #tpu.memory_space<vmem_shared>>) dst(%dma_wait3A_57 : memref<624x128xf32, #tpu.memory_space<hbm>>)
      tpu.yield
    }) : () -> ()
    %eq3A_47 = arith.constant 0 : i32
    %eq3A_48 = arith.cmpi eq, %arg1, %eq3A_47 : i32
    %convert_element_type3A_49 = arith.extui %eq3A_48 : i1 to i32
    %cond3A_50 = arith.constant 0 : i32
    %cond3A_51 = arith.cmpi ne, %convert_element_type3A_49, %cond3A_50 : i32
    scf.if %cond3A_51 {
      "tpu.region"() ({
        %run_scoped3A = tpu.sem_alloc : memref<!tpu.dma_semaphore, #tpu.memory_space<semaphore_mem>>
        %dma_start3A = arith.constant 9984 : i32
        %dma_start3A_52 = arith.constant 0 : i32
        %dma_start3A_53 = tpu.memref_slice %arg5[%arg0, %dma_start3A, %dma_start3A_52] : memref<2x10000x128xf32, #tpu.memory_space<hbm>> -> memref<1x16x128xf32, #tpu.memory_space<hbm>>
        %dma_start3A_54 = tpu.memref_squeeze %dma_start3A_53 : memref<1x16x128xf32, #tpu.memory_space<hbm>> -> memref<16x128xf32, #tpu.memory_space<hbm>>
        %dma_start3A_55 = arith.constant 9984 : i32
        %dma_start3A_56 = arith.constant 0 : i32
        %dma_start3A_57 = tpu.memref_slice %arg11[%dma_start3A_55, %dma_start3A_56] : memref<10000x128xf32, #tpu.memory_space<vmem_shared>> -> memref<16x128xf32, #tpu.memory_space<vmem_shared>>
        tpu.enqueue_dma source(%dma_start3A_57 : memref<16x128xf32, #tpu.memory_space<vmem_shared>>) target(%dma_start3A_54 : memref<16x128xf32, #tpu.memory_space<hbm>>) target_semaphore(%run_scoped3A : memref<!tpu.dma_semaphore, #tpu.memory_space<semaphore_mem>>)
        %dma_wait3A = arith.constant 9984 : i32
        %dma_wait3A_58 = arith.constant 0 : i32
        %dma_wait3A_59 = tpu.memref_slice %arg5[%arg0, %dma_wait3A, %dma_wait3A_58] : memref<2x10000x128xf32, #tpu.memory_space<hbm>> -> memref<1x16x128xf32, #tpu.memory_space<hbm>>
        %dma_wait3A_60 = tpu.memref_squeeze %dma_wait3A_59 : memref<1x16x128xf32, #tpu.memory_space<hbm>> -> memref<16x128xf32, #tpu.memory_space<hbm>>
        %dma_wait3A_61 = arith.constant 9984 : i32
        %dma_wait3A_62 = arith.constant 0 : i32
        %dma_wait3A_63 = tpu.memref_slice %arg11[%dma_wait3A_61, %dma_wait3A_62] : memref<10000x128xf32, #tpu.memory_space<vmem_shared>> -> memref<16x128xf32, #tpu.memory_space<vmem_shared>>
        tpu.wait_dma2 semaphore(%run_scoped3A : memref<!tpu.dma_semaphore, #tpu.memory_space<semaphore_mem>>) src(%dma_wait3A_63 : memref<16x128xf32, #tpu.memory_space<vmem_shared>>) dst(%dma_wait3A_60 : memref<16x128xf32, #tpu.memory_space<hbm>>)
        tpu.yield
      }) : () -> ()
    } else {
    }
    return
  }
}

#map = affine_map<(d0, d1) -> (0, 0, 0, 0)>
#map1 = affine_map<(d0, d1) -> (0, 0, 0)>
module attributes {stable_mosaic.version = 14 : i64} {
  func.func @body(%arg0: i32, %arg1: i32, %arg2: memref<32x5x25x80xi32, #tpu.memory_space<hbm>>, %arg3: memref<2x10000x128xf32, #tpu.memory_space<hbm>>, %arg4: memref<25x80xi32, #tpu.memory_space<vmem>>, %arg5: memref<80x128xf32, #tpu.memory_space<vmem>>, %arg6: memref<48x128xf32, #tpu.memory_space<vmem>>, %arg7: memref<10000x128xf32, #tpu.memory_space<vmem_shared>>) attributes {dimension_semantics = [#tpu.dimension_semantics<core_parallel>, #tpu.dimension_semantics<subcore_parallel>], iteration_bounds = array<i64: 2, 16>, scalar_prefetch = 0 : i64, scratch_operands = 4 : i64, tpu.core_type = #tpu.core_type<sc_vector_subcore>, window_params = [{transform_indices = #map}, {transform_indices = #map1}]} {
    %mul3A = arith.constant 16 : i32
    %mul3A_0 = arith.muli %arg0, %mul3A : i32
    %add3A = arith.addi %mul3A_0, %arg1 : i32
    %scan3A = arith.constant 0 : i32
    %scan3A_1 = arith.constant 0 : i32
    %scan3A_2 = arith.constant 48 : i32
    %scan3A_3 = arith.addi %scan3A_1, %scan3A_2 : i32
    %scan3A_4 = arith.constant 1 : i32
    %scan3A_5 = scf.for %scan3A_59 = %scan3A_1 to %scan3A_3 step %scan3A_4 iter_args(%scan3A_60 = %scan3A) -> (i32)  : i32 {
      %scan3A_61 = arith.constant 0 : i32
      %scan3A_62 = arith.constant 0 : i32
      %scan3A_63 = arith.constant 8 : i32
      %scan3A_64 = arith.addi %scan3A_62, %scan3A_63 : i32
      %scan3A_65 = arith.constant 1 : i32
      %scan3A_66 = scf.for %scan3A_68 = %scan3A_62 to %scan3A_64 step %scan3A_65 iter_args(%scan3A_69 = %scan3A_61) -> (i32)  : i32 {
        %broadcast_in_dim3A = arith.constant 0.000000e+00 : f32
        %broadcast_in_dim3A_70 = vector.broadcast %broadcast_in_dim3A : f32 to vector<16xf32>
        %mul3A_71 = arith.constant 16 : i32
        %mul3A_72 = arith.muli %scan3A_68, %mul3A_71 : i32
        %swap3A = arith.index_cast %scan3A_59 : i32 to index
        %swap3A_73 = arith.index_cast %mul3A_72 : i32 to index
        %swap3A_74 = tpu.vector_load %arg6[%swap3A, %swap3A_73] {strides = array<i32>} : memref<48x128xf32, #tpu.memory_space<vmem>>, vector<1x16xf32>,
        %swap3A_75 = vector.shape_cast %swap3A_74 : vector<1x16xf32> to vector<16xf32>
        %swap3A_76 = vector.shape_cast %broadcast_in_dim3A_70 : vector<16xf32> to vector<1x16xf32>
        tpu.vector_store %arg6[%swap3A, %swap3A_73], %swap3A_76 {strides = array<i32>} : memref<48x128xf32, #tpu.memory_space<vmem>>, vector<1x16xf32>,
        %scan3A_77 = arith.constant 0 : i32
        scf.yield %scan3A_77 : i32
      }
      %scan3A_67 = arith.constant 8 : i32
      scf.yield %scan3A_66 : i32
    }
    %scan3A_6 = arith.constant 48 : i32
    %mul3A_7 = arith.constant 624 : i32
    %mul3A_8 = arith.muli %arg1, %mul3A_7 : i32
    %add3A_9 = arith.constant 0 : i32
    %add3A_10 = arith.addi %mul3A_8, %add3A_9 : i32
    "tpu.region"() ({
      %run_scoped3A = tpu.sem_alloc : memref<!tpu.dma_semaphore, #tpu.memory_space<semaphore_mem>>
      %dma_start3A = arith.constant 0 : i32
      %dma_start3A_59 = tpu.memref_slice %arg7[%add3A_10, %dma_start3A] : memref<10000x128xf32, #tpu.memory_space<vmem_shared>> -> memref<48x128xf32, #tpu.memory_space<vmem_shared>>
      %dma_start3A_60 = arith.constant 0 : i32
      %dma_start3A_61 = tpu.memref_slice %arg7[%add3A_10, %dma_start3A_60] : memref<10000x128xf32, #tpu.memory_space<vmem_shared>> -> memref<48x128xf32, #tpu.memory_space<vmem_shared>>
      tpu.enqueue_dma source(%arg6 : memref<48x128xf32, #tpu.memory_space<vmem>>) target(%dma_start3A_61 : memref<48x128xf32, #tpu.memory_space<vmem_shared>>) target_semaphore(%run_scoped3A : memref<!tpu.dma_semaphore, #tpu.memory_space<semaphore_mem>>)
      %dma_wait3A = arith.constant 0 : i32
      %dma_wait3A_62 = tpu.memref_slice %arg7[%add3A_10, %dma_wait3A] : memref<10000x128xf32, #tpu.memory_space<vmem_shared>> -> memref<48x128xf32, #tpu.memory_space<vmem_shared>>
      %dma_wait3A_63 = arith.constant 0 : i32
      %dma_wait3A_64 = tpu.memref_slice %arg7[%add3A_10, %dma_wait3A_63] : memref<10000x128xf32, #tpu.memory_space<vmem_shared>> -> memref<48x128xf32, #tpu.memory_space<vmem_shared>>
      tpu.wait_dma2 semaphore(%run_scoped3A : memref<!tpu.dma_semaphore, #tpu.memory_space<semaphore_mem>>) src(%arg6 : memref<48x128xf32, #tpu.memory_space<vmem>>) dst(%dma_wait3A_64 : memref<48x128xf32, #tpu.memory_space<vmem_shared>>)
      tpu.yield
    }) : () -> ()
    %add3A_11 = arith.constant 48 : i32
    %add3A_12 = arith.addi %mul3A_8, %add3A_11 : i32
    "tpu.region"() ({
      %run_scoped3A = tpu.sem_alloc : memref<!tpu.dma_semaphore, #tpu.memory_space<semaphore_mem>>
      %dma_start3A = arith.constant 0 : i32
      %dma_start3A_59 = tpu.memref_slice %arg7[%add3A_12, %dma_start3A] : memref<10000x128xf32, #tpu.memory_space<vmem_shared>> -> memref<48x128xf32, #tpu.memory_space<vmem_shared>>
      %dma_start3A_60 = arith.constant 0 : i32
      %dma_start3A_61 = tpu.memref_slice %arg7[%add3A_12, %dma_start3A_60] : memref<10000x128xf32, #tpu.memory_space<vmem_shared>> -> memref<48x128xf32, #tpu.memory_space<vmem_shared>>
      tpu.enqueue_dma source(%arg6 : memref<48x128xf32, #tpu.memory_space<vmem>>) target(%dma_start3A_61 : memref<48x128xf32, #tpu.memory_space<vmem_shared>>) target_semaphore(%run_scoped3A : memref<!tpu.dma_semaphore, #tpu.memory_space<semaphore_mem>>)
      %dma_wait3A = arith.constant 0 : i32
      %dma_wait3A_62 = tpu.memref_slice %arg7[%add3A_12, %dma_wait3A] : memref<10000x128xf32, #tpu.memory_space<vmem_shared>> -> memref<48x128xf32, #tpu.memory_space<vmem_shared>>
      %dma_wait3A_63 = arith.constant 0 : i32
      %dma_wait3A_64 = tpu.memref_slice %arg7[%add3A_12, %dma_wait3A_63] : memref<10000x128xf32, #tpu.memory_space<vmem_shared>> -> memref<48x128xf32, #tpu.memory_space<vmem_shared>>
      tpu.wait_dma2 semaphore(%run_scoped3A : memref<!tpu.dma_semaphore, #tpu.memory_space<semaphore_mem>>) src(%arg6 : memref<48x128xf32, #tpu.memory_space<vmem>>) dst(%dma_wait3A_64 : memref<48x128xf32, #tpu.memory_space<vmem_shared>>)
      tpu.yield
    }) : () -> ()
    %add3A_13 = arith.constant 96 : i32
    %add3A_14 = arith.addi %mul3A_8, %add3A_13 : i32
    "tpu.region"() ({
      %run_scoped3A = tpu.sem_alloc : memref<!tpu.dma_semaphore, #tpu.memory_space<semaphore_mem>>
      %dma_start3A = arith.constant 0 : i32
      %dma_start3A_59 = tpu.memref_slice %arg7[%add3A_14, %dma_start3A] : memref<10000x128xf32, #tpu.memory_space<vmem_shared>> -> memref<48x128xf32, #tpu.memory_space<vmem_shared>>
      %dma_start3A_60 = arith.constant 0 : i32
      %dma_start3A_61 = tpu.memref_slice %arg7[%add3A_14, %dma_start3A_60] : memref<10000x128xf32, #tpu.memory_space<vmem_shared>> -> memref<48x128xf32, #tpu.memory_space<vmem_shared>>
      tpu.enqueue_dma source(%arg6 : memref<48x128xf32, #tpu.memory_space<vmem>>) target(%dma_start3A_61 : memref<48x128xf32, #tpu.memory_space<vmem_shared>>) target_semaphore(%run_scoped3A : memref<!tpu.dma_semaphore, #tpu.memory_space<semaphore_mem>>)
      %dma_wait3A = arith.constant 0 : i32
      %dma_wait3A_62 = tpu.memref_slice %arg7[%add3A_14, %dma_wait3A] : memref<10000x128xf32, #tpu.memory_space<vmem_shared>> -> memref<48x128xf32, #tpu.memory_space<vmem_shared>>
      %dma_wait3A_63 = arith.constant 0 : i32
      %dma_wait3A_64 = tpu.memref_slice %arg7[%add3A_14, %dma_wait3A_63] : memref<10000x128xf32, #tpu.memory_space<vmem_shared>> -> memref<48x128xf32, #tpu.memory_space<vmem_shared>>
      tpu.wait_dma2 semaphore(%run_scoped3A : memref<!tpu.dma_semaphore, #tpu.memory_space<semaphore_mem>>) src(%arg6 : memref<48x128xf32, #tpu.memory_space<vmem>>) dst(%dma_wait3A_64 : memref<48x128xf32, #tpu.memory_space<vmem_shared>>)
      tpu.yield
    }) : () -> ()
    %add3A_15 = arith.constant 144 : i32
    %add3A_16 = arith.addi %mul3A_8, %add3A_15 : i32
    "tpu.region"() ({
      %run_scoped3A = tpu.sem_alloc : memref<!tpu.dma_semaphore, #tpu.memory_space<semaphore_mem>>
      %dma_start3A = arith.constant 0 : i32
      %dma_start3A_59 = tpu.memref_slice %arg7[%add3A_16, %dma_start3A] : memref<10000x128xf32, #tpu.memory_space<vmem_shared>> -> memref<48x128xf32, #tpu.memory_space<vmem_shared>>
      %dma_start3A_60 = arith.constant 0 : i32
      %dma_start3A_61 = tpu.memref_slice %arg7[%add3A_16, %dma_start3A_60] : memref<10000x128xf32, #tpu.memory_space<vmem_shared>> -> memref<48x128xf32, #tpu.memory_space<vmem_shared>>
      tpu.enqueue_dma source(%arg6 : memref<48x128xf32, #tpu.memory_space<vmem>>) target(%dma_start3A_61 : memref<48x128xf32, #tpu.memory_space<vmem_shared>>) target_semaphore(%run_scoped3A : memref<!tpu.dma_semaphore, #tpu.memory_space<semaphore_mem>>)
      %dma_wait3A = arith.constant 0 : i32
      %dma_wait3A_62 = tpu.memref_slice %arg7[%add3A_16, %dma_wait3A] : memref<10000x128xf32, #tpu.memory_space<vmem_shared>> -> memref<48x128xf32, #tpu.memory_space<vmem_shared>>
      %dma_wait3A_63 = arith.constant 0 : i32
      %dma_wait3A_64 = tpu.memref_slice %arg7[%add3A_16, %dma_wait3A_63] : memref<10000x128xf32, #tpu.memory_space<vmem_shared>> -> memref<48x128xf32, #tpu.memory_space<vmem_shared>>
      tpu.wait_dma2 semaphore(%run_scoped3A : memref<!tpu.dma_semaphore, #tpu.memory_space<semaphore_mem>>) src(%arg6 : memref<48x128xf32, #tpu.memory_space<vmem>>) dst(%dma_wait3A_64 : memref<48x128xf32, #tpu.memory_space<vmem_shared>>)
      tpu.yield
    }) : () -> ()
    %add3A_17 = arith.constant 192 : i32
    %add3A_18 = arith.addi %mul3A_8, %add3A_17 : i32
    "tpu.region"() ({
      %run_scoped3A = tpu.sem_alloc : memref<!tpu.dma_semaphore, #tpu.memory_space<semaphore_mem>>
      %dma_start3A = arith.constant 0 : i32
      %dma_start3A_59 = tpu.memref_slice %arg7[%add3A_18, %dma_start3A] : memref<10000x128xf32, #tpu.memory_space<vmem_shared>> -> memref<48x128xf32, #tpu.memory_space<vmem_shared>>
      %dma_start3A_60 = arith.constant 0 : i32
      %dma_start3A_61 = tpu.memref_slice %arg7[%add3A_18, %dma_start3A_60] : memref<10000x128xf32, #tpu.memory_space<vmem_shared>> -> memref<48x128xf32, #tpu.memory_space<vmem_shared>>
      tpu.enqueue_dma source(%arg6 : memref<48x128xf32, #tpu.memory_space<vmem>>) target(%dma_start3A_61 : memref<48x128xf32, #tpu.memory_space<vmem_shared>>) target_semaphore(%run_scoped3A : memref<!tpu.dma_semaphore, #tpu.memory_space<semaphore_mem>>)
      %dma_wait3A = arith.constant 0 : i32
      %dma_wait3A_62 = tpu.memref_slice %arg7[%add3A_18, %dma_wait3A] : memref<10000x128xf32, #tpu.memory_space<vmem_shared>> -> memref<48x128xf32, #tpu.memory_space<vmem_shared>>
      %dma_wait3A_63 = arith.constant 0 : i32
      %dma_wait3A_64 = tpu.memref_slice %arg7[%add3A_18, %dma_wait3A_63] : memref<10000x128xf32, #tpu.memory_space<vmem_shared>> -> memref<48x128xf32, #tpu.memory_space<vmem_shared>>
      tpu.wait_dma2 semaphore(%run_scoped3A : memref<!tpu.dma_semaphore, #tpu.memory_space<semaphore_mem>>) src(%arg6 : memref<48x128xf32, #tpu.memory_space<vmem>>) dst(%dma_wait3A_64 : memref<48x128xf32, #tpu.memory_space<vmem_shared>>)
      tpu.yield
    }) : () -> ()
    %add3A_19 = arith.constant 240 : i32
    %add3A_20 = arith.addi %mul3A_8, %add3A_19 : i32
    "tpu.region"() ({
      %run_scoped3A = tpu.sem_alloc : memref<!tpu.dma_semaphore, #tpu.memory_space<semaphore_mem>>
      %dma_start3A = arith.constant 0 : i32
      %dma_start3A_59 = tpu.memref_slice %arg7[%add3A_20, %dma_start3A] : memref<10000x128xf32, #tpu.memory_space<vmem_shared>> -> memref<48x128xf32, #tpu.memory_space<vmem_shared>>
      %dma_start3A_60 = arith.constant 0 : i32
      %dma_start3A_61 = tpu.memref_slice %arg7[%add3A_20, %dma_start3A_60] : memref<10000x128xf32, #tpu.memory_space<vmem_shared>> -> memref<48x128xf32, #tpu.memory_space<vmem_shared>>
      tpu.enqueue_dma source(%arg6 : memref<48x128xf32, #tpu.memory_space<vmem>>) target(%dma_start3A_61 : memref<48x128xf32, #tpu.memory_space<vmem_shared>>) target_semaphore(%run_scoped3A : memref<!tpu.dma_semaphore, #tpu.memory_space<semaphore_mem>>)
      %dma_wait3A = arith.constant 0 : i32
      %dma_wait3A_62 = tpu.memref_slice %arg7[%add3A_20, %dma_wait3A] : memref<10000x128xf32, #tpu.memory_space<vmem_shared>> -> memref<48x128xf32, #tpu.memory_space<vmem_shared>>
      %dma_wait3A_63 = arith.constant 0 : i32
      %dma_wait3A_64 = tpu.memref_slice %arg7[%add3A_20, %dma_wait3A_63] : memref<10000x128xf32, #tpu.memory_space<vmem_shared>> -> memref<48x128xf32, #tpu.memory_space<vmem_shared>>
      tpu.wait_dma2 semaphore(%run_scoped3A : memref<!tpu.dma_semaphore, #tpu.memory_space<semaphore_mem>>) src(%arg6 : memref<48x128xf32, #tpu.memory_space<vmem>>) dst(%dma_wait3A_64 : memref<48x128xf32, #tpu.memory_space<vmem_shared>>)
      tpu.yield
    }) : () -> ()
    %add3A_21 = arith.constant 288 : i32
    %add3A_22 = arith.addi %mul3A_8, %add3A_21 : i32
    "tpu.region"() ({
      %run_scoped3A = tpu.sem_alloc : memref<!tpu.dma_semaphore, #tpu.memory_space<semaphore_mem>>
      %dma_start3A = arith.constant 0 : i32
      %dma_start3A_59 = tpu.memref_slice %arg7[%add3A_22, %dma_start3A] : memref<10000x128xf32, #tpu.memory_space<vmem_shared>> -> memref<48x128xf32, #tpu.memory_space<vmem_shared>>
      %dma_start3A_60 = arith.constant 0 : i32
      %dma_start3A_61 = tpu.memref_slice %arg7[%add3A_22, %dma_start3A_60] : memref<10000x128xf32, #tpu.memory_space<vmem_shared>> -> memref<48x128xf32, #tpu.memory_space<vmem_shared>>
      tpu.enqueue_dma source(%arg6 : memref<48x128xf32, #tpu.memory_space<vmem>>) target(%dma_start3A_61 : memref<48x128xf32, #tpu.memory_space<vmem_shared>>) target_semaphore(%run_scoped3A : memref<!tpu.dma_semaphore, #tpu.memory_space<semaphore_mem>>)
      %dma_wait3A = arith.constant 0 : i32
      %dma_wait3A_62 = tpu.memref_slice %arg7[%add3A_22, %dma_wait3A] : memref<10000x128xf32, #tpu.memory_space<vmem_shared>> -> memref<48x128xf32, #tpu.memory_space<vmem_shared>>
      %dma_wait3A_63 = arith.constant 0 : i32
      %dma_wait3A_64 = tpu.memref_slice %arg7[%add3A_22, %dma_wait3A_63] : memref<10000x128xf32, #tpu.memory_space<vmem_shared>> -> memref<48x128xf32, #tpu.memory_space<vmem_shared>>
      tpu.wait_dma2 semaphore(%run_scoped3A : memref<!tpu.dma_semaphore, #tpu.memory_space<semaphore_mem>>) src(%arg6 : memref<48x128xf32, #tpu.memory_space<vmem>>) dst(%dma_wait3A_64 : memref<48x128xf32, #tpu.memory_space<vmem_shared>>)
      tpu.yield
    }) : () -> ()
    %add3A_23 = arith.constant 336 : i32
    %add3A_24 = arith.addi %mul3A_8, %add3A_23 : i32
    "tpu.region"() ({
      %run_scoped3A = tpu.sem_alloc : memref<!tpu.dma_semaphore, #tpu.memory_space<semaphore_mem>>
      %dma_start3A = arith.constant 0 : i32
      %dma_start3A_59 = tpu.memref_slice %arg7[%add3A_24, %dma_start3A] : memref<10000x128xf32, #tpu.memory_space<vmem_shared>> -> memref<48x128xf32, #tpu.memory_space<vmem_shared>>
      %dma_start3A_60 = arith.constant 0 : i32
      %dma_start3A_61 = tpu.memref_slice %arg7[%add3A_24, %dma_start3A_60] : memref<10000x128xf32, #tpu.memory_space<vmem_shared>> -> memref<48x128xf32, #tpu.memory_space<vmem_shared>>
      tpu.enqueue_dma source(%arg6 : memref<48x128xf32, #tpu.memory_space<vmem>>) target(%dma_start3A_61 : memref<48x128xf32, #tpu.memory_space<vmem_shared>>) target_semaphore(%run_scoped3A : memref<!tpu.dma_semaphore, #tpu.memory_space<semaphore_mem>>)
      %dma_wait3A = arith.constant 0 : i32
      %dma_wait3A_62 = tpu.memref_slice %arg7[%add3A_24, %dma_wait3A] : memref<10000x128xf32, #tpu.memory_space<vmem_shared>> -> memref<48x128xf32, #tpu.memory_space<vmem_shared>>
      %dma_wait3A_63 = arith.constant 0 : i32
      %dma_wait3A_64 = tpu.memref_slice %arg7[%add3A_24, %dma_wait3A_63] : memref<10000x128xf32, #tpu.memory_space<vmem_shared>> -> memref<48x128xf32, #tpu.memory_space<vmem_shared>>
      tpu.wait_dma2 semaphore(%run_scoped3A : memref<!tpu.dma_semaphore, #tpu.memory_space<semaphore_mem>>) src(%arg6 : memref<48x128xf32, #tpu.memory_space<vmem>>) dst(%dma_wait3A_64 : memref<48x128xf32, #tpu.memory_space<vmem_shared>>)
      tpu.yield
    }) : () -> ()
    %add3A_25 = arith.constant 384 : i32
    %add3A_26 = arith.addi %mul3A_8, %add3A_25 : i32
    "tpu.region"() ({
      %run_scoped3A = tpu.sem_alloc : memref<!tpu.dma_semaphore, #tpu.memory_space<semaphore_mem>>
      %dma_start3A = arith.constant 0 : i32
      %dma_start3A_59 = tpu.memref_slice %arg7[%add3A_26, %dma_start3A] : memref<10000x128xf32, #tpu.memory_space<vmem_shared>> -> memref<48x128xf32, #tpu.memory_space<vmem_shared>>
      %dma_start3A_60 = arith.constant 0 : i32
      %dma_start3A_61 = tpu.memref_slice %arg7[%add3A_26, %dma_start3A_60] : memref<10000x128xf32, #tpu.memory_space<vmem_shared>> -> memref<48x128xf32, #tpu.memory_space<vmem_shared>>
      tpu.enqueue_dma source(%arg6 : memref<48x128xf32, #tpu.memory_space<vmem>>) target(%dma_start3A_61 : memref<48x128xf32, #tpu.memory_space<vmem_shared>>) target_semaphore(%run_scoped3A : memref<!tpu.dma_semaphore, #tpu.memory_space<semaphore_mem>>)
      %dma_wait3A = arith.constant 0 : i32
      %dma_wait3A_62 = tpu.memref_slice %arg7[%add3A_26, %dma_wait3A] : memref<10000x128xf32, #tpu.memory_space<vmem_shared>> -> memref<48x128xf32, #tpu.memory_space<vmem_shared>>
      %dma_wait3A_63 = arith.constant 0 : i32
      %dma_wait3A_64 = tpu.memref_slice %arg7[%add3A_26, %dma_wait3A_63] : memref<10000x128xf32, #tpu.memory_space<vmem_shared>> -> memref<48x128xf32, #tpu.memory_space<vmem_shared>>
      tpu.wait_dma2 semaphore(%run_scoped3A : memref<!tpu.dma_semaphore, #tpu.memory_space<semaphore_mem>>) src(%arg6 : memref<48x128xf32, #tpu.memory_space<vmem>>) dst(%dma_wait3A_64 : memref<48x128xf32, #tpu.memory_space<vmem_shared>>)
      tpu.yield
    }) : () -> ()
    %add3A_27 = arith.constant 432 : i32
    %add3A_28 = arith.addi %mul3A_8, %add3A_27 : i32
    "tpu.region"() ({
      %run_scoped3A = tpu.sem_alloc : memref<!tpu.dma_semaphore, #tpu.memory_space<semaphore_mem>>
      %dma_start3A = arith.constant 0 : i32
      %dma_start3A_59 = tpu.memref_slice %arg7[%add3A_28, %dma_start3A] : memref<10000x128xf32, #tpu.memory_space<vmem_shared>> -> memref<48x128xf32, #tpu.memory_space<vmem_shared>>
      %dma_start3A_60 = arith.constant 0 : i32
      %dma_start3A_61 = tpu.memref_slice %arg7[%add3A_28, %dma_start3A_60] : memref<10000x128xf32, #tpu.memory_space<vmem_shared>> -> memref<48x128xf32, #tpu.memory_space<vmem_shared>>
      tpu.enqueue_dma source(%arg6 : memref<48x128xf32, #tpu.memory_space<vmem>>) target(%dma_start3A_61 : memref<48x128xf32, #tpu.memory_space<vmem_shared>>) target_semaphore(%run_scoped3A : memref<!tpu.dma_semaphore, #tpu.memory_space<semaphore_mem>>)
      %dma_wait3A = arith.constant 0 : i32
      %dma_wait3A_62 = tpu.memref_slice %arg7[%add3A_28, %dma_wait3A] : memref<10000x128xf32, #tpu.memory_space<vmem_shared>> -> memref<48x128xf32, #tpu.memory_space<vmem_shared>>
      %dma_wait3A_63 = arith.constant 0 : i32
      %dma_wait3A_64 = tpu.memref_slice %arg7[%add3A_28, %dma_wait3A_63] : memref<10000x128xf32, #tpu.memory_space<vmem_shared>> -> memref<48x128xf32, #tpu.memory_space<vmem_shared>>
      tpu.wait_dma2 semaphore(%run_scoped3A : memref<!tpu.dma_semaphore, #tpu.memory_space<semaphore_mem>>) src(%arg6 : memref<48x128xf32, #tpu.memory_space<vmem>>) dst(%dma_wait3A_64 : memref<48x128xf32, #tpu.memory_space<vmem_shared>>)
      tpu.yield
    }) : () -> ()
    %add3A_29 = arith.constant 480 : i32
    %add3A_30 = arith.addi %mul3A_8, %add3A_29 : i32
    "tpu.region"() ({
      %run_scoped3A = tpu.sem_alloc : memref<!tpu.dma_semaphore, #tpu.memory_space<semaphore_mem>>
      %dma_start3A = arith.constant 0 : i32
      %dma_start3A_59 = tpu.memref_slice %arg7[%add3A_30, %dma_start3A] : memref<10000x128xf32, #tpu.memory_space<vmem_shared>> -> memref<48x128xf32, #tpu.memory_space<vmem_shared>>
      %dma_start3A_60 = arith.constant 0 : i32
      %dma_start3A_61 = tpu.memref_slice %arg7[%add3A_30, %dma_start3A_60] : memref<10000x128xf32, #tpu.memory_space<vmem_shared>> -> memref<48x128xf32, #tpu.memory_space<vmem_shared>>
      tpu.enqueue_dma source(%arg6 : memref<48x128xf32, #tpu.memory_space<vmem>>) target(%dma_start3A_61 : memref<48x128xf32, #tpu.memory_space<vmem_shared>>) target_semaphore(%run_scoped3A : memref<!tpu.dma_semaphore, #tpu.memory_space<semaphore_mem>>)
      %dma_wait3A = arith.constant 0 : i32
      %dma_wait3A_62 = tpu.memref_slice %arg7[%add3A_30, %dma_wait3A] : memref<10000x128xf32, #tpu.memory_space<vmem_shared>> -> memref<48x128xf32, #tpu.memory_space<vmem_shared>>
      %dma_wait3A_63 = arith.constant 0 : i32
      %dma_wait3A_64 = tpu.memref_slice %arg7[%add3A_30, %dma_wait3A_63] : memref<10000x128xf32, #tpu.memory_space<vmem_shared>> -> memref<48x128xf32, #tpu.memory_space<vmem_shared>>
      tpu.wait_dma2 semaphore(%run_scoped3A : memref<!tpu.dma_semaphore, #tpu.memory_space<semaphore_mem>>) src(%arg6 : memref<48x128xf32, #tpu.memory_space<vmem>>) dst(%dma_wait3A_64 : memref<48x128xf32, #tpu.memory_space<vmem_shared>>)
      tpu.yield
    }) : () -> ()
    %add3A_31 = arith.constant 528 : i32
    %add3A_32 = arith.addi %mul3A_8, %add3A_31 : i32
    "tpu.region"() ({
      %run_scoped3A = tpu.sem_alloc : memref<!tpu.dma_semaphore, #tpu.memory_space<semaphore_mem>>
      %dma_start3A = arith.constant 0 : i32
      %dma_start3A_59 = tpu.memref_slice %arg7[%add3A_32, %dma_start3A] : memref<10000x128xf32, #tpu.memory_space<vmem_shared>> -> memref<48x128xf32, #tpu.memory_space<vmem_shared>>
      %dma_start3A_60 = arith.constant 0 : i32
      %dma_start3A_61 = tpu.memref_slice %arg7[%add3A_32, %dma_start3A_60] : memref<10000x128xf32, #tpu.memory_space<vmem_shared>> -> memref<48x128xf32, #tpu.memory_space<vmem_shared>>
      tpu.enqueue_dma source(%arg6 : memref<48x128xf32, #tpu.memory_space<vmem>>) target(%dma_start3A_61 : memref<48x128xf32, #tpu.memory_space<vmem_shared>>) target_semaphore(%run_scoped3A : memref<!tpu.dma_semaphore, #tpu.memory_space<semaphore_mem>>)
      %dma_wait3A = arith.constant 0 : i32
      %dma_wait3A_62 = tpu.memref_slice %arg7[%add3A_32, %dma_wait3A] : memref<10000x128xf32, #tpu.memory_space<vmem_shared>> -> memref<48x128xf32, #tpu.memory_space<vmem_shared>>
      %dma_wait3A_63 = arith.constant 0 : i32
      %dma_wait3A_64 = tpu.memref_slice %arg7[%add3A_32, %dma_wait3A_63] : memref<10000x128xf32, #tpu.memory_space<vmem_shared>> -> memref<48x128xf32, #tpu.memory_space<vmem_shared>>
      tpu.wait_dma2 semaphore(%run_scoped3A : memref<!tpu.dma_semaphore, #tpu.memory_space<semaphore_mem>>) src(%arg6 : memref<48x128xf32, #tpu.memory_space<vmem>>) dst(%dma_wait3A_64 : memref<48x128xf32, #tpu.memory_space<vmem_shared>>)
      tpu.yield
    }) : () -> ()
    %add3A_33 = arith.constant 576 : i32
    %add3A_34 = arith.addi %mul3A_8, %add3A_33 : i32
    "tpu.region"() ({
      %run_scoped3A = tpu.sem_alloc : memref<!tpu.dma_semaphore, #tpu.memory_space<semaphore_mem>>
      %dma_start3A = arith.constant 0 : i32
      %dma_start3A_59 = tpu.memref_slice %arg7[%add3A_34, %dma_start3A] : memref<10000x128xf32, #tpu.memory_space<vmem_shared>> -> memref<48x128xf32, #tpu.memory_space<vmem_shared>>
      %dma_start3A_60 = arith.constant 0 : i32
      %dma_start3A_61 = tpu.memref_slice %arg7[%add3A_34, %dma_start3A_60] : memref<10000x128xf32, #tpu.memory_space<vmem_shared>> -> memref<48x128xf32, #tpu.memory_space<vmem_shared>>
      tpu.enqueue_dma source(%arg6 : memref<48x128xf32, #tpu.memory_space<vmem>>) target(%dma_start3A_61 : memref<48x128xf32, #tpu.memory_space<vmem_shared>>) target_semaphore(%run_scoped3A : memref<!tpu.dma_semaphore, #tpu.memory_space<semaphore_mem>>)
      %dma_wait3A = arith.constant 0 : i32
      %dma_wait3A_62 = tpu.memref_slice %arg7[%add3A_34, %dma_wait3A] : memref<10000x128xf32, #tpu.memory_space<vmem_shared>> -> memref<48x128xf32, #tpu.memory_space<vmem_shared>>
      %dma_wait3A_63 = arith.constant 0 : i32
      %dma_wait3A_64 = tpu.memref_slice %arg7[%add3A_34, %dma_wait3A_63] : memref<10000x128xf32, #tpu.memory_space<vmem_shared>> -> memref<48x128xf32, #tpu.memory_space<vmem_shared>>
      tpu.wait_dma2 semaphore(%run_scoped3A : memref<!tpu.dma_semaphore, #tpu.memory_space<semaphore_mem>>) src(%arg6 : memref<48x128xf32, #tpu.memory_space<vmem>>) dst(%dma_wait3A_64 : memref<48x128xf32, #tpu.memory_space<vmem_shared>>)
      tpu.yield
    }) : () -> ()
    %eq3A = arith.constant 0 : i32
    %eq3A_35 = arith.cmpi eq, %arg1, %eq3A : i32
    %convert_element_type3A = arith.extui %eq3A_35 : i1 to i32
    %cond3A = arith.constant 0 : i32
    %cond3A_36 = arith.cmpi ne, %convert_element_type3A, %cond3A : i32
    scf.if %cond3A_36 {
      "tpu.region"() ({
        %run_scoped3A = tpu.sem_alloc : memref<!tpu.dma_semaphore, #tpu.memory_space<semaphore_mem>>
        %dma_start3A = arith.constant 0 : i32
        %dma_start3A_59 = arith.constant 0 : i32
        %dma_start3A_60 = tpu.memref_slice %arg6[%dma_start3A, %dma_start3A_59] : memref<48x128xf32, #tpu.memory_space<vmem>> -> memref<16x128xf32, #tpu.memory_space<vmem>>
        %dma_start3A_61 = arith.constant 9984 : i32
        %dma_start3A_62 = arith.constant 0 : i32
        %dma_start3A_63 = tpu.memref_slice %arg7[%dma_start3A_61, %dma_start3A_62] : memref<10000x128xf32, #tpu.memory_space<vmem_shared>> -> memref<16x128xf32, #tpu.memory_space<vmem_shared>>
        %dma_start3A_64 = arith.constant 9984 : i32
        %dma_start3A_65 = arith.constant 0 : i32
        %dma_start3A_66 = tpu.memref_slice %arg7[%dma_start3A_64, %dma_start3A_65] : memref<10000x128xf32, #tpu.memory_space<vmem_shared>> -> memref<16x128xf32, #tpu.memory_space<vmem_shared>>
        %dma_start3A_67 = arith.constant 0 : i32
        %dma_start3A_68 = arith.constant 0 : i32
        %dma_start3A_69 = tpu.memref_slice %arg6[%dma_start3A_67, %dma_start3A_68] : memref<48x128xf32, #tpu.memory_space<vmem>> -> memref<16x128xf32, #tpu.memory_space<vmem>>
        tpu.enqueue_dma source(%dma_start3A_69 : memref<16x128xf32, #tpu.memory_space<vmem>>) target(%dma_start3A_66 : memref<16x128xf32, #tpu.memory_space<vmem_shared>>) target_semaphore(%run_scoped3A : memref<!tpu.dma_semaphore, #tpu.memory_space<semaphore_mem>>)
        %dma_wait3A = arith.constant 0 : i32
        %dma_wait3A_70 = arith.constant 0 : i32
        %dma_wait3A_71 = tpu.memref_slice %arg6[%dma_wait3A, %dma_wait3A_70] : memref<48x128xf32, #tpu.memory_space<vmem>> -> memref<16x128xf32, #tpu.memory_space<vmem>>
        %dma_wait3A_72 = arith.constant 9984 : i32
        %dma_wait3A_73 = arith.constant 0 : i32
        %dma_wait3A_74 = tpu.memref_slice %arg7[%dma_wait3A_72, %dma_wait3A_73] : memref<10000x128xf32, #tpu.memory_space<vmem_shared>> -> memref<16x128xf32, #tpu.memory_space<vmem_shared>>
        %dma_wait3A_75 = arith.constant 9984 : i32
        %dma_wait3A_76 = arith.constant 0 : i32
        %dma_wait3A_77 = tpu.memref_slice %arg7[%dma_wait3A_75, %dma_wait3A_76] : memref<10000x128xf32, #tpu.memory_space<vmem_shared>> -> memref<16x128xf32, #tpu.memory_space<vmem_shared>>
        %dma_wait3A_78 = arith.constant 0 : i32
        %dma_wait3A_79 = arith.constant 0 : i32
        %dma_wait3A_80 = tpu.memref_slice %arg6[%dma_wait3A_78, %dma_wait3A_79] : memref<48x128xf32, #tpu.memory_space<vmem>> -> memref<16x128xf32, #tpu.memory_space<vmem>>
        tpu.wait_dma2 semaphore(%run_scoped3A : memref<!tpu.dma_semaphore, #tpu.memory_space<semaphore_mem>>) src(%dma_wait3A_80 : memref<16x128xf32, #tpu.memory_space<vmem>>) dst(%dma_wait3A_77 : memref<16x128xf32, #tpu.memory_space<vmem_shared>>)
        tpu.yield
      }) : () -> ()
    } else {
    }
    %scan3A_37 = arith.constant 0 : i32
    %scan3A_38 = arith.constant 0 : i32
    %scan3A_39 = arith.constant 80 : i32
    %scan3A_40 = arith.addi %scan3A_38, %scan3A_39 : i32
    %scan3A_41 = arith.constant 1 : i32
    %scan3A_42 = scf.for %scan3A_59 = %scan3A_38 to %scan3A_40 step %scan3A_41 iter_args(%scan3A_60 = %scan3A_37) -> (i32)  : i32 {
      %scan3A_61 = arith.constant 0 : i32
      %scan3A_62 = arith.constant 0 : i32
      %scan3A_63 = arith.constant 8 : i32
      %scan3A_64 = arith.addi %scan3A_62, %scan3A_63 : i32
      %scan3A_65 = arith.constant 1 : i32
      %scan3A_66 = scf.for %scan3A_68 = %scan3A_62 to %scan3A_64 step %scan3A_65 iter_args(%scan3A_69 = %scan3A_61) -> (i32)  : i32 {
        %broadcast_in_dim3A = arith.constant 1.000000e+00 : f32
        %broadcast_in_dim3A_70 = vector.broadcast %broadcast_in_dim3A : f32 to vector<16xf32>
        %mul3A_71 = arith.constant 16 : i32
        %mul3A_72 = arith.muli %scan3A_68, %mul3A_71 : i32
        %swap3A = arith.index_cast %scan3A_59 : i32 to index
        %swap3A_73 = arith.index_cast %mul3A_72 : i32 to index
        %swap3A_74 = tpu.vector_load %arg5[%swap3A, %swap3A_73] {strides = array<i32>} : memref<80x128xf32, #tpu.memory_space<vmem>>, vector<1x16xf32>,
        %swap3A_75 = vector.shape_cast %swap3A_74 : vector<1x16xf32> to vector<16xf32>
        %swap3A_76 = vector.shape_cast %broadcast_in_dim3A_70 : vector<16xf32> to vector<1x16xf32>
        tpu.vector_store %arg5[%swap3A, %swap3A_73], %swap3A_76 {strides = array<i32>} : memref<80x128xf32, #tpu.memory_space<vmem>>, vector<1x16xf32>,
        %scan3A_77 = arith.constant 0 : i32
        scf.yield %scan3A_77 : i32
      }
      %scan3A_67 = arith.constant 8 : i32
      scf.yield %scan3A_66 : i32
    }
    %scan3A_43 = arith.constant 80 : i32
    %barrier3A = arith.constant 0 : index
    tpu.barrier barrier_id(%barrier3A)
    %scan3A_44 = arith.constant 0 : i32
    %scan3A_45 = arith.constant 0 : i32
    %scan3A_46 = arith.constant 5 : i32
    %scan3A_47 = arith.addi %scan3A_45, %scan3A_46 : i32
    %scan3A_48 = arith.constant 1 : i32
    %scan3A_49 = scf.for %scan3A_59 = %scan3A_45 to %scan3A_47 step %scan3A_48 iter_args(%scan3A_60 = %scan3A_44) -> (i32)  : i32 {
      "tpu.region"() ({
        %run_scoped3A = tpu.sem_alloc : memref<!tpu.dma_semaphore, #tpu.memory_space<semaphore_mem>>
        %dma_start3A = arith.constant 0 : i32
        %dma_start3A_68 = arith.constant 0 : i32
        %dma_start3A_69 = tpu.memref_slice %arg2[%add3A, %scan3A_59, %dma_start3A, %dma_start3A_68] : memref<32x5x25x80xi32, #tpu.memory_space<hbm>> -> memref<1x1x25x80xi32, #tpu.memory_space<hbm>>
        %dma_start3A_70 = tpu.memref_squeeze %dma_start3A_69 : memref<1x1x25x80xi32, #tpu.memory_space<hbm>> -> memref<25x80xi32, #tpu.memory_space<hbm>>
        %dma_start3A_71 = arith.constant 0 : i32
        %dma_start3A_72 = arith.constant 0 : i32
        %dma_start3A_73 = tpu.memref_slice %arg2[%add3A, %scan3A_59, %dma_start3A_71, %dma_start3A_72] : memref<32x5x25x80xi32, #tpu.memory_space<hbm>> -> memref<1x1x25x80xi32, #tpu.memory_space<hbm>>
        %dma_start3A_74 = tpu.memref_squeeze %dma_start3A_73 : memref<1x1x25x80xi32, #tpu.memory_space<hbm>> -> memref<25x80xi32, #tpu.memory_space<hbm>>
        tpu.enqueue_dma source(%dma_start3A_74 : memref<25x80xi32, #tpu.memory_space<hbm>>) target(%arg4 : memref<25x80xi32, #tpu.memory_space<vmem>>) target_semaphore(%run_scoped3A : memref<!tpu.dma_semaphore, #tpu.memory_space<semaphore_mem>>)
        %dma_wait3A = arith.constant 0 : i32
        %dma_wait3A_75 = arith.constant 0 : i32
        %dma_wait3A_76 = tpu.memref_slice %arg2[%add3A, %scan3A_59, %dma_wait3A, %dma_wait3A_75] : memref<32x5x25x80xi32, #tpu.memory_space<hbm>> -> memref<1x1x25x80xi32, #tpu.memory_space<hbm>>
        %dma_wait3A_77 = tpu.memref_squeeze %dma_wait3A_76 : memref<1x1x25x80xi32, #tpu.memory_space<hbm>> -> memref<25x80xi32, #tpu.memory_space<hbm>>
        %dma_wait3A_78 = arith.constant 0 : i32
        %dma_wait3A_79 = arith.constant 0 : i32
        %dma_wait3A_80 = tpu.memref_slice %arg2[%add3A, %scan3A_59, %dma_wait3A_78, %dma_wait3A_79] : memref<32x5x25x80xi32, #tpu.memory_space<hbm>> -> memref<1x1x25x80xi32, #tpu.memory_space<hbm>>
        %dma_wait3A_81 = tpu.memref_squeeze %dma_wait3A_80 : memref<1x1x25x80xi32, #tpu.memory_space<hbm>> -> memref<25x80xi32, #tpu.memory_space<hbm>>
        tpu.wait_dma2 semaphore(%run_scoped3A : memref<!tpu.dma_semaphore, #tpu.memory_space<semaphore_mem>>) src(%dma_wait3A_81 : memref<25x80xi32, #tpu.memory_space<hbm>>) dst(%arg4 : memref<25x80xi32, #tpu.memory_space<vmem>>)
        tpu.yield
      }) : () -> ()
      %scan3A_61 = arith.constant 0 : i32
      %scan3A_62 = arith.constant 0 : i32
      %scan3A_63 = arith.constant 25 : i32
      %scan3A_64 = arith.addi %scan3A_62, %scan3A_63 : i32
      %scan3A_65 = arith.constant 1 : i32
      %scan3A_66 = scf.for %scan3A_68 = %scan3A_62 to %scan3A_64 step %scan3A_65 iter_args(%scan3A_69 = %scan3A_61) -> (i32)  : i32 {
        "tpu.region"() ({
          %run_scoped3A = tpu.sem_alloc : memref<!tpu.dma_semaphore, #tpu.memory_space<semaphore_mem>>
          %dma_start3A = arith.constant 0 : i32
          %dma_start3A_71 = tpu.memref_slice %arg4[%scan3A_68, %dma_start3A] : memref<25x80xi32, #tpu.memory_space<vmem>> -> memref<1x80xi32, #tpu.memory_space<vmem>>
          %dma_start3A_72 = tpu.memref_squeeze %dma_start3A_71 : memref<1x80xi32, #tpu.memory_space<vmem>> -> memref<80xi32, #tpu.memory_space<vmem>>
          %dma_start3A_73 = arith.constant 0 : i32
          %dma_start3A_74 = arith.constant 0 : i32
          %dma_start3A_75 = tpu.memref_slice %arg7[%dma_start3A_73, %dma_start3A_74] : memref<10000x128xf32, #tpu.memory_space<vmem_shared>> -> memref<10000x128xf32, #tpu.memory_space<vmem_shared>>
          tpu.enqueue_indirect_dma source(%arg5 : memref<80x128xf32, #tpu.memory_space<vmem>>) target(%dma_start3A_75 : memref<10000x128xf32, #tpu.memory_space<vmem_shared>>) offsets(%dma_start3A_72 : memref<80xi32, #tpu.memory_space<vmem>>) semaphore(%run_scoped3A : memref<!tpu.dma_semaphore, #tpu.memory_space<semaphore_mem>>) {add = true}
          %dma_wait3A = arith.constant 0 : i32
          %dma_wait3A_76 = tpu.memref_slice %arg4[%scan3A_68, %dma_wait3A] : memref<25x80xi32, #tpu.memory_space<vmem>> -> memref<1x80xi32, #tpu.memory_space<vmem>>
          %dma_wait3A_77 = tpu.memref_squeeze %dma_wait3A_76 : memref<1x80xi32, #tpu.memory_space<vmem>> -> memref<80xi32, #tpu.memory_space<vmem>>
          %dma_wait3A_78 = arith.constant 0 : i32
          %dma_wait3A_79 = arith.constant 0 : i32
          %dma_wait3A_80 = tpu.memref_slice %arg7[%dma_wait3A_78, %dma_wait3A_79] : memref<10000x128xf32, #tpu.memory_space<vmem_shared>> -> memref<10000x128xf32, #tpu.memory_space<vmem_shared>>
          tpu.wait_indirect_dma semaphore(%run_scoped3A : memref<!tpu.dma_semaphore, #tpu.memory_space<semaphore_mem>>) src(%arg5 : memref<80x128xf32, #tpu.memory_space<vmem>>) dst(%dma_wait3A_80 : memref<10000x128xf32, #tpu.memory_space<vmem_shared>>)
          tpu.yield
        }) : () -> ()
        %scan3A_70 = arith.constant 0 : i32
        scf.yield %scan3A_70 : i32
      }
      %scan3A_67 = arith.constant 25 : i32
      scf.yield %scan3A_66 : i32
    }
    %scan3A_50 = arith.constant 5 : i32
    %barrier3A_51 = arith.constant 0 : index
    tpu.barrier barrier_id(%barrier3A_51)
    %mul3A_52 = arith.constant 624 : i32
    %mul3A_53 = arith.muli %arg1, %mul3A_52 : i32
    "tpu.region"() ({
      %run_scoped3A = tpu.sem_alloc : memref<!tpu.dma_semaphore, #tpu.memory_space<semaphore_mem>>
      %dma_start3A = arith.constant 0 : i32
      %dma_start3A_59 = tpu.memref_slice %arg3[%arg0, %mul3A_53, %dma_start3A] : memref<2x10000x128xf32, #tpu.memory_space<hbm>> -> memref<1x624x128xf32, #tpu.memory_space<hbm>>
      %dma_start3A_60 = tpu.memref_squeeze %dma_start3A_59 : memref<1x624x128xf32, #tpu.memory_space<hbm>> -> memref<624x128xf32, #tpu.memory_space<hbm>>
      %dma_start3A_61 = arith.constant 0 : i32
      %dma_start3A_62 = tpu.memref_slice %arg7[%mul3A_53, %dma_start3A_61] : memref<10000x128xf32, #tpu.memory_space<vmem_shared>> -> memref<624x128xf32, #tpu.memory_space<vmem_shared>>
      tpu.enqueue_dma source(%dma_start3A_62 : memref<624x128xf32, #tpu.memory_space<vmem_shared>>) target(%dma_start3A_60 : memref<624x128xf32, #tpu.memory_space<hbm>>) target_semaphore(%run_scoped3A : memref<!tpu.dma_semaphore, #tpu.memory_space<semaphore_mem>>)
      %dma_wait3A = arith.constant 0 : i32
      %dma_wait3A_63 = tpu.memref_slice %arg3[%arg0, %mul3A_53, %dma_wait3A] : memref<2x10000x128xf32, #tpu.memory_space<hbm>> -> memref<1x624x128xf32, #tpu.memory_space<hbm>>
      %dma_wait3A_64 = tpu.memref_squeeze %dma_wait3A_63 : memref<1x624x128xf32, #tpu.memory_space<hbm>> -> memref<624x128xf32, #tpu.memory_space<hbm>>
      %dma_wait3A_65 = arith.constant 0 : i32
      %dma_wait3A_66 = tpu.memref_slice %arg7[%mul3A_53, %dma_wait3A_65] : memref<10000x128xf32, #tpu.memory_space<vmem_shared>> -> memref<624x128xf32, #tpu.memory_space<vmem_shared>>
      tpu.wait_dma2 semaphore(%run_scoped3A : memref<!tpu.dma_semaphore, #tpu.memory_space<semaphore_mem>>) src(%dma_wait3A_66 : memref<624x128xf32, #tpu.memory_space<vmem_shared>>) dst(%dma_wait3A_64 : memref<624x128xf32, #tpu.memory_space<hbm>>)
      tpu.yield
    }) : () -> ()
    %eq3A_54 = arith.constant 0 : i32
    %eq3A_55 = arith.cmpi eq, %arg1, %eq3A_54 : i32
    %convert_element_type3A_56 = arith.extui %eq3A_55 : i1 to i32
    %cond3A_57 = arith.constant 0 : i32
    %cond3A_58 = arith.cmpi ne, %convert_element_type3A_56, %cond3A_57 : i32
    scf.if %cond3A_58 {
      "tpu.region"() ({
        %run_scoped3A = tpu.sem_alloc : memref<!tpu.dma_semaphore, #tpu.memory_space<semaphore_mem>>
        %dma_start3A = arith.constant 9984 : i32
        %dma_start3A_59 = arith.constant 0 : i32
        %dma_start3A_60 = tpu.memref_slice %arg3[%arg0, %dma_start3A, %dma_start3A_59] : memref<2x10000x128xf32, #tpu.memory_space<hbm>> -> memref<1x16x128xf32, #tpu.memory_space<hbm>>
        %dma_start3A_61 = tpu.memref_squeeze %dma_start3A_60 : memref<1x16x128xf32, #tpu.memory_space<hbm>> -> memref<16x128xf32, #tpu.memory_space<hbm>>
        %dma_start3A_62 = arith.constant 9984 : i32
        %dma_start3A_63 = arith.constant 0 : i32
        %dma_start3A_64 = tpu.memref_slice %arg7[%dma_start3A_62, %dma_start3A_63] : memref<10000x128xf32, #tpu.memory_space<vmem_shared>> -> memref<16x128xf32, #tpu.memory_space<vmem_shared>>
        tpu.enqueue_dma source(%dma_start3A_64 : memref<16x128xf32, #tpu.memory_space<vmem_shared>>) target(%dma_start3A_61 : memref<16x128xf32, #tpu.memory_space<hbm>>) target_semaphore(%run_scoped3A : memref<!tpu.dma_semaphore, #tpu.memory_space<semaphore_mem>>)
        %dma_wait3A = arith.constant 9984 : i32
        %dma_wait3A_65 = arith.constant 0 : i32
        %dma_wait3A_66 = tpu.memref_slice %arg3[%arg0, %dma_wait3A, %dma_wait3A_65] : memref<2x10000x128xf32, #tpu.memory_space<hbm>> -> memref<1x16x128xf32, #tpu.memory_space<hbm>>
        %dma_wait3A_67 = tpu.memref_squeeze %dma_wait3A_66 : memref<1x16x128xf32, #tpu.memory_space<hbm>> -> memref<16x128xf32, #tpu.memory_space<hbm>>
        %dma_wait3A_68 = arith.constant 9984 : i32
        %dma_wait3A_69 = arith.constant 0 : i32
        %dma_wait3A_70 = tpu.memref_slice %arg7[%dma_wait3A_68, %dma_wait3A_69] : memref<10000x128xf32, #tpu.memory_space<vmem_shared>> -> memref<16x128xf32, #tpu.memory_space<vmem_shared>>
        tpu.wait_dma2 semaphore(%run_scoped3A : memref<!tpu.dma_semaphore, #tpu.memory_space<semaphore_mem>>) src(%dma_wait3A_70 : memref<16x128xf32, #tpu.memory_space<vmem_shared>>) dst(%dma_wait3A_67 : memref<16x128xf32, #tpu.memory_space<hbm>>)
        tpu.yield
      }) : () -> ()
    } else {
    }
    return
  }
}

#map = affine_map<(d0, d1) -> (0, 0)>
#map1 = affine_map<(d0, d1) -> (0, 0, 0, 0)>
module attributes {stable_mosaic.version = 14 : i64} {
  func.func @body(%arg0: i32, %arg1: i32, %arg2: memref<10000x128xf32, #tpu.memory_space<hbm>>, %arg3: memref<10000x128xf32, #tpu.memory_space<hbm>>, %arg4: memref<32x5x25x80xi32, #tpu.memory_space<hbm>>, %arg5: memref<32x5x25x80xi32, #tpu.memory_space<hbm>>, %arg6: memref<32x125x80x16xf32, #tpu.memory_space<hbm>>, %arg7: memref<25x80xi32, #tpu.memory_space<vmem>>, %arg8: memref<25x80xi32, #tpu.memory_space<vmem>>, %arg9: memref<80x128xf32, #tpu.memory_space<vmem>>, %arg10: memref<80x128xf32, #tpu.memory_space<vmem>>, %arg11: memref<80x128xf32, #tpu.memory_space<vmem>>, %arg12: memref<80x128xf32, #tpu.memory_space<vmem>>, %arg13: memref<80x16xf32, #tpu.memory_space<vmem>>, %arg14: memref<!tpu.dma_semaphore, #tpu.memory_space<semaphore_mem>>, %arg15: memref<!tpu.dma_semaphore, #tpu.memory_space<semaphore_mem>>, %arg16: memref<!tpu.dma_semaphore, #tpu.memory_space<semaphore_mem>>, %arg17: memref<!tpu.dma_semaphore, #tpu.memory_space<semaphore_mem>>) attributes {dimension_semantics = [#tpu.dimension_semantics<core_parallel>, #tpu.dimension_semantics<subcore_parallel>], iteration_bounds = array<i64: 2, 16>, scalar_prefetch = 0 : i64, scratch_operands = 11 : i64, tpu.core_type = #tpu.core_type<sc_vector_subcore>, window_params = [{transform_indices = #map}, {transform_indices = #map}, {transform_indices = #map1}, {transform_indices = #map1}, {transform_indices = #map1}]} {
    %mul3A = arith.constant 16 : i32
    %mul3A_0 = arith.muli %arg0, %mul3A : i32
    %add3A = arith.addi %mul3A_0, %arg1 : i32
    %scan3A = arith.constant 0 : i32
    %scan3A_1 = arith.constant 0 : i32
    %scan3A_2 = arith.constant 5 : i32
    %scan3A_3 = arith.addi %scan3A_1, %scan3A_2 : i32
    %scan3A_4 = arith.constant 1 : i32
    %scan3A_5 = scf.for %scan3A_7 = %scan3A_1 to %scan3A_3 step %scan3A_4 iter_args(%scan3A_8 = %scan3A) -> (i32)  : i32 {
      "tpu.region"() ({
        %run_scoped3A = tpu.sem_alloc : memref<!tpu.dma_semaphore, #tpu.memory_space<semaphore_mem>>
        %dma_start3A_54 = arith.constant 0 : i32
        %dma_start3A_55 = arith.constant 0 : i32
        %dma_start3A_56 = tpu.memref_slice %arg4[%add3A, %scan3A_7, %dma_start3A_54, %dma_start3A_55] : memref<32x5x25x80xi32, #tpu.memory_space<hbm>> -> memref<1x1x25x80xi32, #tpu.memory_space<hbm>>
        %dma_start3A_57 = tpu.memref_squeeze %dma_start3A_56 : memref<1x1x25x80xi32, #tpu.memory_space<hbm>> -> memref<25x80xi32, #tpu.memory_space<hbm>>
        %dma_start3A_58 = arith.constant 0 : i32
        %dma_start3A_59 = arith.constant 0 : i32
        %dma_start3A_60 = tpu.memref_slice %arg4[%add3A, %scan3A_7, %dma_start3A_58, %dma_start3A_59] : memref<32x5x25x80xi32, #tpu.memory_space<hbm>> -> memref<1x1x25x80xi32, #tpu.memory_space<hbm>>
        %dma_start3A_61 = tpu.memref_squeeze %dma_start3A_60 : memref<1x1x25x80xi32, #tpu.memory_space<hbm>> -> memref<25x80xi32, #tpu.memory_space<hbm>>
        tpu.enqueue_dma source(%dma_start3A_61 : memref<25x80xi32, #tpu.memory_space<hbm>>) target(%arg7 : memref<25x80xi32, #tpu.memory_space<vmem>>) target_semaphore(%run_scoped3A : memref<!tpu.dma_semaphore, #tpu.memory_space<semaphore_mem>>)
        %dma_wait3A_62 = arith.constant 0 : i32
        %dma_wait3A_63 = arith.constant 0 : i32
        %dma_wait3A_64 = tpu.memref_slice %arg4[%add3A, %scan3A_7, %dma_wait3A_62, %dma_wait3A_63] : memref<32x5x25x80xi32, #tpu.memory_space<hbm>> -> memref<1x1x25x80xi32, #tpu.memory_space<hbm>>
        %dma_wait3A_65 = tpu.memref_squeeze %dma_wait3A_64 : memref<1x1x25x80xi32, #tpu.memory_space<hbm>> -> memref<25x80xi32, #tpu.memory_space<hbm>>
        %dma_wait3A_66 = arith.constant 0 : i32
        %dma_wait3A_67 = arith.constant 0 : i32
        %dma_wait3A_68 = tpu.memref_slice %arg4[%add3A, %scan3A_7, %dma_wait3A_66, %dma_wait3A_67] : memref<32x5x25x80xi32, #tpu.memory_space<hbm>> -> memref<1x1x25x80xi32, #tpu.memory_space<hbm>>
        %dma_wait3A_69 = tpu.memref_squeeze %dma_wait3A_68 : memref<1x1x25x80xi32, #tpu.memory_space<hbm>> -> memref<25x80xi32, #tpu.memory_space<hbm>>
        tpu.wait_dma2 semaphore(%run_scoped3A : memref<!tpu.dma_semaphore, #tpu.memory_space<semaphore_mem>>) src(%dma_wait3A_69 : memref<25x80xi32, #tpu.memory_space<hbm>>) dst(%arg7 : memref<25x80xi32, #tpu.memory_space<vmem>>)
        tpu.yield
      }) : () -> ()
      "tpu.region"() ({
        %run_scoped3A = tpu.sem_alloc : memref<!tpu.dma_semaphore, #tpu.memory_space<semaphore_mem>>
        %dma_start3A_54 = arith.constant 0 : i32
        %dma_start3A_55 = arith.constant 0 : i32
        %dma_start3A_56 = tpu.memref_slice %arg5[%add3A, %scan3A_7, %dma_start3A_54, %dma_start3A_55] : memref<32x5x25x80xi32, #tpu.memory_space<hbm>> -> memref<1x1x25x80xi32, #tpu.memory_space<hbm>>
        %dma_start3A_57 = tpu.memref_squeeze %dma_start3A_56 : memref<1x1x25x80xi32, #tpu.memory_space<hbm>> -> memref<25x80xi32, #tpu.memory_space<hbm>>
        %dma_start3A_58 = arith.constant 0 : i32
        %dma_start3A_59 = arith.constant 0 : i32
        %dma_start3A_60 = tpu.memref_slice %arg5[%add3A, %scan3A_7, %dma_start3A_58, %dma_start3A_59] : memref<32x5x25x80xi32, #tpu.memory_space<hbm>> -> memref<1x1x25x80xi32, #tpu.memory_space<hbm>>
        %dma_start3A_61 = tpu.memref_squeeze %dma_start3A_60 : memref<1x1x25x80xi32, #tpu.memory_space<hbm>> -> memref<25x80xi32, #tpu.memory_space<hbm>>
        tpu.enqueue_dma source(%dma_start3A_61 : memref<25x80xi32, #tpu.memory_space<hbm>>) target(%arg8 : memref<25x80xi32, #tpu.memory_space<vmem>>) target_semaphore(%run_scoped3A : memref<!tpu.dma_semaphore, #tpu.memory_space<semaphore_mem>>)
        %dma_wait3A_62 = arith.constant 0 : i32
        %dma_wait3A_63 = arith.constant 0 : i32
        %dma_wait3A_64 = tpu.memref_slice %arg5[%add3A, %scan3A_7, %dma_wait3A_62, %dma_wait3A_63] : memref<32x5x25x80xi32, #tpu.memory_space<hbm>> -> memref<1x1x25x80xi32, #tpu.memory_space<hbm>>
        %dma_wait3A_65 = tpu.memref_squeeze %dma_wait3A_64 : memref<1x1x25x80xi32, #tpu.memory_space<hbm>> -> memref<25x80xi32, #tpu.memory_space<hbm>>
        %dma_wait3A_66 = arith.constant 0 : i32
        %dma_wait3A_67 = arith.constant 0 : i32
        %dma_wait3A_68 = tpu.memref_slice %arg5[%add3A, %scan3A_7, %dma_wait3A_66, %dma_wait3A_67] : memref<32x5x25x80xi32, #tpu.memory_space<hbm>> -> memref<1x1x25x80xi32, #tpu.memory_space<hbm>>
        %dma_wait3A_69 = tpu.memref_squeeze %dma_wait3A_68 : memref<1x1x25x80xi32, #tpu.memory_space<hbm>> -> memref<25x80xi32, #tpu.memory_space<hbm>>
        tpu.wait_dma2 semaphore(%run_scoped3A : memref<!tpu.dma_semaphore, #tpu.memory_space<semaphore_mem>>) src(%dma_wait3A_69 : memref<25x80xi32, #tpu.memory_space<hbm>>) dst(%arg8 : memref<25x80xi32, #tpu.memory_space<vmem>>)
        tpu.yield
      }) : () -> ()
      %scan3A_9 = arith.constant 0 : i32
      %scan3A_10 = arith.constant 0 : i32
      %scan3A_11 = arith.constant 12 : i32
      %scan3A_12 = arith.addi %scan3A_10, %scan3A_11 : i32
      %scan3A_13 = arith.constant 1 : i32
      %scan3A_14 = scf.for %scan3A_54 = %scan3A_10 to %scan3A_12 step %scan3A_13 iter_args(%scan3A_55 = %scan3A_9) -> (i32)  : i32 {
        %mul3A_56 = arith.constant 2 : i32
        %mul3A_57 = arith.muli %mul3A_56, %scan3A_54 : i32
        %add3A_58 = arith.constant 1 : i32
        %add3A_59 = arith.addi %mul3A_57, %add3A_58 : i32
        %dma_start3A_60 = arith.constant 0 : i32
        %dma_start3A_61 = tpu.memref_slice %arg7[%mul3A_57, %dma_start3A_60] : memref<25x80xi32, #tpu.memory_space<vmem>> -> memref<1x80xi32, #tpu.memory_space<vmem>>
        %dma_start3A_62 = tpu.memref_squeeze %dma_start3A_61 : memref<1x80xi32, #tpu.memory_space<vmem>> -> memref<80xi32, #tpu.memory_space<vmem>>
        %dma_start3A_63 = arith.constant 0 : i32
        %dma_start3A_64 = arith.constant 0 : i32
        %dma_start3A_65 = tpu.memref_slice %arg2[%dma_start3A_63, %dma_start3A_64] : memref<10000x128xf32, #tpu.memory_space<hbm>> -> memref<10000x128xf32, #tpu.memory_space<hbm>>
        tpu.enqueue_indirect_dma source(%dma_start3A_65 : memref<10000x128xf32, #tpu.memory_space<hbm>>) target(%arg9 : memref<80x128xf32, #tpu.memory_space<vmem>>) offsets(%dma_start3A_62 : memref<80xi32, #tpu.memory_space<vmem>>) semaphore(%arg14 : memref<!tpu.dma_semaphore, #tpu.memory_space<semaphore_mem>>)
        %dma_start3A_66 = arith.constant 0 : i32
        %dma_start3A_67 = tpu.memref_slice %arg8[%mul3A_57, %dma_start3A_66] : memref<25x80xi32, #tpu.memory_space<vmem>> -> memref<1x80xi32, #tpu.memory_space<vmem>>
        %dma_start3A_68 = tpu.memref_squeeze %dma_start3A_67 : memref<1x80xi32, #tpu.memory_space<vmem>> -> memref<80xi32, #tpu.memory_space<vmem>>
        %dma_start3A_69 = arith.constant 0 : i32
        %dma_start3A_70 = arith.constant 0 : i32
        %dma_start3A_71 = tpu.memref_slice %arg3[%dma_start3A_69, %dma_start3A_70] : memref<10000x128xf32, #tpu.memory_space<hbm>> -> memref<10000x128xf32, #tpu.memory_space<hbm>>
        tpu.enqueue_indirect_dma source(%dma_start3A_71 : memref<10000x128xf32, #tpu.memory_space<hbm>>) target(%arg10 : memref<80x128xf32, #tpu.memory_space<vmem>>) offsets(%dma_start3A_68 : memref<80xi32, #tpu.memory_space<vmem>>) semaphore(%arg15 : memref<!tpu.dma_semaphore, #tpu.memory_space<semaphore_mem>>)
        %dma_start3A_72 = arith.constant 0 : i32
        %dma_start3A_73 = tpu.memref_slice %arg7[%add3A_59, %dma_start3A_72] : memref<25x80xi32, #tpu.memory_space<vmem>> -> memref<1x80xi32, #tpu.memory_space<vmem>>
        %dma_start3A_74 = tpu.memref_squeeze %dma_start3A_73 : memref<1x80xi32, #tpu.memory_space<vmem>> -> memref<80xi32, #tpu.memory_space<vmem>>
        %dma_start3A_75 = arith.constant 0 : i32
        %dma_start3A_76 = arith.constant 0 : i32
        %dma_start3A_77 = tpu.memref_slice %arg2[%dma_start3A_75, %dma_start3A_76] : memref<10000x128xf32, #tpu.memory_space<hbm>> -> memref<10000x128xf32, #tpu.memory_space<hbm>>
        tpu.enqueue_indirect_dma source(%dma_start3A_77 : memref<10000x128xf32, #tpu.memory_space<hbm>>) target(%arg11 : memref<80x128xf32, #tpu.memory_space<vmem>>) offsets(%dma_start3A_74 : memref<80xi32, #tpu.memory_space<vmem>>) semaphore(%arg16 : memref<!tpu.dma_semaphore, #tpu.memory_space<semaphore_mem>>)
        %dma_start3A_78 = arith.constant 0 : i32
        %dma_start3A_79 = tpu.memref_slice %arg8[%add3A_59, %dma_start3A_78] : memref<25x80xi32, #tpu.memory_space<vmem>> -> memref<1x80xi32, #tpu.memory_space<vmem>>
        %dma_start3A_80 = tpu.memref_squeeze %dma_start3A_79 : memref<1x80xi32, #tpu.memory_space<vmem>> -> memref<80xi32, #tpu.memory_space<vmem>>
        %dma_start3A_81 = arith.constant 0 : i32
        %dma_start3A_82 = arith.constant 0 : i32
        %dma_start3A_83 = tpu.memref_slice %arg3[%dma_start3A_81, %dma_start3A_82] : memref<10000x128xf32, #tpu.memory_space<hbm>> -> memref<10000x128xf32, #tpu.memory_space<hbm>>
        tpu.enqueue_indirect_dma source(%dma_start3A_83 : memref<10000x128xf32, #tpu.memory_space<hbm>>) target(%arg12 : memref<80x128xf32, #tpu.memory_space<vmem>>) offsets(%dma_start3A_80 : memref<80xi32, #tpu.memory_space<vmem>>) semaphore(%arg17 : memref<!tpu.dma_semaphore, #tpu.memory_space<semaphore_mem>>)
        %dma_wait3A_84 = arith.constant 0 : i32
        %dma_wait3A_85 = tpu.memref_slice %arg7[%mul3A_57, %dma_wait3A_84] : memref<25x80xi32, #tpu.memory_space<vmem>> -> memref<1x80xi32, #tpu.memory_space<vmem>>
        %dma_wait3A_86 = tpu.memref_squeeze %dma_wait3A_85 : memref<1x80xi32, #tpu.memory_space<vmem>> -> memref<80xi32, #tpu.memory_space<vmem>>
        %dma_wait3A_87 = arith.constant 0 : i32
        %dma_wait3A_88 = arith.constant 0 : i32
        %dma_wait3A_89 = tpu.memref_slice %arg2[%dma_wait3A_87, %dma_wait3A_88] : memref<10000x128xf32, #tpu.memory_space<hbm>> -> memref<10000x128xf32, #tpu.memory_space<hbm>>
        tpu.wait_indirect_dma semaphore(%arg14 : memref<!tpu.dma_semaphore, #tpu.memory_space<semaphore_mem>>) src(%dma_wait3A_89 : memref<10000x128xf32, #tpu.memory_space<hbm>>) dst(%arg9 : memref<80x128xf32, #tpu.memory_space<vmem>>)
        %dma_wait3A_90 = arith.constant 0 : i32
        %dma_wait3A_91 = tpu.memref_slice %arg8[%mul3A_57, %dma_wait3A_90] : memref<25x80xi32, #tpu.memory_space<vmem>> -> memref<1x80xi32, #tpu.memory_space<vmem>>
        %dma_wait3A_92 = tpu.memref_squeeze %dma_wait3A_91 : memref<1x80xi32, #tpu.memory_space<vmem>> -> memref<80xi32, #tpu.memory_space<vmem>>
        %dma_wait3A_93 = arith.constant 0 : i32
        %dma_wait3A_94 = arith.constant 0 : i32
        %dma_wait3A_95 = tpu.memref_slice %arg3[%dma_wait3A_93, %dma_wait3A_94] : memref<10000x128xf32, #tpu.memory_space<hbm>> -> memref<10000x128xf32, #tpu.memory_space<hbm>>
        tpu.wait_indirect_dma semaphore(%arg15 : memref<!tpu.dma_semaphore, #tpu.memory_space<semaphore_mem>>) src(%dma_wait3A_95 : memref<10000x128xf32, #tpu.memory_space<hbm>>) dst(%arg10 : memref<80x128xf32, #tpu.memory_space<vmem>>)
        %mul3A_96 = arith.constant 25 : i32
        %mul3A_97 = arith.muli %scan3A_7, %mul3A_96 : i32
        %add3A_98 = arith.addi %mul3A_97, %mul3A_57 : i32
        %scan3A_99 = arith.constant 0 : i32
        %scan3A_100 = arith.constant 0 : i32
        %scan3A_101 = arith.constant 80 : i32
        %scan3A_102 = arith.addi %scan3A_100, %scan3A_101 : i32
        %scan3A_103 = arith.constant 1 : i32
        %scan3A_104 = scf.for %scan3A_129 = %scan3A_100 to %scan3A_102 step %scan3A_103 iter_args(%scan3A_130 = %scan3A_99) -> (i32)  : i32 {
          %get3A = arith.index_cast %scan3A_129 : i32 to index
          %get3A_131 = arith.constant 0 : index
          %get3A_132 = tpu.vector_load %arg9[%get3A, %get3A_131] {strides = array<i32>} : memref<80x128xf32, #tpu.memory_space<vmem>>, vector<1x16xf32>,
          %get3A_133 = vector.shape_cast %get3A_132 : vector<1x16xf32> to vector<16xf32>
          %get3A_134 = arith.index_cast %scan3A_129 : i32 to index
          %get3A_135 = arith.constant 0 : index
          %get3A_136 = tpu.vector_load %arg10[%get3A_134, %get3A_135] {strides = array<i32>} : memref<80x128xf32, #tpu.memory_space<vmem>>, vector<1x16xf32>,
          %get3A_137 = vector.shape_cast %get3A_136 : vector<1x16xf32> to vector<16xf32>
          %mul3A_138 = arith.mulf %get3A_133, %get3A_137 : vector<16xf32>
          %get3A_139 = arith.index_cast %scan3A_129 : i32 to index
          %get3A_140 = arith.constant 16 : index
          %get3A_141 = tpu.vector_load %arg9[%get3A_139, %get3A_140] {strides = array<i32>} : memref<80x128xf32, #tpu.memory_space<vmem>>, vector<1x16xf32>,
          %get3A_142 = vector.shape_cast %get3A_141 : vector<1x16xf32> to vector<16xf32>
          %get3A_143 = arith.index_cast %scan3A_129 : i32 to index
          %get3A_144 = arith.constant 16 : index
          %get3A_145 = tpu.vector_load %arg10[%get3A_143, %get3A_144] {strides = array<i32>} : memref<80x128xf32, #tpu.memory_space<vmem>>, vector<1x16xf32>,
          %get3A_146 = vector.shape_cast %get3A_145 : vector<1x16xf32> to vector<16xf32>
          %mul3A_147 = arith.mulf %get3A_142, %get3A_146 : vector<16xf32>
          %get3A_148 = arith.index_cast %scan3A_129 : i32 to index
          %get3A_149 = arith.constant 32 : index
          %get3A_150 = tpu.vector_load %arg9[%get3A_148, %get3A_149] {strides = array<i32>} : memref<80x128xf32, #tpu.memory_space<vmem>>, vector<1x16xf32>,
          %get3A_151 = vector.shape_cast %get3A_150 : vector<1x16xf32> to vector<16xf32>
          %get3A_152 = arith.index_cast %scan3A_129 : i32 to index
          %get3A_153 = arith.constant 32 : index
          %get3A_154 = tpu.vector_load %arg10[%get3A_152, %get3A_153] {strides = array<i32>} : memref<80x128xf32, #tpu.memory_space<vmem>>, vector<1x16xf32>,
          %get3A_155 = vector.shape_cast %get3A_154 : vector<1x16xf32> to vector<16xf32>
          %mul3A_156 = arith.mulf %get3A_151, %get3A_155 : vector<16xf32>
          %get3A_157 = arith.index_cast %scan3A_129 : i32 to index
          %get3A_158 = arith.constant 48 : index
          %get3A_159 = tpu.vector_load %arg9[%get3A_157, %get3A_158] {strides = array<i32>} : memref<80x128xf32, #tpu.memory_space<vmem>>, vector<1x16xf32>,
          %get3A_160 = vector.shape_cast %get3A_159 : vector<1x16xf32> to vector<16xf32>
          %get3A_161 = arith.index_cast %scan3A_129 : i32 to index
          %get3A_162 = arith.constant 48 : index
          %get3A_163 = tpu.vector_load %arg10[%get3A_161, %get3A_162] {strides = array<i32>} : memref<80x128xf32, #tpu.memory_space<vmem>>, vector<1x16xf32>,
          %get3A_164 = vector.shape_cast %get3A_163 : vector<1x16xf32> to vector<16xf32>
          %mul3A_165 = arith.mulf %get3A_160, %get3A_164 : vector<16xf32>
          %get3A_166 = arith.index_cast %scan3A_129 : i32 to index
          %get3A_167 = arith.constant 64 : index
          %get3A_168 = tpu.vector_load %arg9[%get3A_166, %get3A_167] {strides = array<i32>} : memref<80x128xf32, #tpu.memory_space<vmem>>, vector<1x16xf32>,
          %get3A_169 = vector.shape_cast %get3A_168 : vector<1x16xf32> to vector<16xf32>
          %get3A_170 = arith.index_cast %scan3A_129 : i32 to index
          %get3A_171 = arith.constant 64 : index
          %get3A_172 = tpu.vector_load %arg10[%get3A_170, %get3A_171] {strides = array<i32>} : memref<80x128xf32, #tpu.memory_space<vmem>>, vector<1x16xf32>,
          %get3A_173 = vector.shape_cast %get3A_172 : vector<1x16xf32> to vector<16xf32>
          %mul3A_174 = arith.mulf %get3A_169, %get3A_173 : vector<16xf32>
          %get3A_175 = arith.index_cast %scan3A_129 : i32 to index
          %get3A_176 = arith.constant 80 : index
          %get3A_177 = tpu.vector_load %arg9[%get3A_175, %get3A_176] {strides = array<i32>} : memref<80x128xf32, #tpu.memory_space<vmem>>, vector<1x16xf32>,
          %get3A_178 = vector.shape_cast %get3A_177 : vector<1x16xf32> to vector<16xf32>
          %get3A_179 = arith.index_cast %scan3A_129 : i32 to index
          %get3A_180 = arith.constant 80 : index
          %get3A_181 = tpu.vector_load %arg10[%get3A_179, %get3A_180] {strides = array<i32>} : memref<80x128xf32, #tpu.memory_space<vmem>>, vector<1x16xf32>,
          %get3A_182 = vector.shape_cast %get3A_181 : vector<1x16xf32> to vector<16xf32>
          %mul3A_183 = arith.mulf %get3A_178, %get3A_182 : vector<16xf32>
          %get3A_184 = arith.index_cast %scan3A_129 : i32 to index
          %get3A_185 = arith.constant 96 : index
          %get3A_186 = tpu.vector_load %arg9[%get3A_184, %get3A_185] {strides = array<i32>} : memref<80x128xf32, #tpu.memory_space<vmem>>, vector<1x16xf32>,
          %get3A_187 = vector.shape_cast %get3A_186 : vector<1x16xf32> to vector<16xf32>
          %get3A_188 = arith.index_cast %scan3A_129 : i32 to index
          %get3A_189 = arith.constant 96 : index
          %get3A_190 = tpu.vector_load %arg10[%get3A_188, %get3A_189] {strides = array<i32>} : memref<80x128xf32, #tpu.memory_space<vmem>>, vector<1x16xf32>,
          %get3A_191 = vector.shape_cast %get3A_190 : vector<1x16xf32> to vector<16xf32>
          %mul3A_192 = arith.mulf %get3A_187, %get3A_191 : vector<16xf32>
          %get3A_193 = arith.index_cast %scan3A_129 : i32 to index
          %get3A_194 = arith.constant 112 : index
          %get3A_195 = tpu.vector_load %arg9[%get3A_193, %get3A_194] {strides = array<i32>} : memref<80x128xf32, #tpu.memory_space<vmem>>, vector<1x16xf32>,
          %get3A_196 = vector.shape_cast %get3A_195 : vector<1x16xf32> to vector<16xf32>
          %get3A_197 = arith.index_cast %scan3A_129 : i32 to index
          %get3A_198 = arith.constant 112 : index
          %get3A_199 = tpu.vector_load %arg10[%get3A_197, %get3A_198] {strides = array<i32>} : memref<80x128xf32, #tpu.memory_space<vmem>>, vector<1x16xf32>,
          %get3A_200 = vector.shape_cast %get3A_199 : vector<1x16xf32> to vector<16xf32>
          %mul3A_201 = arith.mulf %get3A_196, %get3A_200 : vector<16xf32>
          %add3A_202 = arith.addf %mul3A_138, %mul3A_147 : vector<16xf32>
          %add3A_203 = arith.addf %mul3A_156, %mul3A_165 : vector<16xf32>
          %add3A_204 = arith.addf %mul3A_174, %mul3A_183 : vector<16xf32>
          %add3A_205 = arith.addf %mul3A_192, %mul3A_201 : vector<16xf32>
          %add3A_206 = arith.addf %add3A_202, %add3A_203 : vector<16xf32>
          %add3A_207 = arith.addf %add3A_204, %add3A_205 : vector<16xf32>
          %add3A_208 = arith.addf %add3A_206, %add3A_207 : vector<16xf32>
          %swap3A = arith.index_cast %scan3A_129 : i32 to index
          %swap3A_209 = arith.constant 0 : index
          %swap3A_210 = tpu.vector_load %arg13[%swap3A, %swap3A_209] {strides = array<i32>} : memref<80x16xf32, #tpu.memory_space<vmem>>, vector<1x16xf32>,
          %swap3A_211 = vector.shape_cast %swap3A_210 : vector<1x16xf32> to vector<16xf32>
          %swap3A_212 = vector.shape_cast %add3A_208 : vector<16xf32> to vector<1x16xf32>
          tpu.vector_store %arg13[%swap3A, %swap3A_209], %swap3A_212 {strides = array<i32>} : memref<80x16xf32, #tpu.memory_space<vmem>>, vector<1x16xf32>,
          %scan3A_213 = arith.constant 0 : i32
          scf.yield %scan3A_213 : i32
        }
        %scan3A_105 = arith.constant 80 : i32
        "tpu.region"() ({
          %run_scoped3A = tpu.sem_alloc : memref<!tpu.dma_semaphore, #tpu.memory_space<semaphore_mem>>
          %dma_start3A_129 = arith.constant 0 : i32
          %dma_start3A_130 = arith.constant 0 : i32
          %dma_start3A_131 = tpu.memref_slice %arg6[%add3A, %add3A_98, %dma_start3A_129, %dma_start3A_130] : memref<32x125x80x16xf32, #tpu.memory_space<hbm>> -> memref<1x1x80x16xf32, #tpu.memory_space<hbm>>
          %dma_start3A_132 = tpu.memref_squeeze %dma_start3A_131 : memref<1x1x80x16xf32, #tpu.memory_space<hbm>> -> memref<80x16xf32, #tpu.memory_space<hbm>>
          %dma_start3A_133 = arith.constant 0 : i32
          %dma_start3A_134 = arith.constant 0 : i32
          %dma_start3A_135 = tpu.memref_slice %arg6[%add3A, %add3A_98, %dma_start3A_133, %dma_start3A_134] : memref<32x125x80x16xf32, #tpu.memory_space<hbm>> -> memref<1x1x80x16xf32, #tpu.memory_space<hbm>>
          %dma_start3A_136 = tpu.memref_squeeze %dma_start3A_135 : memref<1x1x80x16xf32, #tpu.memory_space<hbm>> -> memref<80x16xf32, #tpu.memory_space<hbm>>
          tpu.enqueue_dma source(%arg13 : memref<80x16xf32, #tpu.memory_space<vmem>>) target(%dma_start3A_136 : memref<80x16xf32, #tpu.memory_space<hbm>>) target_semaphore(%run_scoped3A : memref<!tpu.dma_semaphore, #tpu.memory_space<semaphore_mem>>)
          %dma_wait3A_137 = arith.constant 0 : i32
          %dma_wait3A_138 = arith.constant 0 : i32
          %dma_wait3A_139 = tpu.memref_slice %arg6[%add3A, %add3A_98, %dma_wait3A_137, %dma_wait3A_138] : memref<32x125x80x16xf32, #tpu.memory_space<hbm>> -> memref<1x1x80x16xf32, #tpu.memory_space<hbm>>
          %dma_wait3A_140 = tpu.memref_squeeze %dma_wait3A_139 : memref<1x1x80x16xf32, #tpu.memory_space<hbm>> -> memref<80x16xf32, #tpu.memory_space<hbm>>
          %dma_wait3A_141 = arith.constant 0 : i32
          %dma_wait3A_142 = arith.constant 0 : i32
          %dma_wait3A_143 = tpu.memref_slice %arg6[%add3A, %add3A_98, %dma_wait3A_141, %dma_wait3A_142] : memref<32x125x80x16xf32, #tpu.memory_space<hbm>> -> memref<1x1x80x16xf32, #tpu.memory_space<hbm>>
          %dma_wait3A_144 = tpu.memref_squeeze %dma_wait3A_143 : memref<1x1x80x16xf32, #tpu.memory_space<hbm>> -> memref<80x16xf32, #tpu.memory_space<hbm>>
          tpu.wait_dma2 semaphore(%run_scoped3A : memref<!tpu.dma_semaphore, #tpu.memory_space<semaphore_mem>>) src(%arg13 : memref<80x16xf32, #tpu.memory_space<vmem>>) dst(%dma_wait3A_144 : memref<80x16xf32, #tpu.memory_space<hbm>>)
          tpu.yield
        }) : () -> ()
        %dma_wait3A_106 = arith.constant 0 : i32
        %dma_wait3A_107 = tpu.memref_slice %arg7[%add3A_59, %dma_wait3A_106] : memref<25x80xi32, #tpu.memory_space<vmem>> -> memref<1x80xi32, #tpu.memory_space<vmem>>
        %dma_wait3A_108 = tpu.memref_squeeze %dma_wait3A_107 : memref<1x80xi32, #tpu.memory_space<vmem>> -> memref<80xi32, #tpu.memory_space<vmem>>
        %dma_wait3A_109 = arith.constant 0 : i32
        %dma_wait3A_110 = arith.constant 0 : i32
        %dma_wait3A_111 = tpu.memref_slice %arg2[%dma_wait3A_109, %dma_wait3A_110] : memref<10000x128xf32, #tpu.memory_space<hbm>> -> memref<10000x128xf32, #tpu.memory_space<hbm>>
        tpu.wait_indirect_dma semaphore(%arg16 : memref<!tpu.dma_semaphore, #tpu.memory_space<semaphore_mem>>) src(%dma_wait3A_111 : memref<10000x128xf32, #tpu.memory_space<hbm>>) dst(%arg11 : memref<80x128xf32, #tpu.memory_space<vmem>>)
        %dma_wait3A_112 = arith.constant 0 : i32
        %dma_wait3A_113 = tpu.memref_slice %arg8[%add3A_59, %dma_wait3A_112] : memref<25x80xi32, #tpu.memory_space<vmem>> -> memref<1x80xi32, #tpu.memory_space<vmem>>
        %dma_wait3A_114 = tpu.memref_squeeze %dma_wait3A_113 : memref<1x80xi32, #tpu.memory_space<vmem>> -> memref<80xi32, #tpu.memory_space<vmem>>
        %dma_wait3A_115 = arith.constant 0 : i32
        %dma_wait3A_116 = arith.constant 0 : i32
        %dma_wait3A_117 = tpu.memref_slice %arg3[%dma_wait3A_115, %dma_wait3A_116] : memref<10000x128xf32, #tpu.memory_space<hbm>> -> memref<10000x128xf32, #tpu.memory_space<hbm>>
        tpu.wait_indirect_dma semaphore(%arg17 : memref<!tpu.dma_semaphore, #tpu.memory_space<semaphore_mem>>) src(%dma_wait3A_117 : memref<10000x128xf32, #tpu.memory_space<hbm>>) dst(%arg12 : memref<80x128xf32, #tpu.memory_space<vmem>>)
        %mul3A_118 = arith.constant 25 : i32
        %mul3A_119 = arith.muli %scan3A_7, %mul3A_118 : i32
        %add3A_120 = arith.addi %mul3A_119, %add3A_59 : i32
        %scan3A_121 = arith.constant 0 : i32
        %scan3A_122 = arith.constant 0 : i32
        %scan3A_123 = arith.constant 80 : i32
        %scan3A_124 = arith.addi %scan3A_122, %scan3A_123 : i32
        %scan3A_125 = arith.constant 1 : i32
        %scan3A_126 = scf.for %scan3A_129 = %scan3A_122 to %scan3A_124 step %scan3A_125 iter_args(%scan3A_130 = %scan3A_121) -> (i32)  : i32 {
          %get3A = arith.index_cast %scan3A_129 : i32 to index
          %get3A_131 = arith.constant 0 : index
          %get3A_132 = tpu.vector_load %arg11[%get3A, %get3A_131] {strides = array<i32>} : memref<80x128xf32, #tpu.memory_space<vmem>>, vector<1x16xf32>,
          %get3A_133 = vector.shape_cast %get3A_132 : vector<1x16xf32> to vector<16xf32>
          %get3A_134 = arith.index_cast %scan3A_129 : i32 to index
          %get3A_135 = arith.constant 0 : index
          %get3A_136 = tpu.vector_load %arg12[%get3A_134, %get3A_135] {strides = array<i32>} : memref<80x128xf32, #tpu.memory_space<vmem>>, vector<1x16xf32>,
          %get3A_137 = vector.shape_cast %get3A_136 : vector<1x16xf32> to vector<16xf32>
          %mul3A_138 = arith.mulf %get3A_133, %get3A_137 : vector<16xf32>
          %get3A_139 = arith.index_cast %scan3A_129 : i32 to index
          %get3A_140 = arith.constant 16 : index
          %get3A_141 = tpu.vector_load %arg11[%get3A_139, %get3A_140] {strides = array<i32>} : memref<80x128xf32, #tpu.memory_space<vmem>>, vector<1x16xf32>,
          %get3A_142 = vector.shape_cast %get3A_141 : vector<1x16xf32> to vector<16xf32>
          %get3A_143 = arith.index_cast %scan3A_129 : i32 to index
          %get3A_144 = arith.constant 16 : index
          %get3A_145 = tpu.vector_load %arg12[%get3A_143, %get3A_144] {strides = array<i32>} : memref<80x128xf32, #tpu.memory_space<vmem>>, vector<1x16xf32>,
          %get3A_146 = vector.shape_cast %get3A_145 : vector<1x16xf32> to vector<16xf32>
          %mul3A_147 = arith.mulf %get3A_142, %get3A_146 : vector<16xf32>
          %get3A_148 = arith.index_cast %scan3A_129 : i32 to index
          %get3A_149 = arith.constant 32 : index
          %get3A_150 = tpu.vector_load %arg11[%get3A_148, %get3A_149] {strides = array<i32>} : memref<80x128xf32, #tpu.memory_space<vmem>>, vector<1x16xf32>,
          %get3A_151 = vector.shape_cast %get3A_150 : vector<1x16xf32> to vector<16xf32>
          %get3A_152 = arith.index_cast %scan3A_129 : i32 to index
          %get3A_153 = arith.constant 32 : index
          %get3A_154 = tpu.vector_load %arg12[%get3A_152, %get3A_153] {strides = array<i32>} : memref<80x128xf32, #tpu.memory_space<vmem>>, vector<1x16xf32>,
          %get3A_155 = vector.shape_cast %get3A_154 : vector<1x16xf32> to vector<16xf32>
          %mul3A_156 = arith.mulf %get3A_151, %get3A_155 : vector<16xf32>
          %get3A_157 = arith.index_cast %scan3A_129 : i32 to index
          %get3A_158 = arith.constant 48 : index
          %get3A_159 = tpu.vector_load %arg11[%get3A_157, %get3A_158] {strides = array<i32>} : memref<80x128xf32, #tpu.memory_space<vmem>>, vector<1x16xf32>,
          %get3A_160 = vector.shape_cast %get3A_159 : vector<1x16xf32> to vector<16xf32>
          %get3A_161 = arith.index_cast %scan3A_129 : i32 to index
          %get3A_162 = arith.constant 48 : index
          %get3A_163 = tpu.vector_load %arg12[%get3A_161, %get3A_162] {strides = array<i32>} : memref<80x128xf32, #tpu.memory_space<vmem>>, vector<1x16xf32>,
          %get3A_164 = vector.shape_cast %get3A_163 : vector<1x16xf32> to vector<16xf32>
          %mul3A_165 = arith.mulf %get3A_160, %get3A_164 : vector<16xf32>
          %get3A_166 = arith.index_cast %scan3A_129 : i32 to index
          %get3A_167 = arith.constant 64 : index
          %get3A_168 = tpu.vector_load %arg11[%get3A_166, %get3A_167] {strides = array<i32>} : memref<80x128xf32, #tpu.memory_space<vmem>>, vector<1x16xf32>,
          %get3A_169 = vector.shape_cast %get3A_168 : vector<1x16xf32> to vector<16xf32>
          %get3A_170 = arith.index_cast %scan3A_129 : i32 to index
          %get3A_171 = arith.constant 64 : index
          %get3A_172 = tpu.vector_load %arg12[%get3A_170, %get3A_171] {strides = array<i32>} : memref<80x128xf32, #tpu.memory_space<vmem>>, vector<1x16xf32>,
          %get3A_173 = vector.shape_cast %get3A_172 : vector<1x16xf32> to vector<16xf32>
          %mul3A_174 = arith.mulf %get3A_169, %get3A_173 : vector<16xf32>
          %get3A_175 = arith.index_cast %scan3A_129 : i32 to index
          %get3A_176 = arith.constant 80 : index
          %get3A_177 = tpu.vector_load %arg11[%get3A_175, %get3A_176] {strides = array<i32>} : memref<80x128xf32, #tpu.memory_space<vmem>>, vector<1x16xf32>,
          %get3A_178 = vector.shape_cast %get3A_177 : vector<1x16xf32> to vector<16xf32>
          %get3A_179 = arith.index_cast %scan3A_129 : i32 to index
          %get3A_180 = arith.constant 80 : index
          %get3A_181 = tpu.vector_load %arg12[%get3A_179, %get3A_180] {strides = array<i32>} : memref<80x128xf32, #tpu.memory_space<vmem>>, vector<1x16xf32>,
          %get3A_182 = vector.shape_cast %get3A_181 : vector<1x16xf32> to vector<16xf32>
          %mul3A_183 = arith.mulf %get3A_178, %get3A_182 : vector<16xf32>
          %get3A_184 = arith.index_cast %scan3A_129 : i32 to index
          %get3A_185 = arith.constant 96 : index
          %get3A_186 = tpu.vector_load %arg11[%get3A_184, %get3A_185] {strides = array<i32>} : memref<80x128xf32, #tpu.memory_space<vmem>>, vector<1x16xf32>,
          %get3A_187 = vector.shape_cast %get3A_186 : vector<1x16xf32> to vector<16xf32>
          %get3A_188 = arith.index_cast %scan3A_129 : i32 to index
          %get3A_189 = arith.constant 96 : index
          %get3A_190 = tpu.vector_load %arg12[%get3A_188, %get3A_189] {strides = array<i32>} : memref<80x128xf32, #tpu.memory_space<vmem>>, vector<1x16xf32>,
          %get3A_191 = vector.shape_cast %get3A_190 : vector<1x16xf32> to vector<16xf32>
          %mul3A_192 = arith.mulf %get3A_187, %get3A_191 : vector<16xf32>
          %get3A_193 = arith.index_cast %scan3A_129 : i32 to index
          %get3A_194 = arith.constant 112 : index
          %get3A_195 = tpu.vector_load %arg11[%get3A_193, %get3A_194] {strides = array<i32>} : memref<80x128xf32, #tpu.memory_space<vmem>>, vector<1x16xf32>,
          %get3A_196 = vector.shape_cast %get3A_195 : vector<1x16xf32> to vector<16xf32>
          %get3A_197 = arith.index_cast %scan3A_129 : i32 to index
          %get3A_198 = arith.constant 112 : index
          %get3A_199 = tpu.vector_load %arg12[%get3A_197, %get3A_198] {strides = array<i32>} : memref<80x128xf32, #tpu.memory_space<vmem>>, vector<1x16xf32>,
          %get3A_200 = vector.shape_cast %get3A_199 : vector<1x16xf32> to vector<16xf32>
          %mul3A_201 = arith.mulf %get3A_196, %get3A_200 : vector<16xf32>
          %add3A_202 = arith.addf %mul3A_138, %mul3A_147 : vector<16xf32>
          %add3A_203 = arith.addf %mul3A_156, %mul3A_165 : vector<16xf32>
          %add3A_204 = arith.addf %mul3A_174, %mul3A_183 : vector<16xf32>
          %add3A_205 = arith.addf %mul3A_192, %mul3A_201 : vector<16xf32>
          %add3A_206 = arith.addf %add3A_202, %add3A_203 : vector<16xf32>
          %add3A_207 = arith.addf %add3A_204, %add3A_205 : vector<16xf32>
          %add3A_208 = arith.addf %add3A_206, %add3A_207 : vector<16xf32>
          %swap3A = arith.index_cast %scan3A_129 : i32 to index
          %swap3A_209 = arith.constant 0 : index
          %swap3A_210 = tpu.vector_load %arg13[%swap3A, %swap3A_209] {strides = array<i32>} : memref<80x16xf32, #tpu.memory_space<vmem>>, vector<1x16xf32>,
          %swap3A_211 = vector.shape_cast %swap3A_210 : vector<1x16xf32> to vector<16xf32>
          %swap3A_212 = vector.shape_cast %add3A_208 : vector<16xf32> to vector<1x16xf32>
          tpu.vector_store %arg13[%swap3A, %swap3A_209], %swap3A_212 {strides = array<i32>} : memref<80x16xf32, #tpu.memory_space<vmem>>, vector<1x16xf32>,
          %scan3A_213 = arith.constant 0 : i32
          scf.yield %scan3A_213 : i32
        }
        %scan3A_127 = arith.constant 80 : i32
        "tpu.region"() ({
          %run_scoped3A = tpu.sem_alloc : memref<!tpu.dma_semaphore, #tpu.memory_space<semaphore_mem>>
          %dma_start3A_129 = arith.constant 0 : i32
          %dma_start3A_130 = arith.constant 0 : i32
          %dma_start3A_131 = tpu.memref_slice %arg6[%add3A, %add3A_120, %dma_start3A_129, %dma_start3A_130] : memref<32x125x80x16xf32, #tpu.memory_space<hbm>> -> memref<1x1x80x16xf32, #tpu.memory_space<hbm>>
          %dma_start3A_132 = tpu.memref_squeeze %dma_start3A_131 : memref<1x1x80x16xf32, #tpu.memory_space<hbm>> -> memref<80x16xf32, #tpu.memory_space<hbm>>
          %dma_start3A_133 = arith.constant 0 : i32
          %dma_start3A_134 = arith.constant 0 : i32
          %dma_start3A_135 = tpu.memref_slice %arg6[%add3A, %add3A_120, %dma_start3A_133, %dma_start3A_134] : memref<32x125x80x16xf32, #tpu.memory_space<hbm>> -> memref<1x1x80x16xf32, #tpu.memory_space<hbm>>
          %dma_start3A_136 = tpu.memref_squeeze %dma_start3A_135 : memref<1x1x80x16xf32, #tpu.memory_space<hbm>> -> memref<80x16xf32, #tpu.memory_space<hbm>>
          tpu.enqueue_dma source(%arg13 : memref<80x16xf32, #tpu.memory_space<vmem>>) target(%dma_start3A_136 : memref<80x16xf32, #tpu.memory_space<hbm>>) target_semaphore(%run_scoped3A : memref<!tpu.dma_semaphore, #tpu.memory_space<semaphore_mem>>)
          %dma_wait3A_137 = arith.constant 0 : i32
          %dma_wait3A_138 = arith.constant 0 : i32
          %dma_wait3A_139 = tpu.memref_slice %arg6[%add3A, %add3A_120, %dma_wait3A_137, %dma_wait3A_138] : memref<32x125x80x16xf32, #tpu.memory_space<hbm>> -> memref<1x1x80x16xf32, #tpu.memory_space<hbm>>
          %dma_wait3A_140 = tpu.memref_squeeze %dma_wait3A_139 : memref<1x1x80x16xf32, #tpu.memory_space<hbm>> -> memref<80x16xf32, #tpu.memory_space<hbm>>
          %dma_wait3A_141 = arith.constant 0 : i32
          %dma_wait3A_142 = arith.constant 0 : i32
          %dma_wait3A_143 = tpu.memref_slice %arg6[%add3A, %add3A_120, %dma_wait3A_141, %dma_wait3A_142] : memref<32x125x80x16xf32, #tpu.memory_space<hbm>> -> memref<1x1x80x16xf32, #tpu.memory_space<hbm>>
          %dma_wait3A_144 = tpu.memref_squeeze %dma_wait3A_143 : memref<1x1x80x16xf32, #tpu.memory_space<hbm>> -> memref<80x16xf32, #tpu.memory_space<hbm>>
          tpu.wait_dma2 semaphore(%run_scoped3A : memref<!tpu.dma_semaphore, #tpu.memory_space<semaphore_mem>>) src(%arg13 : memref<80x16xf32, #tpu.memory_space<vmem>>) dst(%dma_wait3A_144 : memref<80x16xf32, #tpu.memory_space<hbm>>)
          tpu.yield
        }) : () -> ()
        %scan3A_128 = arith.constant 0 : i32
        scf.yield %scan3A_128 : i32
      }
      %scan3A_15 = arith.constant 12 : i32
      %dma_start3A = arith.constant 24 : i32
      %dma_start3A_16 = arith.constant 0 : i32
      %dma_start3A_17 = tpu.memref_slice %arg7[%dma_start3A, %dma_start3A_16] : memref<25x80xi32, #tpu.memory_space<vmem>> -> memref<1x80xi32, #tpu.memory_space<vmem>>
      %dma_start3A_18 = tpu.memref_squeeze %dma_start3A_17 : memref<1x80xi32, #tpu.memory_space<vmem>> -> memref<80xi32, #tpu.memory_space<vmem>>
      %dma_start3A_19 = arith.constant 0 : i32
      %dma_start3A_20 = arith.constant 0 : i32
      %dma_start3A_21 = tpu.memref_slice %arg2[%dma_start3A_19, %dma_start3A_20] : memref<10000x128xf32, #tpu.memory_space<hbm>> -> memref<10000x128xf32, #tpu.memory_space<hbm>>
      tpu.enqueue_indirect_dma source(%dma_start3A_21 : memref<10000x128xf32, #tpu.memory_space<hbm>>) target(%arg9 : memref<80x128xf32, #tpu.memory_space<vmem>>) offsets(%dma_start3A_18 : memref<80xi32, #tpu.memory_space<vmem>>) semaphore(%arg14 : memref<!tpu.dma_semaphore, #tpu.memory_space<semaphore_mem>>)
      %dma_start3A_22 = arith.constant 24 : i32
      %dma_start3A_23 = arith.constant 0 : i32
      %dma_start3A_24 = tpu.memref_slice %arg8[%dma_start3A_22, %dma_start3A_23] : memref<25x80xi32, #tpu.memory_space<vmem>> -> memref<1x80xi32, #tpu.memory_space<vmem>>
      %dma_start3A_25 = tpu.memref_squeeze %dma_start3A_24 : memref<1x80xi32, #tpu.memory_space<vmem>> -> memref<80xi32, #tpu.memory_space<vmem>>
      %dma_start3A_26 = arith.constant 0 : i32
      %dma_start3A_27 = arith.constant 0 : i32
      %dma_start3A_28 = tpu.memref_slice %arg3[%dma_start3A_26, %dma_start3A_27] : memref<10000x128xf32, #tpu.memory_space<hbm>> -> memref<10000x128xf32, #tpu.memory_space<hbm>>
      tpu.enqueue_indirect_dma source(%dma_start3A_28 : memref<10000x128xf32, #tpu.memory_space<hbm>>) target(%arg10 : memref<80x128xf32, #tpu.memory_space<vmem>>) offsets(%dma_start3A_25 : memref<80xi32, #tpu.memory_space<vmem>>) semaphore(%arg15 : memref<!tpu.dma_semaphore, #tpu.memory_space<semaphore_mem>>)
      %dma_wait3A = arith.constant 24 : i32
      %dma_wait3A_29 = arith.constant 0 : i32
      %dma_wait3A_30 = tpu.memref_slice %arg7[%dma_wait3A, %dma_wait3A_29] : memref<25x80xi32, #tpu.memory_space<vmem>> -> memref<1x80xi32, #tpu.memory_space<vmem>>
      %dma_wait3A_31 = tpu.memref_squeeze %dma_wait3A_30 : memref<1x80xi32, #tpu.memory_space<vmem>> -> memref<80xi32, #tpu.memory_space<vmem>>
      %dma_wait3A_32 = arith.constant 0 : i32
      %dma_wait3A_33 = arith.constant 0 : i32
      %dma_wait3A_34 = tpu.memref_slice %arg2[%dma_wait3A_32, %dma_wait3A_33] : memref<10000x128xf32, #tpu.memory_space<hbm>> -> memref<10000x128xf32, #tpu.memory_space<hbm>>
      tpu.wait_indirect_dma semaphore(%arg14 : memref<!tpu.dma_semaphore, #tpu.memory_space<semaphore_mem>>) src(%dma_wait3A_34 : memref<10000x128xf32, #tpu.memory_space<hbm>>) dst(%arg9 : memref<80x128xf32, #tpu.memory_space<vmem>>)
      %dma_wait3A_35 = arith.constant 24 : i32
      %dma_wait3A_36 = arith.constant 0 : i32
      %dma_wait3A_37 = tpu.memref_slice %arg8[%dma_wait3A_35, %dma_wait3A_36] : memref<25x80xi32, #tpu.memory_space<vmem>> -> memref<1x80xi32, #tpu.memory_space<vmem>>
      %dma_wait3A_38 = tpu.memref_squeeze %dma_wait3A_37 : memref<1x80xi32, #tpu.memory_space<vmem>> -> memref<80xi32, #tpu.memory_space<vmem>>
      %dma_wait3A_39 = arith.constant 0 : i32
      %dma_wait3A_40 = arith.constant 0 : i32
      %dma_wait3A_41 = tpu.memref_slice %arg3[%dma_wait3A_39, %dma_wait3A_40] : memref<10000x128xf32, #tpu.memory_space<hbm>> -> memref<10000x128xf32, #tpu.memory_space<hbm>>
      tpu.wait_indirect_dma semaphore(%arg15 : memref<!tpu.dma_semaphore, #tpu.memory_space<semaphore_mem>>) src(%dma_wait3A_41 : memref<10000x128xf32, #tpu.memory_space<hbm>>) dst(%arg10 : memref<80x128xf32, #tpu.memory_space<vmem>>)
      %mul3A_42 = arith.constant 25 : i32
      %mul3A_43 = arith.muli %scan3A_7, %mul3A_42 : i32
      %add3A_44 = arith.constant 24 : i32
      %add3A_45 = arith.addi %mul3A_43, %add3A_44 : i32
      %scan3A_46 = arith.constant 0 : i32
      %scan3A_47 = arith.constant 0 : i32
      %scan3A_48 = arith.constant 80 : i32
      %scan3A_49 = arith.addi %scan3A_47, %scan3A_48 : i32
      %scan3A_50 = arith.constant 1 : i32
      %scan3A_51 = scf.for %scan3A_54 = %scan3A_47 to %scan3A_49 step %scan3A_50 iter_args(%scan3A_55 = %scan3A_46) -> (i32)  : i32 {
        %get3A = arith.index_cast %scan3A_54 : i32 to index
        %get3A_56 = arith.constant 0 : index
        %get3A_57 = tpu.vector_load %arg9[%get3A, %get3A_56] {strides = array<i32>} : memref<80x128xf32, #tpu.memory_space<vmem>>, vector<1x16xf32>,
        %get3A_58 = vector.shape_cast %get3A_57 : vector<1x16xf32> to vector<16xf32>
        %get3A_59 = arith.index_cast %scan3A_54 : i32 to index
        %get3A_60 = arith.constant 0 : index
        %get3A_61 = tpu.vector_load %arg10[%get3A_59, %get3A_60] {strides = array<i32>} : memref<80x128xf32, #tpu.memory_space<vmem>>, vector<1x16xf32>,
        %get3A_62 = vector.shape_cast %get3A_61 : vector<1x16xf32> to vector<16xf32>
        %mul3A_63 = arith.mulf %get3A_58, %get3A_62 : vector<16xf32>
        %get3A_64 = arith.index_cast %scan3A_54 : i32 to index
        %get3A_65 = arith.constant 16 : index
        %get3A_66 = tpu.vector_load %arg9[%get3A_64, %get3A_65] {strides = array<i32>} : memref<80x128xf32, #tpu.memory_space<vmem>>, vector<1x16xf32>,
        %get3A_67 = vector.shape_cast %get3A_66 : vector<1x16xf32> to vector<16xf32>
        %get3A_68 = arith.index_cast %scan3A_54 : i32 to index
        %get3A_69 = arith.constant 16 : index
        %get3A_70 = tpu.vector_load %arg10[%get3A_68, %get3A_69] {strides = array<i32>} : memref<80x128xf32, #tpu.memory_space<vmem>>, vector<1x16xf32>,
        %get3A_71 = vector.shape_cast %get3A_70 : vector<1x16xf32> to vector<16xf32>
        %mul3A_72 = arith.mulf %get3A_67, %get3A_71 : vector<16xf32>
        %get3A_73 = arith.index_cast %scan3A_54 : i32 to index
        %get3A_74 = arith.constant 32 : index
        %get3A_75 = tpu.vector_load %arg9[%get3A_73, %get3A_74] {strides = array<i32>} : memref<80x128xf32, #tpu.memory_space<vmem>>, vector<1x16xf32>,
        %get3A_76 = vector.shape_cast %get3A_75 : vector<1x16xf32> to vector<16xf32>
        %get3A_77 = arith.index_cast %scan3A_54 : i32 to index
        %get3A_78 = arith.constant 32 : index
        %get3A_79 = tpu.vector_load %arg10[%get3A_77, %get3A_78] {strides = array<i32>} : memref<80x128xf32, #tpu.memory_space<vmem>>, vector<1x16xf32>,
        %get3A_80 = vector.shape_cast %get3A_79 : vector<1x16xf32> to vector<16xf32>
        %mul3A_81 = arith.mulf %get3A_76, %get3A_80 : vector<16xf32>
        %get3A_82 = arith.index_cast %scan3A_54 : i32 to index
        %get3A_83 = arith.constant 48 : index
        %get3A_84 = tpu.vector_load %arg9[%get3A_82, %get3A_83] {strides = array<i32>} : memref<80x128xf32, #tpu.memory_space<vmem>>, vector<1x16xf32>,
        %get3A_85 = vector.shape_cast %get3A_84 : vector<1x16xf32> to vector<16xf32>
        %get3A_86 = arith.index_cast %scan3A_54 : i32 to index
        %get3A_87 = arith.constant 48 : index
        %get3A_88 = tpu.vector_load %arg10[%get3A_86, %get3A_87] {strides = array<i32>} : memref<80x128xf32, #tpu.memory_space<vmem>>, vector<1x16xf32>,
        %get3A_89 = vector.shape_cast %get3A_88 : vector<1x16xf32> to vector<16xf32>
        %mul3A_90 = arith.mulf %get3A_85, %get3A_89 : vector<16xf32>
        %get3A_91 = arith.index_cast %scan3A_54 : i32 to index
        %get3A_92 = arith.constant 64 : index
        %get3A_93 = tpu.vector_load %arg9[%get3A_91, %get3A_92] {strides = array<i32>} : memref<80x128xf32, #tpu.memory_space<vmem>>, vector<1x16xf32>,
        %get3A_94 = vector.shape_cast %get3A_93 : vector<1x16xf32> to vector<16xf32>
        %get3A_95 = arith.index_cast %scan3A_54 : i32 to index
        %get3A_96 = arith.constant 64 : index
        %get3A_97 = tpu.vector_load %arg10[%get3A_95, %get3A_96] {strides = array<i32>} : memref<80x128xf32, #tpu.memory_space<vmem>>, vector<1x16xf32>,
        %get3A_98 = vector.shape_cast %get3A_97 : vector<1x16xf32> to vector<16xf32>
        %mul3A_99 = arith.mulf %get3A_94, %get3A_98 : vector<16xf32>
        %get3A_100 = arith.index_cast %scan3A_54 : i32 to index
        %get3A_101 = arith.constant 80 : index
        %get3A_102 = tpu.vector_load %arg9[%get3A_100, %get3A_101] {strides = array<i32>} : memref<80x128xf32, #tpu.memory_space<vmem>>, vector<1x16xf32>,
        %get3A_103 = vector.shape_cast %get3A_102 : vector<1x16xf32> to vector<16xf32>
        %get3A_104 = arith.index_cast %scan3A_54 : i32 to index
        %get3A_105 = arith.constant 80 : index
        %get3A_106 = tpu.vector_load %arg10[%get3A_104, %get3A_105] {strides = array<i32>} : memref<80x128xf32, #tpu.memory_space<vmem>>, vector<1x16xf32>,
        %get3A_107 = vector.shape_cast %get3A_106 : vector<1x16xf32> to vector<16xf32>
        %mul3A_108 = arith.mulf %get3A_103, %get3A_107 : vector<16xf32>
        %get3A_109 = arith.index_cast %scan3A_54 : i32 to index
        %get3A_110 = arith.constant 96 : index
        %get3A_111 = tpu.vector_load %arg9[%get3A_109, %get3A_110] {strides = array<i32>} : memref<80x128xf32, #tpu.memory_space<vmem>>, vector<1x16xf32>,
        %get3A_112 = vector.shape_cast %get3A_111 : vector<1x16xf32> to vector<16xf32>
        %get3A_113 = arith.index_cast %scan3A_54 : i32 to index
        %get3A_114 = arith.constant 96 : index
        %get3A_115 = tpu.vector_load %arg10[%get3A_113, %get3A_114] {strides = array<i32>} : memref<80x128xf32, #tpu.memory_space<vmem>>, vector<1x16xf32>,
        %get3A_116 = vector.shape_cast %get3A_115 : vector<1x16xf32> to vector<16xf32>
        %mul3A_117 = arith.mulf %get3A_112, %get3A_116 : vector<16xf32>
        %get3A_118 = arith.index_cast %scan3A_54 : i32 to index
        %get3A_119 = arith.constant 112 : index
        %get3A_120 = tpu.vector_load %arg9[%get3A_118, %get3A_119] {strides = array<i32>} : memref<80x128xf32, #tpu.memory_space<vmem>>, vector<1x16xf32>,
        %get3A_121 = vector.shape_cast %get3A_120 : vector<1x16xf32> to vector<16xf32>
        %get3A_122 = arith.index_cast %scan3A_54 : i32 to index
        %get3A_123 = arith.constant 112 : index
        %get3A_124 = tpu.vector_load %arg10[%get3A_122, %get3A_123] {strides = array<i32>} : memref<80x128xf32, #tpu.memory_space<vmem>>, vector<1x16xf32>,
        %get3A_125 = vector.shape_cast %get3A_124 : vector<1x16xf32> to vector<16xf32>
        %mul3A_126 = arith.mulf %get3A_121, %get3A_125 : vector<16xf32>
        %add3A_127 = arith.addf %mul3A_63, %mul3A_72 : vector<16xf32>
        %add3A_128 = arith.addf %mul3A_81, %mul3A_90 : vector<16xf32>
        %add3A_129 = arith.addf %mul3A_99, %mul3A_108 : vector<16xf32>
        %add3A_130 = arith.addf %mul3A_117, %mul3A_126 : vector<16xf32>
        %add3A_131 = arith.addf %add3A_127, %add3A_128 : vector<16xf32>
        %add3A_132 = arith.addf %add3A_129, %add3A_130 : vector<16xf32>
        %add3A_133 = arith.addf %add3A_131, %add3A_132 : vector<16xf32>
        %swap3A = arith.index_cast %scan3A_54 : i32 to index
        %swap3A_134 = arith.constant 0 : index
        %swap3A_135 = tpu.vector_load %arg13[%swap3A, %swap3A_134] {strides = array<i32>} : memref<80x16xf32, #tpu.memory_space<vmem>>, vector<1x16xf32>,
        %swap3A_136 = vector.shape_cast %swap3A_135 : vector<1x16xf32> to vector<16xf32>
        %swap3A_137 = vector.shape_cast %add3A_133 : vector<16xf32> to vector<1x16xf32>
        tpu.vector_store %arg13[%swap3A, %swap3A_134], %swap3A_137 {strides = array<i32>} : memref<80x16xf32, #tpu.memory_space<vmem>>, vector<1x16xf32>,
        %scan3A_138 = arith.constant 0 : i32
        scf.yield %scan3A_138 : i32
      }
      %scan3A_52 = arith.constant 80 : i32
      "tpu.region"() ({
        %run_scoped3A = tpu.sem_alloc : memref<!tpu.dma_semaphore, #tpu.memory_space<semaphore_mem>>
        %dma_start3A_54 = arith.constant 0 : i32
        %dma_start3A_55 = arith.constant 0 : i32
        %dma_start3A_56 = tpu.memref_slice %arg6[%add3A, %add3A_45, %dma_start3A_54, %dma_start3A_55] : memref<32x125x80x16xf32, #tpu.memory_space<hbm>> -> memref<1x1x80x16xf32, #tpu.memory_space<hbm>>
        %dma_start3A_57 = tpu.memref_squeeze %dma_start3A_56 : memref<1x1x80x16xf32, #tpu.memory_space<hbm>> -> memref<80x16xf32, #tpu.memory_space<hbm>>
        %dma_start3A_58 = arith.constant 0 : i32
        %dma_start3A_59 = arith.constant 0 : i32
        %dma_start3A_60 = tpu.memref_slice %arg6[%add3A, %add3A_45, %dma_start3A_58, %dma_start3A_59] : memref<32x125x80x16xf32, #tpu.memory_space<hbm>> -> memref<1x1x80x16xf32, #tpu.memory_space<hbm>>
        %dma_start3A_61 = tpu.memref_squeeze %dma_start3A_60 : memref<1x1x80x16xf32, #tpu.memory_space<hbm>> -> memref<80x16xf32, #tpu.memory_space<hbm>>
        tpu.enqueue_dma source(%arg13 : memref<80x16xf32, #tpu.memory_space<vmem>>) target(%dma_start3A_61 : memref<80x16xf32, #tpu.memory_space<hbm>>) target_semaphore(%run_scoped3A : memref<!tpu.dma_semaphore, #tpu.memory_space<semaphore_mem>>)
        %dma_wait3A_62 = arith.constant 0 : i32
        %dma_wait3A_63 = arith.constant 0 : i32
        %dma_wait3A_64 = tpu.memref_slice %arg6[%add3A, %add3A_45, %dma_wait3A_62, %dma_wait3A_63] : memref<32x125x80x16xf32, #tpu.memory_space<hbm>> -> memref<1x1x80x16xf32, #tpu.memory_space<hbm>>
        %dma_wait3A_65 = tpu.memref_squeeze %dma_wait3A_64 : memref<1x1x80x16xf32, #tpu.memory_space<hbm>> -> memref<80x16xf32, #tpu.memory_space<hbm>>
        %dma_wait3A_66 = arith.constant 0 : i32
        %dma_wait3A_67 = arith.constant 0 : i32
        %dma_wait3A_68 = tpu.memref_slice %arg6[%add3A, %add3A_45, %dma_wait3A_66, %dma_wait3A_67] : memref<32x125x80x16xf32, #tpu.memory_space<hbm>> -> memref<1x1x80x16xf32, #tpu.memory_space<hbm>>
        %dma_wait3A_69 = tpu.memref_squeeze %dma_wait3A_68 : memref<1x1x80x16xf32, #tpu.memory_space<hbm>> -> memref<80x16xf32, #tpu.memory_space<hbm>>
        tpu.wait_dma2 semaphore(%run_scoped3A : memref<!tpu.dma_semaphore, #tpu.memory_space<semaphore_mem>>) src(%arg13 : memref<80x16xf32, #tpu.memory_space<vmem>>) dst(%dma_wait3A_69 : memref<80x16xf32, #tpu.memory_space<hbm>>)
        tpu.yield
      }) : () -> ()
      %scan3A_53 = arith.constant 0 : i32
      scf.yield %scan3A_53 : i32
    }
    %scan3A_6 = arith.constant 5 : i32
    return
  }
}

module attributes {stable_mosaic.version = 14 : i64} {
  func.func @_tc_layer2_body(%arg0: i32, %arg1: memref<2x1000x128xf32, #tpu.memory_space<vmem>>, %arg2: memref<2x1000x128xf32, #tpu.memory_space<vmem>>, %arg3: memref<1000x128xf32, #tpu.memory_space<vmem>>, %arg4: memref<128x128xf32, #tpu.memory_space<vmem>>, %arg5: memref<128x128xf32, #tpu.memory_space<vmem>>, %arg6: memref<1x128xf32, #tpu.memory_space<vmem>>, %arg7: memref<1x128xf32, #tpu.memory_space<vmem>>, %arg8: memref<1000x128xf32, #tpu.memory_space<vmem>>, %arg9: memref<1000x128xf32, #tpu.memory_space<vmem>>) attributes {dimension_semantics = [#tpu.dimension_semantics<arbitrary>], iteration_bounds = array<i64: 10>, scalar_prefetch = 0 : i64, scratch_operands = 0 : i64, tpu.core_type = #tpu.core_type<tc>, window_params = [{transform_indices = @transform_0, window_bounds = array<i64: 2, 1000, 128>}, {transform_indices = @transform_1, window_bounds = array<i64: 2, 1000, 128>}, {transform_indices = @transform_2, window_bounds = array<i64: 1000, 128>}, {pipeline_mode = #tpu.pipeline_mode<synchronous>, transform_indices = @transform_3, window_bounds = array<i64: 128, 128>}, {pipeline_mode = #tpu.pipeline_mode<synchronous>, transform_indices = @transform_4, window_bounds = array<i64: 128, 128>}, {pipeline_mode = #tpu.pipeline_mode<synchronous>, transform_indices = @transform_5, window_bounds = array<i64: 1, 128>}, {pipeline_mode = #tpu.pipeline_mode<synchronous>, transform_indices = @transform_6, window_bounds = array<i64: 1, 128>}, {transform_indices = @transform_7, window_bounds = array<i64: 1000, 128>}, {transform_indices = @transform_8, window_bounds = array<i64: 1000, 128>}]} {
    %get3A = arith.constant 0 : index
    %get3A_0 = arith.constant 0 : index
    %get3A_1 = arith.constant 0 : index
    %get3A_2 = vector.load %arg1[%get3A, %get3A_0, %get3A_1] : memref<2x1000x128xf32, #tpu.memory_space<vmem>>, vector<1x1000x128xf32>
    %get3A_3 = vector.shape_cast %get3A_2 : vector<1x1000x128xf32> to vector<1000x128xf32>
    %get3A_4 = arith.constant 1 : index
    %get3A_5 = arith.constant 0 : index
    %get3A_6 = arith.constant 0 : index
    %get3A_7 = vector.load %arg1[%get3A_4, %get3A_5, %get3A_6] : memref<2x1000x128xf32, #tpu.memory_space<vmem>>, vector<1x1000x128xf32>
    %get3A_8 = vector.shape_cast %get3A_7 : vector<1x1000x128xf32> to vector<1000x128xf32>
    %add3A = arith.addf %get3A_3, %get3A_8 : vector<1000x128xf32>
    %get3A_9 = arith.constant 0 : index
    %get3A_10 = arith.constant 0 : index
    %get3A_11 = arith.constant 0 : index
    %get3A_12 = vector.load %arg2[%get3A_9, %get3A_10, %get3A_11] : memref<2x1000x128xf32, #tpu.memory_space<vmem>>, vector<1x1000x1xf32>
    %get3A_13 = vector.shape_cast %get3A_12 : vector<1x1000x1xf32> to vector<1000x1xf32>
    %get3A_14 = arith.constant 1 : index
    %get3A_15 = arith.constant 0 : index
    %get3A_16 = arith.constant 0 : index
    %get3A_17 = vector.load %arg2[%get3A_14, %get3A_15, %get3A_16] : memref<2x1000x128xf32, #tpu.memory_space<vmem>>, vector<1x1000x1xf32>
    %get3A_18 = vector.shape_cast %get3A_17 : vector<1x1000x1xf32> to vector<1000x1xf32>
    %add3A_19 = arith.addf %get3A_13, %get3A_18 : vector<1000x1xf32>
    %max3A = arith.constant 1.000000e+00 : f32
    %max3A_20 = vector.broadcast %max3A : f32 to vector<1000x1xf32>
    %max3A_21 = arith.maximumf %add3A_19, %max3A_20 : vector<1000x1xf32>
    %div3A = vector.broadcast %max3A_21 : vector<1000x1xf32> to vector<1000x128xf32>
    %div3A_22 = arith.divf %add3A, %div3A : vector<1000x128xf32>
    %get3A_23 = arith.constant 0 : index
    %get3A_24 = arith.constant 0 : index
    %get3A_25 = vector.load %arg4[%get3A_23, %get3A_24] : memref<128x128xf32, #tpu.memory_space<vmem>>, vector<128x128xf32>
    %dot_general3A = arith.constant dense<0.000000e+00> : vector<1000x128xf32>
    %dot_general3A_26 = tpu.matmul %div3A_22, %get3A_25, %dot_general3A {dimension_numbers = #tpu.dot_dimension_numbers<[1], [0], [0], [1], [0, 0, 1, 1], [], []>, transpose_lhs_hint = false} : vector<1000x128xf32>, vector<128x128xf32>, vector<1000x128xf32> -> vector<1000x128xf32>
    %get3A_27 = arith.constant 0 : index
    %get3A_28 = arith.constant 0 : index
    %get3A_29 = vector.load %arg3[%get3A_27, %get3A_28] : memref<1000x128xf32, #tpu.memory_space<vmem>>, vector<1000x128xf32>
    %get3A_30 = arith.constant 0 : index
    %get3A_31 = arith.constant 0 : index
    %get3A_32 = vector.load %arg5[%get3A_30, %get3A_31] : memref<128x128xf32, #tpu.memory_space<vmem>>, vector<128x128xf32>
    %dot_general3A_33 = arith.constant dense<0.000000e+00> : vector<1000x128xf32>
    %dot_general3A_34 = tpu.matmul %get3A_29, %get3A_32, %dot_general3A_33 {dimension_numbers = #tpu.dot_dimension_numbers<[1], [0], [0], [1], [0, 0, 1, 1], [], []>, transpose_lhs_hint = false} : vector<1000x128xf32>, vector<128x128xf32>, vector<1000x128xf32> -> vector<1000x128xf32>
    %add3A_35 = arith.addf %dot_general3A_26, %dot_general3A_34 : vector<1000x128xf32>
    %get3A_36 = arith.constant 0 : index
    %get3A_37 = arith.constant 0 : index
    %get3A_38 = vector.load %arg6[%get3A_36, %get3A_37] : memref<1x128xf32, #tpu.memory_space<vmem>>, vector<1x128xf32>
    %add3A_39 = vector.broadcast %get3A_38 : vector<1x128xf32> to vector<1000x128xf32>
    %add3A_40 = arith.addf %add3A_35, %add3A_39 : vector<1000x128xf32>
    %swap3A = arith.constant 0 : index
    %swap3A_41 = arith.constant 0 : index
    %swap3A_42 = vector.load %arg8[%swap3A, %swap3A_41] : memref<1000x128xf32, #tpu.memory_space<vmem>>, vector<1000x128xf32>
    tpu.vector_store %arg8[%swap3A, %swap3A_41], %add3A_40 {strides = array<i32>} : memref<1000x128xf32, #tpu.memory_space<vmem>>, vector<1000x128xf32>,
    %get3A_43 = arith.constant 0 : index
    %get3A_44 = arith.constant 0 : index
    %get3A_45 = vector.load %arg7[%get3A_43, %get3A_44] : memref<1x128xf32, #tpu.memory_space<vmem>>, vector<1x128xf32>
    %mul3A = vector.broadcast %get3A_45 : vector<1x128xf32> to vector<1000x128xf32>
    %mul3A_46 = arith.mulf %add3A_40, %mul3A : vector<1000x128xf32>
    %swap3A_47 = arith.constant 0 : index
    %swap3A_48 = arith.constant 0 : index
    %swap3A_49 = vector.load %arg9[%swap3A_47, %swap3A_48] : memref<1000x128xf32, #tpu.memory_space<vmem>>, vector<1000x128xf32>
    tpu.vector_store %arg9[%swap3A_47, %swap3A_48], %mul3A_46 {strides = array<i32>} : memref<1000x128xf32, #tpu.memory_space<vmem>>, vector<1000x128xf32>,
    return
  }
  func.func @transform_0(%arg0: i32) -> (i32, i32, i32) {
    %c0_i32 = arith.constant 0 : i32
    %c0_i32_0 = arith.constant 0 : i32
    %c0_i32_1 = arith.constant 0 : i32
    return %c0_i32, %arg0, %c0_i32_0 : i32, i32, i32
  }
  func.func @transform_1(%arg0: i32) -> (i32, i32, i32) {
    %c0_i32 = arith.constant 0 : i32
    %c0_i32_0 = arith.constant 0 : i32
    %c0_i32_1 = arith.constant 0 : i32
    return %c0_i32, %arg0, %c0_i32_0 : i32, i32, i32
  }
  func.func @transform_2(%arg0: i32) -> (i32, i32) {
    %c0_i32 = arith.constant 0 : i32
    %c0_i32_0 = arith.constant 0 : i32
    return %arg0, %c0_i32 : i32, i32
  }
  func.func @transform_3(%arg0: i32) -> (i32, i32) {
    %c0_i32 = arith.constant 0 : i32
    %c0_i32_0 = arith.constant 0 : i32
    %c0_i32_1 = arith.constant 0 : i32
    return %c0_i32, %c0_i32_0 : i32, i32
  }
  func.func @transform_4(%arg0: i32) -> (i32, i32) {
    %c0_i32 = arith.constant 0 : i32
    %c0_i32_0 = arith.constant 0 : i32
    %c0_i32_1 = arith.constant 0 : i32
    return %c0_i32, %c0_i32_0 : i32, i32
  }
  func.func @transform_5(%arg0: i32) -> (i32, i32) {
    %c0_i32 = arith.constant 0 : i32
    %c0_i32_0 = arith.constant 0 : i32
    %c0_i32_1 = arith.constant 0 : i32
    return %c0_i32, %c0_i32_0 : i32, i32
  }
  func.func @transform_6(%arg0: i32) -> (i32, i32) {
    %c0_i32 = arith.constant 0 : i32
    %c0_i32_0 = arith.constant 0 : i32
    %c0_i32_1 = arith.constant 0 : i32
    return %c0_i32, %c0_i32_0 : i32, i32
  }
  func.func @transform_7(%arg0: i32) -> (i32, i32) {
    %c0_i32 = arith.constant 0 : i32
    %c0_i32_0 = arith.constant 0 : i32
    return %arg0, %c0_i32 : i32, i32
  }
  func.func @transform_8(%arg0: i32) -> (i32, i32) {
    %c0_i32 = arith.constant 0 : i32
    %c0_i32_0 = arith.constant 0 : i32
    return %arg0, %c0_i32 : i32, i32
  }
}

module attributes {stable_mosaic.version = 14 : i64} {
  func.func @_tc_layer_body(%arg0: i32, %arg1: memref<2x1000x128xf32, #tpu.memory_space<vmem>>, %arg2: memref<2x1000x128xf32, #tpu.memory_space<vmem>>, %arg3: memref<1000x128xf32, #tpu.memory_space<vmem>>, %arg4: memref<128x128xf32, #tpu.memory_space<vmem>>, %arg5: memref<128x128xf32, #tpu.memory_space<vmem>>, %arg6: memref<1x128xf32, #tpu.memory_space<vmem>>, %arg7: memref<1000x128xf32, #tpu.memory_space<vmem>>) attributes {dimension_semantics = [#tpu.dimension_semantics<arbitrary>], iteration_bounds = array<i64: 10>, scalar_prefetch = 0 : i64, scratch_operands = 0 : i64, tpu.core_type = #tpu.core_type<tc>, window_params = [{transform_indices = @transform_0, window_bounds = array<i64: 2, 1000, 128>}, {transform_indices = @transform_1, window_bounds = array<i64: 2, 1000, 128>}, {transform_indices = @transform_2, window_bounds = array<i64: 1000, 128>}, {pipeline_mode = #tpu.pipeline_mode<synchronous>, transform_indices = @transform_3, window_bounds = array<i64: 128, 128>}, {pipeline_mode = #tpu.pipeline_mode<synchronous>, transform_indices = @transform_4, window_bounds = array<i64: 128, 128>}, {pipeline_mode = #tpu.pipeline_mode<synchronous>, transform_indices = @transform_5, window_bounds = array<i64: 1, 128>}, {transform_indices = @transform_6, window_bounds = array<i64: 1000, 128>}]} {
    %get3A = arith.constant 0 : index
    %get3A_0 = arith.constant 0 : index
    %get3A_1 = arith.constant 0 : index
    %get3A_2 = vector.load %arg1[%get3A, %get3A_0, %get3A_1] : memref<2x1000x128xf32, #tpu.memory_space<vmem>>, vector<1x1000x128xf32>
    %get3A_3 = vector.shape_cast %get3A_2 : vector<1x1000x128xf32> to vector<1000x128xf32>
    %get3A_4 = arith.constant 1 : index
    %get3A_5 = arith.constant 0 : index
    %get3A_6 = arith.constant 0 : index
    %get3A_7 = vector.load %arg1[%get3A_4, %get3A_5, %get3A_6] : memref<2x1000x128xf32, #tpu.memory_space<vmem>>, vector<1x1000x128xf32>
    %get3A_8 = vector.shape_cast %get3A_7 : vector<1x1000x128xf32> to vector<1000x128xf32>
    %add3A = arith.addf %get3A_3, %get3A_8 : vector<1000x128xf32>
    %get3A_9 = arith.constant 0 : index
    %get3A_10 = arith.constant 0 : index
    %get3A_11 = arith.constant 0 : index
    %get3A_12 = vector.load %arg2[%get3A_9, %get3A_10, %get3A_11] : memref<2x1000x128xf32, #tpu.memory_space<vmem>>, vector<1x1000x1xf32>
    %get3A_13 = vector.shape_cast %get3A_12 : vector<1x1000x1xf32> to vector<1000x1xf32>
    %get3A_14 = arith.constant 1 : index
    %get3A_15 = arith.constant 0 : index
    %get3A_16 = arith.constant 0 : index
    %get3A_17 = vector.load %arg2[%get3A_14, %get3A_15, %get3A_16] : memref<2x1000x128xf32, #tpu.memory_space<vmem>>, vector<1x1000x1xf32>
    %get3A_18 = vector.shape_cast %get3A_17 : vector<1x1000x1xf32> to vector<1000x1xf32>
    %add3A_19 = arith.addf %get3A_13, %get3A_18 : vector<1000x1xf32>
    %max3A = arith.constant 1.000000e+00 : f32
    %max3A_20 = vector.broadcast %max3A : f32 to vector<1000x1xf32>
    %max3A_21 = arith.maximumf %add3A_19, %max3A_20 : vector<1000x1xf32>
    %div3A = vector.broadcast %max3A_21 : vector<1000x1xf32> to vector<1000x128xf32>
    %div3A_22 = arith.divf %add3A, %div3A : vector<1000x128xf32>
    %get3A_23 = arith.constant 0 : index
    %get3A_24 = arith.constant 0 : index
    %get3A_25 = vector.load %arg4[%get3A_23, %get3A_24] : memref<128x128xf32, #tpu.memory_space<vmem>>, vector<128x128xf32>
    %dot_general3A = arith.constant dense<0.000000e+00> : vector<1000x128xf32>
    %dot_general3A_26 = tpu.matmul %div3A_22, %get3A_25, %dot_general3A {dimension_numbers = #tpu.dot_dimension_numbers<[1], [0], [0], [1], [0, 0, 1, 1], [], []>, transpose_lhs_hint = false} : vector<1000x128xf32>, vector<128x128xf32>, vector<1000x128xf32> -> vector<1000x128xf32>
    %get3A_27 = arith.constant 0 : index
    %get3A_28 = arith.constant 0 : index
    %get3A_29 = vector.load %arg3[%get3A_27, %get3A_28] : memref<1000x128xf32, #tpu.memory_space<vmem>>, vector<1000x128xf32>
    %get3A_30 = arith.constant 0 : index
    %get3A_31 = arith.constant 0 : index
    %get3A_32 = vector.load %arg5[%get3A_30, %get3A_31] : memref<128x128xf32, #tpu.memory_space<vmem>>, vector<128x128xf32>
    %dot_general3A_33 = arith.constant dense<0.000000e+00> : vector<1000x128xf32>
    %dot_general3A_34 = tpu.matmul %get3A_29, %get3A_32, %dot_general3A_33 {dimension_numbers = #tpu.dot_dimension_numbers<[1], [0], [0], [1], [0, 0, 1, 1], [], []>, transpose_lhs_hint = false} : vector<1000x128xf32>, vector<128x128xf32>, vector<1000x128xf32> -> vector<1000x128xf32>
    %add3A_35 = arith.addf %dot_general3A_26, %dot_general3A_34 : vector<1000x128xf32>
    %get3A_36 = arith.constant 0 : index
    %get3A_37 = arith.constant 0 : index
    %get3A_38 = vector.load %arg6[%get3A_36, %get3A_37] : memref<1x128xf32, #tpu.memory_space<vmem>>, vector<1x128xf32>
    %add3A_39 = vector.broadcast %get3A_38 : vector<1x128xf32> to vector<1000x128xf32>
    %add3A_40 = arith.addf %add3A_35, %add3A_39 : vector<1000x128xf32>
    %swap3A = arith.constant 0 : index
    %swap3A_41 = arith.constant 0 : index
    %swap3A_42 = vector.load %arg7[%swap3A, %swap3A_41] : memref<1000x128xf32, #tpu.memory_space<vmem>>, vector<1000x128xf32>
    tpu.vector_store %arg7[%swap3A, %swap3A_41], %add3A_40 {strides = array<i32>} : memref<1000x128xf32, #tpu.memory_space<vmem>>, vector<1000x128xf32>,
    return
  }
  func.func @transform_0(%arg0: i32) -> (i32, i32, i32) {
    %c0_i32 = arith.constant 0 : i32
    %c0_i32_0 = arith.constant 0 : i32
    %c0_i32_1 = arith.constant 0 : i32
    return %c0_i32, %arg0, %c0_i32_0 : i32, i32, i32
  }
  func.func @transform_1(%arg0: i32) -> (i32, i32, i32) {
    %c0_i32 = arith.constant 0 : i32
    %c0_i32_0 = arith.constant 0 : i32
    %c0_i32_1 = arith.constant 0 : i32
    return %c0_i32, %arg0, %c0_i32_0 : i32, i32, i32
  }
  func.func @transform_2(%arg0: i32) -> (i32, i32) {
    %c0_i32 = arith.constant 0 : i32
    %c0_i32_0 = arith.constant 0 : i32
    return %arg0, %c0_i32 : i32, i32
  }
  func.func @transform_3(%arg0: i32) -> (i32, i32) {
    %c0_i32 = arith.constant 0 : i32
    %c0_i32_0 = arith.constant 0 : i32
    %c0_i32_1 = arith.constant 0 : i32
    return %c0_i32, %c0_i32_0 : i32, i32
  }
  func.func @transform_4(%arg0: i32) -> (i32, i32) {
    %c0_i32 = arith.constant 0 : i32
    %c0_i32_0 = arith.constant 0 : i32
    %c0_i32_1 = arith.constant 0 : i32
    return %c0_i32, %c0_i32_0 : i32, i32
  }
  func.func @transform_5(%arg0: i32) -> (i32, i32) {
    %c0_i32 = arith.constant 0 : i32
    %c0_i32_0 = arith.constant 0 : i32
    %c0_i32_1 = arith.constant 0 : i32
    return %c0_i32, %c0_i32_0 : i32, i32
  }
  func.func @transform_6(%arg0: i32) -> (i32, i32) {
    %c0_i32 = arith.constant 0 : i32
    %c0_i32_0 = arith.constant 0 : i32
    return %arg0, %c0_i32 : i32, i32
  }
}

module attributes {stable_mosaic.version = 14 : i64} {
  func.func @_tc_head_body(%arg0: i32, %arg1: memref<4000x16xf32, #tpu.memory_space<vmem>>, %arg2: memref<1xf32, #tpu.memory_space<smem>>, %arg3: memref<4000x1xf32, #tpu.memory_space<vmem>>) attributes {dimension_semantics = [#tpu.dimension_semantics<arbitrary>], iteration_bounds = array<i64: 80>, scalar_prefetch = 0 : i64, scratch_operands = 0 : i64, tpu.core_type = #tpu.core_type<tc>, window_params = [{transform_indices = @transform_0, window_bounds = array<i64: 4000, 16>}, {transform_indices = @transform_1, window_bounds = array<i64: 1>}, {transform_indices = @transform_2, window_bounds = array<i64: 4000, 1>}]} {
    %get3A = arith.constant 0 : index
    %get3A_0 = arith.constant 0 : index
    %get3A_1 = vector.load %arg1[%get3A, %get3A_0] : memref<4000x16xf32, #tpu.memory_space<vmem>>, vector<4000x16xf32>
    %reduce_sum3A = arith.constant dense<0.000000e+00> : vector<4000xf32>
    %reduce_sum3A_2 = vector.multi_reduction <add>, %get3A_1, %reduce_sum3A [1] : vector<4000x16xf32> to vector<4000xf32>
    %broadcast_in_dim3A = vector.shape_cast %reduce_sum3A_2 : vector<4000xf32> to vector<4000x1xf32>
    %get3A_3 = arith.constant 0 : index
    %get3A_4 = memref.load %arg2[%get3A_3] : memref<1xf32, #tpu.memory_space<smem>>
    %add3A = vector.broadcast %get3A_4 : f32 to vector<4000x1xf32>
    %add3A_5 = arith.addf %broadcast_in_dim3A, %add3A : vector<4000x1xf32>
    %swap3A = arith.constant 0 : index
    %swap3A_6 = arith.constant 0 : index
    %swap3A_7 = vector.load %arg3[%swap3A, %swap3A_6] : memref<4000x1xf32, #tpu.memory_space<vmem>>, vector<4000x1xf32>
    tpu.vector_store %arg3[%swap3A, %swap3A_6], %add3A_5 {strides = array<i32>} : memref<4000x1xf32, #tpu.memory_space<vmem>>, vector<4000x1xf32>,
    return
  }
  func.func @transform_0(%arg0: i32) -> (i32, i32) {
    %c0_i32 = arith.constant 0 : i32
    %c0_i32_0 = arith.constant 0 : i32
    return %arg0, %c0_i32 : i32, i32
  }
  func.func @transform_1(%arg0: i32) -> i32 {
    %c0_i32 = arith.constant 0 : i32
    %c0_i32_0 = arith.constant 0 : i32
    return %c0_i32 : i32
  }
  func.func @transform_2(%arg0: i32) -> (i32, i32) {
    %c0_i32 = arith.constant 0 : i32
    %c0_i32_0 = arith.constant 0 : i32
    return %arg0, %c0_i32 : i32, i32
  }
}

</mosaic_0001>

<sc_bundles>
// kernel: kernel.12.cloned.1.call-start
scs
__scs_entry_jumppad:
0x0: {  	(pc) =	sbr.rel $0x88, $3  }
0x1: {  	(tag) =	ssettag $0x0;
	lr =	simm.s32 $0x1  }
0x2: {  	[smem:$0x3F97] =	sst lr;
	_ =	strace $0xD0000000  }
0x3: {  	_ = 	snop  }
0x4: {  	_ = 	snop  }
0x5: {  	_ = 	snop  }
0x6: {  	_ = 	snop  }
0x7: {  	_ = 	snop  }
__scs_overlays_trampoline_lowered:
0x8: {  	[smem:$0x3FA6] =	sst s0  }
0x9: {  	[smem:$0x3FA7] =	sst s1  }
0xa: {  	[smem:$0x3FA8] =	sst s2  }
0xb: {  	[smem:$0x3FA9] =	sst s3  }
0xc: {  	[smem:$0x3FAA] =	sst s4  }
0xd: {  	[smem:$0x3FAB] =	sst s5  }
0xe: {  	[smem:$0x3FAC] =	sst s6  }
0xf: {  	[smem:$0x3FAD] =	sst s7  }
0x10: {  	[smem:$0x3FAE] =	sst s8  }
0x11: {  	[smem:$0x3FAF] =	sst s9;
	s0 =	simm.s32 @!p0 $0x0  }
0x12: {  	s1 =	sld [smem:$0x3F95];
	s0 =	simm.s32 @p0 $0x1  }
0x13: {  	[smem:$0x3FB0] =	sst s0;
	s0 =	simm.s32 @!p1 $0x0  }
0x14: {  	s2 =	sld [smem:$0x3F94];
	s0 =	simm.s32 @p1 $0x1  }
0x15: {  	[smem:$0x3FB1] =	sst s0;
	s0 =	simm.s32 @!p2 $0x0  }
0x16: {  	s3 =	sld [smem:$0x3FDB];
	s0 =	simm.s32 @p2 $0x1  }
0x17: {  	s4 =	simm.s32 $0x1BF5;
	[smem:$0x3FB3] =	sst s0  }
0x18: {  	s0 =	sld [smem:$0x3F96];
	_ =	swait.ge [sflag:s4], $0x0  }
0x19: {  	s7 =	sld [smem:$0x3F97]  }
0x1a: {  	s8 =	sadd.s32 $0xFFFFE003, lr  }
0x1b: {  	s9 =	sadd.s32 $0xFFFFFEF7, lr;
	s5 =	simm.s32 $0xFFFFFFFF;
	p2 =	slt.u32 s8, $0xFFFFF086  }
0x1c: {  	p1 =	slt.u32 s9, $0xF7A;
	s5 =	simm.s32 @!p2 $0x0  }
0x1d: {  	s5 =	simm.s32 @p1 $0x1;
	p0 =	seq.s32 s7, s2  }
0x1e: {  	s7 =	smul.u32 @!p0 $0xF7A, s2;
	p2 =	seq.s32 @!p0 s5, $0x0  }
0x1f: {  	s9 =	smul.u32 $0xF7A, s1;
	s8 =	simm.s32 @!p0 $0x1BF5;
	p2 =	por !p2, p0  }
0x20: {  	[sflag:s8] =	ssyncset.s32 @!p0 $0xFFFFF086;
	s6 =	sadd.s32 @!p0 s3, s7;
	s7 =	simm.s32 @!p0 $0x108  }
0x21: {  	s3 =	sadd.s32 s3, s9;
	s6 =	sadd.s32 @!p0 $0x88, s6;
	s7 =	simm.s32 @p2 $0x1082  }
0x22: {  	[simem:s7], [sflag:s8] =	dma.local @!p0 [hbm:s6], $0xF7A  }
0x23: {  	s9 =	sor.u32 $0xD0000000, s2;
	s6 =	simm.s32 $0x108;
	_ =	swait.ge @!p0 [sflag:s8], $0x0  }
0x24: {  	s3 =	sadd.s32 $0x88, s3;
	s6 =	simm.s32 @!p1 $0x1082;
	[sflag:s4] =	ssyncset.s32 $0xFFFFF086  }
0x25: {  	[simem:s6], [sflag:s4] =	dma.local [hbm:s3], $0xF7A  }
0x26: {  	[smem:$0x3F97] =	sst s1;
	(tag) =	ssettag s2;
	_ =	strace s9  }
0x27: {  	s1 =	sld [smem:$0x3FA7]  }
0x28: {  	s2 =	sld [smem:$0x3FA8]  }
0x29: {  	s4 =	sld [smem:$0x3FAA]  }
0x2a: {  	p0 =	seq.s32 s5, $0x0;
	s5 =	sld [smem:$0x3FAB]  }
0x2b: {  	s6 =	sld [smem:$0x3FAC]  }
0x2c: {  	s7 =	sld [smem:$0x3FAD]  }
0x2d: {  	s3 =	simm.s32 $0x108;
	s8 =	sld [smem:$0x3FAE]  }
0x2e: {  	s3 =	simm.s32 @!p0 $0x1082;
	s9 =	sld [smem:$0x3FAF]  }
0x2f: {  	lr =	sadd.s32 s0, s3;
	s0 =	sld [smem:$0x3FA6]  }
0x30: {  	s3 =	sld [smem:$0x3FA9]  }
0x31: {  	[smem:$0x3FB2] =	sst s10  }
0x32: {  	s10 =	sld [smem:$0x3FB0];
	_ =	sdelay $0x3  }
0x33: {  	p0 =	seq.s32 s10, $0x1;
	s10 =	sld [smem:$0x3FB2];
	_ =	sdelay $0x3  }
0x34: {  	[smem:$0x3FB2] =	sst s10  }
0x35: {  	s10 =	sld [smem:$0x3FB1];
	_ =	sdelay $0x3  }
0x36: {  	p1 =	seq.s32 s10, $0x1;
	s10 =	sld [smem:$0x3FB2];
	_ =	sdelay $0x3  }
0x37: {  	[smem:$0x3FB2] =	sst s10  }
0x38: {  	s10 =	sld [smem:$0x3FB3]  }
0x39: {  	_ = 	snop;
	(pc) =	sbr.ind lr, $3  }
0x3a: {  	_ = 	snop  }
0x3b: {  	_ = 	snop  }
0x3c: {  	p2 =	seq.s32 s10, $0x1;
	s10 =	sld [smem:$0x3FB2]  }
0x3d: {  	_ =	shalt  }
0x3e: {  	_ =	shalt  }
0x3f: {  	_ =	shalt  }
0x40: {  	_ =	shalt  }
0x41: {  	_ =	shalt  }
0x42: {  	_ =	shalt  }
0x43: {  	_ =	shalt  }
0x44: {  	_ =	shalt  }
0x45: {  	_ =	shalt  }
0x46: {  	_ =	shalt  }
0x47: {  	_ =	shalt  }
0x48: {  	_ =	shalt  }
0x49: {  	_ =	shalt  }
0x4a: {  	_ =	shalt  }
0x4b: {  	_ =	shalt  }
0x4c: {  	_ =	shalt  }
0x4d: {  	_ =	shalt  }
0x4e: {  	_ =	shalt  }
0x4f: {  	_ =	shalt  }
0x50: {  	_ =	shalt  }
0x51: {  	_ =	shalt  }
0x52: {  	_ =	shalt  }
0x53: {  	_ =	shalt  }
0x54: {  	_ =	shalt  }
0x55: {  	_ =	shalt  }
0x56: {  	_ =	shalt  }
0x57: {  	_ =	shalt  }
0x58: {  	_ =	shalt  }
0x59: {  	_ =	shalt  }
0x5a: {  	_ =	shalt  }
0x5b: {  	_ =	shalt  }
0x5c: {  	_ =	shalt  }
0x5d: {  	_ =	shalt  }
0x5e: {  	_ =	shalt  }
0x5f: {  	_ =	shalt  }
0x60: {  	_ =	shalt  }
0x61: {  	_ =	shalt  }
0x62: {  	_ =	shalt  }
0x63: {  	_ =	shalt  }
0x64: {  	_ =	shalt  }
0x65: {  	_ =	shalt  }
0x66: {  	_ =	shalt  }
0x67: {  	_ =	shalt  }
0x68: {  	_ =	shalt  }
0x69: {  	_ =	shalt  }
0x6a: {  	_ =	shalt  }
0x6b: {  	_ =	shalt  }
0x6c: {  	_ =	shalt  }
0x6d: {  	_ =	shalt  }
0x6e: {  	_ =	shalt  }
0x6f: {  	_ =	shalt  }
0x70: {  	_ =	shalt  }
0x71: {  	_ =	shalt  }
0x72: {  	_ =	shalt  }
0x73: {  	_ =	shalt  }
0x74: {  	_ =	shalt  }
0x75: {  	_ =	shalt  }
0x76: {  	_ =	shalt  }
0x77: {  	_ =	shalt  }
0x78: {  	_ =	shalt  }
0x79: {  	_ =	shalt  }
0x7a: {  	_ =	shalt  }
0x7b: {  	_ =	shalt  }
0x7c: {  	_ =	shalt  }
0x7d: {  	_ =	shalt  }
0x7e: {  	_ =	shalt  }
0x7f: {  	_ =	shalt  }
0x80: {  	_ =	shalt  }
0x81: {  	_ =	shalt  }
0x82: {  	_ =	shalt  }
0x83: {  	_ =	shalt  }
0x84: {  	_ =	shalt  }
0x85: {  	_ =	shalt  }
0x86: {  	_ =	shalt  }
0x87: {  	_ =	shalt  }
.Lfunc_end0:
.L_simem_size_0:
called_computation.1_lowered:
.L_overlay_start_0:
0x88: {  	s2 =	sld [smem:$0x3FD9]  }
0x89: {  	s3 =	sld [smem:$0x3FFE];
	_ =	sdelay $0x1  }
0x8a: {  	s1 =	srdreg.scid  }
0x8b: {  	s0 =	sand.u32 $0x1, s1  }
0x8c: {  	s17 =	sshll.u32 s0, $0xA;
	s2 =	sadd.s32 s3, s2  }
0x8d: {  	s2 =	sadd.s32 s2, s17  }
0x8e: {  	[smem:$0x3FBE] =	sst s2  }
0x8f: {  	_ = 	snop  }
0x90: {  	(tm) =	ssettm $0x1  }
0x91: {  	s18 =	sld [smem:$0x3FFB];
	_ =	sdelay $0x3  }
0x92: {  	_ =	strace s18  }
0x93: {  	s2 =	sld [smem:$0x3FFC];
	_ =	sdelay $0x3  }
0x94: {  	_ =	strace s2  }
0x95: {  	s2 =	sld [smem:$0x3FFD];
	_ =	sdelay $0x3  }
0x96: {  	_ =	strace s2  }
0x97: {  	_ =	strace $0x8FFFFFFF  }
0x98: {  	s19 =	sld [smem:$0x3FDB];
	_ =	sdelay $0x1  }
0x99: {  	s20 =	simm.s32 $_scs_section_size  }
0x9a: {  	s4 =	simm.s32 $_size__tile_overlayer_lowered;
	s5 =	simm.s32 $_tile_overlayer_lowered  }
0x9b: {  	s6 =	simm.s32 $0x1BFF;
	s21 =	sshll.u32 s5, $0x1;
	s3 =	sadd.s32 s20, s19  }
0x9c: {  	s22 =	simm.s32 $0x0;
	s4 =	sshll.u32 s4, $0x1;
	s5 =	sadd.s32 s21, s3  }
0x9d: {  	[timem:s22], [sflag:s6] =	dma.local [hbm:s5], s4  }
0x9e: {  	_ =	swait.ge [sflag:s6], s4  }
0x9f: {  	s4 =	ssub.s32 $0x0, s4;
	[sflag:s6] =	ssyncset.done $0x0  }
0xa0: {  	[sflag:s6] =	ssyncadd.s32 s4;
	_ =	sdelay $0x1  }
0xa1: {  	s23 =	simm.s32 $0x1B8B  }
0xa2: {  	_ =	swait.ge [sflag:s23], $0x1  }
0xa3: {  	[sflag:s23] =	ssyncset.done $0x0  }
0xa4: {  	[sflag:s23] =	ssyncadd.s32 $0xFFFFFFFF  }
0xa5: {  	s4 =	sld [smem:$0x0]  }
0xa6: {  	s5 =	sand.u32 $0xFFFFFFFE, s1  }
0xa7: {  	p0 =	sne.s32 s1, s5  }
0xa8: {  	s5 =	sshll.u32 @p0 s5, $0xE  }
0xa9: {  	s5 =	sadd.s32 @p0 $0x11B8D, s5;
	s6 =	sshll.u32 @p0 s4, $0x11  }
0xaa: {  	s5 =	sor.u32 @p0 s6, s5  }
0xab: {  	[sflag:s5] =	ssyncadd.remote.s32 @p0 $0x1;
	_ =	sdelay $0x1  }
0xac: {  	s5 =	simm.s32 @p0 $0x1B8D  }
0xad: {  	_ =	swait.eq @p0 [sflag:s5], $0x1  }
0xae: {  	[sflag:s5] =	ssyncadd.s32 @p0 $0xFFFFFFFF  }
0xaf: {  	s6 =	sshll.u32 @!p0 s1, $0xE  }
0xb0: {  	s6 =	sor.u32 @!p0 $0x4000, s6;
	s5 =	simm.s32 @!p0 $0x1B8D  }
0xb1: {  	s4 =	sshll.u32 @!p0 s4, $0x11;
	s6 =	sadd.s32 @!p0 $0x11B8D, s6;
	_ =	swait.eq @!p0 [sflag:s5], $0x1  }
0xb2: {  	s4 =	sor.u32 @!p0 s4, s6;
	[sflag:s5] =	ssyncadd.s32 @!p0 $0xFFFFFFFF  }
0xb3: {  	s25 =	simm.s32 $0x1B8E;
	s24 =	sld [smem:$0x3FFE];
	[sflag:s4] =	ssyncadd.remote.s32 @!p0 $0x1  }
0xb4: {  	s26 =	simm.s32 $execute0_lowered;
	[smem:$0x3FD2] =	sst s25  }
0xb5: {  	s5 =	sshll.u32 s26, $0x1;
	_ =	strace $0x80000049;
	[dreg:$0x1] =	wrdreg $0xFFFFFFFF  }
0xb6: {  	s28 =	simm.s32 $_size_execute0_lowered;
	s3 =	sadd.s32 s3, s5;
	[dreg:$0x0] =	wrdreg $0x0  }
0xb7: {  	s5 =	sshll.u32 s28, $0x1;
	[dreg:$0x2] =	wrdreg s3  }
0xb8: {  	[dreg:$0x3] =	wrdreg s5  }
0xb9: {  	[dreg:$0x4] =	wrdreg $0xC0  }
0xba: {  	_ =	task [dreg:s22], $0x5FFFF  }
0xbb: {  	[dreg:$0x1] =	wrdreg $0xFFFFFFFF  }
0xbc: {  	[dreg:$0x0] =	wrdreg $0x60  }
0xbd: {  	[dreg:$0x2] =	wrdreg s24  }
0xbe: {  	[dreg:$0x3] =	wrdreg $0x50000  }
0xbf: {  	[dreg:$0x4] =	wrdreg $0xA  }
0xc0: {  	_ =	task.clear_ibuf [dreg:s22], $0x5FFFF;
	_ =	strace $0x90000049  }
0xc1: {  	s29 =	simm.s32 $0xA;
	_ =	strace $0x8000004B  }
0xc2: {  	_ =	swait.ge [sflag:s29], $0x1  }
0xc3: {  	[sflag:s29] =	ssyncadd.s32 $0xFFFFFFFF  }
0xc4: {  	_ =	strace $0x9000004B  }
0xc5: {  	_ =	sfence  }
0xc6: {  	s30 =	sld [smem:$0x0];
	_ =	sdelay $0x2  }
0xc7: {  	s31 =	sshll.u32 s1, $0xD;
	s1 =	sshrl.u32 s1, $0x2  }
0xc8: {  	s4 =	sand.u32 $0x4000, s31;
	s1 =	sadd.s32 s1, s30  }
0xc9: {  	s0 =	sor.u32 s4, s0;
	s1 =	sshll.u32 s1, $0x11  }
0xca: {  	s0 =	sor.u32 s1, s0  }
0xcb: {  	s0 =	sadd.s32 $0x8F2B, s0  }
0xcc: {  	[sflag:s0] =	ssyncadd.remote.s32 $0x1  }
0xcd: {  	_ =	sfence.sel $0xFFFF  }
0xce: {  	[dreg:$0x0] =	wrdreg $0xFFFFFFFF;
	(pc) =	sbr.abs _section_cstart, $3  }
0xcf: {  	[dreg:$0x1] =	wrdreg $0xFFFFFFFF  }
0xd0: {  	_ =	task.clear_ibuf [dreg:s22], $0x2FFFF;
	_ =	strace $0x9FFFFFFF  }
0xd1: {  	(tm) =	ssettm $0x7FFFFFFF  }
tec
execute0_lowered:
.L_overlay_start_1:
0x0: {  	(tag) =	ssettag $0x1  }
0x1: {  	s0 =	srdreg.scid;
	s4 =	rddreg [dreg:$0x0]  }
0x2: {  	s1 =	stileid.u32;
	s2 =	rddreg [dreg:$0x1]  }
0x3: {  	s26 =	simm.s32 $0x3800;
	s28 =	simm.s32 $0x1;
	s29 =	simm.s32 $0x50  }
0x4: {  	s30 =	simm.s32 $0x1000;
	s0 =	sand.u32 $0x1, s0;
	s6 =	smul.u32 $0x4E000, s1  }
0x5: {  	s19 =	sadd.s32 $0x78C00, s4;
	s16 =	smul.u32 $0x13800, s1;
	p0 =	sne.s32 s1, $0x0  }
0x6: {  	s3 =	sshll.u32 s0, $0x4;
	s31 =	ssub.s32 $0x2, s0;
	s0 =	smul.u32 $0x138800, s0  }
0x7: {  	s5 =	sor.u32 s1, s3;
	s3 =	simm.s32 $0x0;
	s6 =	sshrl.u32 s6, $0x2  }
0x8: {  	s7 =	sshrl.u32 s31, $0x1;
	s5 =	smul.u32 $0x5000, s5;
	[smem:$0x7FF] =	sst s3  }
0x9: {  	s20 =	ssub.s32 s31, s7;
	s17 =	sadd.s32 s16, s0;
	s0 =	sshrl.u32 s0, $0x3  }
0xa: {  	_ =	strace $0x8000004A;
	s18 =	sshrl.u32 s17, $0x3;
	s17 =	sadd.s32 $0x138000, s2  }
0xb: {  	s0 =	sadd.s32 s19, s0;
	s20 =	smax.u32 s20, $0x1;
	s5 =	sshrl.u32 s5, $0x3  }
0xc: {  	s18 =	sadd.s32 s19, s18;
	s25 =	sadd.s32 s5, s4;
	s4 =	sadd.s32 s6, s2  }
0xd: {  	s19 =	sadd.s32 $0x27000, s0;
	s5 =	sadd.s32 $0x1800, s4;
	s6 =	sadd.s32 $0x3000, s4  }
0xe: {  	s7 =	sadd.s32 $0x4800, s4;
	s8 =	sadd.s32 $0x6000, s4;
	s9 =	sadd.s32 $0x7800, s4  }
0xf: {  	s10 =	sadd.s32 $0x9000, s4;
	s11 =	sadd.s32 $0xA800, s4;
	s12 =	sadd.s32 $0xC000, s4  }
0x10: {  	s13 =	sadd.s32 $0xD800, s4;
	s14 =	sadd.s32 $0xF000, s4;
	s15 =	sadd.s32 $0x10800, s4  }
0x11: {  	s16 =	sadd.s32 $0x12000, s4;
	s21 =	sadd.s32 $0x2A00, s25;
	s22 =	sadd.s32 $0x2C00, s25  }
0x12: {  	v0 =	vimm.f32 $0.0e+00;
	v1 =	vimm.f32 $1.000000000e+00;
	s23 =	sadd.s32 $0x2E00, s25;
	s24 =	sadd.s32 $0x3000, s25;
	s25 =	sadd.s32 $0x3200, s25  }
.LBB2_1:
0x13: {  	s31 =	simm.s32 $0x70;
	s0 =	simm.s32 $0x3C0  }
.LBB2_2:
0x14: {  	p1 =	sne.s32 s0, $0x5FC0;
	[tilespmem:s31+$0x3800] =	vst v0  }
0x15: {  	[tilespmem:s31+$0x3790] =	vst v0  }
0x16: {  	[tilespmem:s31+$0x37A0] =	vst v0  }
.Ltmp0:
0x17: {  	[tilespmem:s31+$0x37B0] =	vst v0;
	(pc) =	sbr.rel @p1 .LBB2_2-.Ltmp0, $4  }
0x18: {  	[tilespmem:s31+$0x37C0] =	vst v0  }
0x19: {  	[tilespmem:s31+$0x37D0] =	vst v0  }
0x1a: {  	[tilespmem:s31+$0x37E0] =	vst v0  }
0x1b: {  	[tilespmem:s31+$0x37F0] =	vst v0;
	s31 =	sshra.s32 s0, $0x2;
	s0 =	sadd.s32 $0x200, s0  }
0x1c: {  	[tilespmem:s31+$0x3800] =	vst v0  }
0x1d: {  	[tilespmem:s31+$0x3790] =	vst v0  }
0x1e: {  	[tilespmem:s31+$0x37A0] =	vst v0  }
0x1f: {  	[tilespmem:s31+$0x37B0] =	vst v0  }
0x20: {  	[tilespmem:s31+$0x37C0] =	vst v0  }
0x21: {  	[tilespmem:s31+$0x37D0] =	vst v0  }
0x22: {  	[tilespmem:s31+$0x37E0] =	vst v0  }
0x23: {  	[tilespmem:s31+$0x37F0] =	vst v0  }
0x24: {  	[spmem:s4] =	stream.linear.scatter [tilespmem:s26], [sflag:$0x1], $0x1800, $0x38;
	[tilespmem:$0x18880] =	vst v63  }
0x25: {  	_ =	swait.ge [sflag:s28], $0x1800  }
0x26: {  	[sflag:s28] =	ssyncset.done $0x0  }
0x27: {  	[sflag:s28] =	ssyncadd.s32 $0xFFFFE800  }
0x28: {  	[spmem:s5] =	stream.linear.scatter [tilespmem:s26], [sflag:$0x1], $0x1800, $0x38;
	[tilespmem:$0x18880] =	vst v63  }
0x29: {  	_ =	swait.ge [sflag:s28], $0x1800  }
0x2a: {  	[sflag:s28] =	ssyncset.done $0x0  }
0x2b: {  	[sflag:s28] =	ssyncadd.s32 $0xFFFFE800  }
0x2c: {  	[spmem:s6] =	stream.linear.scatter [tilespmem:s26], [sflag:$0x1], $0x1800, $0x38;
	[tilespmem:$0x18880] =	vst v63  }
0x2d: {  	_ =	swait.ge [sflag:s28], $0x1800  }
0x2e: {  	[sflag:s28] =	ssyncset.done $0x0  }
0x2f: {  	[sflag:s28] =	ssyncadd.s32 $0xFFFFE800  }
0x30: {  	[spmem:s7] =	stream.linear.scatter [tilespmem:s26], [sflag:$0x1], $0x1800, $0x38;
	[tilespmem:$0x18880] =	vst v63  }
0x31: {  	_ =	swait.ge [sflag:s28], $0x1800  }
0x32: {  	[sflag:s28] =	ssyncset.done $0x0  }
0x33: {  	[sflag:s28] =	ssyncadd.s32 $0xFFFFE800  }
0x34: {  	[spmem:s8] =	stream.linear.scatter [tilespmem:s26], [sflag:$0x1], $0x1800, $0x38;
	[tilespmem:$0x18880] =	vst v63  }
0x35: {  	_ =	swait.ge [sflag:s28], $0x1800  }
0x36: {  	[sflag:s28] =	ssyncset.done $0x0  }
0x37: {  	[sflag:s28] =	ssyncadd.s32 $0xFFFFE800  }
0x38: {  	[spmem:s9] =	stream.linear.scatter [tilespmem:s26], [sflag:$0x1], $0x1800, $0x38;
	[tilespmem:$0x18880] =	vst v63  }
0x39: {  	_ =	swait.ge [sflag:s28], $0x1800  }
0x3a: {  	[sflag:s28] =	ssyncset.done $0x0  }
0x3b: {  	[sflag:s28] =	ssyncadd.s32 $0xFFFFE800  }
0x3c: {  	[spmem:s10] =	stream.linear.scatter [tilespmem:s26], [sflag:$0x1], $0x1800, $0x38;
	[tilespmem:$0x18880] =	vst v63  }
0x3d: {  	_ =	swait.ge [sflag:s28], $0x1800  }
0x3e: {  	[sflag:s28] =	ssyncset.done $0x0  }
0x3f: {  	[sflag:s28] =	ssyncadd.s32 $0xFFFFE800  }
0x40: {  	[spmem:s11] =	stream.linear.scatter [tilespmem:s26], [sflag:$0x1], $0x1800, $0x38;
	[tilespmem:$0x18880] =	vst v63  }
0x41: {  	_ =	swait.ge [sflag:s28], $0x1800  }
0x42: {  	[sflag:s28] =	ssyncset.done $0x0  }
0x43: {  	[sflag:s28] =	ssyncadd.s32 $0xFFFFE800  }
0x44: {  	[spmem:s12] =	stream.linear.scatter [tilespmem:s26], [sflag:$0x1], $0x1800, $0x38;
	[tilespmem:$0x18880] =	vst v63  }
0x45: {  	_ =	swait.ge [sflag:s28], $0x1800  }
0x46: {  	[sflag:s28] =	ssyncset.done $0x0  }
0x47: {  	[sflag:s28] =	ssyncadd.s32 $0xFFFFE800  }
0x48: {  	[spmem:s13] =	stream.linear.scatter [tilespmem:s26], [sflag:$0x1], $0x1800, $0x38;
	[tilespmem:$0x18880] =	vst v63  }
0x49: {  	_ =	swait.ge [sflag:s28], $0x1800  }
0x4a: {  	[sflag:s28] =	ssyncset.done $0x0  }
0x4b: {  	[sflag:s28] =	ssyncadd.s32 $0xFFFFE800  }
0x4c: {  	[spmem:s14] =	stream.linear.scatter [tilespmem:s26], [sflag:$0x1], $0x1800, $0x38;
	[tilespmem:$0x18880] =	vst v63  }
0x4d: {  	_ =	swait.ge [sflag:s28], $0x1800  }
0x4e: {  	[sflag:s28] =	ssyncset.done $0x0  }
0x4f: {  	[sflag:s28] =	ssyncadd.s32 $0xFFFFE800  }
0x50: {  	[spmem:s15] =	stream.linear.scatter [tilespmem:s26], [sflag:$0x1], $0x1800, $0x38;
	[tilespmem:$0x18880] =	vst v63  }
0x51: {  	_ =	swait.ge [sflag:s28], $0x1800  }
0x52: {  	[sflag:s28] =	ssyncset.done $0x0  }
0x53: {  	[sflag:s28] =	ssyncadd.s32 $0xFFFFE800  }
0x54: {  	[spmem:s16] =	stream.linear.scatter [tilespmem:s26], [sflag:$0x1], $0x1800, $0x38;
	[tilespmem:$0x18880] =	vst v63  }
0x55: {  	_ =	swait.ge [sflag:s28], $0x1800  }
0x56: {  	[sflag:s28] =	ssyncset.done $0x0  }
0x57: {  	s0 =	simm.s32 @!p0 $0x3800;
	[sflag:s28] =	ssyncadd.s32 $0xFFFFE800  }
0x58: {  	[spmem:s17] =	stream.linear.scatter @!p0 [tilespmem:s0], [sflag:$0x1], $0x800, $0x38;
	[tilespmem:$0x18880] =	vst v63  }
0x59: {  	s0 =	simm.s32 @!p0 $0x1  }
0x5a: {  	_ =	swait.ge @!p0 [sflag:s0], $0x800  }
0x5b: {  	[sflag:s0] =	ssyncset.done @!p0 $0x0  }
0x5c: {  	s31 =	simm.s32 $0x70;
	[sflag:s0] =	ssyncadd.s32 @!p0 $0xFFFFF800;
	s0 =	simm.s32 $0x3C0  }
.LBB2_4:
0x5d: {  	p1 =	sne.s32 s0, $0x9FC0;
	[tilespmem:s31+$0x1000] =	vst v1  }
0x5e: {  	[tilespmem:s31+$0xF90] =	vst v1  }
0x5f: {  	[tilespmem:s31+$0xFA0] =	vst v1  }
.Ltmp1:
0x60: {  	[tilespmem:s31+$0xFB0] =	vst v1;
	(pc) =	sbr.rel @p1 .LBB2_4-.Ltmp1, $4  }
0x61: {  	[tilespmem:s31+$0xFC0] =	vst v1  }
0x62: {  	[tilespmem:s31+$0xFD0] =	vst v1  }
0x63: {  	[tilespmem:s31+$0xFE0] =	vst v1  }
0x64: {  	[tilespmem:s31+$0xFF0] =	vst v1;
	s31 =	sshra.s32 s0, $0x2;
	s0 =	sadd.s32 $0x200, s0  }
0x65: {  	[tilespmem:s31+$0x1000] =	vst v1  }
0x66: {  	[tilespmem:s31+$0xF90] =	vst v1  }
0x67: {  	[tilespmem:s31+$0xFA0] =	vst v1  }
0x68: {  	[tilespmem:s31+$0xFB0] =	vst v1  }
0x69: {  	[tilespmem:s31+$0xFC0] =	vst v1  }
0x6a: {  	[tilespmem:s31+$0xFD0] =	vst v1  }
0x6b: {  	[tilespmem:s31+$0xFE0] =	vst v1  }
0x6c: {  	[tilespmem:s31+$0xFF0] =	vst v1  }
0x6d: {  	s0 =	simm.s32 $0x0;
	[bflag:$0x0] =	sbarrier.arrive $0xFFFF  }
0x6e: {  	[tilespmem:s0], [sflag:$0x1] =	stream.linear.gather [hbm4b:s21+s0], $0xC80, $0x38;
	[tilespmem:$0x18880] =	vst v63  }
0x6f: {  	_ =	swait.ge [sflag:s28], $0xC80  }
0x70: {  	[sflag:s28] =	ssyncset.done $0x0  }
0x71: {  	s31 =	simm.s32 $0x0;
	[sflag:s28] =	ssyncadd.s32 $0xFFFFF380  }
0x72: {  	[spmem:s2] =	stream.indirect.scatter.add.f32 [tilespmem:s30], [sflag:$0x1], $0x80, s31, s29, $0xb8;
	[tilespmem:$0x18880] =	vst v63  }
0x73: {  	_ =	swait.ge [sflag:s28], $0x2800  }
0x74: {  	s0 =	simm.s32 $0x200;
	[sflag:s28] =	ssyncset.done $0x0  }
.LBB2_6:
0x75: {  	s31 =	sshra.s32 s0, $0x2;
	[sflag:s28] =	ssyncadd.s32 $0xFFFFD800;
	p1 =	sne.s32 s0, $0x3000  }
0x76: {  	[spmem:s2] =	stream.indirect.scatter.add.f32 [tilespmem:s30], [sflag:$0x1], $0x80, s31, s29, $0xb8;
	[tilespmem:$0x18880] =	vst v63  }
.Ltmp2:
0x77: {  	_ = 	snop;
	(pc) =	sbr.rel @p1 .LBB2_6-.Ltmp2, $4  }
0x78: {  	_ = 	snop  }
0x79: {  	s0 =	sadd.s32 $0x200, s0  }
0x7a: {  	_ =	swait.ge [sflag:s28], $0x2800  }
0x7b: {  	[sflag:s28] =	ssyncset.done $0x0  }
0x7c: {  	[sflag:s28] =	ssyncadd.s32 $0xFFFFD800;
	s0 =	simm.s32 $0x0  }
0x7d: {  	[tilespmem:s0], [sflag:$0x1] =	stream.linear.gather [hbm4b:s22+s0], $0xC80, $0x38;
	[tilespmem:$0x18880] =	vst v63  }
0x7e: {  	_ =	swait.ge [sflag:s28], $0xC80  }
0x7f: {  	[sflag:s28] =	ssyncset.done $0x0  }
0x80: {  	s31 =	simm.s32 $0x0;
	[sflag:s28] =	ssyncadd.s32 $0xFFFFF380  }
0x81: {  	[spmem:s2] =	stream.indirect.scatter.add.f32 [tilespmem:s30], [sflag:$0x1], $0x80, s31, s29, $0xb8;
	[tilespmem:$0x18880] =	vst v63  }
0x82: {  	_ =	swait.ge [sflag:s28], $0x2800  }
0x83: {  	s0 =	simm.s32 $0x200;
	[sflag:s28] =	ssyncset.done $0x0  }
.LBB2_8:
0x84: {  	s31 =	sshra.s32 s0, $0x2;
	[sflag:s28] =	ssyncadd.s32 $0xFFFFD800;
	p1 =	sne.s32 s0, $0x3000  }
0x85: {  	[spmem:s2] =	stream.indirect.scatter.add.f32 [tilespmem:s30], [sflag:$0x1], $0x80, s31, s29, $0xb8;
	[tilespmem:$0x18880] =	vst v63  }
.Ltmp3:
0x86: {  	_ = 	snop;
	(pc) =	sbr.rel @p1 .LBB2_8-.Ltmp3, $4  }
0x87: {  	_ = 	snop  }
0x88: {  	s0 =	sadd.s32 $0x200, s0  }
0x89: {  	_ =	swait.ge [sflag:s28], $0x2800  }
0x8a: {  	[sflag:s28] =	ssyncset.done $0x0  }
0x8b: {  	[sflag:s28] =	ssyncadd.s32 $0xFFFFD800;
	s0 =	simm.s32 $0x0  }
0x8c: {  	[tilespmem:s0], [sflag:$0x1] =	stream.linear.gather [hbm4b:s23+s0], $0xC80, $0x38;
	[tilespmem:$0x18880] =	vst v63  }
0x8d: {  	_ =	swait.ge [sflag:s28], $0xC80  }
0x8e: {  	[sflag:s28] =	ssyncset.done $0x0  }
0x8f: {  	s31 =	simm.s32 $0x0;
	[sflag:s28] =	ssyncadd.s32 $0xFFFFF380  }
0x90: {  	[spmem:s2] =	stream.indirect.scatter.add.f32 [tilespmem:s30], [sflag:$0x1], $0x80, s31, s29, $0xb8;
	[tilespmem:$0x18880] =	vst v63  }
0x91: {  	_ =	swait.ge [sflag:s28], $0x2800  }
0x92: {  	s0 =	simm.s32 $0x200;
	[sflag:s28] =	ssyncset.done $0x0  }
.LBB2_10:
0x93: {  	s31 =	sshra.s32 s0, $0x2;
	[sflag:s28] =	ssyncadd.s32 $0xFFFFD800;
	p1 =	sne.s32 s0, $0x3000  }
0x94: {  	[spmem:s2] =	stream.indirect.scatter.add.f32 [tilespmem:s30], [sflag:$0x1], $0x80, s31, s29, $0xb8;
	[tilespmem:$0x18880] =	vst v63  }
.Ltmp4:
0x95: {  	_ = 	snop;
	(pc) =	sbr.rel @p1 .LBB2_10-.Ltmp4, $4  }
0x96: {  	_ = 	snop  }
0x97: {  	s0 =	sadd.s32 $0x200, s0  }
0x98: {  	_ =	swait.ge [sflag:s28], $0x2800  }
0x99: {  	[sflag:s28] =	ssyncset.done $0x0  }
0x9a: {  	[sflag:s28] =	ssyncadd.s32 $0xFFFFD800;
	s0 =	simm.s32 $0x0  }
0x9b: {  	[tilespmem:s0], [sflag:$0x1] =	stream.linear.gather [hbm4b:s24+s0], $0xC80, $0x38;
	[tilespmem:$0x18880] =	vst v63  }
0x9c: {  	_ =	swait.ge [sflag:s28], $0xC80  }
0x9d: {  	[sflag:s28] =	ssyncset.done $0x0  }
0x9e: {  	s31 =	simm.s32 $0x0;
	[sflag:s28] =	ssyncadd.s32 $0xFFFFF380  }
0x9f: {  	[spmem:s2] =	stream.indirect.scatter.add.f32 [tilespmem:s30], [sflag:$0x1], $0x80, s31, s29, $0xb8;
	[tilespmem:$0x18880] =	vst v63  }
0xa0: {  	_ =	swait.ge [sflag:s28], $0x2800  }
0xa1: {  	s0 =	simm.s32 $0x200;
	[sflag:s28] =	ssyncset.done $0x0  }
.LBB2_12:
0xa2: {  	s31 =	sshra.s32 s0, $0x2;
	[sflag:s28] =	ssyncadd.s32 $0xFFFFD800;
	p1 =	sne.s32 s0, $0x3000  }
0xa3: {  	[spmem:s2] =	stream.indirect.scatter.add.f32 [tilespmem:s30], [sflag:$0x1], $0x80, s31, s29, $0xb8;
	[tilespmem:$0x18880] =	vst v63  }
.Ltmp5:
0xa4: {  	_ = 	snop;
	(pc) =	sbr.rel @p1 .LBB2_12-.Ltmp5, $4  }
0xa5: {  	_ = 	snop  }
0xa6: {  	s0 =	sadd.s32 $0x200, s0  }
0xa7: {  	_ =	swait.ge [sflag:s28], $0x2800  }
0xa8: {  	[sflag:s28] =	ssyncset.done $0x0  }
0xa9: {  	[sflag:s28] =	ssyncadd.s32 $0xFFFFD800;
	s0 =	simm.s32 $0x0  }
0xaa: {  	[tilespmem:s0], [sflag:$0x1] =	stream.linear.gather [hbm4b:s25+s0], $0xC80, $0x38;
	[tilespmem:$0x18880] =	vst v63  }
0xab: {  	_ =	swait.ge [sflag:s28], $0xC80  }
0xac: {  	[sflag:s28] =	ssyncset.done $0x0  }
0xad: {  	s31 =	simm.s32 $0x0;
	[sflag:s28] =	ssyncadd.s32 $0xFFFFF380  }
0xae: {  	[spmem:s2] =	stream.indirect.scatter.add.f32 [tilespmem:s30], [sflag:$0x1], $0x80, s31, s29, $0xb8;
	[tilespmem:$0x18880] =	vst v63  }
0xaf: {  	_ =	swait.ge [sflag:s28], $0x2800  }
0xb0: {  	s0 =	simm.s32 $0x200;
	[sflag:s28] =	ssyncset.done $0x0  }
.LBB2_14:
0xb1: {  	s31 =	sshra.s32 s0, $0x2;
	[sflag:s28] =	ssyncadd.s32 $0xFFFFD800;
	p1 =	sne.s32 s0, $0x3000  }
0xb2: {  	[spmem:s2] =	stream.indirect.scatter.add.f32 [tilespmem:s30], [sflag:$0x1], $0x80, s31, s29, $0xb8;
	[tilespmem:$0x18880] =	vst v63  }
.Ltmp6:
0xb3: {  	_ = 	snop;
	(pc) =	sbr.rel @p1 .LBB2_14-.Ltmp6, $4  }
0xb4: {  	_ = 	snop  }
0xb5: {  	s0 =	sadd.s32 $0x200, s0  }
0xb6: {  	_ =	swait.ge [sflag:s28], $0x2800  }
0xb7: {  	[sflag:s28] =	ssyncset.done $0x0  }
0xb8: {  	[sflag:s28] =	ssyncadd.s32 $0xFFFFD800;
	s0 =	sshll.u32 s1, $0x6  }
0xb9: {  	s31 =	sshrl.u32 s4, $0x3;
	[bflag:$0x0] =	sbarrier.arrive $0xFFFF;
	s0 =	sor.u32 $0x1C01, s0  }
0xba: {  	[hbm:s18], [sflag:s0] =	dma.local [spmem:s31], $0x2700  }
0xbb: {  	_ =	swait.ge [sflag:s28], $0x2700  }
0xbc: {  	s3 =	sadd.s32 $0x1, s3;
	[sflag:s28] =	ssyncset.done $0x0  }
0xbd: {  	p1 =	sne.s32 s3, s20;
	s31 =	sshrl.u32 @!p0 s17, $0x3;
	[sflag:s28] =	ssyncadd.s32 $0xFFFFD900  }
0xbe: {  	[hbm:s19], [sflag:s0] =	dma.local @!p0 [spmem:s31], $0x100  }
.Ltmp7:
0xbf: {  	_ = 	snop;
	(pc) =	sbr.rel @p1 .LBB2_1-.Ltmp7, $4  }
0xc0: {  	s0 =	simm.s32 @!p0 $0x1  }
0xc1: {  	_ =	swait.ge @!p0 [sflag:s0], $0x100  }
0xc2: {  	[sflag:s0] =	ssyncset.done @!p0 $0x0  }
0xc3: {  	[sflag:s0] =	ssyncadd.s32 @!p0 $0xFFFFFF00  }
0xc4: {  	_ =	sfence.sel $0x180000  }
0xc5: {  	[bflag:$0x0] =	sbarrier.arrive $0xFFFF  }
0xc6: {  	_ =	strace $0x9000004A  }
0xc7: {  	[bflag:$0x2] =	sbarrier.arrive $0xFFFF  }
0xc8: {  	s0 =	rddreg [dreg:$0x2]  }
0xc9: {  	s0 =	sadd.s32 @!p0 $0x100000, s0  }
0xca: {  	[sflag:s0] =	ssyncadd.tile.s32 @!p0 $0x1;
	_ =	shalt  }
.Lfunc_end2:
_tile_overlayer_lowered:
.L_overlay_start_2:
0xcb: {  	(tag) =	ssettag $0x2  }
0xcc: {  	s0 =	rddreg [dreg:$0x0];
	s2 =	stileid.u32  }
0xcd: {  	s1 =	rddreg [dreg:$0x1];
	p0 =	sne.s32 s2, $0x0  }
0xce: {  	s3 =	rddreg [dreg:$0x2];
	[bflag:$0x3] =	sbarrier.arrive $0xFFFF;
	s2 =	simm.s32 @!p0 $0x1C01  }
0xcf: {  	[timem:s3], [sflag:s2] =	dma.local @!p0 [hbm:s0], s1  }
0xd0: {  	s0 =	simm.s32 @!p0 $0x1  }
0xd1: {  	_ =	swait.ge @!p0 [sflag:s0], s1  }
0xd2: {  	s1 =	ssub.s32 @!p0 $0x0, s1;
	[sflag:s0] =	ssyncset.done @!p0 $0x0  }
0xd3: {  	[sflag:s0] =	ssyncadd.s32 @!p0 s1  }
0xd4: {  	[bflag:$0x3] =	sbarrier.arrive $0xFFFF  }
0xd5: {  	_ =	shalt  }

// kernel: kernel.15.cloned.1.call-start
scs
__scs_entry_jumppad:
0x0: {  	(pc) =	sbr.rel $0x88, $3  }
0x1: {  	(tag) =	ssettag $0x0;
	lr =	simm.s32 $0x1  }
0x2: {  	[smem:$0x3F97] =	sst lr;
	_ =	strace $0xD0000000  }
0x3: {  	_ = 	snop  }
0x4: {  	_ = 	snop  }
0x5: {  	_ = 	snop  }
0x6: {  	_ = 	snop  }
0x7: {  	_ = 	snop  }
__scs_overlays_trampoline_lowered:
0x8: {  	[smem:$0x3FA6] =	sst s0  }
0x9: {  	[smem:$0x3FA7] =	sst s1  }
0xa: {  	[smem:$0x3FA8] =	sst s2  }
0xb: {  	[smem:$0x3FA9] =	sst s3  }
0xc: {  	[smem:$0x3FAA] =	sst s4  }
0xd: {  	[smem:$0x3FAB] =	sst s5  }
0xe: {  	[smem:$0x3FAC] =	sst s6  }
0xf: {  	[smem:$0x3FAD] =	sst s7  }
0x10: {  	[smem:$0x3FAE] =	sst s8  }
0x11: {  	[smem:$0x3FAF] =	sst s9;
	s0 =	simm.s32 @!p0 $0x0  }
0x12: {  	s1 =	sld [smem:$0x3F95];
	s0 =	simm.s32 @p0 $0x1  }
0x13: {  	[smem:$0x3FB0] =	sst s0;
	s0 =	simm.s32 @!p1 $0x0  }
0x14: {  	s2 =	sld [smem:$0x3F94];
	s0 =	simm.s32 @p1 $0x1  }
0x15: {  	[smem:$0x3FB1] =	sst s0;
	s0 =	simm.s32 @!p2 $0x0  }
0x16: {  	s3 =	sld [smem:$0x3FDB];
	s0 =	simm.s32 @p2 $0x1  }
0x17: {  	s4 =	simm.s32 $0x1BF5;
	[smem:$0x3FB3] =	sst s0  }
0x18: {  	s0 =	sld [smem:$0x3F96];
	_ =	swait.ge [sflag:s4], $0x0  }
0x19: {  	s7 =	sld [smem:$0x3F97]  }
0x1a: {  	s8 =	sadd.s32 $0xFFFFE003, lr  }
0x1b: {  	s9 =	sadd.s32 $0xFFFFFEF7, lr;
	s5 =	simm.s32 $0xFFFFFFFF;
	p2 =	slt.u32 s8, $0xFFFFF086  }
0x1c: {  	p1 =	slt.u32 s9, $0xF7A;
	s5 =	simm.s32 @!p2 $0x0  }
0x1d: {  	s5 =	simm.s32 @p1 $0x1;
	p0 =	seq.s32 s7, s2  }
0x1e: {  	s7 =	smul.u32 @!p0 $0xF7A, s2;
	p2 =	seq.s32 @!p0 s5, $0x0  }
0x1f: {  	s9 =	smul.u32 $0xF7A, s1;
	s8 =	simm.s32 @!p0 $0x1BF5;
	p2 =	por !p2, p0  }
0x20: {  	[sflag:s8] =	ssyncset.s32 @!p0 $0xFFFFF086;
	s6 =	sadd.s32 @!p0 s3, s7;
	s7 =	simm.s32 @!p0 $0x108  }
0x21: {  	s3 =	sadd.s32 s3, s9;
	s6 =	sadd.s32 @!p0 $0x88, s6;
	s7 =	simm.s32 @p2 $0x1082  }
0x22: {  	[simem:s7], [sflag:s8] =	dma.local @!p0 [hbm:s6], $0xF7A  }
0x23: {  	s9 =	sor.u32 $0xD0000000, s2;
	s6 =	simm.s32 $0x108;
	_ =	swait.ge @!p0 [sflag:s8], $0x0  }
0x24: {  	s3 =	sadd.s32 $0x88, s3;
	s6 =	simm.s32 @!p1 $0x1082;
	[sflag:s4] =	ssyncset.s32 $0xFFFFF086  }
0x25: {  	[simem:s6], [sflag:s4] =	dma.local [hbm:s3], $0xF7A  }
0x26: {  	[smem:$0x3F97] =	sst s1;
	(tag) =	ssettag s2;
	_ =	strace s9  }
0x27: {  	s1 =	sld [smem:$0x3FA7]  }
0x28: {  	s2 =	sld [smem:$0x3FA8]  }
0x29: {  	s4 =	sld [smem:$0x3FAA]  }
0x2a: {  	p0 =	seq.s32 s5, $0x0;
	s5 =	sld [smem:$0x3FAB]  }
0x2b: {  	s6 =	sld [smem:$0x3FAC]  }
0x2c: {  	s7 =	sld [smem:$0x3FAD]  }
0x2d: {  	s3 =	simm.s32 $0x108;
	s8 =	sld [smem:$0x3FAE]  }
0x2e: {  	s3 =	simm.s32 @!p0 $0x1082;
	s9 =	sld [smem:$0x3FAF]  }
0x2f: {  	lr =	sadd.s32 s0, s3;
	s0 =	sld [smem:$0x3FA6]  }
0x30: {  	s3 =	sld [smem:$0x3FA9]  }
0x31: {  	[smem:$0x3FB2] =	sst s10  }
0x32: {  	s10 =	sld [smem:$0x3FB0];
	_ =	sdelay $0x3  }
0x33: {  	p0 =	seq.s32 s10, $0x1;
	s10 =	sld [smem:$0x3FB2];
	_ =	sdelay $0x3  }
0x34: {  	[smem:$0x3FB2] =	sst s10  }
0x35: {  	s10 =	sld [smem:$0x3FB1];
	_ =	sdelay $0x3  }
0x36: {  	p1 =	seq.s32 s10, $0x1;
	s10 =	sld [smem:$0x3FB2];
	_ =	sdelay $0x3  }
0x37: {  	[smem:$0x3FB2] =	sst s10  }
0x38: {  	s10 =	sld [smem:$0x3FB3]  }
0x39: {  	_ = 	snop;
	(pc) =	sbr.ind lr, $3  }
0x3a: {  	_ = 	snop  }
0x3b: {  	_ = 	snop  }
0x3c: {  	p2 =	seq.s32 s10, $0x1;
	s10 =	sld [smem:$0x3FB2]  }
0x3d: {  	_ =	shalt  }
0x3e: {  	_ =	shalt  }
0x3f: {  	_ =	shalt  }
0x40: {  	_ =	shalt  }
0x41: {  	_ =	shalt  }
0x42: {  	_ =	shalt  }
0x43: {  	_ =	shalt  }
0x44: {  	_ =	shalt  }
0x45: {  	_ =	shalt  }
0x46: {  	_ =	shalt  }
0x47: {  	_ =	shalt  }
0x48: {  	_ =	shalt  }
0x49: {  	_ =	shalt  }
0x4a: {  	_ =	shalt  }
0x4b: {  	_ =	shalt  }
0x4c: {  	_ =	shalt  }
0x4d: {  	_ =	shalt  }
0x4e: {  	_ =	shalt  }
0x4f: {  	_ =	shalt  }
0x50: {  	_ =	shalt  }
0x51: {  	_ =	shalt  }
0x52: {  	_ =	shalt  }
0x53: {  	_ =	shalt  }
0x54: {  	_ =	shalt  }
0x55: {  	_ =	shalt  }
0x56: {  	_ =	shalt  }
0x57: {  	_ =	shalt  }
0x58: {  	_ =	shalt  }
0x59: {  	_ =	shalt  }
0x5a: {  	_ =	shalt  }
0x5b: {  	_ =	shalt  }
0x5c: {  	_ =	shalt  }
0x5d: {  	_ =	shalt  }
0x5e: {  	_ =	shalt  }
0x5f: {  	_ =	shalt  }
0x60: {  	_ =	shalt  }
0x61: {  	_ =	shalt  }
0x62: {  	_ =	shalt  }
0x63: {  	_ =	shalt  }
0x64: {  	_ =	shalt  }
0x65: {  	_ =	shalt  }
0x66: {  	_ =	shalt  }
0x67: {  	_ =	shalt  }
0x68: {  	_ =	shalt  }
0x69: {  	_ =	shalt  }
0x6a: {  	_ =	shalt  }
0x6b: {  	_ =	shalt  }
0x6c: {  	_ =	shalt  }
0x6d: {  	_ =	shalt  }
0x6e: {  	_ =	shalt  }
0x6f: {  	_ =	shalt  }
0x70: {  	_ =	shalt  }
0x71: {  	_ =	shalt  }
0x72: {  	_ =	shalt  }
0x73: {  	_ =	shalt  }
0x74: {  	_ =	shalt  }
0x75: {  	_ =	shalt  }
0x76: {  	_ =	shalt  }
0x77: {  	_ =	shalt  }
0x78: {  	_ =	shalt  }
0x79: {  	_ =	shalt  }
0x7a: {  	_ =	shalt  }
0x7b: {  	_ =	shalt  }
0x7c: {  	_ =	shalt  }
0x7d: {  	_ =	shalt  }
0x7e: {  	_ =	shalt  }
0x7f: {  	_ =	shalt  }
0x80: {  	_ =	shalt  }
0x81: {  	_ =	shalt  }
0x82: {  	_ =	shalt  }
0x83: {  	_ =	shalt  }
0x84: {  	_ =	shalt  }
0x85: {  	_ =	shalt  }
0x86: {  	_ =	shalt  }
0x87: {  	_ =	shalt  }
.Lfunc_end0:
.L_simem_size_0:
called_computation.2_lowered:
.L_overlay_start_0:
0x88: {  	s2 =	sld [smem:$0x3FD9]  }
0x89: {  	s3 =	sld [smem:$0x3FFE];
	_ =	sdelay $0x1  }
0x8a: {  	s1 =	srdreg.scid  }
0x8b: {  	s0 =	sand.u32 $0x1, s1  }
0x8c: {  	s16 =	sshll.u32 s0, $0xA;
	s2 =	sadd.s32 s3, s2  }
0x8d: {  	s2 =	sadd.s32 s2, s16  }
0x8e: {  	[smem:$0x3FBE] =	sst s2  }
0x8f: {  	_ = 	snop  }
0x90: {  	(tm) =	ssettm $0x1  }
0x91: {  	s17 =	sld [smem:$0x3FFB];
	_ =	sdelay $0x3  }
0x92: {  	_ =	strace s17  }
0x93: {  	s2 =	sld [smem:$0x3FFC];
	_ =	sdelay $0x3  }
0x94: {  	_ =	strace s2  }
0x95: {  	s2 =	sld [smem:$0x3FFD];
	_ =	sdelay $0x3  }
0x96: {  	_ =	strace s2  }
0x97: {  	_ =	strace $0x8FFFFFFF  }
0x98: {  	s18 =	sld [smem:$0x3FDB];
	_ =	sdelay $0x1  }
0x99: {  	s19 =	simm.s32 $_scs_section_size  }
0x9a: {  	s4 =	simm.s32 $_size__tile_overlayer_lowered;
	s5 =	simm.s32 $_tile_overlayer_lowered  }
0x9b: {  	s22 =	simm.s32 $0x1BFF;
	s21 =	sshll.u32 s5, $0x1;
	s2 =	sadd.s32 s19, s18  }
0x9c: {  	s6 =	simm.s32 $0x0;
	s20 =	sshll.u32 s4, $0x1;
	s4 =	sadd.s32 s21, s2  }
0x9d: {  	[timem:s6], [sflag:s22] =	dma.local [hbm:s4], s20  }
0x9e: {  	_ =	swait.ge [sflag:s22], s20  }
0x9f: {  	s3 =	ssub.s32 $0x0, s20;
	[sflag:s22] =	ssyncset.done $0x0  }
0xa0: {  	[sflag:s22] =	ssyncadd.s32 s3;
	_ =	sdelay $0x1  }
0xa1: {  	s23 =	simm.s32 $0x1B8B  }
0xa2: {  	_ =	swait.ge [sflag:s23], $0x1  }
0xa3: {  	[sflag:s23] =	ssyncset.done $0x0  }
0xa4: {  	s25 =	simm.s32 $0x1B8E;
	s24 =	sld [smem:$0x3FFE];
	[sflag:s23] =	ssyncadd.s32 $0xFFFFFFFF  }
0xa5: {  	s26 =	simm.s32 $execute0_lowered;
	[smem:$0x3FD2] =	sst s25  }
0xa6: {  	s4 =	sshll.u32 s26, $0x1;
	_ =	strace $0x8000004C;
	[dreg:$0x1] =	wrdreg $0xFFFFFFFF  }
0xa7: {  	s28 =	simm.s32 $_size_execute0_lowered;
	s2 =	sadd.s32 s2, s4;
	[dreg:$0x0] =	wrdreg $0x0  }
0xa8: {  	s4 =	sshll.u32 s28, $0x1;
	[dreg:$0x2] =	wrdreg s2  }
0xa9: {  	[dreg:$0x3] =	wrdreg s4  }
0xaa: {  	[dreg:$0x4] =	wrdreg $0xC0  }
0xab: {  	_ =	task [dreg:s6], $0x5FFFF  }
0xac: {  	[dreg:$0x1] =	wrdreg $0xFFFFFFFF  }
0xad: {  	[dreg:$0x0] =	wrdreg $0x60  }
0xae: {  	[dreg:$0x2] =	wrdreg s24  }
0xaf: {  	[dreg:$0x3] =	wrdreg $0x88000  }
0xb0: {  	[dreg:$0x4] =	wrdreg $0x9  }
0xb1: {  	_ =	task.clear_ibuf [dreg:s6], $0x5FFFF;
	_ =	strace $0x9000004C  }
0xb2: {  	s29 =	simm.s32 $0x9;
	_ =	strace $0x8000004E  }
0xb3: {  	_ =	swait.ge [sflag:s29], $0x1  }
0xb4: {  	[sflag:s29] =	ssyncadd.s32 $0xFFFFFFFF  }
0xb5: {  	_ =	strace $0x9000004E  }
0xb6: {  	_ =	sfence  }
0xb7: {  	s30 =	sld [smem:$0x0];
	_ =	sdelay $0x2  }
0xb8: {  	s31 =	sshll.u32 s1, $0xD;
	s1 =	sshrl.u32 s1, $0x2  }
0xb9: {  	s3 =	sand.u32 $0x4000, s31;
	s1 =	sadd.s32 s1, s30  }
0xba: {  	s0 =	sor.u32 s3, s0;
	s1 =	sshll.u32 s1, $0x11  }
0xbb: {  	s0 =	sor.u32 s1, s0  }
0xbc: {  	s0 =	sadd.s32 $0x8F2B, s0  }
0xbd: {  	[sflag:s0] =	ssyncadd.remote.s32 $0x1  }
0xbe: {  	_ =	sfence.sel $0xFFFF  }
0xbf: {  	[dreg:$0x0] =	wrdreg $0xFFFFFFFF;
	(pc) =	sbr.abs _section_cstart, $3  }
0xc0: {  	[dreg:$0x1] =	wrdreg $0xFFFFFFFF  }
0xc1: {  	_ =	task.clear_ibuf [dreg:s6], $0x2FFFF;
	_ =	strace $0x9FFFFFFF  }
0xc2: {  	(tm) =	ssettm $0x7FFFFFFF  }
0xc3: {  	_ =	shalt  }
tec
execute0_lowered:
.L_overlay_start_1:
0x0: {  	(tag) =	ssettag $0x1  }
0x1: {  	s0 =	rddreg [dreg:$0x0]  }
0x2: {  	s1 =	rddreg [dreg:$0x1]  }
0x3: {  	s2 =	simm.s32 $0x0;
	s11 =	stileid.u32;
	s3 =	srdreg.scid  }
0x4: {  	s28 =	simm.s32 $0x1000;
	s29 =	simm.s32 $0x50;
	s30 =	simm.s32 $0x2000  }
0x5: {  	s31 =	simm.s32 $0x4800;
	[smem:$0x7FF] =	sst s2;
	s4 =	sadd.s32 $0x2AA00, s0  }
0x6: {  	s7 =	smul.u32 $0x4E000, s11;
	s5 =	sadd.s32 $0x16A00, s0;
	s6 =	sadd.s32 $0x2A00, s0  }
0x7: {  	s3 =	sand.u32 $0x1, s3;
	s0 =	sadd.s32 $0xC6E00, s0;
	s26 =	smul.u32 $0x13800, s11  }
0x8: {  	p0 =	sne.s32 s11, $0x0;
	_ =	strace $0x8000004D;
	s8 =	ssub.s32 $0x2, s3  }
0x9: {  	s10 =	sshll.u32 s3, $0x4;
	s3 =	smul.u32 $0x138800, s3;
	s7 =	sshrl.u32 s7, $0x2  }
0xa: {  	s9 =	sshrl.u32 s8, $0x1;
	s15 =	sor.u32 s11, s10;
	s7 =	sadd.s32 s7, s1  }
0xb: {  	s8 =	ssub.s32 s8, s9;
	s10 =	sadd.s32 s26, s3;
	s18 =	sadd.s32 $0x1800, s7  }
0xc: {  	s3 =	sshrl.u32 s3, $0x3;
	s19 =	sadd.s32 $0x3000, s7;
	[dreg:$0x3] =	wrdreg s18  }
0xd: {  	s26 =	simm.s32 $0x3;
	s20 =	sadd.s32 $0x4800, s7;
	[dreg:$0x4] =	wrdreg s19  }
0xe: {  	s9 =	simm.s32 $0x1C00;
	s21 =	sadd.s32 $0x6000, s7;
	[dreg:$0x5] =	wrdreg s20  }
0xf: {  	s22 =	sadd.s32 $0x7800, s7;
	s23 =	sadd.s32 $0x9000, s7;
	[dreg:$0x6] =	wrdreg s21  }
0x10: {  	s24 =	sadd.s32 $0xA800, s7;
	s25 =	sadd.s32 $0xC000, s7;
	[dreg:$0x7] =	wrdreg s22  }
0x11: {  	s16 =	sadd.s32 $0xD800, s7;
	s17 =	sadd.s32 $0xF000, s7;
	[dreg:$0x8] =	wrdreg s23  }
0x12: {  	s10 =	sshrl.u32 s10, $0x3;
	s3 =	sadd.s32 s0, s3;
	[dreg:$0x9] =	wrdreg s24  }
0x13: {  	[dreg:$0xa] =	wrdreg s25;
	s18 =	sadd.s32 $0x10800, s7;
	s19 =	sadd.s32 $0x12000, s7  }
0x14: {  	s20 =	sadd.s32 $0x138000, s1;
	s21 =	smul.u32 $0x5000, s15;
	s22 =	sadd.s32 s0, s10  }
0x15: {  	s23 =	sadd.s32 $0x27000, s3;
	s24 =	smax.u32 s8, $0x1;
	s25 =	simm.s32 $0x7000  }
0x16: {  	v0 =	vimm.f32 $0.0e+00;
	s0 =	simm.s32 $0x1;
	s3 =	simm.s32 $0x2;
	s8 =	simm.s32 $0xC00  }
.LBB2_1:
0x17: {  	s10 =	simm.s32 $0x70;
	s11 =	simm.s32 $0x3C0  }
.LBB2_2:
0x18: {  	p1 =	sne.s32 s11, $0x5FC0;
	[tilespmem:s10+$0x7000] =	vst v0  }
0x19: {  	[tilespmem:s10+$0x6F90] =	vst v0  }
0x1a: {  	[tilespmem:s10+$0x6FA0] =	vst v0  }
.Ltmp0:
0x1b: {  	[tilespmem:s10+$0x6FB0] =	vst v0;
	(pc) =	sbr.rel @p1 .LBB2_2-.Ltmp0, $4  }
0x1c: {  	[tilespmem:s10+$0x6FC0] =	vst v0  }
0x1d: {  	[tilespmem:s10+$0x6FD0] =	vst v0  }
0x1e: {  	[tilespmem:s10+$0x6FE0] =	vst v0  }
0x1f: {  	[tilespmem:s10+$0x6FF0] =	vst v0;
	s10 =	sshra.s32 s11, $0x2;
	s11 =	sadd.s32 $0x200, s11  }
0x20: {  	[tilespmem:s10+$0x7000] =	vst v0  }
0x21: {  	[tilespmem:s10+$0x6F90] =	vst v0  }
0x22: {  	[tilespmem:s10+$0x6FA0] =	vst v0  }
0x23: {  	[tilespmem:s10+$0x6FB0] =	vst v0  }
0x24: {  	[tilespmem:s10+$0x6FC0] =	vst v0  }
0x25: {  	[tilespmem:s10+$0x6FD0] =	vst v0  }
0x26: {  	[tilespmem:s10+$0x6FE0] =	vst v0  }
0x27: {  	[tilespmem:s10+$0x6FF0] =	vst v0  }
0x28: {  	[spmem:s7] =	stream.linear.scatter [tilespmem:s25], [sflag:$0x3], $0x1800, $0x38;
	[tilespmem:$0x1C080] =	vst v63  }
0x29: {  	_ =	swait.ge [sflag:s26], $0x1800  }
0x2a: {  	[sflag:s26] =	ssyncset.done $0x0  }
0x2b: {  	s13 =	rddreg [dreg:$0x3];
	[sflag:s26] =	ssyncadd.s32 $0xFFFFE800  }
0x2c: {  	[spmem:s13] =	stream.linear.scatter [tilespmem:s25], [sflag:$0x3], $0x1800, $0x38;
	[tilespmem:$0x1C080] =	vst v63  }
0x2d: {  	_ =	swait.ge [sflag:s26], $0x1800  }
0x2e: {  	[sflag:s26] =	ssyncset.done $0x0  }
0x2f: {  	s14 =	rddreg [dreg:$0x4];
	[sflag:s26] =	ssyncadd.s32 $0xFFFFE800  }
0x30: {  	[spmem:s14] =	stream.linear.scatter [tilespmem:s25], [sflag:$0x3], $0x1800, $0x38;
	[tilespmem:$0x1C080] =	vst v63  }
0x31: {  	_ =	swait.ge [sflag:s26], $0x1800  }
0x32: {  	[sflag:s26] =	ssyncset.done $0x0  }
0x33: {  	s15 =	rddreg [dreg:$0x5];
	[sflag:s26] =	ssyncadd.s32 $0xFFFFE800  }
0x34: {  	[spmem:s15] =	stream.linear.scatter [tilespmem:s25], [sflag:$0x3], $0x1800, $0x38;
	[tilespmem:$0x1C080] =	vst v63  }
0x35: {  	_ =	swait.ge [sflag:s26], $0x1800  }
0x36: {  	[sflag:s26] =	ssyncset.done $0x0  }
0x37: {  	s11 =	rddreg [dreg:$0x6];
	[sflag:s26] =	ssyncadd.s32 $0xFFFFE800  }
0x38: {  	[spmem:s11] =	stream.linear.scatter [tilespmem:s25], [sflag:$0x3], $0x1800, $0x38;
	[tilespmem:$0x1C080] =	vst v63  }
0x39: {  	_ =	swait.ge [sflag:s26], $0x1800  }
0x3a: {  	[sflag:s26] =	ssyncset.done $0x0  }
0x3b: {  	s12 =	rddreg [dreg:$0x7];
	[sflag:s26] =	ssyncadd.s32 $0xFFFFE800  }
0x3c: {  	[spmem:s12] =	stream.linear.scatter [tilespmem:s25], [sflag:$0x3], $0x1800, $0x38;
	[tilespmem:$0x1C080] =	vst v63  }
0x3d: {  	_ =	swait.ge [sflag:s26], $0x1800  }
0x3e: {  	[sflag:s26] =	ssyncset.done $0x0  }
0x3f: {  	s13 =	rddreg [dreg:$0x8];
	[sflag:s26] =	ssyncadd.s32 $0xFFFFE800  }
0x40: {  	[spmem:s13] =	stream.linear.scatter [tilespmem:s25], [sflag:$0x3], $0x1800, $0x38;
	[tilespmem:$0x1C080] =	vst v63  }
0x41: {  	_ =	swait.ge [sflag:s26], $0x1800  }
0x42: {  	[sflag:s26] =	ssyncset.done $0x0  }
0x43: {  	s14 =	rddreg [dreg:$0x9];
	[sflag:s26] =	ssyncadd.s32 $0xFFFFE800  }
0x44: {  	[spmem:s14] =	stream.linear.scatter [tilespmem:s25], [sflag:$0x3], $0x1800, $0x38;
	[tilespmem:$0x1C080] =	vst v63  }
0x45: {  	_ =	swait.ge [sflag:s26], $0x1800  }
0x46: {  	[sflag:s26] =	ssyncset.done $0x0  }
0x47: {  	s15 =	rddreg [dreg:$0xa];
	[sflag:s26] =	ssyncadd.s32 $0xFFFFE800  }
0x48: {  	[spmem:s15] =	stream.linear.scatter [tilespmem:s25], [sflag:$0x3], $0x1800, $0x38;
	[tilespmem:$0x1C080] =	vst v63  }
0x49: {  	_ =	swait.ge [sflag:s26], $0x1800  }
0x4a: {  	[sflag:s26] =	ssyncset.done $0x0  }
0x4b: {  	[sflag:s26] =	ssyncadd.s32 $0xFFFFE800  }
0x4c: {  	[spmem:s16] =	stream.linear.scatter [tilespmem:s25], [sflag:$0x3], $0x1800, $0x38;
	[tilespmem:$0x1C080] =	vst v63  }
0x4d: {  	_ =	swait.ge [sflag:s26], $0x1800  }
0x4e: {  	[sflag:s26] =	ssyncset.done $0x0  }
0x4f: {  	[sflag:s26] =	ssyncadd.s32 $0xFFFFE800  }
0x50: {  	[spmem:s17] =	stream.linear.scatter [tilespmem:s25], [sflag:$0x3], $0x1800, $0x38;
	[tilespmem:$0x1C080] =	vst v63  }
0x51: {  	_ =	swait.ge [sflag:s26], $0x1800  }
0x52: {  	[sflag:s26] =	ssyncset.done $0x0  }
0x53: {  	[sflag:s26] =	ssyncadd.s32 $0xFFFFE800  }
0x54: {  	[spmem:s18] =	stream.linear.scatter [tilespmem:s25], [sflag:$0x3], $0x1800, $0x38;
	[tilespmem:$0x1C080] =	vst v63  }
0x55: {  	_ =	swait.ge [sflag:s26], $0x1800  }
0x56: {  	[sflag:s26] =	ssyncset.done $0x0  }
0x57: {  	[sflag:s26] =	ssyncadd.s32 $0xFFFFE800  }
0x58: {  	[spmem:s19] =	stream.linear.scatter [tilespmem:s25], [sflag:$0x3], $0x1800, $0x38;
	[tilespmem:$0x1C080] =	vst v63  }
0x59: {  	_ =	swait.ge [sflag:s26], $0x1800  }
0x5a: {  	[sflag:s26] =	ssyncset.done $0x0  }
0x5b: {  	s10 =	simm.s32 @!p0 $0x7000;
	[sflag:s26] =	ssyncadd.s32 $0xFFFFE800  }
0x5c: {  	[spmem:s20] =	stream.linear.scatter @!p0 [tilespmem:s10], [sflag:$0x3], $0x800, $0x38;
	[tilespmem:$0x1C080] =	vst v63  }
0x5d: {  	s10 =	simm.s32 @!p0 $0x3  }
0x5e: {  	_ =	swait.ge @!p0 [sflag:s10], $0x800  }
0x5f: {  	[sflag:s10] =	ssyncset.done @!p0 $0x0  }
0x60: {  	[sflag:s10] =	ssyncadd.s32 @!p0 $0xFFFFF800  }
0x61: {  	s11 =	simm.s32 $0x0;
	s10 =	simm.s32 $0x0;
	[bflag:$0x0] =	sbarrier.arrive $0xFFFF  }
.LBB2_4:
0x62: {  	s12 =	sshll.u32 s11, $0xC  }
0x63: {  	s12 =	sadd.s32 s21, s12  }
0x64: {  	s12 =	sshrl.u32 s12, $0x3  }
0x65: {  	s13 =	sadd.s32 s5, s12  }
0x66: {  	[tilespmem:s10], [sflag:$0x3] =	stream.linear.gather [hbm4b:s13+s10], $0xC80, $0x38;
	[tilespmem:$0x1C080] =	vst v63  }
0x67: {  	_ =	swait.ge [sflag:s26], $0xC80  }
0x68: {  	[sflag:s26] =	ssyncset.done $0x0  }
0x69: {  	s12 =	sadd.s32 s6, s12;
	[sflag:s26] =	ssyncadd.s32 $0xFFFFF380  }
0x6a: {  	[tilespmem:s28], [sflag:$0x3] =	stream.linear.gather [hbm4b:s12+s10], $0xC80, $0x38;
	[tilespmem:$0x1C080] =	vst v63  }
0x6b: {  	_ =	swait.ge [sflag:s26], $0xC80  }
0x6c: {  	[sflag:s26] =	ssyncset.done $0x0  }
0x6d: {  	s15 =	simm.s32 $0x0;
	[sflag:s26] =	ssyncadd.s32 $0xFFFFF380  }
0x6e: {  	[tilespmem:s30], [sflag:$0x1] =	stream.indirect.gather [hbm4b:s4+s29], $0x80, s15, s29, $0xb8;
	[tilespmem:$0x1C080] =	vst v63  }
0x6f: {  	s13 =	simm.s32 $0x80  }
0x70: {  	[tilespmem:s31], [sflag:$0x2] =	stream.indirect.gather [hbm4b:s4+s29], $0x80, s13, s29, $0xb8;
	[tilespmem:$0x1C080] =	vst v63  }
0x71: {  	_ =	swait.ge [sflag:s0], $0x2800  }
0x72: {  	[sflag:s0] =	ssyncset.done $0x0  }
0x73: {  	s14 =	simm.s32 $0x1000;
	[sflag:s0] =	ssyncadd.s32 $0xFFFFD800  }
0x74: {  	[spmem:s1] =	stream.indirect.scatter.add.f32 [tilespmem:s30], [sflag:$0x3], $0x80, s14, s29, $0xb8;
	[tilespmem:$0x1C080] =	vst v63  }
0x75: {  	_ =	swait.ge [sflag:s26], $0x2800  }
0x76: {  	[sflag:s26] =	ssyncset.done $0x0  }
0x77: {  	[sflag:s26] =	ssyncadd.s32 $0xFFFFD800  }
0x78: {  	_ =	swait.ge [sflag:s3], $0x2800  }
0x79: {  	[sflag:s3] =	ssyncset.done $0x0  }
0x7a: {  	s15 =	simm.s32 $0x1080;
	[sflag:s3] =	ssyncadd.s32 $0xFFFFD800  }
0x7b: {  	[spmem:s1] =	stream.indirect.scatter.add.f32 [tilespmem:s31], [sflag:$0x3], $0x80, s15, s29, $0xb8;
	[tilespmem:$0x1C080] =	vst v63  }
0x7c: {  	_ =	swait.ge [sflag:s26], $0x2800  }
0x7d: {  	s12 =	simm.s32 $0x400;
	s13 =	simm.s32 $0x800;
	[sflag:s26] =	ssyncset.done $0x0  }
.LBB2_5:
0x7e: {  	s14 =	sshra.s32 s12, $0x2  }
0x7f: {  	[sflag:s26] =	ssyncadd.s32 $0xFFFFD800;
	s12 =	smov.u32 s13;
	s15 =	sadd.s32 $0x400, s13  }
0x80: {  	[tilespmem:s30], [sflag:$0x1] =	stream.indirect.gather [hbm4b:s4+s29], $0x80, s14, s29, $0xb8;
	[tilespmem:$0x1C080] =	vst v63  }
0x81: {  	p1 =	sne.s32 s13, $0x2C00;
	s13 =	sadd.s32 $0x80, s14  }
0x82: {  	[tilespmem:s31], [sflag:$0x2] =	stream.indirect.gather [hbm4b:s4+s29], $0x80, s13, s29, $0xb8;
	[tilespmem:$0x1C080] =	vst v63  }
0x83: {  	_ =	swait.ge [sflag:s0], $0x2800  }
0x84: {  	[sflag:s0] =	ssyncset.done $0x0  }
0x85: {  	s13 =	sadd.s32 $0x1000, s14;
	[sflag:s0] =	ssyncadd.s32 $0xFFFFD800  }
0x86: {  	[spmem:s1] =	stream.indirect.scatter.add.f32 [tilespmem:s30], [sflag:$0x3], $0x80, s13, s29, $0xb8;
	[tilespmem:$0x1C080] =	vst v63  }
0x87: {  	_ =	swait.ge [sflag:s26], $0x2800  }
0x88: {  	[sflag:s26] =	ssyncset.done $0x0  }
0x89: {  	[sflag:s26] =	ssyncadd.s32 $0xFFFFD800  }
0x8a: {  	_ =	swait.ge [sflag:s3], $0x2800  }
.Ltmp1:
0x8b: {  	[sflag:s3] =	ssyncset.done $0x0;
	(pc) =	sbr.rel @p1 .LBB2_5-.Ltmp1, $4  }
0x8c: {  	s13 =	sadd.s32 $0x1080, s14;
	[sflag:s3] =	ssyncadd.s32 $0xFFFFD800  }
0x8d: {  	[spmem:s1] =	stream.indirect.scatter.add.f32 [tilespmem:s31], [sflag:$0x3], $0x80, s13, s29, $0xb8;
	[tilespmem:$0x1C080] =	vst v63  }
0x8e: {  	_ =	swait.ge [sflag:s26], $0x2800  }
0x8f: {  	s13 =	smov.u32 s15;
	[sflag:s26] =	ssyncset.done $0x0  }
0x90: {  	s12 =	sshra.s32 s12, $0x2;
	[sflag:s26] =	ssyncadd.s32 $0xFFFFD800  }
0x91: {  	[tilespmem:s30], [sflag:$0x1] =	stream.indirect.gather [hbm4b:s4+s29], $0x80, s12, s29, $0xb8;
	[tilespmem:$0x1C080] =	vst v63  }
0x92: {  	s13 =	sadd.s32 $0x80, s12  }
0x93: {  	[tilespmem:s31], [sflag:$0x2] =	stream.indirect.gather [hbm4b:s4+s29], $0x80, s13, s29, $0xb8;
	[tilespmem:$0x1C080] =	vst v63  }
0x94: {  	_ =	swait.ge [sflag:s0], $0x2800  }
0x95: {  	[sflag:s0] =	ssyncset.done $0x0  }
0x96: {  	s15 =	sadd.s32 $0x1000, s12;
	[sflag:s0] =	ssyncadd.s32 $0xFFFFD800  }
0x97: {  	[spmem:s1] =	stream.indirect.scatter.add.f32 [tilespmem:s30], [sflag:$0x3], $0x80, s15, s29, $0xb8;
	[tilespmem:$0x1C080] =	vst v63  }
0x98: {  	_ =	swait.ge [sflag:s26], $0x2800  }
0x99: {  	[sflag:s26] =	ssyncset.done $0x0  }
0x9a: {  	[sflag:s26] =	ssyncadd.s32 $0xFFFFD800  }
0x9b: {  	_ =	swait.ge [sflag:s3], $0x2800  }
0x9c: {  	[sflag:s3] =	ssyncset.done $0x0  }
0x9d: {  	s12 =	sadd.s32 $0x1080, s12;
	[sflag:s3] =	ssyncadd.s32 $0xFFFFD800  }
0x9e: {  	[spmem:s1] =	stream.indirect.scatter.add.f32 [tilespmem:s31], [sflag:$0x3], $0x80, s12, s29, $0xb8;
	[tilespmem:$0x1C080] =	vst v63  }
0x9f: {  	_ =	swait.ge [sflag:s26], $0x2800  }
0xa0: {  	[sflag:s26] =	ssyncset.done $0x0  }
0xa1: {  	[sflag:s26] =	ssyncadd.s32 $0xFFFFD800  }
0xa2: {  	[tilespmem:s30], [sflag:$0x1] =	stream.indirect.gather [hbm4b:s4+s29], $0x80, s8, s29, $0xb8;
	[tilespmem:$0x1C080] =	vst v63  }
0xa3: {  	s11 =	sadd.s32 $0x1, s11;
	_ =	swait.ge [sflag:s0], $0x2800  }
0xa4: {  	p1 =	sne.s32 s11, $0x5;
	[sflag:s0] =	ssyncset.done $0x0  }
.Ltmp2:
0xa5: {  	[sflag:s0] =	ssyncadd.s32 $0xFFFFD800;
	(pc) =	sbr.rel @p1 .LBB2_4-.Ltmp2, $4  }
0xa6: {  	[spmem:s1] =	stream.indirect.scatter.add.f32 [tilespmem:s30], [sflag:$0x3], $0x80, s9, s29, $0xb8;
	[tilespmem:$0x1C080] =	vst v63  }
0xa7: {  	_ =	swait.ge [sflag:s26], $0x2800  }
0xa8: {  	[sflag:s26] =	ssyncset.done $0x0  }
0xa9: {  	[sflag:s26] =	ssyncadd.s32 $0xFFFFD800  }
0xaa: {  	s10 =	stileid.u32  }
0xab: {  	s10 =	sshll.u32 s10, $0x6  }
0xac: {  	[bflag:$0x0] =	sbarrier.arrive $0xFFFF;
	s11 =	sshrl.u32 s7, $0x3;
	s10 =	sor.u32 $0x1C03, s10  }
0xad: {  	[hbm:s22], [sflag:s10] =	dma.local [spmem:s11], $0x2700  }
0xae: {  	_ =	swait.ge [sflag:s26], $0x2700  }
0xaf: {  	s2 =	sadd.s32 $0x1, s2;
	[sflag:s26] =	ssyncset.done $0x0  }
0xb0: {  	p1 =	sne.s32 s2, s24;
	s11 =	sshrl.u32 @!p0 s20, $0x3;
	[sflag:s26] =	ssyncadd.s32 $0xFFFFD900  }
0xb1: {  	[hbm:s23], [sflag:s10] =	dma.local @!p0 [spmem:s11], $0x100  }
.Ltmp3:
0xb2: {  	_ = 	snop;
	(pc) =	sbr.rel @p1 .LBB2_1-.Ltmp3, $4  }
0xb3: {  	s10 =	simm.s32 @!p0 $0x3  }
0xb4: {  	_ =	swait.ge @!p0 [sflag:s10], $0x100  }
0xb5: {  	[sflag:s10] =	ssyncset.done @!p0 $0x0  }
0xb6: {  	[sflag:s10] =	ssyncadd.s32 @!p0 $0xFFFFFF00  }
0xb7: {  	_ =	sfence.sel $0x180000  }
0xb8: {  	[bflag:$0x0] =	sbarrier.arrive $0xFFFF  }
0xb9: {  	_ =	strace $0x9000004D  }
0xba: {  	[bflag:$0x2] =	sbarrier.arrive $0xFFFF  }
0xbb: {  	s0 =	rddreg [dreg:$0x2]  }
0xbc: {  	s0 =	sadd.s32 @!p0 $0x100000, s0  }
0xbd: {  	[sflag:s0] =	ssyncadd.tile.s32 @!p0 $0x1;
	_ =	shalt  }
.Lfunc_end2:
_tile_overlayer_lowered:
.L_overlay_start_2:
0xbe: {  	(tag) =	ssettag $0x2  }
0xbf: {  	s0 =	rddreg [dreg:$0x0];
	s2 =	stileid.u32  }
0xc0: {  	s1 =	rddreg [dreg:$0x1];
	p0 =	sne.s32 s2, $0x0  }
0xc1: {  	s3 =	rddreg [dreg:$0x2];
	[bflag:$0x3] =	sbarrier.arrive $0xFFFF;
	s2 =	simm.s32 @!p0 $0x1C03  }
0xc2: {  	[timem:s3], [sflag:s2] =	dma.local @!p0 [hbm:s0], s1  }
0xc3: {  	s0 =	simm.s32 @!p0 $0x3  }
0xc4: {  	_ =	swait.ge @!p0 [sflag:s0], s1  }
0xc5: {  	s1 =	ssub.s32 @!p0 $0x0, s1;
	[sflag:s0] =	ssyncset.done @!p0 $0x0  }
0xc6: {  	[sflag:s0] =	ssyncadd.s32 @!p0 s1  }
0xc7: {  	[bflag:$0x3] =	sbarrier.arrive $0xFFFF  }
0xc8: {  	_ =	shalt  }

// kernel: kernel.18.cloned.1.call-start
scs
__scs_entry_jumppad:
0x0: {  	(pc) =	sbr.rel $0x88, $3  }
0x1: {  	(tag) =	ssettag $0x0;
	lr =	simm.s32 $0x1  }
0x2: {  	[smem:$0x3F97] =	sst lr;
	_ =	strace $0xD0000000  }
0x3: {  	_ = 	snop  }
0x4: {  	_ = 	snop  }
0x5: {  	_ = 	snop  }
0x6: {  	_ = 	snop  }
0x7: {  	_ = 	snop  }
__scs_overlays_trampoline_lowered:
0x8: {  	[smem:$0x3FA6] =	sst s0  }
0x9: {  	[smem:$0x3FA7] =	sst s1  }
0xa: {  	[smem:$0x3FA8] =	sst s2  }
0xb: {  	[smem:$0x3FA9] =	sst s3  }
0xc: {  	[smem:$0x3FAA] =	sst s4  }
0xd: {  	[smem:$0x3FAB] =	sst s5  }
0xe: {  	[smem:$0x3FAC] =	sst s6  }
0xf: {  	[smem:$0x3FAD] =	sst s7  }
0x10: {  	[smem:$0x3FAE] =	sst s8  }
0x11: {  	[smem:$0x3FAF] =	sst s9;
	s0 =	simm.s32 @!p0 $0x0  }
0x12: {  	s1 =	sld [smem:$0x3F95];
	s0 =	simm.s32 @p0 $0x1  }
0x13: {  	[smem:$0x3FB0] =	sst s0;
	s0 =	simm.s32 @!p1 $0x0  }
0x14: {  	s2 =	sld [smem:$0x3F94];
	s0 =	simm.s32 @p1 $0x1  }
0x15: {  	[smem:$0x3FB1] =	sst s0;
	s0 =	simm.s32 @!p2 $0x0  }
0x16: {  	s3 =	sld [smem:$0x3FDB];
	s0 =	simm.s32 @p2 $0x1  }
0x17: {  	s4 =	simm.s32 $0x1BF5;
	[smem:$0x3FB3] =	sst s0  }
0x18: {  	s0 =	sld [smem:$0x3F96];
	_ =	swait.ge [sflag:s4], $0x0  }
0x19: {  	s7 =	sld [smem:$0x3F97]  }
0x1a: {  	s8 =	sadd.s32 $0xFFFFE003, lr  }
0x1b: {  	s9 =	sadd.s32 $0xFFFFFEF7, lr;
	s5 =	simm.s32 $0xFFFFFFFF;
	p2 =	slt.u32 s8, $0xFFFFF086  }
0x1c: {  	p1 =	slt.u32 s9, $0xF7A;
	s5 =	simm.s32 @!p2 $0x0  }
0x1d: {  	s5 =	simm.s32 @p1 $0x1;
	p0 =	seq.s32 s7, s2  }
0x1e: {  	s7 =	smul.u32 @!p0 $0xF7A, s2;
	p2 =	seq.s32 @!p0 s5, $0x0  }
0x1f: {  	s9 =	smul.u32 $0xF7A, s1;
	s8 =	simm.s32 @!p0 $0x1BF5;
	p2 =	por !p2, p0  }
0x20: {  	[sflag:s8] =	ssyncset.s32 @!p0 $0xFFFFF086;
	s6 =	sadd.s32 @!p0 s3, s7;
	s7 =	simm.s32 @!p0 $0x108  }
0x21: {  	s3 =	sadd.s32 s3, s9;
	s6 =	sadd.s32 @!p0 $0x88, s6;
	s7 =	simm.s32 @p2 $0x1082  }
0x22: {  	[simem:s7], [sflag:s8] =	dma.local @!p0 [hbm:s6], $0xF7A  }
0x23: {  	s9 =	sor.u32 $0xD0000000, s2;
	s6 =	simm.s32 $0x108;
	_ =	swait.ge @!p0 [sflag:s8], $0x0  }
0x24: {  	s3 =	sadd.s32 $0x88, s3;
	s6 =	simm.s32 @!p1 $0x1082;
	[sflag:s4] =	ssyncset.s32 $0xFFFFF086  }
0x25: {  	[simem:s6], [sflag:s4] =	dma.local [hbm:s3], $0xF7A  }
0x26: {  	[smem:$0x3F97] =	sst s1;
	(tag) =	ssettag s2;
	_ =	strace s9  }
0x27: {  	s1 =	sld [smem:$0x3FA7]  }
0x28: {  	s2 =	sld [smem:$0x3FA8]  }
0x29: {  	s4 =	sld [smem:$0x3FAA]  }
0x2a: {  	p0 =	seq.s32 s5, $0x0;
	s5 =	sld [smem:$0x3FAB]  }
0x2b: {  	s6 =	sld [smem:$0x3FAC]  }
0x2c: {  	s7 =	sld [smem:$0x3FAD]  }
0x2d: {  	s3 =	simm.s32 $0x108;
	s8 =	sld [smem:$0x3FAE]  }
0x2e: {  	s3 =	simm.s32 @!p0 $0x1082;
	s9 =	sld [smem:$0x3FAF]  }
0x2f: {  	lr =	sadd.s32 s0, s3;
	s0 =	sld [smem:$0x3FA6]  }
0x30: {  	s3 =	sld [smem:$0x3FA9]  }
0x31: {  	[smem:$0x3FB2] =	sst s10  }
0x32: {  	s10 =	sld [smem:$0x3FB0];
	_ =	sdelay $0x3  }
0x33: {  	p0 =	seq.s32 s10, $0x1;
	s10 =	sld [smem:$0x3FB2];
	_ =	sdelay $0x3  }
0x34: {  	[smem:$0x3FB2] =	sst s10  }
0x35: {  	s10 =	sld [smem:$0x3FB1];
	_ =	sdelay $0x3  }
0x36: {  	p1 =	seq.s32 s10, $0x1;
	s10 =	sld [smem:$0x3FB2];
	_ =	sdelay $0x3  }
0x37: {  	[smem:$0x3FB2] =	sst s10  }
0x38: {  	s10 =	sld [smem:$0x3FB3]  }
0x39: {  	_ = 	snop;
	(pc) =	sbr.ind lr, $3  }
0x3a: {  	_ = 	snop  }
0x3b: {  	_ = 	snop  }
0x3c: {  	p2 =	seq.s32 s10, $0x1;
	s10 =	sld [smem:$0x3FB2]  }
0x3d: {  	_ =	shalt  }
0x3e: {  	_ =	shalt  }
0x3f: {  	_ =	shalt  }
0x40: {  	_ =	shalt  }
0x41: {  	_ =	shalt  }
0x42: {  	_ =	shalt  }
0x43: {  	_ =	shalt  }
0x44: {  	_ =	shalt  }
0x45: {  	_ =	shalt  }
0x46: {  	_ =	shalt  }
0x47: {  	_ =	shalt  }
0x48: {  	_ =	shalt  }
0x49: {  	_ =	shalt  }
0x4a: {  	_ =	shalt  }
0x4b: {  	_ =	shalt  }
0x4c: {  	_ =	shalt  }
0x4d: {  	_ =	shalt  }
0x4e: {  	_ =	shalt  }
0x4f: {  	_ =	shalt  }
0x50: {  	_ =	shalt  }
0x51: {  	_ =	shalt  }
0x52: {  	_ =	shalt  }
0x53: {  	_ =	shalt  }
0x54: {  	_ =	shalt  }
0x55: {  	_ =	shalt  }
0x56: {  	_ =	shalt  }
0x57: {  	_ =	shalt  }
0x58: {  	_ =	shalt  }
0x59: {  	_ =	shalt  }
0x5a: {  	_ =	shalt  }
0x5b: {  	_ =	shalt  }
0x5c: {  	_ =	shalt  }
0x5d: {  	_ =	shalt  }
0x5e: {  	_ =	shalt  }
0x5f: {  	_ =	shalt  }
0x60: {  	_ =	shalt  }
0x61: {  	_ =	shalt  }
0x62: {  	_ =	shalt  }
0x63: {  	_ =	shalt  }
0x64: {  	_ =	shalt  }
0x65: {  	_ =	shalt  }
0x66: {  	_ =	shalt  }
0x67: {  	_ =	shalt  }
0x68: {  	_ =	shalt  }
0x69: {  	_ =	shalt  }
0x6a: {  	_ =	shalt  }
0x6b: {  	_ =	shalt  }
0x6c: {  	_ =	shalt  }
0x6d: {  	_ =	shalt  }
0x6e: {  	_ =	shalt  }
0x6f: {  	_ =	shalt  }
0x70: {  	_ =	shalt  }
0x71: {  	_ =	shalt  }
0x72: {  	_ =	shalt  }
0x73: {  	_ =	shalt  }
0x74: {  	_ =	shalt  }
0x75: {  	_ =	shalt  }
0x76: {  	_ =	shalt  }
0x77: {  	_ =	shalt  }
0x78: {  	_ =	shalt  }
0x79: {  	_ =	shalt  }
0x7a: {  	_ =	shalt  }
0x7b: {  	_ =	shalt  }
0x7c: {  	_ =	shalt  }
0x7d: {  	_ =	shalt  }
0x7e: {  	_ =	shalt  }
0x7f: {  	_ =	shalt  }
0x80: {  	_ =	shalt  }
0x81: {  	_ =	shalt  }
0x82: {  	_ =	shalt  }
0x83: {  	_ =	shalt  }
0x84: {  	_ =	shalt  }
0x85: {  	_ =	shalt  }
0x86: {  	_ =	shalt  }
0x87: {  	_ =	shalt  }
.Lfunc_end0:
.L_simem_size_0:
called_computation.3_lowered:
.L_overlay_start_0:
0x88: {  	s2 =	sld [smem:$0x3FD9]  }
0x89: {  	s3 =	sld [smem:$0x3FFE];
	_ =	sdelay $0x1  }
0x8a: {  	s1 =	srdreg.scid  }
0x8b: {  	s0 =	sand.u32 $0x1, s1  }
0x8c: {  	s16 =	sshll.u32 s0, $0xA;
	s2 =	sadd.s32 s3, s2  }
0x8d: {  	s2 =	sadd.s32 s2, s16  }
0x8e: {  	[smem:$0x3FBE] =	sst s2  }
0x8f: {  	_ = 	snop  }
0x90: {  	(tm) =	ssettm $0x1  }
0x91: {  	s17 =	sld [smem:$0x3FFB];
	_ =	sdelay $0x3  }
0x92: {  	_ =	strace s17  }
0x93: {  	s2 =	sld [smem:$0x3FFC];
	_ =	sdelay $0x3  }
0x94: {  	_ =	strace s2  }
0x95: {  	s2 =	sld [smem:$0x3FFD];
	_ =	sdelay $0x3  }
0x96: {  	_ =	strace s2  }
0x97: {  	_ =	strace $0x8FFFFFFF  }
0x98: {  	s18 =	sld [smem:$0x3FDB];
	_ =	sdelay $0x1  }
0x99: {  	s19 =	simm.s32 $_scs_section_size  }
0x9a: {  	s4 =	simm.s32 $_size__tile_overlayer_lowered;
	s5 =	simm.s32 $_tile_overlayer_lowered  }
0x9b: {  	s22 =	simm.s32 $0x1BFF;
	s21 =	sshll.u32 s5, $0x1;
	s2 =	sadd.s32 s19, s18  }
0x9c: {  	s6 =	simm.s32 $0x0;
	s20 =	sshll.u32 s4, $0x1;
	s4 =	sadd.s32 s21, s2  }
0x9d: {  	[timem:s6], [sflag:s22] =	dma.local [hbm:s4], s20  }
0x9e: {  	_ =	swait.ge [sflag:s22], s20  }
0x9f: {  	s3 =	ssub.s32 $0x0, s20;
	[sflag:s22] =	ssyncset.done $0x0  }
0xa0: {  	[sflag:s22] =	ssyncadd.s32 s3;
	_ =	sdelay $0x1  }
0xa1: {  	s23 =	simm.s32 $0x1B8B  }
0xa2: {  	_ =	swait.ge [sflag:s23], $0x1  }
0xa3: {  	[sflag:s23] =	ssyncset.done $0x0  }
0xa4: {  	s25 =	simm.s32 $0x1B8E;
	s24 =	sld [smem:$0x3FFE];
	[sflag:s23] =	ssyncadd.s32 $0xFFFFFFFF  }
0xa5: {  	s26 =	simm.s32 $execute0_lowered;
	[smem:$0x3FD2] =	sst s25  }
0xa6: {  	s4 =	sshll.u32 s26, $0x1;
	_ =	strace $0x8000004F;
	[dreg:$0x1] =	wrdreg $0xFFFFFFFF  }
0xa7: {  	s28 =	simm.s32 $_size_execute0_lowered;
	s2 =	sadd.s32 s2, s4;
	[dreg:$0x0] =	wrdreg $0x0  }
0xa8: {  	s4 =	sshll.u32 s28, $0x1;
	[dreg:$0x2] =	wrdreg s2  }
0xa9: {  	[dreg:$0x3] =	wrdreg s4  }
0xaa: {  	[dreg:$0x4] =	wrdreg $0xC0  }
0xab: {  	_ =	task [dreg:s6], $0x5FFFF  }
0xac: {  	[dreg:$0x1] =	wrdreg $0xFFFFFFFF  }
0xad: {  	[dreg:$0x0] =	wrdreg $0x60  }
0xae: {  	[dreg:$0x2] =	wrdreg s24  }
0xaf: {  	[dreg:$0x3] =	wrdreg $0x9  }
0xb0: {  	_ =	task.clear_ibuf [dreg:s6], $0x4FFFF;
	_ =	strace $0x9000004F  }
0xb1: {  	s29 =	simm.s32 $0x9;
	_ =	strace $0x80000051  }
0xb2: {  	_ =	swait.ge [sflag:s29], $0x1  }
0xb3: {  	[sflag:s29] =	ssyncadd.s32 $0xFFFFFFFF  }
0xb4: {  	_ =	strace $0x90000051  }
0xb5: {  	_ =	sfence  }
0xb6: {  	s30 =	sld [smem:$0x0];
	_ =	sdelay $0x2  }
0xb7: {  	s31 =	sshll.u32 s1, $0xD;
	s1 =	sshrl.u32 s1, $0x2  }
0xb8: {  	s3 =	sand.u32 $0x4000, s31;
	s1 =	sadd.s32 s1, s30  }
0xb9: {  	s0 =	sor.u32 s3, s0;
	s1 =	sshll.u32 s1, $0x11  }
0xba: {  	s0 =	sor.u32 s1, s0  }
0xbb: {  	s0 =	sadd.s32 $0x8F2B, s0  }
0xbc: {  	[sflag:s0] =	ssyncadd.remote.s32 $0x1  }
0xbd: {  	_ =	sfence.sel $0xFFFF  }
0xbe: {  	[dreg:$0x0] =	wrdreg $0xFFFFFFFF;
	(pc) =	sbr.abs _section_cstart, $3  }
0xbf: {  	[dreg:$0x1] =	wrdreg $0xFFFFFFFF  }
0xc0: {  	_ =	task.clear_ibuf [dreg:s6], $0x2FFFF;
	_ =	strace $0x9FFFFFFF  }
0xc1: {  	(tm) =	ssettm $0x7FFFFFFF  }
tec
execute0_lowered:
.L_overlay_start_1:
0x0: {  	(tag) =	ssettag $0x1  }
0x1: {  	s0 =	rddreg [dreg:$0x0]  }
0x2: {  	s1 =	simm.s32 $0x0;
	s2 =	srdreg.scid;
	s6 =	stileid.u32  }
0x3: {  	s12 =	simm.s32 $0x5;
	s13 =	simm.s32 $0x1000;
	s14 =	simm.s32 $0x50  }
0x4: {  	s15 =	simm.s32 $0x2000;
	s16 =	simm.s32 $0x4800;
	s17 =	simm.s32 $0x7000  }
0x5: {  	s18 =	simm.s32 $0x9800;
	s19 =	simm.s32 $0x1;
	s20 =	simm.s32 $0x2  }
0x6: {  	s21 =	simm.s32 $0xC000;
	s22 =	simm.s32 $0x3;
	s23 =	simm.s32 $0x4  }
0x7: {  	s24 =	simm.s32 $0xC00;
	s25 =	simm.s32 $0x1C00;
	[smem:$0x7FF] =	sst s1  }
0x8: {  	s2 =	sand.u32 $0x1, s2;
	s3 =	sadd.s32 $0x2AA00, s0;
	s4 =	sadd.s32 $0x51C00, s0  }
0x9: {  	s7 =	sadd.s32 $0x2A00, s0;
	s5 =	sshll.u32 s2, $0x4;
	s2 =	ssub.s32 $0x2, s2  }
0xa: {  	s8 =	sadd.s32 $0x78E00, s0;
	s9 =	sor.u32 s6, s5;
	s10 =	sshrl.u32 s2, $0x1  }
0xb: {  	_ =	strace $0x80000050;
	s6 =	smul.u32 $0x138800, s9;
	s31 =	ssub.s32 s2, s10  }
0xc: {  	s5 =	sadd.s32 $0x16A00, s0;
	s9 =	smul.u32 $0x5000, s9;
	s0 =	smax.u32 s31, $0x1  }
0xd: {  	s2 =	simm.s32 $0x0;
	s10 =	sadd.s32 $0x3C000, s6;
	[dreg:$0x2] =	wrdreg s0  }
.LBB2_1:
0xe: {  	[dreg:$0x3] =	wrdreg s2;
	s28 =	simm.s32 $0x0  }
.LBB2_2:
0xf: {  	s0 =	sshll.u32 s28, $0xC  }
0x10: {  	s0 =	sadd.s32 s9, s0  }
0x11: {  	s0 =	sshrl.u32 s0, $0x3  }
0x12: {  	s29 =	simm.s32 $0x0;
	s2 =	sadd.s32 s5, s0  }
0x13: {  	[tilespmem:s29], [sflag:$0x5] =	stream.linear.gather [hbm4b:s2+s29], $0xC80, $0x38;
	[tilespmem:$0xE800] =	vst v63  }
0x14: {  	_ =	swait.ge [sflag:s12], $0xC80  }
0x15: {  	[sflag:s12] =	ssyncset.done $0x0  }
0x16: {  	s0 =	sadd.s32 s7, s0;
	[sflag:s12] =	ssyncadd.s32 $0xFFFFF380  }
0x17: {  	[tilespmem:s13], [sflag:$0x5] =	stream.linear.gather [hbm4b:s0+s29], $0xC80, $0x38;
	[tilespmem:$0xE800] =	vst v63  }
0x18: {  	_ =	swait.ge [sflag:s12], $0xC80  }
0x19: {  	[sflag:s12] =	ssyncset.done $0x0  }
0x1a: {  	s30 =	smul.u32 $0x19, s28;
	[sflag:s12] =	ssyncadd.s32 $0xFFFFF380  }
.LBB2_3:
0x1b: {  	s0 =	sshll.u32 s29, $0x8  }
0x1c: {  	[tilespmem:s15], [sflag:$0x1] =	stream.indirect.gather [hbm4b:s3+s14], $0x80, s0, s14, $0xb8;
	[tilespmem:$0xE800] =	vst v63  }
0x1d: {  	s31 =	sshllo.u32 s29, $0x1;
	s0 =	sadd.s32 $0x1000, s0  }
0x1e: {  	[tilespmem:s16], [sflag:$0x2] =	stream.indirect.gather [hbm4b:s4+s14], $0x80, s0, s14, $0xb8;
	[tilespmem:$0xE800] =	vst v63  }
0x1f: {  	s26 =	sshll.u32 s31, $0x7  }
0x20: {  	[tilespmem:s17], [sflag:$0x3] =	stream.indirect.gather [hbm4b:s3+s14], $0x80, s26, s14, $0xb8;
	[tilespmem:$0xE800] =	vst v63  }
0x21: {  	s0 =	sadd.s32 $0x1000, s26  }
0x22: {  	[tilespmem:s18], [sflag:$0x4] =	stream.indirect.gather [hbm4b:s4+s14], $0x80, s0, s14, $0xb8;
	[tilespmem:$0xE800] =	vst v63  }
0x23: {  	_ =	swait.ge [sflag:s19], $0x2800  }
0x24: {  	[sflag:s19] =	ssyncset.done $0x0  }
0x25: {  	[sflag:s19] =	ssyncadd.s32 $0xFFFFD800  }
0x26: {  	_ =	swait.ge [sflag:s20], $0x2800  }
0x27: {  	[sflag:s20] =	ssyncset.done $0x0  }
0x28: {  	s0 =	simm.s32 $0x0;
	[sflag:s20] =	ssyncadd.s32 $0xFFFFD800  }
0x29: {  	v6 =	vld [tilespmem:s0+$0x2000]  }
0x2a: {  	v0 =	vld [tilespmem:s0+$0x4800]  }
0x2b: {  	v1 =	vld [tilespmem:s0+$0x2010]  }
0x2c: {  	v2 =	vld [tilespmem:s0+$0x4810]  }
0x2d: {  	v3 =	vld [tilespmem:s0+$0x2020]  }
0x2e: {  	v4 =	vld [tilespmem:s0+$0x4820]  }
0x2f: {  	v5 =	vld [tilespmem:s0+$0x2030]  }
0x30: {  	v8 =	vld [tilespmem:s0+$0x4830]  }
0x31: {  	v7 =	vld [tilespmem:s0+$0x2040]  }
0x32: {  	v9 =	vld [tilespmem:s0+$0x4840]  }
0x33: {  	v10 =	vld [tilespmem:s0+$0x2050]  }
0x34: {  	v12 =	vld [tilespmem:s0+$0x4850]  }
0x35: {  	v11 =	vld [tilespmem:s0+$0x2060]  }
0x36: {  	v13 =	vld [tilespmem:s0+$0x4860]  }
0x37: {  	s2 =	sshll.u32 s29, $0x1;
	s11 =	simm.s32 $0x200;
	v14 =	vld [tilespmem:s0+$0x2070]  }
.LBB2_4:
0x38: {  	s26 =	sshra.s32 s11, $0x2;
	p0 =	sne.s32 s11, $0x9E00;
	v15 =	vld [tilespmem:s0+$0x4870]  }
0x39: {  	v16 =	vld [tilespmem:s26+$0x2000]  }
0x3a: {  	v6 =	vmul.f32 v0, v6;
	v17 =	vmul.f32 v2, v1;
	v0 =	vld [tilespmem:s26+$0x4800]  }
0x3b: {  	v18 =	vmul.f32 v4, v3;
	v5 =	vmul.f32 v8, v5;
	v1 =	vld [tilespmem:s26+$0x2010]  }
0x3c: {  	v7 =	vmul.f32 v9, v7;
	v8 =	vmul.f32 v12, v10;
	v2 =	vld [tilespmem:s26+$0x4810]  }
0x3d: {  	v9 =	vmul.f32 v13, v11;
	v3 =	vld [tilespmem:s26+$0x2020];
	v10 =	vmul.f32 v15, v14  }
0x3e: {  	v12 =	vadd.f32 v5, v18;
	v11 =	vadd.f32 v17, v6;
	v4 =	vld [tilespmem:s26+$0x4820];
	v6 =	vmov v16  }
0x3f: {  	v13 =	vadd.f32 v8, v7;
	v5 =	vld [tilespmem:s26+$0x2030];
	v9 =	vadd.f32 v10, v9  }
0x40: {  	v8 =	vld [tilespmem:s26+$0x4830]  }
0x41: {  	v11 =	vadd.f32 v12, v11;
	v7 =	vld [tilespmem:s26+$0x2040];
	v12 =	vadd.f32 v9, v13  }
0x42: {  	v9 =	vld [tilespmem:s26+$0x4840]  }
.Ltmp0:
0x43: {  	v10 =	vld [tilespmem:s26+$0x2050];
	v13 =	vadd.f32 v12, v11;
	(pc) =	sbr.rel @p0 .LBB2_4-.Ltmp0, $4  }
0x44: {  	v12 =	vld [tilespmem:s26+$0x4850]  }
0x45: {  	v11 =	vld [tilespmem:s26+$0x2060];
	[tilespmem:s0+$0xC000] =	vst v13;
	s0 =	smov.u32 s26  }
0x46: {  	v13 =	vld [tilespmem:s0+$0x4860]  }
0x47: {  	s11 =	sadd.s32 $0x200, s11;
	v14 =	vld [tilespmem:s0+$0x2070]  }
0x48: {  	v15 =	vld [tilespmem:s0+$0x4870];
	_ =	sdelay $0x1  }
0x49: {  	v0 =	vmul.f32 v0, v6;
	v1 =	vmul.f32 v2, v1  }
0x4a: {  	v2 =	vmul.f32 v4, v3;
	v3 =	vmul.f32 v8, v5  }
0x4b: {  	v4 =	vmul.f32 v9, v7;
	v5 =	vmul.f32 v12, v10  }
0x4c: {  	v6 =	vmul.f32 v13, v11;
	v7 =	vmul.f32 v15, v14  }
0x4d: {  	v0 =	vadd.f32 v1, v0;
	v1 =	vadd.f32 v3, v2  }
0x4e: {  	v2 =	vadd.f32 v5, v4;
	v3 =	vadd.f32 v7, v6  }
0x4f: {  	s2 =	sadd.s32 s30, s2  }
0x50: {  	s2 =	smul.u32 $0x2800, s2;
	v0 =	vadd.f32 v1, v0;
	v1 =	vadd.f32 v3, v2;
	_ =	sdelay $0x1  }
0x51: {  	s2 =	sadd.s32 s6, s2;
	v0 =	vadd.f32 v1, v0  }
0x52: {  	s2 =	sshrl.u32 s2, $0x3  }
0x53: {  	s26 =	simm.s32 $0x0;
	s11 =	sadd.s32 s8, s2;
	[tilespmem:s0+$0xC000] =	vst v0  }
0x54: {  	[hbm4b:s11+s26] =	stream.linear.scatter [tilespmem:s21], [sflag:$0x5], $0x2800, $0x38;
	[tilespmem:$0xE800] =	vst v63  }
0x55: {  	_ =	swait.ge [sflag:s12], $0x2800  }
0x56: {  	[sflag:s12] =	ssyncset.done $0x0  }
0x57: {  	[sflag:s12] =	ssyncadd.s32 $0xFFFFD800  }
0x58: {  	_ =	swait.ge [sflag:s22], $0x2800  }
0x59: {  	[sflag:s22] =	ssyncset.done $0x0  }
0x5a: {  	[sflag:s22] =	ssyncadd.s32 $0xFFFFD800  }
0x5b: {  	_ =	swait.ge [sflag:s23], $0x2800  }
0x5c: {  	[sflag:s23] =	ssyncset.done $0x0  }
0x5d: {  	s0 =	simm.s32 $0x0;
	[sflag:s23] =	ssyncadd.s32 $0xFFFFD800  }
0x5e: {  	v6 =	vld [tilespmem:s0+$0x7000]  }
0x5f: {  	v0 =	vld [tilespmem:s0+$0x9800]  }
0x60: {  	v1 =	vld [tilespmem:s0+$0x7010]  }
0x61: {  	v2 =	vld [tilespmem:s0+$0x9810]  }
0x62: {  	v3 =	vld [tilespmem:s0+$0x7020]  }
0x63: {  	v4 =	vld [tilespmem:s0+$0x9820]  }
0x64: {  	v5 =	vld [tilespmem:s0+$0x7030]  }
0x65: {  	v8 =	vld [tilespmem:s0+$0x9830]  }
0x66: {  	v7 =	vld [tilespmem:s0+$0x7040]  }
0x67: {  	v9 =	vld [tilespmem:s0+$0x9840]  }
0x68: {  	v10 =	vld [tilespmem:s0+$0x7050]  }
0x69: {  	v12 =	vld [tilespmem:s0+$0x9850]  }
0x6a: {  	v11 =	vld [tilespmem:s0+$0x7060]  }
0x6b: {  	v13 =	vld [tilespmem:s0+$0x9860]  }
0x6c: {  	s2 =	simm.s32 $0x200;
	v14 =	vld [tilespmem:s0+$0x7070]  }
.LBB2_6:
0x6d: {  	s11 =	sshra.s32 s2, $0x2;
	p0 =	sne.s32 s2, $0x9E00;
	v15 =	vld [tilespmem:s0+$0x9870]  }
0x6e: {  	v16 =	vld [tilespmem:s11+$0x7000]  }
0x6f: {  	v6 =	vmul.f32 v0, v6;
	v17 =	vmul.f32 v2, v1;
	v0 =	vld [tilespmem:s11+$0x9800]  }
0x70: {  	v18 =	vmul.f32 v4, v3;
	v5 =	vmul.f32 v8, v5;
	v1 =	vld [tilespmem:s11+$0x7010]  }
0x71: {  	v7 =	vmul.f32 v9, v7;
	v8 =	vmul.f32 v12, v10;
	v2 =	vld [tilespmem:s11+$0x9810]  }
0x72: {  	v9 =	vmul.f32 v13, v11;
	v3 =	vld [tilespmem:s11+$0x7020];
	v10 =	vmul.f32 v15, v14  }
0x73: {  	v12 =	vadd.f32 v5, v18;
	v11 =	vadd.f32 v17, v6;
	v4 =	vld [tilespmem:s11+$0x9820];
	v6 =	vmov v16  }
0x74: {  	v13 =	vadd.f32 v8, v7;
	v5 =	vld [tilespmem:s11+$0x7030];
	v9 =	vadd.f32 v10, v9  }
0x75: {  	v8 =	vld [tilespmem:s11+$0x9830]  }
0x76: {  	v11 =	vadd.f32 v12, v11;
	v7 =	vld [tilespmem:s11+$0x7040];
	v12 =	vadd.f32 v9, v13  }
0x77: {  	v9 =	vld [tilespmem:s11+$0x9840]  }
.Ltmp1:
0x78: {  	v10 =	vld [tilespmem:s11+$0x7050];
	v13 =	vadd.f32 v12, v11;
	(pc) =	sbr.rel @p0 .LBB2_6-.Ltmp1, $4  }
0x79: {  	v12 =	vld [tilespmem:s11+$0x9850]  }
0x7a: {  	v11 =	vld [tilespmem:s11+$0x7060];
	[tilespmem:s0+$0xC000] =	vst v13;
	s0 =	smov.u32 s11  }
0x7b: {  	v13 =	vld [tilespmem:s0+$0x9860]  }
0x7c: {  	s2 =	sadd.s32 $0x200, s2;
	v14 =	vld [tilespmem:s0+$0x7070]  }
0x7d: {  	v15 =	vld [tilespmem:s0+$0x9870];
	_ =	sdelay $0x1  }
0x7e: {  	v0 =	vmul.f32 v0, v6;
	v1 =	vmul.f32 v2, v1  }
0x7f: {  	v54 =	vmul.f32 v4, v3;
	v55 =	vmul.f32 v8, v5  }
0x80: {  	v56 =	vmul.f32 v9, v7;
	v57 =	vmul.f32 v12, v10  }
0x81: {  	v58 =	vmul.f32 v13, v11;
	v59 =	vmul.f32 v15, v14  }
0x82: {  	v0 =	vadd.f32 v1, v0;
	v60 =	vadd.f32 v55, v54  }
0x83: {  	v61 =	vadd.f32 v57, v56;
	v62 =	vadd.f32 v59, v58  }
0x84: {  	s2 =	sadd.s32 s30, s31  }
0x85: {  	s2 =	smul.u32 $0x2800, s2;
	v0 =	vadd.f32 v60, v0;
	v63 =	vadd.f32 v62, v61;
	_ =	sdelay $0x1  }
0x86: {  	s29 =	sadd.s32 $0x1, s29;
	s2 =	sadd.s32 s6, s2;
	v0 =	vadd.f32 v63, v0  }
0x87: {  	p0 =	sne.s32 s29, $0xC;
	s2 =	sshrl.u32 s2, $0x3  }
.Ltmp2:
0x88: {  	s31 =	sadd.s32 s8, s2;
	[tilespmem:s0+$0xC000] =	vst v0;
	(pc) =	sbr.rel @p0 .LBB2_3-.Ltmp2, $4  }
0x89: {  	[hbm4b:s31+s1] =	stream.linear.scatter [tilespmem:s21], [sflag:$0x5], $0x2800, $0x38;
	[tilespmem:$0xE800] =	vst v63  }
0x8a: {  	_ =	swait.ge [sflag:s12], $0x2800  }
0x8b: {  	[sflag:s12] =	ssyncset.done $0x0  }
0x8c: {  	[sflag:s12] =	ssyncadd.s32 $0xFFFFD800  }
0x8d: {  	[tilespmem:s15], [sflag:$0x1] =	stream.indirect.gather [hbm4b:s3+s14], $0x80, s24, s14, $0xb8;
	[tilespmem:$0xE800] =	vst v63  }
0x8e: {  	_ = 	snop  }
0x8f: {  	[tilespmem:s16], [sflag:$0x2] =	stream.indirect.gather [hbm4b:s4+s14], $0x80, s25, s14, $0xb8;
	[tilespmem:$0xE800] =	vst v63  }
0x90: {  	_ =	swait.ge [sflag:s19], $0x2800  }
0x91: {  	[sflag:s19] =	ssyncset.done $0x0  }
0x92: {  	[sflag:s19] =	ssyncadd.s32 $0xFFFFD800  }
0x93: {  	_ =	swait.ge [sflag:s20], $0x2800  }
0x94: {  	[sflag:s20] =	ssyncset.done $0x0  }
0x95: {  	s0 =	simm.s32 $0x0;
	[sflag:s20] =	ssyncadd.s32 $0xFFFFD800  }
0x96: {  	v6 =	vld [tilespmem:s0+$0x2000]  }
0x97: {  	v0 =	vld [tilespmem:s0+$0x4800]  }
0x98: {  	v1 =	vld [tilespmem:s0+$0x2010]  }
0x99: {  	v2 =	vld [tilespmem:s0+$0x4810]  }
0x9a: {  	v3 =	vld [tilespmem:s0+$0x2020]  }
0x9b: {  	v4 =	vld [tilespmem:s0+$0x4820]  }
0x9c: {  	v5 =	vld [tilespmem:s0+$0x2030]  }
0x9d: {  	v8 =	vld [tilespmem:s0+$0x4830]  }
0x9e: {  	v7 =	vld [tilespmem:s0+$0x2040]  }
0x9f: {  	v9 =	vld [tilespmem:s0+$0x4840]  }
0xa0: {  	v10 =	vld [tilespmem:s0+$0x2050]  }
0xa1: {  	v12 =	vld [tilespmem:s0+$0x4850]  }
0xa2: {  	v11 =	vld [tilespmem:s0+$0x2060]  }
0xa3: {  	v13 =	vld [tilespmem:s0+$0x4860]  }
0xa4: {  	s2 =	simm.s32 $0x200;
	v14 =	vld [tilespmem:s0+$0x2070]  }
.LBB2_9:
0xa5: {  	s11 =	sshra.s32 s2, $0x2;
	p0 =	sne.s32 s2, $0x9E00;
	v15 =	vld [tilespmem:s0+$0x4870]  }
0xa6: {  	v16 =	vld [tilespmem:s11+$0x2000]  }
0xa7: {  	v6 =	vmul.f32 v0, v6;
	v17 =	vmul.f32 v2, v1;
	v0 =	vld [tilespmem:s11+$0x4800]  }
0xa8: {  	v18 =	vmul.f32 v4, v3;
	v5 =	vmul.f32 v8, v5;
	v1 =	vld [tilespmem:s11+$0x2010]  }
0xa9: {  	v7 =	vmul.f32 v9, v7;
	v8 =	vmul.f32 v12, v10;
	v2 =	vld [tilespmem:s11+$0x4810]  }
0xaa: {  	v9 =	vmul.f32 v13, v11;
	v3 =	vld [tilespmem:s11+$0x2020];
	v10 =	vmul.f32 v15, v14  }
0xab: {  	v12 =	vadd.f32 v5, v18;
	v11 =	vadd.f32 v17, v6;
	v4 =	vld [tilespmem:s11+$0x4820];
	v6 =	vmov v16  }
0xac: {  	v13 =	vadd.f32 v8, v7;
	v5 =	vld [tilespmem:s11+$0x2030];
	v9 =	vadd.f32 v10, v9  }
0xad: {  	v8 =	vld [tilespmem:s11+$0x4830]  }
0xae: {  	v11 =	vadd.f32 v12, v11;
	v7 =	vld [tilespmem:s11+$0x2040];
	v12 =	vadd.f32 v9, v13  }
0xaf: {  	v9 =	vld [tilespmem:s11+$0x4840]  }
.Ltmp3:
0xb0: {  	v10 =	vld [tilespmem:s11+$0x2050];
	v13 =	vadd.f32 v12, v11;
	(pc) =	sbr.rel @p0 .LBB2_9-.Ltmp3, $4  }
0xb1: {  	v12 =	vld [tilespmem:s11+$0x4850]  }
0xb2: {  	v11 =	vld [tilespmem:s11+$0x2060];
	[tilespmem:s0+$0xC000] =	vst v13;
	s0 =	smov.u32 s11  }
0xb3: {  	v13 =	vld [tilespmem:s0+$0x4860]  }
0xb4: {  	s2 =	sadd.s32 $0x200, s2;
	v14 =	vld [tilespmem:s0+$0x2070]  }
0xb5: {  	v15 =	vld [tilespmem:s0+$0x4870];
	_ =	sdelay $0x1  }
0xb6: {  	v0 =	vmul.f32 v0, v6;
	v1 =	vmul.f32 v2, v1  }
0xb7: {  	v54 =	vmul.f32 v4, v3;
	v55 =	vmul.f32 v8, v5  }
0xb8: {  	v56 =	vmul.f32 v9, v7;
	v57 =	vmul.f32 v12, v10  }
0xb9: {  	v58 =	vmul.f32 v13, v11;
	v59 =	vmul.f32 v15, v14  }
0xba: {  	v0 =	vadd.f32 v1, v0;
	v60 =	vadd.f32 v55, v54  }
0xbb: {  	v61 =	vadd.f32 v57, v56;
	v62 =	vadd.f32 v59, v58;
	_ =	sdelay $0x1  }
0xbc: {  	s2 =	smul.u32 $0x3E800, s28;
	v0 =	vadd.f32 v60, v0;
	v63 =	vadd.f32 v62, v61;
	_ =	sdelay $0x1  }
0xbd: {  	s28 =	sadd.s32 $0x1, s28;
	s2 =	sadd.s32 s2, s10;
	v0 =	vadd.f32 v63, v0  }
0xbe: {  	p0 =	sne.s32 s28, $0x5;
	s2 =	sshrl.u32 s2, $0x3  }
.Ltmp4:
0xbf: {  	s31 =	sadd.s32 s8, s2;
	[tilespmem:s0+$0xC000] =	vst v0;
	(pc) =	sbr.rel @p0 .LBB2_2-.Ltmp4, $4  }
0xc0: {  	[hbm4b:s31+s1] =	stream.linear.scatter [tilespmem:s21], [sflag:$0x5], $0x2800, $0x38;
	[tilespmem:$0xE800] =	vst v63  }
0xc1: {  	_ =	swait.ge [sflag:s12], $0x2800  }
0xc2: {  	[sflag:s12] =	ssyncset.done $0x0  }
0xc3: {  	[sflag:s12] =	ssyncadd.s32 $0xFFFFD800  }
0xc4: {  	s2 =	rddreg [dreg:$0x3]  }
0xc5: {  	s0 =	rddreg [dreg:$0x2];
	s2 =	sadd.s32 $0x1, s2  }
0xc6: {  	p0 =	sne.s32 s2, s0  }
.Ltmp5:
0xc7: {  	_ = 	snop;
	(pc) =	sbr.rel @p0 .LBB2_1-.Ltmp5, $1  }
0xc8: {  	_ =	sdelay $0x3  }
0xc9: {  	_ =	sfence.sel $0x180000  }
0xca: {  	[bflag:$0x0] =	sbarrier.arrive $0xFFFF  }
0xcb: {  	_ =	strace $0x90000050  }
0xcc: {  	s0 =	stileid.u32;
	[bflag:$0x2] =	sbarrier.arrive $0xFFFF  }
0xcd: {  	p0 =	sne.s32 s0, $0x0;
	s0 =	rddreg [dreg:$0x1]  }
0xce: {  	s0 =	sadd.s32 @!p0 $0x100000, s0  }
0xcf: {  	[sflag:s0] =	ssyncadd.tile.s32 @!p0 $0x1;
	_ =	shalt  }
.Lfunc_end2:
_tile_overlayer_lowered:
.L_overlay_start_2:
0xd0: {  	(tag) =	ssettag $0x2  }
0xd1: {  	s0 =	rddreg [dreg:$0x0];
	s2 =	stileid.u32  }
0xd2: {  	s1 =	rddreg [dreg:$0x1];
	p0 =	sne.s32 s2, $0x0  }
0xd3: {  	s3 =	rddreg [dreg:$0x2];
	[bflag:$0x3] =	sbarrier.arrive $0xFFFF;
	s2 =	simm.s32 @!p0 $0x1C05  }
0xd4: {  	[timem:s3], [sflag:s2] =	dma.local @!p0 [hbm:s0], s1  }
0xd5: {  	s0 =	simm.s32 @!p0 $0x5  }
0xd6: {  	_ =	swait.ge @!p0 [sflag:s0], s1  }
0xd7: {  	s1 =	ssub.s32 @!p0 $0x0, s1;
	[sflag:s0] =	ssyncset.done @!p0 $0x0  }
0xd8: {  	[sflag:s0] =	ssyncadd.s32 @!p0 s1  }
0xd9: {  	[bflag:$0x3] =	sbarrier.arrive $0xFFFF  }
0xda: {  	_ =	shalt  }

// kernel: kernel.9.cloned.1.call-start
scs
__scs_entry_jumppad:
0x0: {  	(pc) =	sbr.rel $0x88, $3  }
0x1: {  	(tag) =	ssettag $0x0;
	lr =	simm.s32 $0x1  }
0x2: {  	[smem:$0x3F97] =	sst lr;
	_ =	strace $0xD0000000  }
0x3: {  	_ = 	snop  }
0x4: {  	_ = 	snop  }
0x5: {  	_ = 	snop  }
0x6: {  	_ = 	snop  }
0x7: {  	_ = 	snop  }
__scs_overlays_trampoline_lowered:
0x8: {  	[smem:$0x3FA6] =	sst s0  }
0x9: {  	[smem:$0x3FA7] =	sst s1  }
0xa: {  	[smem:$0x3FA8] =	sst s2  }
0xb: {  	[smem:$0x3FA9] =	sst s3  }
0xc: {  	[smem:$0x3FAA] =	sst s4  }
0xd: {  	[smem:$0x3FAB] =	sst s5  }
0xe: {  	[smem:$0x3FAC] =	sst s6  }
0xf: {  	[smem:$0x3FAD] =	sst s7  }
0x10: {  	[smem:$0x3FAE] =	sst s8  }
0x11: {  	[smem:$0x3FAF] =	sst s9;
	s0 =	simm.s32 @!p0 $0x0  }
0x12: {  	s1 =	sld [smem:$0x3F95];
	s0 =	simm.s32 @p0 $0x1  }
0x13: {  	[smem:$0x3FB0] =	sst s0;
	s0 =	simm.s32 @!p1 $0x0  }
0x14: {  	s2 =	sld [smem:$0x3F94];
	s0 =	simm.s32 @p1 $0x1  }
0x15: {  	[smem:$0x3FB1] =	sst s0;
	s0 =	simm.s32 @!p2 $0x0  }
0x16: {  	s3 =	sld [smem:$0x3FDB];
	s0 =	simm.s32 @p2 $0x1  }
0x17: {  	s4 =	simm.s32 $0x1BF5;
	[smem:$0x3FB3] =	sst s0  }
0x18: {  	s0 =	sld [smem:$0x3F96];
	_ =	swait.ge [sflag:s4], $0x0  }
0x19: {  	s7 =	sld [smem:$0x3F97]  }
0x1a: {  	s8 =	sadd.s32 $0xFFFFE003, lr  }
0x1b: {  	s9 =	sadd.s32 $0xFFFFFEF7, lr;
	s5 =	simm.s32 $0xFFFFFFFF;
	p2 =	slt.u32 s8, $0xFFFFF086  }
0x1c: {  	p1 =	slt.u32 s9, $0xF7A;
	s5 =	simm.s32 @!p2 $0x0  }
0x1d: {  	s5 =	simm.s32 @p1 $0x1;
	p0 =	seq.s32 s7, s2  }
0x1e: {  	s7 =	smul.u32 @!p0 $0xF7A, s2;
	p2 =	seq.s32 @!p0 s5, $0x0  }
0x1f: {  	s9 =	smul.u32 $0xF7A, s1;
	s8 =	simm.s32 @!p0 $0x1BF5;
	p2 =	por !p2, p0  }
0x20: {  	[sflag:s8] =	ssyncset.s32 @!p0 $0xFFFFF086;
	s6 =	sadd.s32 @!p0 s3, s7;
	s7 =	simm.s32 @!p0 $0x108  }
0x21: {  	s3 =	sadd.s32 s3, s9;
	s6 =	sadd.s32 @!p0 $0x88, s6;
	s7 =	simm.s32 @p2 $0x1082  }
0x22: {  	[simem:s7], [sflag:s8] =	dma.local @!p0 [hbm:s6], $0xF7A  }
0x23: {  	s9 =	sor.u32 $0xD0000000, s2;
	s6 =	simm.s32 $0x108;
	_ =	swait.ge @!p0 [sflag:s8], $0x0  }
0x24: {  	s3 =	sadd.s32 $0x88, s3;
	s6 =	simm.s32 @!p1 $0x1082;
	[sflag:s4] =	ssyncset.s32 $0xFFFFF086  }
0x25: {  	[simem:s6], [sflag:s4] =	dma.local [hbm:s3], $0xF7A  }
0x26: {  	[smem:$0x3F97] =	sst s1;
	(tag) =	ssettag s2;
	_ =	strace s9  }
0x27: {  	s1 =	sld [smem:$0x3FA7]  }
0x28: {  	s2 =	sld [smem:$0x3FA8]  }
0x29: {  	s4 =	sld [smem:$0x3FAA]  }
0x2a: {  	p0 =	seq.s32 s5, $0x0;
	s5 =	sld [smem:$0x3FAB]  }
0x2b: {  	s6 =	sld [smem:$0x3FAC]  }
0x2c: {  	s7 =	sld [smem:$0x3FAD]  }
0x2d: {  	s3 =	simm.s32 $0x108;
	s8 =	sld [smem:$0x3FAE]  }
0x2e: {  	s3 =	simm.s32 @!p0 $0x1082;
	s9 =	sld [smem:$0x3FAF]  }
0x2f: {  	lr =	sadd.s32 s0, s3;
	s0 =	sld [smem:$0x3FA6]  }
0x30: {  	s3 =	sld [smem:$0x3FA9]  }
0x31: {  	[smem:$0x3FB2] =	sst s10  }
0x32: {  	s10 =	sld [smem:$0x3FB0];
	_ =	sdelay $0x3  }
0x33: {  	p0 =	seq.s32 s10, $0x1;
	s10 =	sld [smem:$0x3FB2];
	_ =	sdelay $0x3  }
0x34: {  	[smem:$0x3FB2] =	sst s10  }
0x35: {  	s10 =	sld [smem:$0x3FB1];
	_ =	sdelay $0x3  }
0x36: {  	p1 =	seq.s32 s10, $0x1;
	s10 =	sld [smem:$0x3FB2];
	_ =	sdelay $0x3  }
0x37: {  	[smem:$0x3FB2] =	sst s10  }
0x38: {  	s10 =	sld [smem:$0x3FB3]  }
0x39: {  	_ = 	snop;
	(pc) =	sbr.ind lr, $3  }
0x3a: {  	_ = 	snop  }
0x3b: {  	_ = 	snop  }
0x3c: {  	p2 =	seq.s32 s10, $0x1;
	s10 =	sld [smem:$0x3FB2]  }
0x3d: {  	_ =	shalt  }
0x3e: {  	_ =	shalt  }
0x3f: {  	_ =	shalt  }
0x40: {  	_ =	shalt  }
0x41: {  	_ =	shalt  }
0x42: {  	_ =	shalt  }
0x43: {  	_ =	shalt  }
0x44: {  	_ =	shalt  }
0x45: {  	_ =	shalt  }
0x46: {  	_ =	shalt  }
0x47: {  	_ =	shalt  }
0x48: {  	_ =	shalt  }
0x49: {  	_ =	shalt  }
0x4a: {  	_ =	shalt  }
0x4b: {  	_ =	shalt  }
0x4c: {  	_ =	shalt  }
0x4d: {  	_ =	shalt  }
0x4e: {  	_ =	shalt  }
0x4f: {  	_ =	shalt  }
0x50: {  	_ =	shalt  }
0x51: {  	_ =	shalt  }
0x52: {  	_ =	shalt  }
0x53: {  	_ =	shalt  }
0x54: {  	_ =	shalt  }
0x55: {  	_ =	shalt  }
0x56: {  	_ =	shalt  }
0x57: {  	_ =	shalt  }
0x58: {  	_ =	shalt  }
0x59: {  	_ =	shalt  }
0x5a: {  	_ =	shalt  }
0x5b: {  	_ =	shalt  }
0x5c: {  	_ =	shalt  }
0x5d: {  	_ =	shalt  }
0x5e: {  	_ =	shalt  }
0x5f: {  	_ =	shalt  }
0x60: {  	_ =	shalt  }
0x61: {  	_ =	shalt  }
0x62: {  	_ =	shalt  }
0x63: {  	_ =	shalt  }
0x64: {  	_ =	shalt  }
0x65: {  	_ =	shalt  }
0x66: {  	_ =	shalt  }
0x67: {  	_ =	shalt  }
0x68: {  	_ =	shalt  }
0x69: {  	_ =	shalt  }
0x6a: {  	_ =	shalt  }
0x6b: {  	_ =	shalt  }
0x6c: {  	_ =	shalt  }
0x6d: {  	_ =	shalt  }
0x6e: {  	_ =	shalt  }
0x6f: {  	_ =	shalt  }
0x70: {  	_ =	shalt  }
0x71: {  	_ =	shalt  }
0x72: {  	_ =	shalt  }
0x73: {  	_ =	shalt  }
0x74: {  	_ =	shalt  }
0x75: {  	_ =	shalt  }
0x76: {  	_ =	shalt  }
0x77: {  	_ =	shalt  }
0x78: {  	_ =	shalt  }
0x79: {  	_ =	shalt  }
0x7a: {  	_ =	shalt  }
0x7b: {  	_ =	shalt  }
0x7c: {  	_ =	shalt  }
0x7d: {  	_ =	shalt  }
0x7e: {  	_ =	shalt  }
0x7f: {  	_ =	shalt  }
0x80: {  	_ =	shalt  }
0x81: {  	_ =	shalt  }
0x82: {  	_ =	shalt  }
0x83: {  	_ =	shalt  }
0x84: {  	_ =	shalt  }
0x85: {  	_ =	shalt  }
0x86: {  	_ =	shalt  }
0x87: {  	_ =	shalt  }
.Lfunc_end0:
.L_simem_size_0:
called_computation_lowered:
.L_overlay_start_0:
0x88: {  	s2 =	sld [smem:$0x3FD9]  }
0x89: {  	s3 =	sld [smem:$0x3FFE];
	_ =	sdelay $0x1  }
0x8a: {  	s1 =	srdreg.scid  }
0x8b: {  	s0 =	sand.u32 $0x1, s1  }
0x8c: {  	s17 =	sshll.u32 s0, $0xA;
	s2 =	sadd.s32 s3, s2  }
0x8d: {  	s2 =	sadd.s32 s2, s17  }
0x8e: {  	[smem:$0x3FBE] =	sst s2  }
0x8f: {  	_ = 	snop  }
0x90: {  	s2 =	sld [smem:$0x3FC9];
	(tm) =	ssettm $0x1  }
0x91: {  	s18 =	sld [smem:$0x3FFB];
	_ =	sdelay $0x3  }
0x92: {  	_ =	strace s18  }
0x93: {  	s3 =	sld [smem:$0x3FFC];
	_ =	sdelay $0x3  }
0x94: {  	_ =	strace s3  }
0x95: {  	s3 =	sld [smem:$0x3FFD];
	_ =	sdelay $0x3  }
0x96: {  	_ =	strace s3  }
0x97: {  	_ =	strace $0x8FFFFFFF  }
0x98: {  	s19 =	sld [smem:$0x3FDB];
	_ =	sdelay $0x1  }
0x99: {  	s4 =	simm.s32 $_scs_section_size  }
0x9a: {  	s5 =	simm.s32 $_size__tile_overlayer_lowered;
	s6 =	simm.s32 $_tile_overlayer_lowered  }
0x9b: {  	s22 =	simm.s32 $0x1BFF;
	s21 =	sshll.u32 s6, $0x1;
	s3 =	sadd.s32 s4, s19  }
0x9c: {  	s7 =	simm.s32 $0x0;
	s20 =	sshll.u32 s5, $0x1;
	s5 =	sadd.s32 s21, s3  }
0x9d: {  	[timem:s7], [sflag:s22] =	dma.local [hbm:s5], s20  }
0x9e: {  	_ =	swait.ge [sflag:s22], s20  }
0x9f: {  	s4 =	ssub.s32 $0x0, s20;
	[sflag:s22] =	ssyncset.done $0x0  }
0xa0: {  	[sflag:s22] =	ssyncadd.s32 s4;
	_ =	sdelay $0x1  }
0xa1: {  	s23 =	simm.s32 $0x1B8B  }
0xa2: {  	_ =	swait.ge [sflag:s23], $0x1  }
0xa3: {  	[sflag:s23] =	ssyncset.done $0x0  }
0xa4: {  	s25 =	simm.s32 $0x1B8E;
	s24 =	sld [smem:$0x3FFE];
	[sflag:s23] =	ssyncadd.s32 $0xFFFFFFFF  }
0xa5: {  	s26 =	simm.s32 $execute0_lowered;
	[smem:$0x3FD2] =	sst s25  }
0xa6: {  	s5 =	sshll.u32 s26, $0x1;
	_ =	strace $0x80000046;
	[dreg:$0x1] =	wrdreg $0xFFFFFFFF  }
0xa7: {  	s28 =	simm.s32 $_size_execute0_lowered;
	s3 =	sadd.s32 s3, s5;
	[dreg:$0x0] =	wrdreg $0x0  }
0xa8: {  	s5 =	sshll.u32 s28, $0x1;
	[dreg:$0x2] =	wrdreg s3  }
0xa9: {  	[dreg:$0x3] =	wrdreg s5  }
0xaa: {  	[dreg:$0x4] =	wrdreg $0xC0  }
0xab: {  	_ =	task [dreg:s7], $0x5FFFF  }
0xac: {  	[dreg:$0x1] =	wrdreg $0xFFFFFFFF  }
0xad: {  	[dreg:$0x0] =	wrdreg $0x60  }
0xae: {  	[dreg:$0x2] =	wrdreg s2  }
0xaf: {  	[dreg:$0x3] =	wrdreg s24  }
0xb0: {  	[dreg:$0x4] =	wrdreg $0x88000  }
0xb1: {  	[dreg:$0x5] =	wrdreg $0x9  }
0xb2: {  	_ =	task.clear_ibuf [dreg:s7], $0x6FFFF;
	_ =	strace $0x90000046  }
0xb3: {  	s29 =	simm.s32 $0x9;
	_ =	strace $0x80000048  }
0xb4: {  	_ =	swait.ge [sflag:s29], $0x1  }
0xb5: {  	[sflag:s29] =	ssyncadd.s32 $0xFFFFFFFF  }
0xb6: {  	_ =	strace $0x90000048  }
0xb7: {  	_ =	sfence  }
0xb8: {  	s30 =	sld [smem:$0x0];
	_ =	sdelay $0x2  }
0xb9: {  	s31 =	sshll.u32 s1, $0xD;
	s1 =	sshrl.u32 s1, $0x2  }
0xba: {  	s3 =	sand.u32 $0x4000, s31;
	s1 =	sadd.s32 s1, s30  }
0xbb: {  	s0 =	sor.u32 s3, s0;
	s1 =	sshll.u32 s1, $0x11  }
0xbc: {  	s0 =	sor.u32 s1, s0  }
0xbd: {  	s0 =	sadd.s32 $0x8F2B, s0  }
0xbe: {  	[sflag:s0] =	ssyncadd.remote.s32 $0x1  }
0xbf: {  	_ =	sfence.sel $0xFFFF  }
0xc0: {  	[dreg:$0x0] =	wrdreg $0xFFFFFFFF;
	(pc) =	sbr.abs _section_cstart, $3  }
0xc1: {  	[dreg:$0x1] =	wrdreg $0xFFFFFFFF  }
0xc2: {  	_ =	task.clear_ibuf [dreg:s7], $0x2FFFF;
	_ =	strace $0x9FFFFFFF  }
0xc3: {  	(tm) =	ssettm $0x7FFFFFFF  }
tec
execute0_lowered:
.L_overlay_start_1:
0x0: {  	(tag) =	ssettag $0x1  }
0x1: {  	s1 =	rddreg [dreg:$0x0]  }
0x2: {  	s0 =	rddreg [dreg:$0x1]  }
0x3: {  	s2 =	rddreg [dreg:$0x2];
	s3 =	simm.s32 $0x0;
	s11 =	stileid.u32  }
0x4: {  	s4 =	srdreg.scid;
	s28 =	simm.s32 $0x1000;
	s29 =	simm.s32 $0x50  }
0x5: {  	s30 =	simm.s32 $0x2000;
	s31 =	simm.s32 $0x4800;
	[smem:$0x7FF] =	sst s3  }
0x6: {  	s7 =	smul.u32 $0x4E000, s11;
	s5 =	sadd.s32 $0x16A00, s0;
	s6 =	sadd.s32 $0x2A00, s0  }
0x7: {  	s4 =	sand.u32 $0x1, s4;
	s0 =	sadd.s32 $0x2AA00, s0;
	s26 =	smul.u32 $0x13800, s11  }
0x8: {  	p0 =	sne.s32 s11, $0x0;
	_ =	strace $0x80000047;
	s8 =	ssub.s32 $0x2, s4  }
0x9: {  	s10 =	sshll.u32 s4, $0x4;
	s4 =	smul.u32 $0x138800, s4;
	s7 =	sshrl.u32 s7, $0x2  }
0xa: {  	s9 =	sshrl.u32 s8, $0x1;
	s15 =	sor.u32 s11, s10;
	s7 =	sadd.s32 s7, s2  }
0xb: {  	s8 =	ssub.s32 s8, s9;
	s10 =	sadd.s32 s26, s4;
	s18 =	sadd.s32 $0x1800, s7  }
0xc: {  	s4 =	sshrl.u32 s4, $0x3;
	s19 =	sadd.s32 $0x3000, s7;
	[dreg:$0x4] =	wrdreg s18  }
0xd: {  	s26 =	simm.s32 $0x3;
	s20 =	sadd.s32 $0x4800, s7;
	[dreg:$0x5] =	wrdreg s19  }
0xe: {  	s9 =	simm.s32 $0x1C00;
	s21 =	sadd.s32 $0x6000, s7;
	[dreg:$0x6] =	wrdreg s20  }
0xf: {  	s22 =	sadd.s32 $0x7800, s7;
	s23 =	sadd.s32 $0x9000, s7;
	[dreg:$0x7] =	wrdreg s21  }
0x10: {  	s24 =	sadd.s32 $0xA800, s7;
	s25 =	sadd.s32 $0xC000, s7;
	[dreg:$0x8] =	wrdreg s22  }
0x11: {  	s16 =	sadd.s32 $0xD800, s7;
	s17 =	sadd.s32 $0xF000, s7;
	[dreg:$0x9] =	wrdreg s23  }
0x12: {  	s10 =	sshrl.u32 s10, $0x3;
	s4 =	sadd.s32 s0, s4;
	[dreg:$0xa] =	wrdreg s24  }
0x13: {  	[dreg:$0xb] =	wrdreg s25;
	s18 =	sadd.s32 $0x10800, s7;
	s19 =	sadd.s32 $0x12000, s7  }
0x14: {  	s20 =	sadd.s32 $0x138000, s2;
	s21 =	smul.u32 $0x5000, s15;
	s22 =	sadd.s32 s0, s10  }
0x15: {  	s23 =	sadd.s32 $0x27000, s4;
	s24 =	smax.u32 s8, $0x1;
	s25 =	simm.s32 $0x7000  }
0x16: {  	v0 =	vimm.f32 $0.0e+00;
	s0 =	simm.s32 $0x1;
	s4 =	simm.s32 $0x2;
	s8 =	simm.s32 $0xC00  }
.LBB2_1:
0x17: {  	s10 =	simm.s32 $0x70;
	s11 =	simm.s32 $0x3C0  }
.LBB2_2:
0x18: {  	p1 =	sne.s32 s11, $0x5FC0;
	[tilespmem:s10+$0x7000] =	vst v0  }
0x19: {  	[tilespmem:s10+$0x6F90] =	vst v0  }
0x1a: {  	[tilespmem:s10+$0x6FA0] =	vst v0  }
.Ltmp0:
0x1b: {  	[tilespmem:s10+$0x6FB0] =	vst v0;
	(pc) =	sbr.rel @p1 .LBB2_2-.Ltmp0, $4  }
0x1c: {  	[tilespmem:s10+$0x6FC0] =	vst v0  }
0x1d: {  	[tilespmem:s10+$0x6FD0] =	vst v0  }
0x1e: {  	[tilespmem:s10+$0x6FE0] =	vst v0  }
0x1f: {  	[tilespmem:s10+$0x6FF0] =	vst v0;
	s10 =	sshra.s32 s11, $0x2;
	s11 =	sadd.s32 $0x200, s11  }
0x20: {  	[tilespmem:s10+$0x7000] =	vst v0  }
0x21: {  	[tilespmem:s10+$0x6F90] =	vst v0  }
0x22: {  	[tilespmem:s10+$0x6FA0] =	vst v0  }
0x23: {  	[tilespmem:s10+$0x6FB0] =	vst v0  }
0x24: {  	[tilespmem:s10+$0x6FC0] =	vst v0  }
0x25: {  	[tilespmem:s10+$0x6FD0] =	vst v0  }
0x26: {  	[tilespmem:s10+$0x6FE0] =	vst v0  }
0x27: {  	[tilespmem:s10+$0x6FF0] =	vst v0  }
0x28: {  	[spmem:s7] =	stream.linear.scatter [tilespmem:s25], [sflag:$0x3], $0x1800, $0x38;
	[tilespmem:$0x1C080] =	vst v63  }
0x29: {  	_ =	swait.ge [sflag:s26], $0x1800  }
0x2a: {  	[sflag:s26] =	ssyncset.done $0x0  }
0x2b: {  	s13 =	rddreg [dreg:$0x4];
	[sflag:s26] =	ssyncadd.s32 $0xFFFFE800  }
0x2c: {  	[spmem:s13] =	stream.linear.scatter [tilespmem:s25], [sflag:$0x3], $0x1800, $0x38;
	[tilespmem:$0x1C080] =	vst v63  }
0x2d: {  	_ =	swait.ge [sflag:s26], $0x1800  }
0x2e: {  	[sflag:s26] =	ssyncset.done $0x0  }
0x2f: {  	s14 =	rddreg [dreg:$0x5];
	[sflag:s26] =	ssyncadd.s32 $0xFFFFE800  }
0x30: {  	[spmem:s14] =	stream.linear.scatter [tilespmem:s25], [sflag:$0x3], $0x1800, $0x38;
	[tilespmem:$0x1C080] =	vst v63  }
0x31: {  	_ =	swait.ge [sflag:s26], $0x1800  }
0x32: {  	[sflag:s26] =	ssyncset.done $0x0  }
0x33: {  	s15 =	rddreg [dreg:$0x6];
	[sflag:s26] =	ssyncadd.s32 $0xFFFFE800  }
0x34: {  	[spmem:s15] =	stream.linear.scatter [tilespmem:s25], [sflag:$0x3], $0x1800, $0x38;
	[tilespmem:$0x1C080] =	vst v63  }
0x35: {  	_ =	swait.ge [sflag:s26], $0x1800  }
0x36: {  	[sflag:s26] =	ssyncset.done $0x0  }
0x37: {  	s11 =	rddreg [dreg:$0x7];
	[sflag:s26] =	ssyncadd.s32 $0xFFFFE800  }
0x38: {  	[spmem:s11] =	stream.linear.scatter [tilespmem:s25], [sflag:$0x3], $0x1800, $0x38;
	[tilespmem:$0x1C080] =	vst v63  }
0x39: {  	_ =	swait.ge [sflag:s26], $0x1800  }
0x3a: {  	[sflag:s26] =	ssyncset.done $0x0  }
0x3b: {  	s12 =	rddreg [dreg:$0x8];
	[sflag:s26] =	ssyncadd.s32 $0xFFFFE800  }
0x3c: {  	[spmem:s12] =	stream.linear.scatter [tilespmem:s25], [sflag:$0x3], $0x1800, $0x38;
	[tilespmem:$0x1C080] =	vst v63  }
0x3d: {  	_ =	swait.ge [sflag:s26], $0x1800  }
0x3e: {  	[sflag:s26] =	ssyncset.done $0x0  }
0x3f: {  	s13 =	rddreg [dreg:$0x9];
	[sflag:s26] =	ssyncadd.s32 $0xFFFFE800  }
0x40: {  	[spmem:s13] =	stream.linear.scatter [tilespmem:s25], [sflag:$0x3], $0x1800, $0x38;
	[tilespmem:$0x1C080] =	vst v63  }
0x41: {  	_ =	swait.ge [sflag:s26], $0x1800  }
0x42: {  	[sflag:s26] =	ssyncset.done $0x0  }
0x43: {  	s14 =	rddreg [dreg:$0xa];
	[sflag:s26] =	ssyncadd.s32 $0xFFFFE800  }
0x44: {  	[spmem:s14] =	stream.linear.scatter [tilespmem:s25], [sflag:$0x3], $0x1800, $0x38;
	[tilespmem:$0x1C080] =	vst v63  }
0x45: {  	_ =	swait.ge [sflag:s26], $0x1800  }
0x46: {  	[sflag:s26] =	ssyncset.done $0x0  }
0x47: {  	s15 =	rddreg [dreg:$0xb];
	[sflag:s26] =	ssyncadd.s32 $0xFFFFE800  }
0x48: {  	[spmem:s15] =	stream.linear.scatter [tilespmem:s25], [sflag:$0x3], $0x1800, $0x38;
	[tilespmem:$0x1C080] =	vst v63  }
0x49: {  	_ =	swait.ge [sflag:s26], $0x1800  }
0x4a: {  	[sflag:s26] =	ssyncset.done $0x0  }
0x4b: {  	[sflag:s26] =	ssyncadd.s32 $0xFFFFE800  }
0x4c: {  	[spmem:s16] =	stream.linear.scatter [tilespmem:s25], [sflag:$0x3], $0x1800, $0x38;
	[tilespmem:$0x1C080] =	vst v63  }
0x4d: {  	_ =	swait.ge [sflag:s26], $0x1800  }
0x4e: {  	[sflag:s26] =	ssyncset.done $0x0  }
0x4f: {  	[sflag:s26] =	ssyncadd.s32 $0xFFFFE800  }
0x50: {  	[spmem:s17] =	stream.linear.scatter [tilespmem:s25], [sflag:$0x3], $0x1800, $0x38;
	[tilespmem:$0x1C080] =	vst v63  }
0x51: {  	_ =	swait.ge [sflag:s26], $0x1800  }
0x52: {  	[sflag:s26] =	ssyncset.done $0x0  }
0x53: {  	[sflag:s26] =	ssyncadd.s32 $0xFFFFE800  }
0x54: {  	[spmem:s18] =	stream.linear.scatter [tilespmem:s25], [sflag:$0x3], $0x1800, $0x38;
	[tilespmem:$0x1C080] =	vst v63  }
0x55: {  	_ =	swait.ge [sflag:s26], $0x1800  }
0x56: {  	[sflag:s26] =	ssyncset.done $0x0  }
0x57: {  	[sflag:s26] =	ssyncadd.s32 $0xFFFFE800  }
0x58: {  	[spmem:s19] =	stream.linear.scatter [tilespmem:s25], [sflag:$0x3], $0x1800, $0x38;
	[tilespmem:$0x1C080] =	vst v63  }
0x59: {  	_ =	swait.ge [sflag:s26], $0x1800  }
0x5a: {  	[sflag:s26] =	ssyncset.done $0x0  }
0x5b: {  	s10 =	simm.s32 @!p0 $0x7000;
	[sflag:s26] =	ssyncadd.s32 $0xFFFFE800  }
0x5c: {  	[spmem:s20] =	stream.linear.scatter @!p0 [tilespmem:s10], [sflag:$0x3], $0x800, $0x38;
	[tilespmem:$0x1C080] =	vst v63  }
0x5d: {  	s10 =	simm.s32 @!p0 $0x3  }
0x5e: {  	_ =	swait.ge @!p0 [sflag:s10], $0x800  }
0x5f: {  	[sflag:s10] =	ssyncset.done @!p0 $0x0  }
0x60: {  	[sflag:s10] =	ssyncadd.s32 @!p0 $0xFFFFF800  }
0x61: {  	s11 =	simm.s32 $0x0;
	s10 =	simm.s32 $0x0;
	[bflag:$0x0] =	sbarrier.arrive $0xFFFF  }
.LBB2_4:
0x62: {  	s12 =	sshll.u32 s11, $0xC  }
0x63: {  	s12 =	sadd.s32 s21, s12  }
0x64: {  	s12 =	sshrl.u32 s12, $0x3  }
0x65: {  	s13 =	sadd.s32 s5, s12  }
0x66: {  	[tilespmem:s10], [sflag:$0x3] =	stream.linear.gather [hbm4b:s13+s10], $0xC80, $0x38;
	[tilespmem:$0x1C080] =	vst v63  }
0x67: {  	_ =	swait.ge [sflag:s26], $0xC80  }
0x68: {  	[sflag:s26] =	ssyncset.done $0x0  }
0x69: {  	s12 =	sadd.s32 s6, s12;
	[sflag:s26] =	ssyncadd.s32 $0xFFFFF380  }
0x6a: {  	[tilespmem:s28], [sflag:$0x3] =	stream.linear.gather [hbm4b:s12+s10], $0xC80, $0x38;
	[tilespmem:$0x1C080] =	vst v63  }
0x6b: {  	_ =	swait.ge [sflag:s26], $0xC80  }
0x6c: {  	[sflag:s26] =	ssyncset.done $0x0  }
0x6d: {  	s15 =	simm.s32 $0x0;
	[sflag:s26] =	ssyncadd.s32 $0xFFFFF380  }
0x6e: {  	[tilespmem:s30], [sflag:$0x1] =	stream.indirect.gather [hbm4b:s1+s29], $0x80, s15, s29, $0xb8;
	[tilespmem:$0x1C080] =	vst v63  }
0x6f: {  	s13 =	simm.s32 $0x80  }
0x70: {  	[tilespmem:s31], [sflag:$0x2] =	stream.indirect.gather [hbm4b:s1+s29], $0x80, s13, s29, $0xb8;
	[tilespmem:$0x1C080] =	vst v63  }
0x71: {  	_ =	swait.ge [sflag:s0], $0x2800  }
0x72: {  	[sflag:s0] =	ssyncset.done $0x0  }
0x73: {  	s14 =	simm.s32 $0x1000;
	[sflag:s0] =	ssyncadd.s32 $0xFFFFD800  }
0x74: {  	[spmem:s2] =	stream.indirect.scatter.add.f32 [tilespmem:s30], [sflag:$0x3], $0x80, s14, s29, $0xb8;
	[tilespmem:$0x1C080] =	vst v63  }
0x75: {  	_ =	swait.ge [sflag:s26], $0x2800  }
0x76: {  	[sflag:s26] =	ssyncset.done $0x0  }
0x77: {  	[sflag:s26] =	ssyncadd.s32 $0xFFFFD800  }
0x78: {  	_ =	swait.ge [sflag:s4], $0x2800  }
0x79: {  	[sflag:s4] =	ssyncset.done $0x0  }
0x7a: {  	s15 =	simm.s32 $0x1080;
	[sflag:s4] =	ssyncadd.s32 $0xFFFFD800  }
0x7b: {  	[spmem:s2] =	stream.indirect.scatter.add.f32 [tilespmem:s31], [sflag:$0x3], $0x80, s15, s29, $0xb8;
	[tilespmem:$0x1C080] =	vst v63  }
0x7c: {  	_ =	swait.ge [sflag:s26], $0x2800  }
0x7d: {  	s12 =	simm.s32 $0x400;
	s13 =	simm.s32 $0x800;
	[sflag:s26] =	ssyncset.done $0x0  }
.LBB2_5:
0x7e: {  	s14 =	sshra.s32 s12, $0x2  }
0x7f: {  	[sflag:s26] =	ssyncadd.s32 $0xFFFFD800;
	s12 =	smov.u32 s13;
	s15 =	sadd.s32 $0x400, s13  }
0x80: {  	[tilespmem:s30], [sflag:$0x1] =	stream.indirect.gather [hbm4b:s1+s29], $0x80, s14, s29, $0xb8;
	[tilespmem:$0x1C080] =	vst v63  }
0x81: {  	p1 =	sne.s32 s13, $0x2C00;
	s13 =	sadd.s32 $0x80, s14  }
0x82: {  	[tilespmem:s31], [sflag:$0x2] =	stream.indirect.gather [hbm4b:s1+s29], $0x80, s13, s29, $0xb8;
	[tilespmem:$0x1C080] =	vst v63  }
0x83: {  	_ =	swait.ge [sflag:s0], $0x2800  }
0x84: {  	[sflag:s0] =	ssyncset.done $0x0  }
0x85: {  	s13 =	sadd.s32 $0x1000, s14;
	[sflag:s0] =	ssyncadd.s32 $0xFFFFD800  }
0x86: {  	[spmem:s2] =	stream.indirect.scatter.add.f32 [tilespmem:s30], [sflag:$0x3], $0x80, s13, s29, $0xb8;
	[tilespmem:$0x1C080] =	vst v63  }
0x87: {  	_ =	swait.ge [sflag:s26], $0x2800  }
0x88: {  	[sflag:s26] =	ssyncset.done $0x0  }
0x89: {  	[sflag:s26] =	ssyncadd.s32 $0xFFFFD800  }
0x8a: {  	_ =	swait.ge [sflag:s4], $0x2800  }
.Ltmp1:
0x8b: {  	[sflag:s4] =	ssyncset.done $0x0;
	(pc) =	sbr.rel @p1 .LBB2_5-.Ltmp1, $4  }
0x8c: {  	s13 =	sadd.s32 $0x1080, s14;
	[sflag:s4] =	ssyncadd.s32 $0xFFFFD800  }
0x8d: {  	[spmem:s2] =	stream.indirect.scatter.add.f32 [tilespmem:s31], [sflag:$0x3], $0x80, s13, s29, $0xb8;
	[tilespmem:$0x1C080] =	vst v63  }
0x8e: {  	_ =	swait.ge [sflag:s26], $0x2800  }
0x8f: {  	s13 =	smov.u32 s15;
	[sflag:s26] =	ssyncset.done $0x0  }
0x90: {  	s12 =	sshra.s32 s12, $0x2;
	[sflag:s26] =	ssyncadd.s32 $0xFFFFD800  }
0x91: {  	[tilespmem:s30], [sflag:$0x1] =	stream.indirect.gather [hbm4b:s1+s29], $0x80, s12, s29, $0xb8;
	[tilespmem:$0x1C080] =	vst v63  }
0x92: {  	s13 =	sadd.s32 $0x80, s12  }
0x93: {  	[tilespmem:s31], [sflag:$0x2] =	stream.indirect.gather [hbm4b:s1+s29], $0x80, s13, s29, $0xb8;
	[tilespmem:$0x1C080] =	vst v63  }
0x94: {  	_ =	swait.ge [sflag:s0], $0x2800  }
0x95: {  	[sflag:s0] =	ssyncset.done $0x0  }
0x96: {  	s15 =	sadd.s32 $0x1000, s12;
	[sflag:s0] =	ssyncadd.s32 $0xFFFFD800  }
0x97: {  	[spmem:s2] =	stream.indirect.scatter.add.f32 [tilespmem:s30], [sflag:$0x3], $0x80, s15, s29, $0xb8;
	[tilespmem:$0x1C080] =	vst v63  }
0x98: {  	_ =	swait.ge [sflag:s26], $0x2800  }
0x99: {  	[sflag:s26] =	ssyncset.done $0x0  }
0x9a: {  	[sflag:s26] =	ssyncadd.s32 $0xFFFFD800  }
0x9b: {  	_ =	swait.ge [sflag:s4], $0x2800  }
0x9c: {  	[sflag:s4] =	ssyncset.done $0x0  }
0x9d: {  	s12 =	sadd.s32 $0x1080, s12;
	[sflag:s4] =	ssyncadd.s32 $0xFFFFD800  }
0x9e: {  	[spmem:s2] =	stream.indirect.scatter.add.f32 [tilespmem:s31], [sflag:$0x3], $0x80, s12, s29, $0xb8;
	[tilespmem:$0x1C080] =	vst v63  }
0x9f: {  	_ =	swait.ge [sflag:s26], $0x2800  }
0xa0: {  	[sflag:s26] =	ssyncset.done $0x0  }
0xa1: {  	[sflag:s26] =	ssyncadd.s32 $0xFFFFD800  }
0xa2: {  	[tilespmem:s30], [sflag:$0x1] =	stream.indirect.gather [hbm4b:s1+s29], $0x80, s8, s29, $0xb8;
	[tilespmem:$0x1C080] =	vst v63  }
0xa3: {  	s11 =	sadd.s32 $0x1, s11;
	_ =	swait.ge [sflag:s0], $0x2800  }
0xa4: {  	p1 =	sne.s32 s11, $0x5;
	[sflag:s0] =	ssyncset.done $0x0  }
.Ltmp2:
0xa5: {  	[sflag:s0] =	ssyncadd.s32 $0xFFFFD800;
	(pc) =	sbr.rel @p1 .LBB2_4-.Ltmp2, $4  }
0xa6: {  	[spmem:s2] =	stream.indirect.scatter.add.f32 [tilespmem:s30], [sflag:$0x3], $0x80, s9, s29, $0xb8;
	[tilespmem:$0x1C080] =	vst v63  }
0xa7: {  	_ =	swait.ge [sflag:s26], $0x2800  }
0xa8: {  	[sflag:s26] =	ssyncset.done $0x0  }
0xa9: {  	[sflag:s26] =	ssyncadd.s32 $0xFFFFD800  }
0xaa: {  	s10 =	stileid.u32  }
0xab: {  	s10 =	sshll.u32 s10, $0x6  }
0xac: {  	[bflag:$0x0] =	sbarrier.arrive $0xFFFF;
	s11 =	sshrl.u32 s7, $0x3;
	s10 =	sor.u32 $0x1C03, s10  }
0xad: {  	[hbm:s22], [sflag:s10] =	dma.local [spmem:s11], $0x2700  }
0xae: {  	_ =	swait.ge [sflag:s26], $0x2700  }
0xaf: {  	s3 =	sadd.s32 $0x1, s3;
	[sflag:s26] =	ssyncset.done $0x0  }
0xb0: {  	p1 =	sne.s32 s3, s24;
	s11 =	sshrl.u32 @!p0 s20, $0x3;
	[sflag:s26] =	ssyncadd.s32 $0xFFFFD900  }
0xb1: {  	[hbm:s23], [sflag:s10] =	dma.local @!p0 [spmem:s11], $0x100  }
.Ltmp3:
0xb2: {  	_ = 	snop;
	(pc) =	sbr.rel @p1 .LBB2_1-.Ltmp3, $4  }
0xb3: {  	s10 =	simm.s32 @!p0 $0x3  }
0xb4: {  	_ =	swait.ge @!p0 [sflag:s10], $0x100  }
0xb5: {  	[sflag:s10] =	ssyncset.done @!p0 $0x0  }
0xb6: {  	[sflag:s10] =	ssyncadd.s32 @!p0 $0xFFFFFF00  }
0xb7: {  	_ =	sfence.sel $0x180000  }
0xb8: {  	[bflag:$0x0] =	sbarrier.arrive $0xFFFF  }
0xb9: {  	_ =	strace $0x90000047  }
0xba: {  	[bflag:$0x2] =	sbarrier.arrive $0xFFFF  }
0xbb: {  	s0 =	rddreg [dreg:$0x3]  }
0xbc: {  	s0 =	sadd.s32 @!p0 $0x100000, s0  }
0xbd: {  	[sflag:s0] =	ssyncadd.tile.s32 @!p0 $0x1;
	_ =	shalt  }
.Lfunc_end2:
_tile_overlayer_lowered:
.L_overlay_start_2:
0xbe: {  	(tag) =	ssettag $0x2  }
0xbf: {  	s0 =	rddreg [dreg:$0x0];
	s2 =	stileid.u32  }
0xc0: {  	s1 =	rddreg [dreg:$0x1];
	p0 =	sne.s32 s2, $0x0  }
0xc1: {  	s3 =	rddreg [dreg:$0x2];
	[bflag:$0x3] =	sbarrier.arrive $0xFFFF;
	s2 =	simm.s32 @!p0 $0x1C03  }
0xc2: {  	[timem:s3], [sflag:s2] =	dma.local @!p0 [hbm:s0], s1  }
0xc3: {  	s0 =	simm.s32 @!p0 $0x3  }
0xc4: {  	_ =	swait.ge @!p0 [sflag:s0], s1  }
0xc5: {  	s1 =	ssub.s32 @!p0 $0x0, s1;
	[sflag:s0] =	ssyncset.done @!p0 $0x0  }
0xc6: {  	[sflag:s0] =	ssyncadd.s32 @!p0 s1  }
0xc7: {  	[bflag:$0x3] =	sbarrier.arrive $0xFFFF  }
0xc8: {  	_ =	shalt  }

</sc_bundles>
